<compile_context>
chip_gen: v7x
topology: tpu7x:2x2x1
jax: 0.10.2.dev20260603
libtpu: 0.0.44.dev20260713+nightly
codegen_flags: <defaults>
</compile_context>

<pallas_src>
import functools

import jax
import jax.numpy as jnp
from jax import lax
from jax.experimental import pallas as pl
from jax.experimental.pallas import tpu as pltpu
from jax.experimental.pallas import tpu_sc as plsc

N_ATOMS = 100000
N_PAIRS = 6400000
L = 16

PAD_N = 106496
ROWS = PAD_N // L
RB = 64

CHUNK = 8000


def _sc_hists(pair_i):
  mesh = plsc.VectorSubcoreMesh(core_axis_name="c", subcore_axis_name="s")
  nc, ns = mesh.num_cores, mesh.num_subcores
  nw = nc * ns
  per_w = N_PAIRS // nw
  n_chunks = per_w // CHUNK
  stripe = ROWS // ns

  @functools.partial(
      pl.kernel,
      out_type=jax.ShapeDtypeStruct((nc, ROWS, L), jnp.int32),
      mesh=mesh,
      compiler_params=pltpu.CompilerParams(
          needs_layout_passes=False, use_tc_tiling_on_sc=False),
      scratch_types=[
          pltpu.VMEM((ROWS, L), jnp.int32),
          pltpu.VMEM((CHUNK + 32,), jnp.int32),
          pltpu.VMEM((CHUNK + 32,), jnp.int32),
          pltpu.VMEM((RB,), jnp.int32),
          pltpu.VMEM((L,), jnp.int32),
          pltpu.VMEM((L,), jnp.int32),
          pltpu.VMEM_SHARED((ROWS, L), jnp.int32),
          pltpu.SemaphoreType.DMA,
          pltpu.SemaphoreType.DMA,
      ],
  )
  def hist_kernel(x_hbm, out_hbm, hist, buf0, buf1, idx, first, last,
                  shared, sem0, sem1):
    cid = lax.axis_index("c")
    sid = lax.axis_index("s")
    wid = sid * nc + cid
    base = wid * per_w

    bufs = (buf0, buf1)
    sems = (sem0, sem1)
    descs = [None] * n_chunks
    descs[0] = pltpu.async_copy(
        x_hbm.at[pl.ds(base, CHUNK)], buf0.at[pl.ds(16, CHUNK)], sem0)

    pltpu.sync_copy(x_hbm.at[pl.ds(base, L)], first)
    pltpu.sync_copy(x_hbm.at[pl.ds(base + per_w - L, L)], last)
    lo = jnp.min(first[...])
    hi = jnp.max(last[...])
    blk_lo = lo >> 10
    blk_hi = (hi >> 10) + 1

    zv = jnp.zeros((L,), jnp.int32)

    @plsc.parallel_loop(0, stripe, unroll=8)
    def _(j):
      hist[j, :] = zv

    pltpu.sync_copy(hist.at[pl.ds(0, stripe)],
                    shared.at[pl.ds(sid * stripe, stripe)])

    def zero_body(j, c):
      hist[j, :] = zv
      return c

    lax.fori_loop(blk_lo * RB, blk_hi * RB, zero_body, 0)

    iota = lax.iota(jnp.int32, L)
    lane0 = iota == 0
    lane15 = iota == L - 1

    def count_body(buf):
      @plsc.parallel_loop(0, CHUNK // L, unroll=8)
      def _(i):
        off = i * L + 16
        v = buf[pl.ds(off, L)]
        prv = buf[pl.ds(off - 1, L)]
        nxt = buf[pl.ds(off + 1, L)]
        m_start = (v != prv) | lane0
        m_end = (v != nxt) | lane15
        s = plsc.cummax(iota.astype(jnp.uint32), mask=m_start)
        cnt = iota - s.astype(jnp.int32) + 1
        plsc.addupdate_scatter(hist, [v >> 4, v & (L - 1)], cnt, mask=m_end)

    for k in range(n_chunks):
      if k + 1 < n_chunks:
        descs[k + 1] = pltpu.async_copy(
            x_hbm.at[pl.ds(base + (k + 1) * CHUNK, CHUNK)],
            bufs[(k + 1) % 2].at[pl.ds(16, CHUNK)], sems[(k + 1) % 2])
      descs[k].wait()
      count_body(bufs[k % 2])

    plsc.subcore_barrier()

    def merge_body(b, c):
      rb = b * RB
      for j in range(RB // L):
        idx[pl.ds(j * L, L)] = rb + j * L + iota
      pltpu.sync_copy(hist.at[pl.ds(rb, RB)], shared.at[idx], add=True)
      return c

    lax.fori_loop(blk_lo, blk_hi, merge_body, 0)

    plsc.subcore_barrier()

    pltpu.sync_copy(shared.at[pl.ds(sid * stripe, stripe)],
                    out_hbm.at[cid].at[pl.ds(sid * stripe, stripe)])

  return hist_kernel(pair_i)


def _tc_reduce(partials):
  def reduce_kernel(x_ref, o_ref):
    o_ref[...] = x_ref[0, :N_ATOMS] + x_ref[1, :N_ATOMS]

  return pl.pallas_call(
      reduce_kernel,
      out_shape=jax.ShapeDtypeStruct((N_ATOMS,), jnp.int32),
  )(partials)


@jax.jit
def kernel(pair_i):
  pair_i = pair_i.astype(jnp.int32)
  partials = _sc_hists(pair_i).reshape(2, PAD_N)
  return _tc_reduce(partials)

# --- scband reference (transcript-rebuilt; emitter-appended) ---
"""Pipeline reference for scband-neighbors-counter-76570676953208 (READ-ONLY COPY).

The authoritative reference and input builder live on the scoring server;
editing this copy changes nothing except your own understanding.
"""

import jax, jax.numpy as jnp
import numpy as np

N_ATOMS = 100000
N_PAIRS = 6400000

def setup_inputs(seed: int = 0) -> dict:
    key = jax.random.key(seed)
    pair_i = jnp.sort(jax.random.randint(key, (N_PAIRS,), 0, N_ATOMS, dtype=jnp.int64 if jax.config.jax_enable_x64 else jnp.int32))
    return {"pair_i": pair_i}

def reference(pair_i):
    # torch.unique_consecutive(pair_i, return_counts=True) on a sorted index vector
    # is equivalent to a histogram over the atom ids. For jit-compatibility we use
    # a fixed-length bincount over all N_ATOMS atoms (atoms with zero neighbors get
    # count 0; with 64x oversampling essentially every atom appears, so this matches
    # the dynamic-shape torch output in practice).
    n_nbh = jnp.bincount(pair_i, length=N_ATOMS)
    return n_nbh

if __name__ == "__main__":
    import jax
    _d = setup_inputs()
    print(jax.jit(kernel)(*tuple(_d.values())))

</pallas_src>

<mosaic_0001>
#map = affine_map<(d0, d1) -> (0)>
#map1 = affine_map<(d0, d1) -> (0, 0, 0)>
module attributes {stable_mosaic.version = 14 : i64} {
  func.func @hist_kernel(%arg0: i32, %arg1: i32, %arg2: memref<6400000xi32, #tpu.memory_space<hbm>>, %arg3: memref<2x6656x16xi32, #tpu.memory_space<hbm>>, %arg4: memref<6656x16xi32, #tpu.memory_space<vmem>>, %arg5: memref<8032xi32, #tpu.memory_space<vmem>>, %arg6: memref<8032xi32, #tpu.memory_space<vmem>>, %arg7: memref<64xi32, #tpu.memory_space<vmem>>, %arg8: memref<16xi32, #tpu.memory_space<vmem>>, %arg9: memref<16xi32, #tpu.memory_space<vmem>>, %arg10: memref<6656x16xi32, #tpu.memory_space<vmem_shared>>, %arg11: memref<!tpu.dma_semaphore, #tpu.memory_space<semaphore_mem>>, %arg12: memref<!tpu.dma_semaphore, #tpu.memory_space<semaphore_mem>>) attributes {dimension_semantics = [#tpu.dimension_semantics<core_parallel>, #tpu.dimension_semantics<subcore_parallel>], iteration_bounds = array<i64: 2, 16>, scalar_prefetch = 0 : i64, scratch_operands = 9 : i64, tpu.core_type = #tpu.core_type<sc_vector_subcore>, window_params = [{transform_indices = #map}, {transform_indices = #map1}]} {
    %mul3A = arith.constant 2 : i32
    %mul3A_0 = arith.muli %arg1, %mul3A : i32
    %add3A = arith.addi %mul3A_0, %arg0 : i32
    %mul3A_1 = arith.constant 200000 : i32
    %mul3A_2 = arith.muli %add3A, %mul3A_1 : i32
    %dma_start3A = arith.constant 16 : i32
    %dma_start3A_3 = tpu.memref_slice %arg5[%dma_start3A] : memref<8032xi32, #tpu.memory_space<vmem>> -> memref<8000xi32, #tpu.memory_space<vmem>>
    %dma_start3A_4 = tpu.memref_slice %arg2[%mul3A_2] : memref<6400000xi32, #tpu.memory_space<hbm>> -> memref<8000xi32, #tpu.memory_space<hbm>>
    %dma_start3A_5 = arith.constant 16 : i32
    %dma_start3A_6 = tpu.memref_slice %arg5[%dma_start3A_5] : memref<8032xi32, #tpu.memory_space<vmem>> -> memref<8000xi32, #tpu.memory_space<vmem>>
    %dma_start3A_7 = tpu.memref_slice %arg2[%mul3A_2] : memref<6400000xi32, #tpu.memory_space<hbm>> -> memref<8000xi32, #tpu.memory_space<hbm>>
    tpu.enqueue_dma source(%dma_start3A_7 : memref<8000xi32, #tpu.memory_space<hbm>>) target(%dma_start3A_6 : memref<8000xi32, #tpu.memory_space<vmem>>) target_semaphore(%arg11 : memref<!tpu.dma_semaphore, #tpu.memory_space<semaphore_mem>>)
    "tpu.region"() ({
      %run_scoped3A = tpu.sem_alloc : memref<!tpu.dma_semaphore, #tpu.memory_space<semaphore_mem>>
      %dma_start3A_485 = tpu.memref_slice %arg2[%mul3A_2] : memref<6400000xi32, #tpu.memory_space<hbm>> -> memref<16xi32, #tpu.memory_space<hbm>>
      %dma_start3A_486 = tpu.memref_slice %arg2[%mul3A_2] : memref<6400000xi32, #tpu.memory_space<hbm>> -> memref<16xi32, #tpu.memory_space<hbm>>
      tpu.enqueue_dma source(%dma_start3A_486 : memref<16xi32, #tpu.memory_space<hbm>>) target(%arg8 : memref<16xi32, #tpu.memory_space<vmem>>) target_semaphore(%run_scoped3A : memref<!tpu.dma_semaphore, #tpu.memory_space<semaphore_mem>>)
      %dma_wait3A_487 = tpu.memref_slice %arg2[%mul3A_2] : memref<6400000xi32, #tpu.memory_space<hbm>> -> memref<16xi32, #tpu.memory_space<hbm>>
      %dma_wait3A_488 = tpu.memref_slice %arg2[%mul3A_2] : memref<6400000xi32, #tpu.memory_space<hbm>> -> memref<16xi32, #tpu.memory_space<hbm>>
      tpu.wait_dma2 semaphore(%run_scoped3A : memref<!tpu.dma_semaphore, #tpu.memory_space<semaphore_mem>>) src(%dma_wait3A_488 : memref<16xi32, #tpu.memory_space<hbm>>) dst(%arg8 : memref<16xi32, #tpu.memory_space<vmem>>)
      tpu.yield
    }) : () -> ()
    %add3A_8 = arith.constant 200000 : i32
    %add3A_9 = arith.addi %mul3A_2, %add3A_8 : i32
    %sub3A = arith.constant 16 : i32
    %sub3A_10 = arith.subi %add3A_9, %sub3A : i32
    "tpu.region"() ({
      %run_scoped3A = tpu.sem_alloc : memref<!tpu.dma_semaphore, #tpu.memory_space<semaphore_mem>>
      %dma_start3A_485 = tpu.memref_slice %arg2[%sub3A_10] : memref<6400000xi32, #tpu.memory_space<hbm>> -> memref<16xi32, #tpu.memory_space<hbm>>
      %dma_start3A_486 = tpu.memref_slice %arg2[%sub3A_10] : memref<6400000xi32, #tpu.memory_space<hbm>> -> memref<16xi32, #tpu.memory_space<hbm>>
      tpu.enqueue_dma source(%dma_start3A_486 : memref<16xi32, #tpu.memory_space<hbm>>) target(%arg9 : memref<16xi32, #tpu.memory_space<vmem>>) target_semaphore(%run_scoped3A : memref<!tpu.dma_semaphore, #tpu.memory_space<semaphore_mem>>)
      %dma_wait3A_487 = tpu.memref_slice %arg2[%sub3A_10] : memref<6400000xi32, #tpu.memory_space<hbm>> -> memref<16xi32, #tpu.memory_space<hbm>>
      %dma_wait3A_488 = tpu.memref_slice %arg2[%sub3A_10] : memref<6400000xi32, #tpu.memory_space<hbm>> -> memref<16xi32, #tpu.memory_space<hbm>>
      tpu.wait_dma2 semaphore(%run_scoped3A : memref<!tpu.dma_semaphore, #tpu.memory_space<semaphore_mem>>) src(%dma_wait3A_488 : memref<16xi32, #tpu.memory_space<hbm>>) dst(%arg9 : memref<16xi32, #tpu.memory_space<vmem>>)
      tpu.yield
    }) : () -> ()
    %get3A = arith.constant 0 : index
    %get3A_11 = tpu.vector_load %arg8[%get3A] {strides = array<i32>} : memref<16xi32, #tpu.memory_space<vmem>>, vector<16xi32>,
    %reduce_min3A = arith.constant true
    %reduce_min3A_12 = vector.broadcast %reduce_min3A : i1 to vector<16xi1>
    %reduce_min3A_13 = arith.constant -2147483648 : i32
    %reduce_min3A_14 = vector.broadcast %reduce_min3A_13 : i32 to vector<16xi32>
    %reduce_min3A_15 = arith.xori %get3A_11, %reduce_min3A_14 : vector<16xi32>
    %reduce_min3A_16 = tpu.scan <min>, %reduce_min3A_15 masked %reduce_min3A_12 : vector<16xi32>, vector<16xi1> -> vector<16xi32>
    %reduce_min3A_17 = arith.xori %reduce_min3A_16, %reduce_min3A_14 : vector<16xi32>
    %reduce_min3A_18 = vector.extract %reduce_min3A_17[15] : i32 from vector<16xi32>
    %get3A_19 = arith.constant 0 : index
    %get3A_20 = tpu.vector_load %arg9[%get3A_19] {strides = array<i32>} : memref<16xi32, #tpu.memory_space<vmem>>, vector<16xi32>,
    %reduce_max3A = arith.constant true
    %reduce_max3A_21 = vector.broadcast %reduce_max3A : i1 to vector<16xi1>
    %reduce_max3A_22 = arith.constant -2147483648 : i32
    %reduce_max3A_23 = vector.broadcast %reduce_max3A_22 : i32 to vector<16xi32>
    %reduce_max3A_24 = arith.xori %get3A_20, %reduce_max3A_23 : vector<16xi32>
    %reduce_max3A_25 = tpu.scan <max>, %reduce_max3A_24 masked %reduce_max3A_21 : vector<16xi32>, vector<16xi1> -> vector<16xi32>
    %reduce_max3A_26 = arith.xori %reduce_max3A_25, %reduce_max3A_23 : vector<16xi32>
    %reduce_max3A_27 = vector.extract %reduce_max3A_26[15] : i32 from vector<16xi32>
    %shift_right_arithmetic3A = arith.constant 10 : i32
    %shift_right_arithmetic3A_28 = arith.shrsi %reduce_min3A_18, %shift_right_arithmetic3A : i32
    %shift_right_arithmetic3A_29 = arith.constant 10 : i32
    %shift_right_arithmetic3A_30 = arith.shrsi %reduce_max3A_27, %shift_right_arithmetic3A_29 : i32
    %add3A_31 = arith.constant 1 : i32
    %add3A_32 = arith.addi %shift_right_arithmetic3A_30, %add3A_31 : i32
    %broadcast_in_dim3A = arith.constant 0 : i32
    %broadcast_in_dim3A_33 = vector.broadcast %broadcast_in_dim3A : i32 to vector<16xi32>
    %parallel_loop3A = arith.constant 0 : i32
    %parallel_loop3A_34 = arith.constant 416 : i32
    %parallel_loop3A_35 = arith.constant 1 : i32
    scf.for %parallel_loop3A_485 = %parallel_loop3A to %parallel_loop3A_34 step %parallel_loop3A_35  : i32 {
      %parallel_loop3A_486 = arith.index_cast %parallel_loop3A_485 : i32 to index
      %parallel_loop3A_487 = arith.constant 0 : index
      %parallel_loop3A_488 = tpu.vector_load %arg4[%parallel_loop3A_486, %parallel_loop3A_487] {strides = array<i32>} : memref<6656x16xi32, #tpu.memory_space<vmem>>, vector<16xi32>,
      tpu.vector_store %arg4[%parallel_loop3A_486, %parallel_loop3A_487], %broadcast_in_dim3A_33 {strides = array<i32>} : memref<6656x16xi32, #tpu.memory_space<vmem>>, vector<16xi32>,
    } {sc.loop_unroll_factor = 8 : i64, sc.parallel_access}
    %mul3A_36 = arith.constant 416 : i32
    %mul3A_37 = arith.muli %arg1, %mul3A_36 : i32
    "tpu.region"() ({
      %run_scoped3A = tpu.sem_alloc : memref<!tpu.dma_semaphore, #tpu.memory_space<semaphore_mem>>
      %dma_start3A_485 = arith.constant 0 : i32
      %dma_start3A_486 = arith.constant 0 : i32
      %dma_start3A_487 = tpu.memref_slice %arg4[%dma_start3A_485, %dma_start3A_486] : memref<6656x16xi32, #tpu.memory_space<vmem>> -> memref<416x16xi32, #tpu.memory_space<vmem>>
      %dma_start3A_488 = arith.constant 0 : i32
      %dma_start3A_489 = tpu.memref_slice %arg10[%mul3A_37, %dma_start3A_488] : memref<6656x16xi32, #tpu.memory_space<vmem_shared>> -> memref<416x16xi32, #tpu.memory_space<vmem_shared>>
      %dma_start3A_490 = arith.constant 0 : i32
      %dma_start3A_491 = tpu.memref_slice %arg10[%mul3A_37, %dma_start3A_490] : memref<6656x16xi32, #tpu.memory_space<vmem_shared>> -> memref<416x16xi32, #tpu.memory_space<vmem_shared>>
      %dma_start3A_492 = arith.constant 0 : i32
      %dma_start3A_493 = arith.constant 0 : i32
      %dma_start3A_494 = tpu.memref_slice %arg4[%dma_start3A_492, %dma_start3A_493] : memref<6656x16xi32, #tpu.memory_space<vmem>> -> memref<416x16xi32, #tpu.memory_space<vmem>>
      tpu.enqueue_dma source(%dma_start3A_494 : memref<416x16xi32, #tpu.memory_space<vmem>>) target(%dma_start3A_491 : memref<416x16xi32, #tpu.memory_space<vmem_shared>>) target_semaphore(%run_scoped3A : memref<!tpu.dma_semaphore, #tpu.memory_space<semaphore_mem>>)
      %dma_wait3A_495 = arith.constant 0 : i32
      %dma_wait3A_496 = arith.constant 0 : i32
      %dma_wait3A_497 = tpu.memref_slice %arg4[%dma_wait3A_495, %dma_wait3A_496] : memref<6656x16xi32, #tpu.memory_space<vmem>> -> memref<416x16xi32, #tpu.memory_space<vmem>>
      %dma_wait3A_498 = arith.constant 0 : i32
      %dma_wait3A_499 = tpu.memref_slice %arg10[%mul3A_37, %dma_wait3A_498] : memref<6656x16xi32, #tpu.memory_space<vmem_shared>> -> memref<416x16xi32, #tpu.memory_space<vmem_shared>>
      %dma_wait3A_500 = arith.constant 0 : i32
      %dma_wait3A_501 = tpu.memref_slice %arg10[%mul3A_37, %dma_wait3A_500] : memref<6656x16xi32, #tpu.memory_space<vmem_shared>> -> memref<416x16xi32, #tpu.memory_space<vmem_shared>>
      %dma_wait3A_502 = arith.constant 0 : i32
      %dma_wait3A_503 = arith.constant 0 : i32
      %dma_wait3A_504 = tpu.memref_slice %arg4[%dma_wait3A_502, %dma_wait3A_503] : memref<6656x16xi32, #tpu.memory_space<vmem>> -> memref<416x16xi32, #tpu.memory_space<vmem>>
      tpu.wait_dma2 semaphore(%run_scoped3A : memref<!tpu.dma_semaphore, #tpu.memory_space<semaphore_mem>>) src(%dma_wait3A_504 : memref<416x16xi32, #tpu.memory_space<vmem>>) dst(%dma_wait3A_501 : memref<416x16xi32, #tpu.memory_space<vmem_shared>>)
      tpu.yield
    }) : () -> ()
    %mul3A_38 = arith.constant 64 : i32
    %mul3A_39 = arith.muli %shift_right_arithmetic3A_28, %mul3A_38 : i32
    %mul3A_40 = arith.constant 64 : i32
    %mul3A_41 = arith.muli %add3A_32, %mul3A_40 : i32
    %while3A = arith.constant 0 : i32
    %while3A_42 = arith.subi %mul3A_41, %mul3A_39 : i32
    %while3A_43 = arith.addi %mul3A_39, %while3A_42 : i32
    %while3A_44 = arith.constant 1 : i32
    %while3A_45 = arith.divsi %while3A_42, %while3A_44 : i32
    %while3A_46 = arith.muli %while3A_45, %while3A_44 : i32
    %while3A_47 = arith.addi %mul3A_39, %while3A_46 : i32
    %while3A_48 = arith.constant 1 : i32
    scf.for %while3A_485 = %mul3A_39 to %while3A_47 step %while3A_48  : i32 {
      %swap3A = arith.index_cast %while3A_485 : i32 to index
      %swap3A_486 = arith.constant 0 : index
      %swap3A_487 = tpu.vector_load %arg4[%swap3A, %swap3A_486] {strides = array<i32>} : memref<6656x16xi32, #tpu.memory_space<vmem>>, vector<16xi32>,
      tpu.vector_store %arg4[%swap3A, %swap3A_486], %broadcast_in_dim3A_33 {strides = array<i32>} : memref<6656x16xi32, #tpu.memory_space<vmem>>, vector<16xi32>,
    }
    %while3A_49 = arith.constant 1 : i32
    scf.for %while3A_485 = %while3A_47 to %while3A_43 step %while3A_49  : i32 {
      %swap3A = arith.index_cast %while3A_485 : i32 to index
      %swap3A_486 = arith.constant 0 : index
      %swap3A_487 = tpu.vector_load %arg4[%swap3A, %swap3A_486] {strides = array<i32>} : memref<6656x16xi32, #tpu.memory_space<vmem>>, vector<16xi32>,
      tpu.vector_store %arg4[%swap3A, %swap3A_486], %broadcast_in_dim3A_33 {strides = array<i32>} : memref<6656x16xi32, #tpu.memory_space<vmem>>, vector<16xi32>,
    }
    %iota3A = tpu.iota {dimensions = array<i32: 0>} : vector<16xi32>
    %eq3A = arith.constant 0 : i32
    %eq3A_50 = vector.broadcast %eq3A : i32 to vector<16xi32>
    %eq3A_51 = arith.cmpi eq, %iota3A, %eq3A_50 : vector<16xi32>
    %eq3A_52 = arith.constant 15 : i32
    %eq3A_53 = vector.broadcast %eq3A_52 : i32 to vector<16xi32>
    %eq3A_54 = arith.cmpi eq, %iota3A, %eq3A_53 : vector<16xi32>
    %add3A_55 = arith.constant 8000 : i32
    %add3A_56 = arith.addi %mul3A_2, %add3A_55 : i32
    %dma_start3A_57 = arith.constant 16 : i32
    %dma_start3A_58 = tpu.memref_slice %arg6[%dma_start3A_57] : memref<8032xi32, #tpu.memory_space<vmem>> -> memref<8000xi32, #tpu.memory_space<vmem>>
    %dma_start3A_59 = tpu.memref_slice %arg2[%add3A_56] : memref<6400000xi32, #tpu.memory_space<hbm>> -> memref<8000xi32, #tpu.memory_space<hbm>>
    %dma_start3A_60 = arith.constant 16 : i32
    %dma_start3A_61 = tpu.memref_slice %arg6[%dma_start3A_60] : memref<8032xi32, #tpu.memory_space<vmem>> -> memref<8000xi32, #tpu.memory_space<vmem>>
    %dma_start3A_62 = tpu.memref_slice %arg2[%add3A_56] : memref<6400000xi32, #tpu.memory_space<hbm>> -> memref<8000xi32, #tpu.memory_space<hbm>>
    tpu.enqueue_dma source(%dma_start3A_62 : memref<8000xi32, #tpu.memory_space<hbm>>) target(%dma_start3A_61 : memref<8000xi32, #tpu.memory_space<vmem>>) target_semaphore(%arg12 : memref<!tpu.dma_semaphore, #tpu.memory_space<semaphore_mem>>)
    %dma_wait3A = arith.constant 16 : i32
    %dma_wait3A_63 = tpu.memref_slice %arg5[%dma_wait3A] : memref<8032xi32, #tpu.memory_space<vmem>> -> memref<8000xi32, #tpu.memory_space<vmem>>
    %dma_wait3A_64 = tpu.memref_slice %arg2[%mul3A_2] : memref<6400000xi32, #tpu.memory_space<hbm>> -> memref<8000xi32, #tpu.memory_space<hbm>>
    %dma_wait3A_65 = arith.constant 16 : i32
    %dma_wait3A_66 = tpu.memref_slice %arg5[%dma_wait3A_65] : memref<8032xi32, #tpu.memory_space<vmem>> -> memref<8000xi32, #tpu.memory_space<vmem>>
    %dma_wait3A_67 = tpu.memref_slice %arg2[%mul3A_2] : memref<6400000xi32, #tpu.memory_space<hbm>> -> memref<8000xi32, #tpu.memory_space<hbm>>
    tpu.wait_dma2 semaphore(%arg11 : memref<!tpu.dma_semaphore, #tpu.memory_space<semaphore_mem>>) src(%dma_wait3A_67 : memref<8000xi32, #tpu.memory_space<hbm>>) dst(%dma_wait3A_66 : memref<8000xi32, #tpu.memory_space<vmem>>)
    %parallel_loop3A_68 = arith.constant 0 : i32
    %parallel_loop3A_69 = arith.constant 500 : i32
    %parallel_loop3A_70 = arith.constant 1 : i32
    scf.for %parallel_loop3A_485 = %parallel_loop3A_68 to %parallel_loop3A_69 step %parallel_loop3A_70  : i32 {
      %parallel_loop3A_486 = arith.constant 16 : i32
      %parallel_loop3A_487 = arith.muli %parallel_loop3A_485, %parallel_loop3A_486 : i32
      %parallel_loop3A_488 = arith.constant 16 : i32
      %parallel_loop3A_489 = arith.addi %parallel_loop3A_487, %parallel_loop3A_488 : i32
      %parallel_loop3A_490 = arith.index_cast %parallel_loop3A_489 : i32 to index
      %parallel_loop3A_491 = tpu.vector_load %arg5[%parallel_loop3A_490] {strides = array<i32>} : memref<8032xi32, #tpu.memory_space<vmem>>, vector<16xi32>,
      %parallel_loop3A_492 = arith.constant 1 : i32
      %parallel_loop3A_493 = arith.subi %parallel_loop3A_489, %parallel_loop3A_492 : i32
      %parallel_loop3A_494 = arith.index_cast %parallel_loop3A_493 : i32 to index
      %parallel_loop3A_495 = tpu.vector_load %arg5[%parallel_loop3A_494] {strides = array<i32>} : memref<8032xi32, #tpu.memory_space<vmem>>, vector<16xi32>,
      %parallel_loop3A_496 = arith.constant 1 : i32
      %parallel_loop3A_497 = arith.addi %parallel_loop3A_489, %parallel_loop3A_496 : i32
      %parallel_loop3A_498 = arith.index_cast %parallel_loop3A_497 : i32 to index
      %parallel_loop3A_499 = tpu.vector_load %arg5[%parallel_loop3A_498] {strides = array<i32>} : memref<8032xi32, #tpu.memory_space<vmem>>, vector<16xi32>,
      %parallel_loop3A_500 = arith.cmpi ne, %parallel_loop3A_491, %parallel_loop3A_495 : vector<16xi32>
      %parallel_loop3A_501 = arith.ori %parallel_loop3A_500, %eq3A_51 : vector<16xi1>
      %parallel_loop3A_502 = arith.cmpi ne, %parallel_loop3A_491, %parallel_loop3A_499 : vector<16xi32>
      %parallel_loop3A_503 = arith.ori %parallel_loop3A_502, %eq3A_54 : vector<16xi1>
      %parallel_loop3A_504 = tpu.scan <max>, %iota3A masked %parallel_loop3A_501 : vector<16xi32>, vector<16xi1> -> vector<16xi32>
      %parallel_loop3A_505 = arith.subi %iota3A, %parallel_loop3A_504 : vector<16xi32>
      %parallel_loop3A_506 = arith.constant 1 : i32
      %parallel_loop3A_507 = vector.broadcast %parallel_loop3A_506 : i32 to vector<16xi32>
      %parallel_loop3A_508 = arith.addi %parallel_loop3A_505, %parallel_loop3A_507 : vector<16xi32>
      %parallel_loop3A_509 = arith.constant 4 : i32
      %parallel_loop3A_510 = vector.broadcast %parallel_loop3A_509 : i32 to vector<16xi32>
      %parallel_loop3A_511 = arith.shrsi %parallel_loop3A_491, %parallel_loop3A_510 : vector<16xi32>
      %parallel_loop3A_512 = arith.constant 15 : i32
      %parallel_loop3A_513 = vector.broadcast %parallel_loop3A_512 : i32 to vector<16xi32>
      %parallel_loop3A_514 = arith.andi %parallel_loop3A_491, %parallel_loop3A_513 : vector<16xi32>
      tpu.vector_store_idx %arg4[%parallel_loop3A_511, %parallel_loop3A_514], %parallel_loop3A_508 masked %parallel_loop3A_503 {add = true} : memref<6656x16xi32, #tpu.memory_space<vmem>>[vector<16xi32>, vector<16xi32>], vector<16xi32>, vector<16xi1>
    } {sc.loop_unroll_factor = 8 : i64, sc.parallel_access}
    %add3A_71 = arith.constant 16000 : i32
    %add3A_72 = arith.addi %mul3A_2, %add3A_71 : i32
    %dma_start3A_73 = arith.constant 16 : i32
    %dma_start3A_74 = tpu.memref_slice %arg5[%dma_start3A_73] : memref<8032xi32, #tpu.memory_space<vmem>> -> memref<8000xi32, #tpu.memory_space<vmem>>
    %dma_start3A_75 = tpu.memref_slice %arg2[%add3A_72] : memref<6400000xi32, #tpu.memory_space<hbm>> -> memref<8000xi32, #tpu.memory_space<hbm>>
    %dma_start3A_76 = arith.constant 16 : i32
    %dma_start3A_77 = tpu.memref_slice %arg5[%dma_start3A_76] : memref<8032xi32, #tpu.memory_space<vmem>> -> memref<8000xi32, #tpu.memory_space<vmem>>
    %dma_start3A_78 = tpu.memref_slice %arg2[%add3A_72] : memref<6400000xi32, #tpu.memory_space<hbm>> -> memref<8000xi32, #tpu.memory_space<hbm>>
    tpu.enqueue_dma source(%dma_start3A_78 : memref<8000xi32, #tpu.memory_space<hbm>>) target(%dma_start3A_77 : memref<8000xi32, #tpu.memory_space<vmem>>) target_semaphore(%arg11 : memref<!tpu.dma_semaphore, #tpu.memory_space<semaphore_mem>>)
    %dma_wait3A_79 = arith.constant 16 : i32
    %dma_wait3A_80 = tpu.memref_slice %arg6[%dma_wait3A_79] : memref<8032xi32, #tpu.memory_space<vmem>> -> memref<8000xi32, #tpu.memory_space<vmem>>
    %dma_wait3A_81 = tpu.memref_slice %arg2[%add3A_56] : memref<6400000xi32, #tpu.memory_space<hbm>> -> memref<8000xi32, #tpu.memory_space<hbm>>
    %dma_wait3A_82 = arith.constant 16 : i32
    %dma_wait3A_83 = tpu.memref_slice %arg6[%dma_wait3A_82] : memref<8032xi32, #tpu.memory_space<vmem>> -> memref<8000xi32, #tpu.memory_space<vmem>>
    %dma_wait3A_84 = tpu.memref_slice %arg2[%add3A_56] : memref<6400000xi32, #tpu.memory_space<hbm>> -> memref<8000xi32, #tpu.memory_space<hbm>>
    tpu.wait_dma2 semaphore(%arg12 : memref<!tpu.dma_semaphore, #tpu.memory_space<semaphore_mem>>) src(%dma_wait3A_84 : memref<8000xi32, #tpu.memory_space<hbm>>) dst(%dma_wait3A_83 : memref<8000xi32, #tpu.memory_space<vmem>>)
    %parallel_loop3A_85 = arith.constant 0 : i32
    %parallel_loop3A_86 = arith.constant 500 : i32
    %parallel_loop3A_87 = arith.constant 1 : i32
    scf.for %parallel_loop3A_485 = %parallel_loop3A_85 to %parallel_loop3A_86 step %parallel_loop3A_87  : i32 {
      %parallel_loop3A_486 = arith.constant 16 : i32
      %parallel_loop3A_487 = arith.muli %parallel_loop3A_485, %parallel_loop3A_486 : i32
      %parallel_loop3A_488 = arith.constant 16 : i32
      %parallel_loop3A_489 = arith.addi %parallel_loop3A_487, %parallel_loop3A_488 : i32
      %parallel_loop3A_490 = arith.index_cast %parallel_loop3A_489 : i32 to index
      %parallel_loop3A_491 = tpu.vector_load %arg6[%parallel_loop3A_490] {strides = array<i32>} : memref<8032xi32, #tpu.memory_space<vmem>>, vector<16xi32>,
      %parallel_loop3A_492 = arith.constant 1 : i32
      %parallel_loop3A_493 = arith.subi %parallel_loop3A_489, %parallel_loop3A_492 : i32
      %parallel_loop3A_494 = arith.index_cast %parallel_loop3A_493 : i32 to index
      %parallel_loop3A_495 = tpu.vector_load %arg6[%parallel_loop3A_494] {strides = array<i32>} : memref<8032xi32, #tpu.memory_space<vmem>>, vector<16xi32>,
      %parallel_loop3A_496 = arith.constant 1 : i32
      %parallel_loop3A_497 = arith.addi %parallel_loop3A_489, %parallel_loop3A_496 : i32
      %parallel_loop3A_498 = arith.index_cast %parallel_loop3A_497 : i32 to index
      %parallel_loop3A_499 = tpu.vector_load %arg6[%parallel_loop3A_498] {strides = array<i32>} : memref<8032xi32, #tpu.memory_space<vmem>>, vector<16xi32>,
      %parallel_loop3A_500 = arith.cmpi ne, %parallel_loop3A_491, %parallel_loop3A_495 : vector<16xi32>
      %parallel_loop3A_501 = arith.ori %parallel_loop3A_500, %eq3A_51 : vector<16xi1>
      %parallel_loop3A_502 = arith.cmpi ne, %parallel_loop3A_491, %parallel_loop3A_499 : vector<16xi32>
      %parallel_loop3A_503 = arith.ori %parallel_loop3A_502, %eq3A_54 : vector<16xi1>
      %parallel_loop3A_504 = tpu.scan <max>, %iota3A masked %parallel_loop3A_501 : vector<16xi32>, vector<16xi1> -> vector<16xi32>
      %parallel_loop3A_505 = arith.subi %iota3A, %parallel_loop3A_504 : vector<16xi32>
      %parallel_loop3A_506 = arith.constant 1 : i32
      %parallel_loop3A_507 = vector.broadcast %parallel_loop3A_506 : i32 to vector<16xi32>
      %parallel_loop3A_508 = arith.addi %parallel_loop3A_505, %parallel_loop3A_507 : vector<16xi32>
      %parallel_loop3A_509 = arith.constant 4 : i32
      %parallel_loop3A_510 = vector.broadcast %parallel_loop3A_509 : i32 to vector<16xi32>
      %parallel_loop3A_511 = arith.shrsi %parallel_loop3A_491, %parallel_loop3A_510 : vector<16xi32>
      %parallel_loop3A_512 = arith.constant 15 : i32
      %parallel_loop3A_513 = vector.broadcast %parallel_loop3A_512 : i32 to vector<16xi32>
      %parallel_loop3A_514 = arith.andi %parallel_loop3A_491, %parallel_loop3A_513 : vector<16xi32>
      tpu.vector_store_idx %arg4[%parallel_loop3A_511, %parallel_loop3A_514], %parallel_loop3A_508 masked %parallel_loop3A_503 {add = true} : memref<6656x16xi32, #tpu.memory_space<vmem>>[vector<16xi32>, vector<16xi32>], vector<16xi32>, vector<16xi1>
    } {sc.loop_unroll_factor = 8 : i64, sc.parallel_access}
    %add3A_88 = arith.constant 24000 : i32
    %add3A_89 = arith.addi %mul3A_2, %add3A_88 : i32
    %dma_start3A_90 = arith.constant 16 : i32
    %dma_start3A_91 = tpu.memref_slice %arg6[%dma_start3A_90] : memref<8032xi32, #tpu.memory_space<vmem>> -> memref<8000xi32, #tpu.memory_space<vmem>>
    %dma_start3A_92 = tpu.memref_slice %arg2[%add3A_89] : memref<6400000xi32, #tpu.memory_space<hbm>> -> memref<8000xi32, #tpu.memory_space<hbm>>
    %dma_start3A_93 = arith.constant 16 : i32
    %dma_start3A_94 = tpu.memref_slice %arg6[%dma_start3A_93] : memref<8032xi32, #tpu.memory_space<vmem>> -> memref<8000xi32, #tpu.memory_space<vmem>>
    %dma_start3A_95 = tpu.memref_slice %arg2[%add3A_89] : memref<6400000xi32, #tpu.memory_space<hbm>> -> memref<8000xi32, #tpu.memory_space<hbm>>
    tpu.enqueue_dma source(%dma_start3A_95 : memref<8000xi32, #tpu.memory_space<hbm>>) target(%dma_start3A_94 : memref<8000xi32, #tpu.memory_space<vmem>>) target_semaphore(%arg12 : memref<!tpu.dma_semaphore, #tpu.memory_space<semaphore_mem>>)
    %dma_wait3A_96 = arith.constant 16 : i32
    %dma_wait3A_97 = tpu.memref_slice %arg5[%dma_wait3A_96] : memref<8032xi32, #tpu.memory_space<vmem>> -> memref<8000xi32, #tpu.memory_space<vmem>>
    %dma_wait3A_98 = tpu.memref_slice %arg2[%add3A_72] : memref<6400000xi32, #tpu.memory_space<hbm>> -> memref<8000xi32, #tpu.memory_space<hbm>>
    %dma_wait3A_99 = arith.constant 16 : i32
    %dma_wait3A_100 = tpu.memref_slice %arg5[%dma_wait3A_99] : memref<8032xi32, #tpu.memory_space<vmem>> -> memref<8000xi32, #tpu.memory_space<vmem>>
    %dma_wait3A_101 = tpu.memref_slice %arg2[%add3A_72] : memref<6400000xi32, #tpu.memory_space<hbm>> -> memref<8000xi32, #tpu.memory_space<hbm>>
    tpu.wait_dma2 semaphore(%arg11 : memref<!tpu.dma_semaphore, #tpu.memory_space<semaphore_mem>>) src(%dma_wait3A_101 : memref<8000xi32, #tpu.memory_space<hbm>>) dst(%dma_wait3A_100 : memref<8000xi32, #tpu.memory_space<vmem>>)
    %parallel_loop3A_102 = arith.constant 0 : i32
    %parallel_loop3A_103 = arith.constant 500 : i32
    %parallel_loop3A_104 = arith.constant 1 : i32
    scf.for %parallel_loop3A_485 = %parallel_loop3A_102 to %parallel_loop3A_103 step %parallel_loop3A_104  : i32 {
      %parallel_loop3A_486 = arith.constant 16 : i32
      %parallel_loop3A_487 = arith.muli %parallel_loop3A_485, %parallel_loop3A_486 : i32
      %parallel_loop3A_488 = arith.constant 16 : i32
      %parallel_loop3A_489 = arith.addi %parallel_loop3A_487, %parallel_loop3A_488 : i32
      %parallel_loop3A_490 = arith.index_cast %parallel_loop3A_489 : i32 to index
      %parallel_loop3A_491 = tpu.vector_load %arg5[%parallel_loop3A_490] {strides = array<i32>} : memref<8032xi32, #tpu.memory_space<vmem>>, vector<16xi32>,
      %parallel_loop3A_492 = arith.constant 1 : i32
      %parallel_loop3A_493 = arith.subi %parallel_loop3A_489, %parallel_loop3A_492 : i32
      %parallel_loop3A_494 = arith.index_cast %parallel_loop3A_493 : i32 to index
      %parallel_loop3A_495 = tpu.vector_load %arg5[%parallel_loop3A_494] {strides = array<i32>} : memref<8032xi32, #tpu.memory_space<vmem>>, vector<16xi32>,
      %parallel_loop3A_496 = arith.constant 1 : i32
      %parallel_loop3A_497 = arith.addi %parallel_loop3A_489, %parallel_loop3A_496 : i32
      %parallel_loop3A_498 = arith.index_cast %parallel_loop3A_497 : i32 to index
      %parallel_loop3A_499 = tpu.vector_load %arg5[%parallel_loop3A_498] {strides = array<i32>} : memref<8032xi32, #tpu.memory_space<vmem>>, vector<16xi32>,
      %parallel_loop3A_500 = arith.cmpi ne, %parallel_loop3A_491, %parallel_loop3A_495 : vector<16xi32>
      %parallel_loop3A_501 = arith.ori %parallel_loop3A_500, %eq3A_51 : vector<16xi1>
      %parallel_loop3A_502 = arith.cmpi ne, %parallel_loop3A_491, %parallel_loop3A_499 : vector<16xi32>
      %parallel_loop3A_503 = arith.ori %parallel_loop3A_502, %eq3A_54 : vector<16xi1>
      %parallel_loop3A_504 = tpu.scan <max>, %iota3A masked %parallel_loop3A_501 : vector<16xi32>, vector<16xi1> -> vector<16xi32>
      %parallel_loop3A_505 = arith.subi %iota3A, %parallel_loop3A_504 : vector<16xi32>
      %parallel_loop3A_506 = arith.constant 1 : i32
      %parallel_loop3A_507 = vector.broadcast %parallel_loop3A_506 : i32 to vector<16xi32>
      %parallel_loop3A_508 = arith.addi %parallel_loop3A_505, %parallel_loop3A_507 : vector<16xi32>
      %parallel_loop3A_509 = arith.constant 4 : i32
      %parallel_loop3A_510 = vector.broadcast %parallel_loop3A_509 : i32 to vector<16xi32>
      %parallel_loop3A_511 = arith.shrsi %parallel_loop3A_491, %parallel_loop3A_510 : vector<16xi32>
      %parallel_loop3A_512 = arith.constant 15 : i32
      %parallel_loop3A_513 = vector.broadcast %parallel_loop3A_512 : i32 to vector<16xi32>
      %parallel_loop3A_514 = arith.andi %parallel_loop3A_491, %parallel_loop3A_513 : vector<16xi32>
      tpu.vector_store_idx %arg4[%parallel_loop3A_511, %parallel_loop3A_514], %parallel_loop3A_508 masked %parallel_loop3A_503 {add = true} : memref<6656x16xi32, #tpu.memory_space<vmem>>[vector<16xi32>, vector<16xi32>], vector<16xi32>, vector<16xi1>
    } {sc.loop_unroll_factor = 8 : i64, sc.parallel_access}
    %add3A_105 = arith.constant 32000 : i32
    %add3A_106 = arith.addi %mul3A_2, %add3A_105 : i32
    %dma_start3A_107 = arith.constant 16 : i32
    %dma_start3A_108 = tpu.memref_slice %arg5[%dma_start3A_107] : memref<8032xi32, #tpu.memory_space<vmem>> -> memref<8000xi32, #tpu.memory_space<vmem>>
    %dma_start3A_109 = tpu.memref_slice %arg2[%add3A_106] : memref<6400000xi32, #tpu.memory_space<hbm>> -> memref<8000xi32, #tpu.memory_space<hbm>>
    %dma_start3A_110 = arith.constant 16 : i32
    %dma_start3A_111 = tpu.memref_slice %arg5[%dma_start3A_110] : memref<8032xi32, #tpu.memory_space<vmem>> -> memref<8000xi32, #tpu.memory_space<vmem>>
    %dma_start3A_112 = tpu.memref_slice %arg2[%add3A_106] : memref<6400000xi32, #tpu.memory_space<hbm>> -> memref<8000xi32, #tpu.memory_space<hbm>>
    tpu.enqueue_dma source(%dma_start3A_112 : memref<8000xi32, #tpu.memory_space<hbm>>) target(%dma_start3A_111 : memref<8000xi32, #tpu.memory_space<vmem>>) target_semaphore(%arg11 : memref<!tpu.dma_semaphore, #tpu.memory_space<semaphore_mem>>)
    %dma_wait3A_113 = arith.constant 16 : i32
    %dma_wait3A_114 = tpu.memref_slice %arg6[%dma_wait3A_113] : memref<8032xi32, #tpu.memory_space<vmem>> -> memref<8000xi32, #tpu.memory_space<vmem>>
    %dma_wait3A_115 = tpu.memref_slice %arg2[%add3A_89] : memref<6400000xi32, #tpu.memory_space<hbm>> -> memref<8000xi32, #tpu.memory_space<hbm>>
    %dma_wait3A_116 = arith.constant 16 : i32
    %dma_wait3A_117 = tpu.memref_slice %arg6[%dma_wait3A_116] : memref<8032xi32, #tpu.memory_space<vmem>> -> memref<8000xi32, #tpu.memory_space<vmem>>
    %dma_wait3A_118 = tpu.memref_slice %arg2[%add3A_89] : memref<6400000xi32, #tpu.memory_space<hbm>> -> memref<8000xi32, #tpu.memory_space<hbm>>
    tpu.wait_dma2 semaphore(%arg12 : memref<!tpu.dma_semaphore, #tpu.memory_space<semaphore_mem>>) src(%dma_wait3A_118 : memref<8000xi32, #tpu.memory_space<hbm>>) dst(%dma_wait3A_117 : memref<8000xi32, #tpu.memory_space<vmem>>)
    %parallel_loop3A_119 = arith.constant 0 : i32
    %parallel_loop3A_120 = arith.constant 500 : i32
    %parallel_loop3A_121 = arith.constant 1 : i32
    scf.for %parallel_loop3A_485 = %parallel_loop3A_119 to %parallel_loop3A_120 step %parallel_loop3A_121  : i32 {
      %parallel_loop3A_486 = arith.constant 16 : i32
      %parallel_loop3A_487 = arith.muli %parallel_loop3A_485, %parallel_loop3A_486 : i32
      %parallel_loop3A_488 = arith.constant 16 : i32
      %parallel_loop3A_489 = arith.addi %parallel_loop3A_487, %parallel_loop3A_488 : i32
      %parallel_loop3A_490 = arith.index_cast %parallel_loop3A_489 : i32 to index
      %parallel_loop3A_491 = tpu.vector_load %arg6[%parallel_loop3A_490] {strides = array<i32>} : memref<8032xi32, #tpu.memory_space<vmem>>, vector<16xi32>,
      %parallel_loop3A_492 = arith.constant 1 : i32
      %parallel_loop3A_493 = arith.subi %parallel_loop3A_489, %parallel_loop3A_492 : i32
      %parallel_loop3A_494 = arith.index_cast %parallel_loop3A_493 : i32 to index
      %parallel_loop3A_495 = tpu.vector_load %arg6[%parallel_loop3A_494] {strides = array<i32>} : memref<8032xi32, #tpu.memory_space<vmem>>, vector<16xi32>,
      %parallel_loop3A_496 = arith.constant 1 : i32
      %parallel_loop3A_497 = arith.addi %parallel_loop3A_489, %parallel_loop3A_496 : i32
      %parallel_loop3A_498 = arith.index_cast %parallel_loop3A_497 : i32 to index
      %parallel_loop3A_499 = tpu.vector_load %arg6[%parallel_loop3A_498] {strides = array<i32>} : memref<8032xi32, #tpu.memory_space<vmem>>, vector<16xi32>,
      %parallel_loop3A_500 = arith.cmpi ne, %parallel_loop3A_491, %parallel_loop3A_495 : vector<16xi32>
      %parallel_loop3A_501 = arith.ori %parallel_loop3A_500, %eq3A_51 : vector<16xi1>
      %parallel_loop3A_502 = arith.cmpi ne, %parallel_loop3A_491, %parallel_loop3A_499 : vector<16xi32>
      %parallel_loop3A_503 = arith.ori %parallel_loop3A_502, %eq3A_54 : vector<16xi1>
      %parallel_loop3A_504 = tpu.scan <max>, %iota3A masked %parallel_loop3A_501 : vector<16xi32>, vector<16xi1> -> vector<16xi32>
      %parallel_loop3A_505 = arith.subi %iota3A, %parallel_loop3A_504 : vector<16xi32>
      %parallel_loop3A_506 = arith.constant 1 : i32
      %parallel_loop3A_507 = vector.broadcast %parallel_loop3A_506 : i32 to vector<16xi32>
      %parallel_loop3A_508 = arith.addi %parallel_loop3A_505, %parallel_loop3A_507 : vector<16xi32>
      %parallel_loop3A_509 = arith.constant 4 : i32
      %parallel_loop3A_510 = vector.broadcast %parallel_loop3A_509 : i32 to vector<16xi32>
      %parallel_loop3A_511 = arith.shrsi %parallel_loop3A_491, %parallel_loop3A_510 : vector<16xi32>
      %parallel_loop3A_512 = arith.constant 15 : i32
      %parallel_loop3A_513 = vector.broadcast %parallel_loop3A_512 : i32 to vector<16xi32>
      %parallel_loop3A_514 = arith.andi %parallel_loop3A_491, %parallel_loop3A_513 : vector<16xi32>
      tpu.vector_store_idx %arg4[%parallel_loop3A_511, %parallel_loop3A_514], %parallel_loop3A_508 masked %parallel_loop3A_503 {add = true} : memref<6656x16xi32, #tpu.memory_space<vmem>>[vector<16xi32>, vector<16xi32>], vector<16xi32>, vector<16xi1>
    } {sc.loop_unroll_factor = 8 : i64, sc.parallel_access}
    %add3A_122 = arith.constant 40000 : i32
    %add3A_123 = arith.addi %mul3A_2, %add3A_122 : i32
    %dma_start3A_124 = arith.constant 16 : i32
    %dma_start3A_125 = tpu.memref_slice %arg6[%dma_start3A_124] : memref<8032xi32, #tpu.memory_space<vmem>> -> memref<8000xi32, #tpu.memory_space<vmem>>
    %dma_start3A_126 = tpu.memref_slice %arg2[%add3A_123] : memref<6400000xi32, #tpu.memory_space<hbm>> -> memref<8000xi32, #tpu.memory_space<hbm>>
    %dma_start3A_127 = arith.constant 16 : i32
    %dma_start3A_128 = tpu.memref_slice %arg6[%dma_start3A_127] : memref<8032xi32, #tpu.memory_space<vmem>> -> memref<8000xi32, #tpu.memory_space<vmem>>
    %dma_start3A_129 = tpu.memref_slice %arg2[%add3A_123] : memref<6400000xi32, #tpu.memory_space<hbm>> -> memref<8000xi32, #tpu.memory_space<hbm>>
    tpu.enqueue_dma source(%dma_start3A_129 : memref<8000xi32, #tpu.memory_space<hbm>>) target(%dma_start3A_128 : memref<8000xi32, #tpu.memory_space<vmem>>) target_semaphore(%arg12 : memref<!tpu.dma_semaphore, #tpu.memory_space<semaphore_mem>>)
    %dma_wait3A_130 = arith.constant 16 : i32
    %dma_wait3A_131 = tpu.memref_slice %arg5[%dma_wait3A_130] : memref<8032xi32, #tpu.memory_space<vmem>> -> memref<8000xi32, #tpu.memory_space<vmem>>
    %dma_wait3A_132 = tpu.memref_slice %arg2[%add3A_106] : memref<6400000xi32, #tpu.memory_space<hbm>> -> memref<8000xi32, #tpu.memory_space<hbm>>
    %dma_wait3A_133 = arith.constant 16 : i32
    %dma_wait3A_134 = tpu.memref_slice %arg5[%dma_wait3A_133] : memref<8032xi32, #tpu.memory_space<vmem>> -> memref<8000xi32, #tpu.memory_space<vmem>>
    %dma_wait3A_135 = tpu.memref_slice %arg2[%add3A_106] : memref<6400000xi32, #tpu.memory_space<hbm>> -> memref<8000xi32, #tpu.memory_space<hbm>>
    tpu.wait_dma2 semaphore(%arg11 : memref<!tpu.dma_semaphore, #tpu.memory_space<semaphore_mem>>) src(%dma_wait3A_135 : memref<8000xi32, #tpu.memory_space<hbm>>) dst(%dma_wait3A_134 : memref<8000xi32, #tpu.memory_space<vmem>>)
    %parallel_loop3A_136 = arith.constant 0 : i32
    %parallel_loop3A_137 = arith.constant 500 : i32
    %parallel_loop3A_138 = arith.constant 1 : i32
    scf.for %parallel_loop3A_485 = %parallel_loop3A_136 to %parallel_loop3A_137 step %parallel_loop3A_138  : i32 {
      %parallel_loop3A_486 = arith.constant 16 : i32
      %parallel_loop3A_487 = arith.muli %parallel_loop3A_485, %parallel_loop3A_486 : i32
      %parallel_loop3A_488 = arith.constant 16 : i32
      %parallel_loop3A_489 = arith.addi %parallel_loop3A_487, %parallel_loop3A_488 : i32
      %parallel_loop3A_490 = arith.index_cast %parallel_loop3A_489 : i32 to index
      %parallel_loop3A_491 = tpu.vector_load %arg5[%parallel_loop3A_490] {strides = array<i32>} : memref<8032xi32, #tpu.memory_space<vmem>>, vector<16xi32>,
      %parallel_loop3A_492 = arith.constant 1 : i32
      %parallel_loop3A_493 = arith.subi %parallel_loop3A_489, %parallel_loop3A_492 : i32
      %parallel_loop3A_494 = arith.index_cast %parallel_loop3A_493 : i32 to index
      %parallel_loop3A_495 = tpu.vector_load %arg5[%parallel_loop3A_494] {strides = array<i32>} : memref<8032xi32, #tpu.memory_space<vmem>>, vector<16xi32>,
      %parallel_loop3A_496 = arith.constant 1 : i32
      %parallel_loop3A_497 = arith.addi %parallel_loop3A_489, %parallel_loop3A_496 : i32
      %parallel_loop3A_498 = arith.index_cast %parallel_loop3A_497 : i32 to index
      %parallel_loop3A_499 = tpu.vector_load %arg5[%parallel_loop3A_498] {strides = array<i32>} : memref<8032xi32, #tpu.memory_space<vmem>>, vector<16xi32>,
      %parallel_loop3A_500 = arith.cmpi ne, %parallel_loop3A_491, %parallel_loop3A_495 : vector<16xi32>
      %parallel_loop3A_501 = arith.ori %parallel_loop3A_500, %eq3A_51 : vector<16xi1>
      %parallel_loop3A_502 = arith.cmpi ne, %parallel_loop3A_491, %parallel_loop3A_499 : vector<16xi32>
      %parallel_loop3A_503 = arith.ori %parallel_loop3A_502, %eq3A_54 : vector<16xi1>
      %parallel_loop3A_504 = tpu.scan <max>, %iota3A masked %parallel_loop3A_501 : vector<16xi32>, vector<16xi1> -> vector<16xi32>
      %parallel_loop3A_505 = arith.subi %iota3A, %parallel_loop3A_504 : vector<16xi32>
      %parallel_loop3A_506 = arith.constant 1 : i32
      %parallel_loop3A_507 = vector.broadcast %parallel_loop3A_506 : i32 to vector<16xi32>
      %parallel_loop3A_508 = arith.addi %parallel_loop3A_505, %parallel_loop3A_507 : vector<16xi32>
      %parallel_loop3A_509 = arith.constant 4 : i32
      %parallel_loop3A_510 = vector.broadcast %parallel_loop3A_509 : i32 to vector<16xi32>
      %parallel_loop3A_511 = arith.shrsi %parallel_loop3A_491, %parallel_loop3A_510 : vector<16xi32>
      %parallel_loop3A_512 = arith.constant 15 : i32
      %parallel_loop3A_513 = vector.broadcast %parallel_loop3A_512 : i32 to vector<16xi32>
      %parallel_loop3A_514 = arith.andi %parallel_loop3A_491, %parallel_loop3A_513 : vector<16xi32>
      tpu.vector_store_idx %arg4[%parallel_loop3A_511, %parallel_loop3A_514], %parallel_loop3A_508 masked %parallel_loop3A_503 {add = true} : memref<6656x16xi32, #tpu.memory_space<vmem>>[vector<16xi32>, vector<16xi32>], vector<16xi32>, vector<16xi1>
    } {sc.loop_unroll_factor = 8 : i64, sc.parallel_access}
    %add3A_139 = arith.constant 48000 : i32
    %add3A_140 = arith.addi %mul3A_2, %add3A_139 : i32
    %dma_start3A_141 = arith.constant 16 : i32
    %dma_start3A_142 = tpu.memref_slice %arg5[%dma_start3A_141] : memref<8032xi32, #tpu.memory_space<vmem>> -> memref<8000xi32, #tpu.memory_space<vmem>>
    %dma_start3A_143 = tpu.memref_slice %arg2[%add3A_140] : memref<6400000xi32, #tpu.memory_space<hbm>> -> memref<8000xi32, #tpu.memory_space<hbm>>
    %dma_start3A_144 = arith.constant 16 : i32
    %dma_start3A_145 = tpu.memref_slice %arg5[%dma_start3A_144] : memref<8032xi32, #tpu.memory_space<vmem>> -> memref<8000xi32, #tpu.memory_space<vmem>>
    %dma_start3A_146 = tpu.memref_slice %arg2[%add3A_140] : memref<6400000xi32, #tpu.memory_space<hbm>> -> memref<8000xi32, #tpu.memory_space<hbm>>
    tpu.enqueue_dma source(%dma_start3A_146 : memref<8000xi32, #tpu.memory_space<hbm>>) target(%dma_start3A_145 : memref<8000xi32, #tpu.memory_space<vmem>>) target_semaphore(%arg11 : memref<!tpu.dma_semaphore, #tpu.memory_space<semaphore_mem>>)
    %dma_wait3A_147 = arith.constant 16 : i32
    %dma_wait3A_148 = tpu.memref_slice %arg6[%dma_wait3A_147] : memref<8032xi32, #tpu.memory_space<vmem>> -> memref<8000xi32, #tpu.memory_space<vmem>>
    %dma_wait3A_149 = tpu.memref_slice %arg2[%add3A_123] : memref<6400000xi32, #tpu.memory_space<hbm>> -> memref<8000xi32, #tpu.memory_space<hbm>>
    %dma_wait3A_150 = arith.constant 16 : i32
    %dma_wait3A_151 = tpu.memref_slice %arg6[%dma_wait3A_150] : memref<8032xi32, #tpu.memory_space<vmem>> -> memref<8000xi32, #tpu.memory_space<vmem>>
    %dma_wait3A_152 = tpu.memref_slice %arg2[%add3A_123] : memref<6400000xi32, #tpu.memory_space<hbm>> -> memref<8000xi32, #tpu.memory_space<hbm>>
    tpu.wait_dma2 semaphore(%arg12 : memref<!tpu.dma_semaphore, #tpu.memory_space<semaphore_mem>>) src(%dma_wait3A_152 : memref<8000xi32, #tpu.memory_space<hbm>>) dst(%dma_wait3A_151 : memref<8000xi32, #tpu.memory_space<vmem>>)
    %parallel_loop3A_153 = arith.constant 0 : i32
    %parallel_loop3A_154 = arith.constant 500 : i32
    %parallel_loop3A_155 = arith.constant 1 : i32
    scf.for %parallel_loop3A_485 = %parallel_loop3A_153 to %parallel_loop3A_154 step %parallel_loop3A_155  : i32 {
      %parallel_loop3A_486 = arith.constant 16 : i32
      %parallel_loop3A_487 = arith.muli %parallel_loop3A_485, %parallel_loop3A_486 : i32
      %parallel_loop3A_488 = arith.constant 16 : i32
      %parallel_loop3A_489 = arith.addi %parallel_loop3A_487, %parallel_loop3A_488 : i32
      %parallel_loop3A_490 = arith.index_cast %parallel_loop3A_489 : i32 to index
      %parallel_loop3A_491 = tpu.vector_load %arg6[%parallel_loop3A_490] {strides = array<i32>} : memref<8032xi32, #tpu.memory_space<vmem>>, vector<16xi32>,
      %parallel_loop3A_492 = arith.constant 1 : i32
      %parallel_loop3A_493 = arith.subi %parallel_loop3A_489, %parallel_loop3A_492 : i32
      %parallel_loop3A_494 = arith.index_cast %parallel_loop3A_493 : i32 to index
      %parallel_loop3A_495 = tpu.vector_load %arg6[%parallel_loop3A_494] {strides = array<i32>} : memref<8032xi32, #tpu.memory_space<vmem>>, vector<16xi32>,
      %parallel_loop3A_496 = arith.constant 1 : i32
      %parallel_loop3A_497 = arith.addi %parallel_loop3A_489, %parallel_loop3A_496 : i32
      %parallel_loop3A_498 = arith.index_cast %parallel_loop3A_497 : i32 to index
      %parallel_loop3A_499 = tpu.vector_load %arg6[%parallel_loop3A_498] {strides = array<i32>} : memref<8032xi32, #tpu.memory_space<vmem>>, vector<16xi32>,
      %parallel_loop3A_500 = arith.cmpi ne, %parallel_loop3A_491, %parallel_loop3A_495 : vector<16xi32>
      %parallel_loop3A_501 = arith.ori %parallel_loop3A_500, %eq3A_51 : vector<16xi1>
      %parallel_loop3A_502 = arith.cmpi ne, %parallel_loop3A_491, %parallel_loop3A_499 : vector<16xi32>
      %parallel_loop3A_503 = arith.ori %parallel_loop3A_502, %eq3A_54 : vector<16xi1>
      %parallel_loop3A_504 = tpu.scan <max>, %iota3A masked %parallel_loop3A_501 : vector<16xi32>, vector<16xi1> -> vector<16xi32>
      %parallel_loop3A_505 = arith.subi %iota3A, %parallel_loop3A_504 : vector<16xi32>
      %parallel_loop3A_506 = arith.constant 1 : i32
      %parallel_loop3A_507 = vector.broadcast %parallel_loop3A_506 : i32 to vector<16xi32>
      %parallel_loop3A_508 = arith.addi %parallel_loop3A_505, %parallel_loop3A_507 : vector<16xi32>
      %parallel_loop3A_509 = arith.constant 4 : i32
      %parallel_loop3A_510 = vector.broadcast %parallel_loop3A_509 : i32 to vector<16xi32>
      %parallel_loop3A_511 = arith.shrsi %parallel_loop3A_491, %parallel_loop3A_510 : vector<16xi32>
      %parallel_loop3A_512 = arith.constant 15 : i32
      %parallel_loop3A_513 = vector.broadcast %parallel_loop3A_512 : i32 to vector<16xi32>
      %parallel_loop3A_514 = arith.andi %parallel_loop3A_491, %parallel_loop3A_513 : vector<16xi32>
      tpu.vector_store_idx %arg4[%parallel_loop3A_511, %parallel_loop3A_514], %parallel_loop3A_508 masked %parallel_loop3A_503 {add = true} : memref<6656x16xi32, #tpu.memory_space<vmem>>[vector<16xi32>, vector<16xi32>], vector<16xi32>, vector<16xi1>
    } {sc.loop_unroll_factor = 8 : i64, sc.parallel_access}
    %add3A_156 = arith.constant 56000 : i32
    %add3A_157 = arith.addi %mul3A_2, %add3A_156 : i32
    %dma_start3A_158 = arith.constant 16 : i32
    %dma_start3A_159 = tpu.memref_slice %arg6[%dma_start3A_158] : memref<8032xi32, #tpu.memory_space<vmem>> -> memref<8000xi32, #tpu.memory_space<vmem>>
    %dma_start3A_160 = tpu.memref_slice %arg2[%add3A_157] : memref<6400000xi32, #tpu.memory_space<hbm>> -> memref<8000xi32, #tpu.memory_space<hbm>>
    %dma_start3A_161 = arith.constant 16 : i32
    %dma_start3A_162 = tpu.memref_slice %arg6[%dma_start3A_161] : memref<8032xi32, #tpu.memory_space<vmem>> -> memref<8000xi32, #tpu.memory_space<vmem>>
    %dma_start3A_163 = tpu.memref_slice %arg2[%add3A_157] : memref<6400000xi32, #tpu.memory_space<hbm>> -> memref<8000xi32, #tpu.memory_space<hbm>>
    tpu.enqueue_dma source(%dma_start3A_163 : memref<8000xi32, #tpu.memory_space<hbm>>) target(%dma_start3A_162 : memref<8000xi32, #tpu.memory_space<vmem>>) target_semaphore(%arg12 : memref<!tpu.dma_semaphore, #tpu.memory_space<semaphore_mem>>)
    %dma_wait3A_164 = arith.constant 16 : i32
    %dma_wait3A_165 = tpu.memref_slice %arg5[%dma_wait3A_164] : memref<8032xi32, #tpu.memory_space<vmem>> -> memref<8000xi32, #tpu.memory_space<vmem>>
    %dma_wait3A_166 = tpu.memref_slice %arg2[%add3A_140] : memref<6400000xi32, #tpu.memory_space<hbm>> -> memref<8000xi32, #tpu.memory_space<hbm>>
    %dma_wait3A_167 = arith.constant 16 : i32
    %dma_wait3A_168 = tpu.memref_slice %arg5[%dma_wait3A_167] : memref<8032xi32, #tpu.memory_space<vmem>> -> memref<8000xi32, #tpu.memory_space<vmem>>
    %dma_wait3A_169 = tpu.memref_slice %arg2[%add3A_140] : memref<6400000xi32, #tpu.memory_space<hbm>> -> memref<8000xi32, #tpu.memory_space<hbm>>
    tpu.wait_dma2 semaphore(%arg11 : memref<!tpu.dma_semaphore, #tpu.memory_space<semaphore_mem>>) src(%dma_wait3A_169 : memref<8000xi32, #tpu.memory_space<hbm>>) dst(%dma_wait3A_168 : memref<8000xi32, #tpu.memory_space<vmem>>)
    %parallel_loop3A_170 = arith.constant 0 : i32
    %parallel_loop3A_171 = arith.constant 500 : i32
    %parallel_loop3A_172 = arith.constant 1 : i32
    scf.for %parallel_loop3A_485 = %parallel_loop3A_170 to %parallel_loop3A_171 step %parallel_loop3A_172  : i32 {
      %parallel_loop3A_486 = arith.constant 16 : i32
      %parallel_loop3A_487 = arith.muli %parallel_loop3A_485, %parallel_loop3A_486 : i32
      %parallel_loop3A_488 = arith.constant 16 : i32
      %parallel_loop3A_489 = arith.addi %parallel_loop3A_487, %parallel_loop3A_488 : i32
      %parallel_loop3A_490 = arith.index_cast %parallel_loop3A_489 : i32 to index
      %parallel_loop3A_491 = tpu.vector_load %arg5[%parallel_loop3A_490] {strides = array<i32>} : memref<8032xi32, #tpu.memory_space<vmem>>, vector<16xi32>,
      %parallel_loop3A_492 = arith.constant 1 : i32
      %parallel_loop3A_493 = arith.subi %parallel_loop3A_489, %parallel_loop3A_492 : i32
      %parallel_loop3A_494 = arith.index_cast %parallel_loop3A_493 : i32 to index
      %parallel_loop3A_495 = tpu.vector_load %arg5[%parallel_loop3A_494] {strides = array<i32>} : memref<8032xi32, #tpu.memory_space<vmem>>, vector<16xi32>,
      %parallel_loop3A_496 = arith.constant 1 : i32
      %parallel_loop3A_497 = arith.addi %parallel_loop3A_489, %parallel_loop3A_496 : i32
      %parallel_loop3A_498 = arith.index_cast %parallel_loop3A_497 : i32 to index
      %parallel_loop3A_499 = tpu.vector_load %arg5[%parallel_loop3A_498] {strides = array<i32>} : memref<8032xi32, #tpu.memory_space<vmem>>, vector<16xi32>,
      %parallel_loop3A_500 = arith.cmpi ne, %parallel_loop3A_491, %parallel_loop3A_495 : vector<16xi32>
      %parallel_loop3A_501 = arith.ori %parallel_loop3A_500, %eq3A_51 : vector<16xi1>
      %parallel_loop3A_502 = arith.cmpi ne, %parallel_loop3A_491, %parallel_loop3A_499 : vector<16xi32>
      %parallel_loop3A_503 = arith.ori %parallel_loop3A_502, %eq3A_54 : vector<16xi1>
      %parallel_loop3A_504 = tpu.scan <max>, %iota3A masked %parallel_loop3A_501 : vector<16xi32>, vector<16xi1> -> vector<16xi32>
      %parallel_loop3A_505 = arith.subi %iota3A, %parallel_loop3A_504 : vector<16xi32>
      %parallel_loop3A_506 = arith.constant 1 : i32
      %parallel_loop3A_507 = vector.broadcast %parallel_loop3A_506 : i32 to vector<16xi32>
      %parallel_loop3A_508 = arith.addi %parallel_loop3A_505, %parallel_loop3A_507 : vector<16xi32>
      %parallel_loop3A_509 = arith.constant 4 : i32
      %parallel_loop3A_510 = vector.broadcast %parallel_loop3A_509 : i32 to vector<16xi32>
      %parallel_loop3A_511 = arith.shrsi %parallel_loop3A_491, %parallel_loop3A_510 : vector<16xi32>
      %parallel_loop3A_512 = arith.constant 15 : i32
      %parallel_loop3A_513 = vector.broadcast %parallel_loop3A_512 : i32 to vector<16xi32>
      %parallel_loop3A_514 = arith.andi %parallel_loop3A_491, %parallel_loop3A_513 : vector<16xi32>
      tpu.vector_store_idx %arg4[%parallel_loop3A_511, %parallel_loop3A_514], %parallel_loop3A_508 masked %parallel_loop3A_503 {add = true} : memref<6656x16xi32, #tpu.memory_space<vmem>>[vector<16xi32>, vector<16xi32>], vector<16xi32>, vector<16xi1>
    } {sc.loop_unroll_factor = 8 : i64, sc.parallel_access}
    %add3A_173 = arith.constant 64000 : i32
    %add3A_174 = arith.addi %mul3A_2, %add3A_173 : i32
    %dma_start3A_175 = arith.constant 16 : i32
    %dma_start3A_176 = tpu.memref_slice %arg5[%dma_start3A_175] : memref<8032xi32, #tpu.memory_space<vmem>> -> memref<8000xi32, #tpu.memory_space<vmem>>
    %dma_start3A_177 = tpu.memref_slice %arg2[%add3A_174] : memref<6400000xi32, #tpu.memory_space<hbm>> -> memref<8000xi32, #tpu.memory_space<hbm>>
    %dma_start3A_178 = arith.constant 16 : i32
    %dma_start3A_179 = tpu.memref_slice %arg5[%dma_start3A_178] : memref<8032xi32, #tpu.memory_space<vmem>> -> memref<8000xi32, #tpu.memory_space<vmem>>
    %dma_start3A_180 = tpu.memref_slice %arg2[%add3A_174] : memref<6400000xi32, #tpu.memory_space<hbm>> -> memref<8000xi32, #tpu.memory_space<hbm>>
    tpu.enqueue_dma source(%dma_start3A_180 : memref<8000xi32, #tpu.memory_space<hbm>>) target(%dma_start3A_179 : memref<8000xi32, #tpu.memory_space<vmem>>) target_semaphore(%arg11 : memref<!tpu.dma_semaphore, #tpu.memory_space<semaphore_mem>>)
    %dma_wait3A_181 = arith.constant 16 : i32
    %dma_wait3A_182 = tpu.memref_slice %arg6[%dma_wait3A_181] : memref<8032xi32, #tpu.memory_space<vmem>> -> memref<8000xi32, #tpu.memory_space<vmem>>
    %dma_wait3A_183 = tpu.memref_slice %arg2[%add3A_157] : memref<6400000xi32, #tpu.memory_space<hbm>> -> memref<8000xi32, #tpu.memory_space<hbm>>
    %dma_wait3A_184 = arith.constant 16 : i32
    %dma_wait3A_185 = tpu.memref_slice %arg6[%dma_wait3A_184] : memref<8032xi32, #tpu.memory_space<vmem>> -> memref<8000xi32, #tpu.memory_space<vmem>>
    %dma_wait3A_186 = tpu.memref_slice %arg2[%add3A_157] : memref<6400000xi32, #tpu.memory_space<hbm>> -> memref<8000xi32, #tpu.memory_space<hbm>>
    tpu.wait_dma2 semaphore(%arg12 : memref<!tpu.dma_semaphore, #tpu.memory_space<semaphore_mem>>) src(%dma_wait3A_186 : memref<8000xi32, #tpu.memory_space<hbm>>) dst(%dma_wait3A_185 : memref<8000xi32, #tpu.memory_space<vmem>>)
    %parallel_loop3A_187 = arith.constant 0 : i32
    %parallel_loop3A_188 = arith.constant 500 : i32
    %parallel_loop3A_189 = arith.constant 1 : i32
    scf.for %parallel_loop3A_485 = %parallel_loop3A_187 to %parallel_loop3A_188 step %parallel_loop3A_189  : i32 {
      %parallel_loop3A_486 = arith.constant 16 : i32
      %parallel_loop3A_487 = arith.muli %parallel_loop3A_485, %parallel_loop3A_486 : i32
      %parallel_loop3A_488 = arith.constant 16 : i32
      %parallel_loop3A_489 = arith.addi %parallel_loop3A_487, %parallel_loop3A_488 : i32
      %parallel_loop3A_490 = arith.index_cast %parallel_loop3A_489 : i32 to index
      %parallel_loop3A_491 = tpu.vector_load %arg6[%parallel_loop3A_490] {strides = array<i32>} : memref<8032xi32, #tpu.memory_space<vmem>>, vector<16xi32>,
      %parallel_loop3A_492 = arith.constant 1 : i32
      %parallel_loop3A_493 = arith.subi %parallel_loop3A_489, %parallel_loop3A_492 : i32
      %parallel_loop3A_494 = arith.index_cast %parallel_loop3A_493 : i32 to index
      %parallel_loop3A_495 = tpu.vector_load %arg6[%parallel_loop3A_494] {strides = array<i32>} : memref<8032xi32, #tpu.memory_space<vmem>>, vector<16xi32>,
      %parallel_loop3A_496 = arith.constant 1 : i32
      %parallel_loop3A_497 = arith.addi %parallel_loop3A_489, %parallel_loop3A_496 : i32
      %parallel_loop3A_498 = arith.index_cast %parallel_loop3A_497 : i32 to index
      %parallel_loop3A_499 = tpu.vector_load %arg6[%parallel_loop3A_498] {strides = array<i32>} : memref<8032xi32, #tpu.memory_space<vmem>>, vector<16xi32>,
      %parallel_loop3A_500 = arith.cmpi ne, %parallel_loop3A_491, %parallel_loop3A_495 : vector<16xi32>
      %parallel_loop3A_501 = arith.ori %parallel_loop3A_500, %eq3A_51 : vector<16xi1>
      %parallel_loop3A_502 = arith.cmpi ne, %parallel_loop3A_491, %parallel_loop3A_499 : vector<16xi32>
      %parallel_loop3A_503 = arith.ori %parallel_loop3A_502, %eq3A_54 : vector<16xi1>
      %parallel_loop3A_504 = tpu.scan <max>, %iota3A masked %parallel_loop3A_501 : vector<16xi32>, vector<16xi1> -> vector<16xi32>
      %parallel_loop3A_505 = arith.subi %iota3A, %parallel_loop3A_504 : vector<16xi32>
      %parallel_loop3A_506 = arith.constant 1 : i32
      %parallel_loop3A_507 = vector.broadcast %parallel_loop3A_506 : i32 to vector<16xi32>
      %parallel_loop3A_508 = arith.addi %parallel_loop3A_505, %parallel_loop3A_507 : vector<16xi32>
      %parallel_loop3A_509 = arith.constant 4 : i32
      %parallel_loop3A_510 = vector.broadcast %parallel_loop3A_509 : i32 to vector<16xi32>
      %parallel_loop3A_511 = arith.shrsi %parallel_loop3A_491, %parallel_loop3A_510 : vector<16xi32>
      %parallel_loop3A_512 = arith.constant 15 : i32
      %parallel_loop3A_513 = vector.broadcast %parallel_loop3A_512 : i32 to vector<16xi32>
      %parallel_loop3A_514 = arith.andi %parallel_loop3A_491, %parallel_loop3A_513 : vector<16xi32>
      tpu.vector_store_idx %arg4[%parallel_loop3A_511, %parallel_loop3A_514], %parallel_loop3A_508 masked %parallel_loop3A_503 {add = true} : memref<6656x16xi32, #tpu.memory_space<vmem>>[vector<16xi32>, vector<16xi32>], vector<16xi32>, vector<16xi1>
    } {sc.loop_unroll_factor = 8 : i64, sc.parallel_access}
    %add3A_190 = arith.constant 72000 : i32
    %add3A_191 = arith.addi %mul3A_2, %add3A_190 : i32
    %dma_start3A_192 = arith.constant 16 : i32
    %dma_start3A_193 = tpu.memref_slice %arg6[%dma_start3A_192] : memref<8032xi32, #tpu.memory_space<vmem>> -> memref<8000xi32, #tpu.memory_space<vmem>>
    %dma_start3A_194 = tpu.memref_slice %arg2[%add3A_191] : memref<6400000xi32, #tpu.memory_space<hbm>> -> memref<8000xi32, #tpu.memory_space<hbm>>
    %dma_start3A_195 = arith.constant 16 : i32
    %dma_start3A_196 = tpu.memref_slice %arg6[%dma_start3A_195] : memref<8032xi32, #tpu.memory_space<vmem>> -> memref<8000xi32, #tpu.memory_space<vmem>>
    %dma_start3A_197 = tpu.memref_slice %arg2[%add3A_191] : memref<6400000xi32, #tpu.memory_space<hbm>> -> memref<8000xi32, #tpu.memory_space<hbm>>
    tpu.enqueue_dma source(%dma_start3A_197 : memref<8000xi32, #tpu.memory_space<hbm>>) target(%dma_start3A_196 : memref<8000xi32, #tpu.memory_space<vmem>>) target_semaphore(%arg12 : memref<!tpu.dma_semaphore, #tpu.memory_space<semaphore_mem>>)
    %dma_wait3A_198 = arith.constant 16 : i32
    %dma_wait3A_199 = tpu.memref_slice %arg5[%dma_wait3A_198] : memref<8032xi32, #tpu.memory_space<vmem>> -> memref<8000xi32, #tpu.memory_space<vmem>>
    %dma_wait3A_200 = tpu.memref_slice %arg2[%add3A_174] : memref<6400000xi32, #tpu.memory_space<hbm>> -> memref<8000xi32, #tpu.memory_space<hbm>>
    %dma_wait3A_201 = arith.constant 16 : i32
    %dma_wait3A_202 = tpu.memref_slice %arg5[%dma_wait3A_201] : memref<8032xi32, #tpu.memory_space<vmem>> -> memref<8000xi32, #tpu.memory_space<vmem>>
    %dma_wait3A_203 = tpu.memref_slice %arg2[%add3A_174] : memref<6400000xi32, #tpu.memory_space<hbm>> -> memref<8000xi32, #tpu.memory_space<hbm>>
    tpu.wait_dma2 semaphore(%arg11 : memref<!tpu.dma_semaphore, #tpu.memory_space<semaphore_mem>>) src(%dma_wait3A_203 : memref<8000xi32, #tpu.memory_space<hbm>>) dst(%dma_wait3A_202 : memref<8000xi32, #tpu.memory_space<vmem>>)
    %parallel_loop3A_204 = arith.constant 0 : i32
    %parallel_loop3A_205 = arith.constant 500 : i32
    %parallel_loop3A_206 = arith.constant 1 : i32
    scf.for %parallel_loop3A_485 = %parallel_loop3A_204 to %parallel_loop3A_205 step %parallel_loop3A_206  : i32 {
      %parallel_loop3A_486 = arith.constant 16 : i32
      %parallel_loop3A_487 = arith.muli %parallel_loop3A_485, %parallel_loop3A_486 : i32
      %parallel_loop3A_488 = arith.constant 16 : i32
      %parallel_loop3A_489 = arith.addi %parallel_loop3A_487, %parallel_loop3A_488 : i32
      %parallel_loop3A_490 = arith.index_cast %parallel_loop3A_489 : i32 to index
      %parallel_loop3A_491 = tpu.vector_load %arg5[%parallel_loop3A_490] {strides = array<i32>} : memref<8032xi32, #tpu.memory_space<vmem>>, vector<16xi32>,
      %parallel_loop3A_492 = arith.constant 1 : i32
      %parallel_loop3A_493 = arith.subi %parallel_loop3A_489, %parallel_loop3A_492 : i32
      %parallel_loop3A_494 = arith.index_cast %parallel_loop3A_493 : i32 to index
      %parallel_loop3A_495 = tpu.vector_load %arg5[%parallel_loop3A_494] {strides = array<i32>} : memref<8032xi32, #tpu.memory_space<vmem>>, vector<16xi32>,
      %parallel_loop3A_496 = arith.constant 1 : i32
      %parallel_loop3A_497 = arith.addi %parallel_loop3A_489, %parallel_loop3A_496 : i32
      %parallel_loop3A_498 = arith.index_cast %parallel_loop3A_497 : i32 to index
      %parallel_loop3A_499 = tpu.vector_load %arg5[%parallel_loop3A_498] {strides = array<i32>} : memref<8032xi32, #tpu.memory_space<vmem>>, vector<16xi32>,
      %parallel_loop3A_500 = arith.cmpi ne, %parallel_loop3A_491, %parallel_loop3A_495 : vector<16xi32>
      %parallel_loop3A_501 = arith.ori %parallel_loop3A_500, %eq3A_51 : vector<16xi1>
      %parallel_loop3A_502 = arith.cmpi ne, %parallel_loop3A_491, %parallel_loop3A_499 : vector<16xi32>
      %parallel_loop3A_503 = arith.ori %parallel_loop3A_502, %eq3A_54 : vector<16xi1>
      %parallel_loop3A_504 = tpu.scan <max>, %iota3A masked %parallel_loop3A_501 : vector<16xi32>, vector<16xi1> -> vector<16xi32>
      %parallel_loop3A_505 = arith.subi %iota3A, %parallel_loop3A_504 : vector<16xi32>
      %parallel_loop3A_506 = arith.constant 1 : i32
      %parallel_loop3A_507 = vector.broadcast %parallel_loop3A_506 : i32 to vector<16xi32>
      %parallel_loop3A_508 = arith.addi %parallel_loop3A_505, %parallel_loop3A_507 : vector<16xi32>
      %parallel_loop3A_509 = arith.constant 4 : i32
      %parallel_loop3A_510 = vector.broadcast %parallel_loop3A_509 : i32 to vector<16xi32>
      %parallel_loop3A_511 = arith.shrsi %parallel_loop3A_491, %parallel_loop3A_510 : vector<16xi32>
      %parallel_loop3A_512 = arith.constant 15 : i32
      %parallel_loop3A_513 = vector.broadcast %parallel_loop3A_512 : i32 to vector<16xi32>
      %parallel_loop3A_514 = arith.andi %parallel_loop3A_491, %parallel_loop3A_513 : vector<16xi32>
      tpu.vector_store_idx %arg4[%parallel_loop3A_511, %parallel_loop3A_514], %parallel_loop3A_508 masked %parallel_loop3A_503 {add = true} : memref<6656x16xi32, #tpu.memory_space<vmem>>[vector<16xi32>, vector<16xi32>], vector<16xi32>, vector<16xi1>
    } {sc.loop_unroll_factor = 8 : i64, sc.parallel_access}
    %add3A_207 = arith.constant 80000 : i32
    %add3A_208 = arith.addi %mul3A_2, %add3A_207 : i32
    %dma_start3A_209 = arith.constant 16 : i32
    %dma_start3A_210 = tpu.memref_slice %arg5[%dma_start3A_209] : memref<8032xi32, #tpu.memory_space<vmem>> -> memref<8000xi32, #tpu.memory_space<vmem>>
    %dma_start3A_211 = tpu.memref_slice %arg2[%add3A_208] : memref<6400000xi32, #tpu.memory_space<hbm>> -> memref<8000xi32, #tpu.memory_space<hbm>>
    %dma_start3A_212 = arith.constant 16 : i32
    %dma_start3A_213 = tpu.memref_slice %arg5[%dma_start3A_212] : memref<8032xi32, #tpu.memory_space<vmem>> -> memref<8000xi32, #tpu.memory_space<vmem>>
    %dma_start3A_214 = tpu.memref_slice %arg2[%add3A_208] : memref<6400000xi32, #tpu.memory_space<hbm>> -> memref<8000xi32, #tpu.memory_space<hbm>>
    tpu.enqueue_dma source(%dma_start3A_214 : memref<8000xi32, #tpu.memory_space<hbm>>) target(%dma_start3A_213 : memref<8000xi32, #tpu.memory_space<vmem>>) target_semaphore(%arg11 : memref<!tpu.dma_semaphore, #tpu.memory_space<semaphore_mem>>)
    %dma_wait3A_215 = arith.constant 16 : i32
    %dma_wait3A_216 = tpu.memref_slice %arg6[%dma_wait3A_215] : memref<8032xi32, #tpu.memory_space<vmem>> -> memref<8000xi32, #tpu.memory_space<vmem>>
    %dma_wait3A_217 = tpu.memref_slice %arg2[%add3A_191] : memref<6400000xi32, #tpu.memory_space<hbm>> -> memref<8000xi32, #tpu.memory_space<hbm>>
    %dma_wait3A_218 = arith.constant 16 : i32
    %dma_wait3A_219 = tpu.memref_slice %arg6[%dma_wait3A_218] : memref<8032xi32, #tpu.memory_space<vmem>> -> memref<8000xi32, #tpu.memory_space<vmem>>
    %dma_wait3A_220 = tpu.memref_slice %arg2[%add3A_191] : memref<6400000xi32, #tpu.memory_space<hbm>> -> memref<8000xi32, #tpu.memory_space<hbm>>
    tpu.wait_dma2 semaphore(%arg12 : memref<!tpu.dma_semaphore, #tpu.memory_space<semaphore_mem>>) src(%dma_wait3A_220 : memref<8000xi32, #tpu.memory_space<hbm>>) dst(%dma_wait3A_219 : memref<8000xi32, #tpu.memory_space<vmem>>)
    %parallel_loop3A_221 = arith.constant 0 : i32
    %parallel_loop3A_222 = arith.constant 500 : i32
    %parallel_loop3A_223 = arith.constant 1 : i32
    scf.for %parallel_loop3A_485 = %parallel_loop3A_221 to %parallel_loop3A_222 step %parallel_loop3A_223  : i32 {
      %parallel_loop3A_486 = arith.constant 16 : i32
      %parallel_loop3A_487 = arith.muli %parallel_loop3A_485, %parallel_loop3A_486 : i32
      %parallel_loop3A_488 = arith.constant 16 : i32
      %parallel_loop3A_489 = arith.addi %parallel_loop3A_487, %parallel_loop3A_488 : i32
      %parallel_loop3A_490 = arith.index_cast %parallel_loop3A_489 : i32 to index
      %parallel_loop3A_491 = tpu.vector_load %arg6[%parallel_loop3A_490] {strides = array<i32>} : memref<8032xi32, #tpu.memory_space<vmem>>, vector<16xi32>,
      %parallel_loop3A_492 = arith.constant 1 : i32
      %parallel_loop3A_493 = arith.subi %parallel_loop3A_489, %parallel_loop3A_492 : i32
      %parallel_loop3A_494 = arith.index_cast %parallel_loop3A_493 : i32 to index
      %parallel_loop3A_495 = tpu.vector_load %arg6[%parallel_loop3A_494] {strides = array<i32>} : memref<8032xi32, #tpu.memory_space<vmem>>, vector<16xi32>,
      %parallel_loop3A_496 = arith.constant 1 : i32
      %parallel_loop3A_497 = arith.addi %parallel_loop3A_489, %parallel_loop3A_496 : i32
      %parallel_loop3A_498 = arith.index_cast %parallel_loop3A_497 : i32 to index
      %parallel_loop3A_499 = tpu.vector_load %arg6[%parallel_loop3A_498] {strides = array<i32>} : memref<8032xi32, #tpu.memory_space<vmem>>, vector<16xi32>,
      %parallel_loop3A_500 = arith.cmpi ne, %parallel_loop3A_491, %parallel_loop3A_495 : vector<16xi32>
      %parallel_loop3A_501 = arith.ori %parallel_loop3A_500, %eq3A_51 : vector<16xi1>
      %parallel_loop3A_502 = arith.cmpi ne, %parallel_loop3A_491, %parallel_loop3A_499 : vector<16xi32>
      %parallel_loop3A_503 = arith.ori %parallel_loop3A_502, %eq3A_54 : vector<16xi1>
      %parallel_loop3A_504 = tpu.scan <max>, %iota3A masked %parallel_loop3A_501 : vector<16xi32>, vector<16xi1> -> vector<16xi32>
      %parallel_loop3A_505 = arith.subi %iota3A, %parallel_loop3A_504 : vector<16xi32>
      %parallel_loop3A_506 = arith.constant 1 : i32
      %parallel_loop3A_507 = vector.broadcast %parallel_loop3A_506 : i32 to vector<16xi32>
      %parallel_loop3A_508 = arith.addi %parallel_loop3A_505, %parallel_loop3A_507 : vector<16xi32>
      %parallel_loop3A_509 = arith.constant 4 : i32
      %parallel_loop3A_510 = vector.broadcast %parallel_loop3A_509 : i32 to vector<16xi32>
      %parallel_loop3A_511 = arith.shrsi %parallel_loop3A_491, %parallel_loop3A_510 : vector<16xi32>
      %parallel_loop3A_512 = arith.constant 15 : i32
      %parallel_loop3A_513 = vector.broadcast %parallel_loop3A_512 : i32 to vector<16xi32>
      %parallel_loop3A_514 = arith.andi %parallel_loop3A_491, %parallel_loop3A_513 : vector<16xi32>
      tpu.vector_store_idx %arg4[%parallel_loop3A_511, %parallel_loop3A_514], %parallel_loop3A_508 masked %parallel_loop3A_503 {add = true} : memref<6656x16xi32, #tpu.memory_space<vmem>>[vector<16xi32>, vector<16xi32>], vector<16xi32>, vector<16xi1>
    } {sc.loop_unroll_factor = 8 : i64, sc.parallel_access}
    %add3A_224 = arith.constant 88000 : i32
    %add3A_225 = arith.addi %mul3A_2, %add3A_224 : i32
    %dma_start3A_226 = arith.constant 16 : i32
    %dma_start3A_227 = tpu.memref_slice %arg6[%dma_start3A_226] : memref<8032xi32, #tpu.memory_space<vmem>> -> memref<8000xi32, #tpu.memory_space<vmem>>
    %dma_start3A_228 = tpu.memref_slice %arg2[%add3A_225] : memref<6400000xi32, #tpu.memory_space<hbm>> -> memref<8000xi32, #tpu.memory_space<hbm>>
    %dma_start3A_229 = arith.constant 16 : i32
    %dma_start3A_230 = tpu.memref_slice %arg6[%dma_start3A_229] : memref<8032xi32, #tpu.memory_space<vmem>> -> memref<8000xi32, #tpu.memory_space<vmem>>
    %dma_start3A_231 = tpu.memref_slice %arg2[%add3A_225] : memref<6400000xi32, #tpu.memory_space<hbm>> -> memref<8000xi32, #tpu.memory_space<hbm>>
    tpu.enqueue_dma source(%dma_start3A_231 : memref<8000xi32, #tpu.memory_space<hbm>>) target(%dma_start3A_230 : memref<8000xi32, #tpu.memory_space<vmem>>) target_semaphore(%arg12 : memref<!tpu.dma_semaphore, #tpu.memory_space<semaphore_mem>>)
    %dma_wait3A_232 = arith.constant 16 : i32
    %dma_wait3A_233 = tpu.memref_slice %arg5[%dma_wait3A_232] : memref<8032xi32, #tpu.memory_space<vmem>> -> memref<8000xi32, #tpu.memory_space<vmem>>
    %dma_wait3A_234 = tpu.memref_slice %arg2[%add3A_208] : memref<6400000xi32, #tpu.memory_space<hbm>> -> memref<8000xi32, #tpu.memory_space<hbm>>
    %dma_wait3A_235 = arith.constant 16 : i32
    %dma_wait3A_236 = tpu.memref_slice %arg5[%dma_wait3A_235] : memref<8032xi32, #tpu.memory_space<vmem>> -> memref<8000xi32, #tpu.memory_space<vmem>>
    %dma_wait3A_237 = tpu.memref_slice %arg2[%add3A_208] : memref<6400000xi32, #tpu.memory_space<hbm>> -> memref<8000xi32, #tpu.memory_space<hbm>>
    tpu.wait_dma2 semaphore(%arg11 : memref<!tpu.dma_semaphore, #tpu.memory_space<semaphore_mem>>) src(%dma_wait3A_237 : memref<8000xi32, #tpu.memory_space<hbm>>) dst(%dma_wait3A_236 : memref<8000xi32, #tpu.memory_space<vmem>>)
    %parallel_loop3A_238 = arith.constant 0 : i32
    %parallel_loop3A_239 = arith.constant 500 : i32
    %parallel_loop3A_240 = arith.constant 1 : i32
    scf.for %parallel_loop3A_485 = %parallel_loop3A_238 to %parallel_loop3A_239 step %parallel_loop3A_240  : i32 {
      %parallel_loop3A_486 = arith.constant 16 : i32
      %parallel_loop3A_487 = arith.muli %parallel_loop3A_485, %parallel_loop3A_486 : i32
      %parallel_loop3A_488 = arith.constant 16 : i32
      %parallel_loop3A_489 = arith.addi %parallel_loop3A_487, %parallel_loop3A_488 : i32
      %parallel_loop3A_490 = arith.index_cast %parallel_loop3A_489 : i32 to index
      %parallel_loop3A_491 = tpu.vector_load %arg5[%parallel_loop3A_490] {strides = array<i32>} : memref<8032xi32, #tpu.memory_space<vmem>>, vector<16xi32>,
      %parallel_loop3A_492 = arith.constant 1 : i32
      %parallel_loop3A_493 = arith.subi %parallel_loop3A_489, %parallel_loop3A_492 : i32
      %parallel_loop3A_494 = arith.index_cast %parallel_loop3A_493 : i32 to index
      %parallel_loop3A_495 = tpu.vector_load %arg5[%parallel_loop3A_494] {strides = array<i32>} : memref<8032xi32, #tpu.memory_space<vmem>>, vector<16xi32>,
      %parallel_loop3A_496 = arith.constant 1 : i32
      %parallel_loop3A_497 = arith.addi %parallel_loop3A_489, %parallel_loop3A_496 : i32
      %parallel_loop3A_498 = arith.index_cast %parallel_loop3A_497 : i32 to index
      %parallel_loop3A_499 = tpu.vector_load %arg5[%parallel_loop3A_498] {strides = array<i32>} : memref<8032xi32, #tpu.memory_space<vmem>>, vector<16xi32>,
      %parallel_loop3A_500 = arith.cmpi ne, %parallel_loop3A_491, %parallel_loop3A_495 : vector<16xi32>
      %parallel_loop3A_501 = arith.ori %parallel_loop3A_500, %eq3A_51 : vector<16xi1>
      %parallel_loop3A_502 = arith.cmpi ne, %parallel_loop3A_491, %parallel_loop3A_499 : vector<16xi32>
      %parallel_loop3A_503 = arith.ori %parallel_loop3A_502, %eq3A_54 : vector<16xi1>
      %parallel_loop3A_504 = tpu.scan <max>, %iota3A masked %parallel_loop3A_501 : vector<16xi32>, vector<16xi1> -> vector<16xi32>
      %parallel_loop3A_505 = arith.subi %iota3A, %parallel_loop3A_504 : vector<16xi32>
      %parallel_loop3A_506 = arith.constant 1 : i32
      %parallel_loop3A_507 = vector.broadcast %parallel_loop3A_506 : i32 to vector<16xi32>
      %parallel_loop3A_508 = arith.addi %parallel_loop3A_505, %parallel_loop3A_507 : vector<16xi32>
      %parallel_loop3A_509 = arith.constant 4 : i32
      %parallel_loop3A_510 = vector.broadcast %parallel_loop3A_509 : i32 to vector<16xi32>
      %parallel_loop3A_511 = arith.shrsi %parallel_loop3A_491, %parallel_loop3A_510 : vector<16xi32>
      %parallel_loop3A_512 = arith.constant 15 : i32
      %parallel_loop3A_513 = vector.broadcast %parallel_loop3A_512 : i32 to vector<16xi32>
      %parallel_loop3A_514 = arith.andi %parallel_loop3A_491, %parallel_loop3A_513 : vector<16xi32>
      tpu.vector_store_idx %arg4[%parallel_loop3A_511, %parallel_loop3A_514], %parallel_loop3A_508 masked %parallel_loop3A_503 {add = true} : memref<6656x16xi32, #tpu.memory_space<vmem>>[vector<16xi32>, vector<16xi32>], vector<16xi32>, vector<16xi1>
    } {sc.loop_unroll_factor = 8 : i64, sc.parallel_access}
    %add3A_241 = arith.constant 96000 : i32
    %add3A_242 = arith.addi %mul3A_2, %add3A_241 : i32
    %dma_start3A_243 = arith.constant 16 : i32
    %dma_start3A_244 = tpu.memref_slice %arg5[%dma_start3A_243] : memref<8032xi32, #tpu.memory_space<vmem>> -> memref<8000xi32, #tpu.memory_space<vmem>>
    %dma_start3A_245 = tpu.memref_slice %arg2[%add3A_242] : memref<6400000xi32, #tpu.memory_space<hbm>> -> memref<8000xi32, #tpu.memory_space<hbm>>
    %dma_start3A_246 = arith.constant 16 : i32
    %dma_start3A_247 = tpu.memref_slice %arg5[%dma_start3A_246] : memref<8032xi32, #tpu.memory_space<vmem>> -> memref<8000xi32, #tpu.memory_space<vmem>>
    %dma_start3A_248 = tpu.memref_slice %arg2[%add3A_242] : memref<6400000xi32, #tpu.memory_space<hbm>> -> memref<8000xi32, #tpu.memory_space<hbm>>
    tpu.enqueue_dma source(%dma_start3A_248 : memref<8000xi32, #tpu.memory_space<hbm>>) target(%dma_start3A_247 : memref<8000xi32, #tpu.memory_space<vmem>>) target_semaphore(%arg11 : memref<!tpu.dma_semaphore, #tpu.memory_space<semaphore_mem>>)
    %dma_wait3A_249 = arith.constant 16 : i32
    %dma_wait3A_250 = tpu.memref_slice %arg6[%dma_wait3A_249] : memref<8032xi32, #tpu.memory_space<vmem>> -> memref<8000xi32, #tpu.memory_space<vmem>>
    %dma_wait3A_251 = tpu.memref_slice %arg2[%add3A_225] : memref<6400000xi32, #tpu.memory_space<hbm>> -> memref<8000xi32, #tpu.memory_space<hbm>>
    %dma_wait3A_252 = arith.constant 16 : i32
    %dma_wait3A_253 = tpu.memref_slice %arg6[%dma_wait3A_252] : memref<8032xi32, #tpu.memory_space<vmem>> -> memref<8000xi32, #tpu.memory_space<vmem>>
    %dma_wait3A_254 = tpu.memref_slice %arg2[%add3A_225] : memref<6400000xi32, #tpu.memory_space<hbm>> -> memref<8000xi32, #tpu.memory_space<hbm>>
    tpu.wait_dma2 semaphore(%arg12 : memref<!tpu.dma_semaphore, #tpu.memory_space<semaphore_mem>>) src(%dma_wait3A_254 : memref<8000xi32, #tpu.memory_space<hbm>>) dst(%dma_wait3A_253 : memref<8000xi32, #tpu.memory_space<vmem>>)
    %parallel_loop3A_255 = arith.constant 0 : i32
    %parallel_loop3A_256 = arith.constant 500 : i32
    %parallel_loop3A_257 = arith.constant 1 : i32
    scf.for %parallel_loop3A_485 = %parallel_loop3A_255 to %parallel_loop3A_256 step %parallel_loop3A_257  : i32 {
      %parallel_loop3A_486 = arith.constant 16 : i32
      %parallel_loop3A_487 = arith.muli %parallel_loop3A_485, %parallel_loop3A_486 : i32
      %parallel_loop3A_488 = arith.constant 16 : i32
      %parallel_loop3A_489 = arith.addi %parallel_loop3A_487, %parallel_loop3A_488 : i32
      %parallel_loop3A_490 = arith.index_cast %parallel_loop3A_489 : i32 to index
      %parallel_loop3A_491 = tpu.vector_load %arg6[%parallel_loop3A_490] {strides = array<i32>} : memref<8032xi32, #tpu.memory_space<vmem>>, vector<16xi32>,
      %parallel_loop3A_492 = arith.constant 1 : i32
      %parallel_loop3A_493 = arith.subi %parallel_loop3A_489, %parallel_loop3A_492 : i32
      %parallel_loop3A_494 = arith.index_cast %parallel_loop3A_493 : i32 to index
      %parallel_loop3A_495 = tpu.vector_load %arg6[%parallel_loop3A_494] {strides = array<i32>} : memref<8032xi32, #tpu.memory_space<vmem>>, vector<16xi32>,
      %parallel_loop3A_496 = arith.constant 1 : i32
      %parallel_loop3A_497 = arith.addi %parallel_loop3A_489, %parallel_loop3A_496 : i32
      %parallel_loop3A_498 = arith.index_cast %parallel_loop3A_497 : i32 to index
      %parallel_loop3A_499 = tpu.vector_load %arg6[%parallel_loop3A_498] {strides = array<i32>} : memref<8032xi32, #tpu.memory_space<vmem>>, vector<16xi32>,
      %parallel_loop3A_500 = arith.cmpi ne, %parallel_loop3A_491, %parallel_loop3A_495 : vector<16xi32>
      %parallel_loop3A_501 = arith.ori %parallel_loop3A_500, %eq3A_51 : vector<16xi1>
      %parallel_loop3A_502 = arith.cmpi ne, %parallel_loop3A_491, %parallel_loop3A_499 : vector<16xi32>
      %parallel_loop3A_503 = arith.ori %parallel_loop3A_502, %eq3A_54 : vector<16xi1>
      %parallel_loop3A_504 = tpu.scan <max>, %iota3A masked %parallel_loop3A_501 : vector<16xi32>, vector<16xi1> -> vector<16xi32>
      %parallel_loop3A_505 = arith.subi %iota3A, %parallel_loop3A_504 : vector<16xi32>
      %parallel_loop3A_506 = arith.constant 1 : i32
      %parallel_loop3A_507 = vector.broadcast %parallel_loop3A_506 : i32 to vector<16xi32>
      %parallel_loop3A_508 = arith.addi %parallel_loop3A_505, %parallel_loop3A_507 : vector<16xi32>
      %parallel_loop3A_509 = arith.constant 4 : i32
      %parallel_loop3A_510 = vector.broadcast %parallel_loop3A_509 : i32 to vector<16xi32>
      %parallel_loop3A_511 = arith.shrsi %parallel_loop3A_491, %parallel_loop3A_510 : vector<16xi32>
      %parallel_loop3A_512 = arith.constant 15 : i32
      %parallel_loop3A_513 = vector.broadcast %parallel_loop3A_512 : i32 to vector<16xi32>
      %parallel_loop3A_514 = arith.andi %parallel_loop3A_491, %parallel_loop3A_513 : vector<16xi32>
      tpu.vector_store_idx %arg4[%parallel_loop3A_511, %parallel_loop3A_514], %parallel_loop3A_508 masked %parallel_loop3A_503 {add = true} : memref<6656x16xi32, #tpu.memory_space<vmem>>[vector<16xi32>, vector<16xi32>], vector<16xi32>, vector<16xi1>
    } {sc.loop_unroll_factor = 8 : i64, sc.parallel_access}
    %add3A_258 = arith.constant 104000 : i32
    %add3A_259 = arith.addi %mul3A_2, %add3A_258 : i32
    %dma_start3A_260 = arith.constant 16 : i32
    %dma_start3A_261 = tpu.memref_slice %arg6[%dma_start3A_260] : memref<8032xi32, #tpu.memory_space<vmem>> -> memref<8000xi32, #tpu.memory_space<vmem>>
    %dma_start3A_262 = tpu.memref_slice %arg2[%add3A_259] : memref<6400000xi32, #tpu.memory_space<hbm>> -> memref<8000xi32, #tpu.memory_space<hbm>>
    %dma_start3A_263 = arith.constant 16 : i32
    %dma_start3A_264 = tpu.memref_slice %arg6[%dma_start3A_263] : memref<8032xi32, #tpu.memory_space<vmem>> -> memref<8000xi32, #tpu.memory_space<vmem>>
    %dma_start3A_265 = tpu.memref_slice %arg2[%add3A_259] : memref<6400000xi32, #tpu.memory_space<hbm>> -> memref<8000xi32, #tpu.memory_space<hbm>>
    tpu.enqueue_dma source(%dma_start3A_265 : memref<8000xi32, #tpu.memory_space<hbm>>) target(%dma_start3A_264 : memref<8000xi32, #tpu.memory_space<vmem>>) target_semaphore(%arg12 : memref<!tpu.dma_semaphore, #tpu.memory_space<semaphore_mem>>)
    %dma_wait3A_266 = arith.constant 16 : i32
    %dma_wait3A_267 = tpu.memref_slice %arg5[%dma_wait3A_266] : memref<8032xi32, #tpu.memory_space<vmem>> -> memref<8000xi32, #tpu.memory_space<vmem>>
    %dma_wait3A_268 = tpu.memref_slice %arg2[%add3A_242] : memref<6400000xi32, #tpu.memory_space<hbm>> -> memref<8000xi32, #tpu.memory_space<hbm>>
    %dma_wait3A_269 = arith.constant 16 : i32
    %dma_wait3A_270 = tpu.memref_slice %arg5[%dma_wait3A_269] : memref<8032xi32, #tpu.memory_space<vmem>> -> memref<8000xi32, #tpu.memory_space<vmem>>
    %dma_wait3A_271 = tpu.memref_slice %arg2[%add3A_242] : memref<6400000xi32, #tpu.memory_space<hbm>> -> memref<8000xi32, #tpu.memory_space<hbm>>
    tpu.wait_dma2 semaphore(%arg11 : memref<!tpu.dma_semaphore, #tpu.memory_space<semaphore_mem>>) src(%dma_wait3A_271 : memref<8000xi32, #tpu.memory_space<hbm>>) dst(%dma_wait3A_270 : memref<8000xi32, #tpu.memory_space<vmem>>)
    %parallel_loop3A_272 = arith.constant 0 : i32
    %parallel_loop3A_273 = arith.constant 500 : i32
    %parallel_loop3A_274 = arith.constant 1 : i32
    scf.for %parallel_loop3A_485 = %parallel_loop3A_272 to %parallel_loop3A_273 step %parallel_loop3A_274  : i32 {
      %parallel_loop3A_486 = arith.constant 16 : i32
      %parallel_loop3A_487 = arith.muli %parallel_loop3A_485, %parallel_loop3A_486 : i32
      %parallel_loop3A_488 = arith.constant 16 : i32
      %parallel_loop3A_489 = arith.addi %parallel_loop3A_487, %parallel_loop3A_488 : i32
      %parallel_loop3A_490 = arith.index_cast %parallel_loop3A_489 : i32 to index
      %parallel_loop3A_491 = tpu.vector_load %arg5[%parallel_loop3A_490] {strides = array<i32>} : memref<8032xi32, #tpu.memory_space<vmem>>, vector<16xi32>,
      %parallel_loop3A_492 = arith.constant 1 : i32
      %parallel_loop3A_493 = arith.subi %parallel_loop3A_489, %parallel_loop3A_492 : i32
      %parallel_loop3A_494 = arith.index_cast %parallel_loop3A_493 : i32 to index
      %parallel_loop3A_495 = tpu.vector_load %arg5[%parallel_loop3A_494] {strides = array<i32>} : memref<8032xi32, #tpu.memory_space<vmem>>, vector<16xi32>,
      %parallel_loop3A_496 = arith.constant 1 : i32
      %parallel_loop3A_497 = arith.addi %parallel_loop3A_489, %parallel_loop3A_496 : i32
      %parallel_loop3A_498 = arith.index_cast %parallel_loop3A_497 : i32 to index
      %parallel_loop3A_499 = tpu.vector_load %arg5[%parallel_loop3A_498] {strides = array<i32>} : memref<8032xi32, #tpu.memory_space<vmem>>, vector<16xi32>,
      %parallel_loop3A_500 = arith.cmpi ne, %parallel_loop3A_491, %parallel_loop3A_495 : vector<16xi32>
      %parallel_loop3A_501 = arith.ori %parallel_loop3A_500, %eq3A_51 : vector<16xi1>
      %parallel_loop3A_502 = arith.cmpi ne, %parallel_loop3A_491, %parallel_loop3A_499 : vector<16xi32>
      %parallel_loop3A_503 = arith.ori %parallel_loop3A_502, %eq3A_54 : vector<16xi1>
      %parallel_loop3A_504 = tpu.scan <max>, %iota3A masked %parallel_loop3A_501 : vector<16xi32>, vector<16xi1> -> vector<16xi32>
      %parallel_loop3A_505 = arith.subi %iota3A, %parallel_loop3A_504 : vector<16xi32>
      %parallel_loop3A_506 = arith.constant 1 : i32
      %parallel_loop3A_507 = vector.broadcast %parallel_loop3A_506 : i32 to vector<16xi32>
      %parallel_loop3A_508 = arith.addi %parallel_loop3A_505, %parallel_loop3A_507 : vector<16xi32>
      %parallel_loop3A_509 = arith.constant 4 : i32
      %parallel_loop3A_510 = vector.broadcast %parallel_loop3A_509 : i32 to vector<16xi32>
      %parallel_loop3A_511 = arith.shrsi %parallel_loop3A_491, %parallel_loop3A_510 : vector<16xi32>
      %parallel_loop3A_512 = arith.constant 15 : i32
      %parallel_loop3A_513 = vector.broadcast %parallel_loop3A_512 : i32 to vector<16xi32>
      %parallel_loop3A_514 = arith.andi %parallel_loop3A_491, %parallel_loop3A_513 : vector<16xi32>
      tpu.vector_store_idx %arg4[%parallel_loop3A_511, %parallel_loop3A_514], %parallel_loop3A_508 masked %parallel_loop3A_503 {add = true} : memref<6656x16xi32, #tpu.memory_space<vmem>>[vector<16xi32>, vector<16xi32>], vector<16xi32>, vector<16xi1>
    } {sc.loop_unroll_factor = 8 : i64, sc.parallel_access}
    %add3A_275 = arith.constant 112000 : i32
    %add3A_276 = arith.addi %mul3A_2, %add3A_275 : i32
    %dma_start3A_277 = arith.constant 16 : i32
    %dma_start3A_278 = tpu.memref_slice %arg5[%dma_start3A_277] : memref<8032xi32, #tpu.memory_space<vmem>> -> memref<8000xi32, #tpu.memory_space<vmem>>
    %dma_start3A_279 = tpu.memref_slice %arg2[%add3A_276] : memref<6400000xi32, #tpu.memory_space<hbm>> -> memref<8000xi32, #tpu.memory_space<hbm>>
    %dma_start3A_280 = arith.constant 16 : i32
    %dma_start3A_281 = tpu.memref_slice %arg5[%dma_start3A_280] : memref<8032xi32, #tpu.memory_space<vmem>> -> memref<8000xi32, #tpu.memory_space<vmem>>
    %dma_start3A_282 = tpu.memref_slice %arg2[%add3A_276] : memref<6400000xi32, #tpu.memory_space<hbm>> -> memref<8000xi32, #tpu.memory_space<hbm>>
    tpu.enqueue_dma source(%dma_start3A_282 : memref<8000xi32, #tpu.memory_space<hbm>>) target(%dma_start3A_281 : memref<8000xi32, #tpu.memory_space<vmem>>) target_semaphore(%arg11 : memref<!tpu.dma_semaphore, #tpu.memory_space<semaphore_mem>>)
    %dma_wait3A_283 = arith.constant 16 : i32
    %dma_wait3A_284 = tpu.memref_slice %arg6[%dma_wait3A_283] : memref<8032xi32, #tpu.memory_space<vmem>> -> memref<8000xi32, #tpu.memory_space<vmem>>
    %dma_wait3A_285 = tpu.memref_slice %arg2[%add3A_259] : memref<6400000xi32, #tpu.memory_space<hbm>> -> memref<8000xi32, #tpu.memory_space<hbm>>
    %dma_wait3A_286 = arith.constant 16 : i32
    %dma_wait3A_287 = tpu.memref_slice %arg6[%dma_wait3A_286] : memref<8032xi32, #tpu.memory_space<vmem>> -> memref<8000xi32, #tpu.memory_space<vmem>>
    %dma_wait3A_288 = tpu.memref_slice %arg2[%add3A_259] : memref<6400000xi32, #tpu.memory_space<hbm>> -> memref<8000xi32, #tpu.memory_space<hbm>>
    tpu.wait_dma2 semaphore(%arg12 : memref<!tpu.dma_semaphore, #tpu.memory_space<semaphore_mem>>) src(%dma_wait3A_288 : memref<8000xi32, #tpu.memory_space<hbm>>) dst(%dma_wait3A_287 : memref<8000xi32, #tpu.memory_space<vmem>>)
    %parallel_loop3A_289 = arith.constant 0 : i32
    %parallel_loop3A_290 = arith.constant 500 : i32
    %parallel_loop3A_291 = arith.constant 1 : i32
    scf.for %parallel_loop3A_485 = %parallel_loop3A_289 to %parallel_loop3A_290 step %parallel_loop3A_291  : i32 {
      %parallel_loop3A_486 = arith.constant 16 : i32
      %parallel_loop3A_487 = arith.muli %parallel_loop3A_485, %parallel_loop3A_486 : i32
      %parallel_loop3A_488 = arith.constant 16 : i32
      %parallel_loop3A_489 = arith.addi %parallel_loop3A_487, %parallel_loop3A_488 : i32
      %parallel_loop3A_490 = arith.index_cast %parallel_loop3A_489 : i32 to index
      %parallel_loop3A_491 = tpu.vector_load %arg6[%parallel_loop3A_490] {strides = array<i32>} : memref<8032xi32, #tpu.memory_space<vmem>>, vector<16xi32>,
      %parallel_loop3A_492 = arith.constant 1 : i32
      %parallel_loop3A_493 = arith.subi %parallel_loop3A_489, %parallel_loop3A_492 : i32
      %parallel_loop3A_494 = arith.index_cast %parallel_loop3A_493 : i32 to index
      %parallel_loop3A_495 = tpu.vector_load %arg6[%parallel_loop3A_494] {strides = array<i32>} : memref<8032xi32, #tpu.memory_space<vmem>>, vector<16xi32>,
      %parallel_loop3A_496 = arith.constant 1 : i32
      %parallel_loop3A_497 = arith.addi %parallel_loop3A_489, %parallel_loop3A_496 : i32
      %parallel_loop3A_498 = arith.index_cast %parallel_loop3A_497 : i32 to index
      %parallel_loop3A_499 = tpu.vector_load %arg6[%parallel_loop3A_498] {strides = array<i32>} : memref<8032xi32, #tpu.memory_space<vmem>>, vector<16xi32>,
      %parallel_loop3A_500 = arith.cmpi ne, %parallel_loop3A_491, %parallel_loop3A_495 : vector<16xi32>
      %parallel_loop3A_501 = arith.ori %parallel_loop3A_500, %eq3A_51 : vector<16xi1>
      %parallel_loop3A_502 = arith.cmpi ne, %parallel_loop3A_491, %parallel_loop3A_499 : vector<16xi32>
      %parallel_loop3A_503 = arith.ori %parallel_loop3A_502, %eq3A_54 : vector<16xi1>
      %parallel_loop3A_504 = tpu.scan <max>, %iota3A masked %parallel_loop3A_501 : vector<16xi32>, vector<16xi1> -> vector<16xi32>
      %parallel_loop3A_505 = arith.subi %iota3A, %parallel_loop3A_504 : vector<16xi32>
      %parallel_loop3A_506 = arith.constant 1 : i32
      %parallel_loop3A_507 = vector.broadcast %parallel_loop3A_506 : i32 to vector<16xi32>
      %parallel_loop3A_508 = arith.addi %parallel_loop3A_505, %parallel_loop3A_507 : vector<16xi32>
      %parallel_loop3A_509 = arith.constant 4 : i32
      %parallel_loop3A_510 = vector.broadcast %parallel_loop3A_509 : i32 to vector<16xi32>
      %parallel_loop3A_511 = arith.shrsi %parallel_loop3A_491, %parallel_loop3A_510 : vector<16xi32>
      %parallel_loop3A_512 = arith.constant 15 : i32
      %parallel_loop3A_513 = vector.broadcast %parallel_loop3A_512 : i32 to vector<16xi32>
      %parallel_loop3A_514 = arith.andi %parallel_loop3A_491, %parallel_loop3A_513 : vector<16xi32>
      tpu.vector_store_idx %arg4[%parallel_loop3A_511, %parallel_loop3A_514], %parallel_loop3A_508 masked %parallel_loop3A_503 {add = true} : memref<6656x16xi32, #tpu.memory_space<vmem>>[vector<16xi32>, vector<16xi32>], vector<16xi32>, vector<16xi1>
    } {sc.loop_unroll_factor = 8 : i64, sc.parallel_access}
    %add3A_292 = arith.constant 120000 : i32
    %add3A_293 = arith.addi %mul3A_2, %add3A_292 : i32
    %dma_start3A_294 = arith.constant 16 : i32
    %dma_start3A_295 = tpu.memref_slice %arg6[%dma_start3A_294] : memref<8032xi32, #tpu.memory_space<vmem>> -> memref<8000xi32, #tpu.memory_space<vmem>>
    %dma_start3A_296 = tpu.memref_slice %arg2[%add3A_293] : memref<6400000xi32, #tpu.memory_space<hbm>> -> memref<8000xi32, #tpu.memory_space<hbm>>
    %dma_start3A_297 = arith.constant 16 : i32
    %dma_start3A_298 = tpu.memref_slice %arg6[%dma_start3A_297] : memref<8032xi32, #tpu.memory_space<vmem>> -> memref<8000xi32, #tpu.memory_space<vmem>>
    %dma_start3A_299 = tpu.memref_slice %arg2[%add3A_293] : memref<6400000xi32, #tpu.memory_space<hbm>> -> memref<8000xi32, #tpu.memory_space<hbm>>
    tpu.enqueue_dma source(%dma_start3A_299 : memref<8000xi32, #tpu.memory_space<hbm>>) target(%dma_start3A_298 : memref<8000xi32, #tpu.memory_space<vmem>>) target_semaphore(%arg12 : memref<!tpu.dma_semaphore, #tpu.memory_space<semaphore_mem>>)
    %dma_wait3A_300 = arith.constant 16 : i32
    %dma_wait3A_301 = tpu.memref_slice %arg5[%dma_wait3A_300] : memref<8032xi32, #tpu.memory_space<vmem>> -> memref<8000xi32, #tpu.memory_space<vmem>>
    %dma_wait3A_302 = tpu.memref_slice %arg2[%add3A_276] : memref<6400000xi32, #tpu.memory_space<hbm>> -> memref<8000xi32, #tpu.memory_space<hbm>>
    %dma_wait3A_303 = arith.constant 16 : i32
    %dma_wait3A_304 = tpu.memref_slice %arg5[%dma_wait3A_303] : memref<8032xi32, #tpu.memory_space<vmem>> -> memref<8000xi32, #tpu.memory_space<vmem>>
    %dma_wait3A_305 = tpu.memref_slice %arg2[%add3A_276] : memref<6400000xi32, #tpu.memory_space<hbm>> -> memref<8000xi32, #tpu.memory_space<hbm>>
    tpu.wait_dma2 semaphore(%arg11 : memref<!tpu.dma_semaphore, #tpu.memory_space<semaphore_mem>>) src(%dma_wait3A_305 : memref<8000xi32, #tpu.memory_space<hbm>>) dst(%dma_wait3A_304 : memref<8000xi32, #tpu.memory_space<vmem>>)
    %parallel_loop3A_306 = arith.constant 0 : i32
    %parallel_loop3A_307 = arith.constant 500 : i32
    %parallel_loop3A_308 = arith.constant 1 : i32
    scf.for %parallel_loop3A_485 = %parallel_loop3A_306 to %parallel_loop3A_307 step %parallel_loop3A_308  : i32 {
      %parallel_loop3A_486 = arith.constant 16 : i32
      %parallel_loop3A_487 = arith.muli %parallel_loop3A_485, %parallel_loop3A_486 : i32
      %parallel_loop3A_488 = arith.constant 16 : i32
      %parallel_loop3A_489 = arith.addi %parallel_loop3A_487, %parallel_loop3A_488 : i32
      %parallel_loop3A_490 = arith.index_cast %parallel_loop3A_489 : i32 to index
      %parallel_loop3A_491 = tpu.vector_load %arg5[%parallel_loop3A_490] {strides = array<i32>} : memref<8032xi32, #tpu.memory_space<vmem>>, vector<16xi32>,
      %parallel_loop3A_492 = arith.constant 1 : i32
      %parallel_loop3A_493 = arith.subi %parallel_loop3A_489, %parallel_loop3A_492 : i32
      %parallel_loop3A_494 = arith.index_cast %parallel_loop3A_493 : i32 to index
      %parallel_loop3A_495 = tpu.vector_load %arg5[%parallel_loop3A_494] {strides = array<i32>} : memref<8032xi32, #tpu.memory_space<vmem>>, vector<16xi32>,
      %parallel_loop3A_496 = arith.constant 1 : i32
      %parallel_loop3A_497 = arith.addi %parallel_loop3A_489, %parallel_loop3A_496 : i32
      %parallel_loop3A_498 = arith.index_cast %parallel_loop3A_497 : i32 to index
      %parallel_loop3A_499 = tpu.vector_load %arg5[%parallel_loop3A_498] {strides = array<i32>} : memref<8032xi32, #tpu.memory_space<vmem>>, vector<16xi32>,
      %parallel_loop3A_500 = arith.cmpi ne, %parallel_loop3A_491, %parallel_loop3A_495 : vector<16xi32>
      %parallel_loop3A_501 = arith.ori %parallel_loop3A_500, %eq3A_51 : vector<16xi1>
      %parallel_loop3A_502 = arith.cmpi ne, %parallel_loop3A_491, %parallel_loop3A_499 : vector<16xi32>
      %parallel_loop3A_503 = arith.ori %parallel_loop3A_502, %eq3A_54 : vector<16xi1>
      %parallel_loop3A_504 = tpu.scan <max>, %iota3A masked %parallel_loop3A_501 : vector<16xi32>, vector<16xi1> -> vector<16xi32>
      %parallel_loop3A_505 = arith.subi %iota3A, %parallel_loop3A_504 : vector<16xi32>
      %parallel_loop3A_506 = arith.constant 1 : i32
      %parallel_loop3A_507 = vector.broadcast %parallel_loop3A_506 : i32 to vector<16xi32>
      %parallel_loop3A_508 = arith.addi %parallel_loop3A_505, %parallel_loop3A_507 : vector<16xi32>
      %parallel_loop3A_509 = arith.constant 4 : i32
      %parallel_loop3A_510 = vector.broadcast %parallel_loop3A_509 : i32 to vector<16xi32>
      %parallel_loop3A_511 = arith.shrsi %parallel_loop3A_491, %parallel_loop3A_510 : vector<16xi32>
      %parallel_loop3A_512 = arith.constant 15 : i32
      %parallel_loop3A_513 = vector.broadcast %parallel_loop3A_512 : i32 to vector<16xi32>
      %parallel_loop3A_514 = arith.andi %parallel_loop3A_491, %parallel_loop3A_513 : vector<16xi32>
      tpu.vector_store_idx %arg4[%parallel_loop3A_511, %parallel_loop3A_514], %parallel_loop3A_508 masked %parallel_loop3A_503 {add = true} : memref<6656x16xi32, #tpu.memory_space<vmem>>[vector<16xi32>, vector<16xi32>], vector<16xi32>, vector<16xi1>
    } {sc.loop_unroll_factor = 8 : i64, sc.parallel_access}
    %add3A_309 = arith.constant 128000 : i32
    %add3A_310 = arith.addi %mul3A_2, %add3A_309 : i32
    %dma_start3A_311 = arith.constant 16 : i32
    %dma_start3A_312 = tpu.memref_slice %arg5[%dma_start3A_311] : memref<8032xi32, #tpu.memory_space<vmem>> -> memref<8000xi32, #tpu.memory_space<vmem>>
    %dma_start3A_313 = tpu.memref_slice %arg2[%add3A_310] : memref<6400000xi32, #tpu.memory_space<hbm>> -> memref<8000xi32, #tpu.memory_space<hbm>>
    %dma_start3A_314 = arith.constant 16 : i32
    %dma_start3A_315 = tpu.memref_slice %arg5[%dma_start3A_314] : memref<8032xi32, #tpu.memory_space<vmem>> -> memref<8000xi32, #tpu.memory_space<vmem>>
    %dma_start3A_316 = tpu.memref_slice %arg2[%add3A_310] : memref<6400000xi32, #tpu.memory_space<hbm>> -> memref<8000xi32, #tpu.memory_space<hbm>>
    tpu.enqueue_dma source(%dma_start3A_316 : memref<8000xi32, #tpu.memory_space<hbm>>) target(%dma_start3A_315 : memref<8000xi32, #tpu.memory_space<vmem>>) target_semaphore(%arg11 : memref<!tpu.dma_semaphore, #tpu.memory_space<semaphore_mem>>)
    %dma_wait3A_317 = arith.constant 16 : i32
    %dma_wait3A_318 = tpu.memref_slice %arg6[%dma_wait3A_317] : memref<8032xi32, #tpu.memory_space<vmem>> -> memref<8000xi32, #tpu.memory_space<vmem>>
    %dma_wait3A_319 = tpu.memref_slice %arg2[%add3A_293] : memref<6400000xi32, #tpu.memory_space<hbm>> -> memref<8000xi32, #tpu.memory_space<hbm>>
    %dma_wait3A_320 = arith.constant 16 : i32
    %dma_wait3A_321 = tpu.memref_slice %arg6[%dma_wait3A_320] : memref<8032xi32, #tpu.memory_space<vmem>> -> memref<8000xi32, #tpu.memory_space<vmem>>
    %dma_wait3A_322 = tpu.memref_slice %arg2[%add3A_293] : memref<6400000xi32, #tpu.memory_space<hbm>> -> memref<8000xi32, #tpu.memory_space<hbm>>
    tpu.wait_dma2 semaphore(%arg12 : memref<!tpu.dma_semaphore, #tpu.memory_space<semaphore_mem>>) src(%dma_wait3A_322 : memref<8000xi32, #tpu.memory_space<hbm>>) dst(%dma_wait3A_321 : memref<8000xi32, #tpu.memory_space<vmem>>)
    %parallel_loop3A_323 = arith.constant 0 : i32
    %parallel_loop3A_324 = arith.constant 500 : i32
    %parallel_loop3A_325 = arith.constant 1 : i32
    scf.for %parallel_loop3A_485 = %parallel_loop3A_323 to %parallel_loop3A_324 step %parallel_loop3A_325  : i32 {
      %parallel_loop3A_486 = arith.constant 16 : i32
      %parallel_loop3A_487 = arith.muli %parallel_loop3A_485, %parallel_loop3A_486 : i32
      %parallel_loop3A_488 = arith.constant 16 : i32
      %parallel_loop3A_489 = arith.addi %parallel_loop3A_487, %parallel_loop3A_488 : i32
      %parallel_loop3A_490 = arith.index_cast %parallel_loop3A_489 : i32 to index
      %parallel_loop3A_491 = tpu.vector_load %arg6[%parallel_loop3A_490] {strides = array<i32>} : memref<8032xi32, #tpu.memory_space<vmem>>, vector<16xi32>,
      %parallel_loop3A_492 = arith.constant 1 : i32
      %parallel_loop3A_493 = arith.subi %parallel_loop3A_489, %parallel_loop3A_492 : i32
      %parallel_loop3A_494 = arith.index_cast %parallel_loop3A_493 : i32 to index
      %parallel_loop3A_495 = tpu.vector_load %arg6[%parallel_loop3A_494] {strides = array<i32>} : memref<8032xi32, #tpu.memory_space<vmem>>, vector<16xi32>,
      %parallel_loop3A_496 = arith.constant 1 : i32
      %parallel_loop3A_497 = arith.addi %parallel_loop3A_489, %parallel_loop3A_496 : i32
      %parallel_loop3A_498 = arith.index_cast %parallel_loop3A_497 : i32 to index
      %parallel_loop3A_499 = tpu.vector_load %arg6[%parallel_loop3A_498] {strides = array<i32>} : memref<8032xi32, #tpu.memory_space<vmem>>, vector<16xi32>,
      %parallel_loop3A_500 = arith.cmpi ne, %parallel_loop3A_491, %parallel_loop3A_495 : vector<16xi32>
      %parallel_loop3A_501 = arith.ori %parallel_loop3A_500, %eq3A_51 : vector<16xi1>
      %parallel_loop3A_502 = arith.cmpi ne, %parallel_loop3A_491, %parallel_loop3A_499 : vector<16xi32>
      %parallel_loop3A_503 = arith.ori %parallel_loop3A_502, %eq3A_54 : vector<16xi1>
      %parallel_loop3A_504 = tpu.scan <max>, %iota3A masked %parallel_loop3A_501 : vector<16xi32>, vector<16xi1> -> vector<16xi32>
      %parallel_loop3A_505 = arith.subi %iota3A, %parallel_loop3A_504 : vector<16xi32>
      %parallel_loop3A_506 = arith.constant 1 : i32
      %parallel_loop3A_507 = vector.broadcast %parallel_loop3A_506 : i32 to vector<16xi32>
      %parallel_loop3A_508 = arith.addi %parallel_loop3A_505, %parallel_loop3A_507 : vector<16xi32>
      %parallel_loop3A_509 = arith.constant 4 : i32
      %parallel_loop3A_510 = vector.broadcast %parallel_loop3A_509 : i32 to vector<16xi32>
      %parallel_loop3A_511 = arith.shrsi %parallel_loop3A_491, %parallel_loop3A_510 : vector<16xi32>
      %parallel_loop3A_512 = arith.constant 15 : i32
      %parallel_loop3A_513 = vector.broadcast %parallel_loop3A_512 : i32 to vector<16xi32>
      %parallel_loop3A_514 = arith.andi %parallel_loop3A_491, %parallel_loop3A_513 : vector<16xi32>
      tpu.vector_store_idx %arg4[%parallel_loop3A_511, %parallel_loop3A_514], %parallel_loop3A_508 masked %parallel_loop3A_503 {add = true} : memref<6656x16xi32, #tpu.memory_space<vmem>>[vector<16xi32>, vector<16xi32>], vector<16xi32>, vector<16xi1>
    } {sc.loop_unroll_factor = 8 : i64, sc.parallel_access}
    %add3A_326 = arith.constant 136000 : i32
    %add3A_327 = arith.addi %mul3A_2, %add3A_326 : i32
    %dma_start3A_328 = arith.constant 16 : i32
    %dma_start3A_329 = tpu.memref_slice %arg6[%dma_start3A_328] : memref<8032xi32, #tpu.memory_space<vmem>> -> memref<8000xi32, #tpu.memory_space<vmem>>
    %dma_start3A_330 = tpu.memref_slice %arg2[%add3A_327] : memref<6400000xi32, #tpu.memory_space<hbm>> -> memref<8000xi32, #tpu.memory_space<hbm>>
    %dma_start3A_331 = arith.constant 16 : i32
    %dma_start3A_332 = tpu.memref_slice %arg6[%dma_start3A_331] : memref<8032xi32, #tpu.memory_space<vmem>> -> memref<8000xi32, #tpu.memory_space<vmem>>
    %dma_start3A_333 = tpu.memref_slice %arg2[%add3A_327] : memref<6400000xi32, #tpu.memory_space<hbm>> -> memref<8000xi32, #tpu.memory_space<hbm>>
    tpu.enqueue_dma source(%dma_start3A_333 : memref<8000xi32, #tpu.memory_space<hbm>>) target(%dma_start3A_332 : memref<8000xi32, #tpu.memory_space<vmem>>) target_semaphore(%arg12 : memref<!tpu.dma_semaphore, #tpu.memory_space<semaphore_mem>>)
    %dma_wait3A_334 = arith.constant 16 : i32
    %dma_wait3A_335 = tpu.memref_slice %arg5[%dma_wait3A_334] : memref<8032xi32, #tpu.memory_space<vmem>> -> memref<8000xi32, #tpu.memory_space<vmem>>
    %dma_wait3A_336 = tpu.memref_slice %arg2[%add3A_310] : memref<6400000xi32, #tpu.memory_space<hbm>> -> memref<8000xi32, #tpu.memory_space<hbm>>
    %dma_wait3A_337 = arith.constant 16 : i32
    %dma_wait3A_338 = tpu.memref_slice %arg5[%dma_wait3A_337] : memref<8032xi32, #tpu.memory_space<vmem>> -> memref<8000xi32, #tpu.memory_space<vmem>>
    %dma_wait3A_339 = tpu.memref_slice %arg2[%add3A_310] : memref<6400000xi32, #tpu.memory_space<hbm>> -> memref<8000xi32, #tpu.memory_space<hbm>>
    tpu.wait_dma2 semaphore(%arg11 : memref<!tpu.dma_semaphore, #tpu.memory_space<semaphore_mem>>) src(%dma_wait3A_339 : memref<8000xi32, #tpu.memory_space<hbm>>) dst(%dma_wait3A_338 : memref<8000xi32, #tpu.memory_space<vmem>>)
    %parallel_loop3A_340 = arith.constant 0 : i32
    %parallel_loop3A_341 = arith.constant 500 : i32
    %parallel_loop3A_342 = arith.constant 1 : i32
    scf.for %parallel_loop3A_485 = %parallel_loop3A_340 to %parallel_loop3A_341 step %parallel_loop3A_342  : i32 {
      %parallel_loop3A_486 = arith.constant 16 : i32
      %parallel_loop3A_487 = arith.muli %parallel_loop3A_485, %parallel_loop3A_486 : i32
      %parallel_loop3A_488 = arith.constant 16 : i32
      %parallel_loop3A_489 = arith.addi %parallel_loop3A_487, %parallel_loop3A_488 : i32
      %parallel_loop3A_490 = arith.index_cast %parallel_loop3A_489 : i32 to index
      %parallel_loop3A_491 = tpu.vector_load %arg5[%parallel_loop3A_490] {strides = array<i32>} : memref<8032xi32, #tpu.memory_space<vmem>>, vector<16xi32>,
      %parallel_loop3A_492 = arith.constant 1 : i32
      %parallel_loop3A_493 = arith.subi %parallel_loop3A_489, %parallel_loop3A_492 : i32
      %parallel_loop3A_494 = arith.index_cast %parallel_loop3A_493 : i32 to index
      %parallel_loop3A_495 = tpu.vector_load %arg5[%parallel_loop3A_494] {strides = array<i32>} : memref<8032xi32, #tpu.memory_space<vmem>>, vector<16xi32>,
      %parallel_loop3A_496 = arith.constant 1 : i32
      %parallel_loop3A_497 = arith.addi %parallel_loop3A_489, %parallel_loop3A_496 : i32
      %parallel_loop3A_498 = arith.index_cast %parallel_loop3A_497 : i32 to index
      %parallel_loop3A_499 = tpu.vector_load %arg5[%parallel_loop3A_498] {strides = array<i32>} : memref<8032xi32, #tpu.memory_space<vmem>>, vector<16xi32>,
      %parallel_loop3A_500 = arith.cmpi ne, %parallel_loop3A_491, %parallel_loop3A_495 : vector<16xi32>
      %parallel_loop3A_501 = arith.ori %parallel_loop3A_500, %eq3A_51 : vector<16xi1>
      %parallel_loop3A_502 = arith.cmpi ne, %parallel_loop3A_491, %parallel_loop3A_499 : vector<16xi32>
      %parallel_loop3A_503 = arith.ori %parallel_loop3A_502, %eq3A_54 : vector<16xi1>
      %parallel_loop3A_504 = tpu.scan <max>, %iota3A masked %parallel_loop3A_501 : vector<16xi32>, vector<16xi1> -> vector<16xi32>
      %parallel_loop3A_505 = arith.subi %iota3A, %parallel_loop3A_504 : vector<16xi32>
      %parallel_loop3A_506 = arith.constant 1 : i32
      %parallel_loop3A_507 = vector.broadcast %parallel_loop3A_506 : i32 to vector<16xi32>
      %parallel_loop3A_508 = arith.addi %parallel_loop3A_505, %parallel_loop3A_507 : vector<16xi32>
      %parallel_loop3A_509 = arith.constant 4 : i32
      %parallel_loop3A_510 = vector.broadcast %parallel_loop3A_509 : i32 to vector<16xi32>
      %parallel_loop3A_511 = arith.shrsi %parallel_loop3A_491, %parallel_loop3A_510 : vector<16xi32>
      %parallel_loop3A_512 = arith.constant 15 : i32
      %parallel_loop3A_513 = vector.broadcast %parallel_loop3A_512 : i32 to vector<16xi32>
      %parallel_loop3A_514 = arith.andi %parallel_loop3A_491, %parallel_loop3A_513 : vector<16xi32>
      tpu.vector_store_idx %arg4[%parallel_loop3A_511, %parallel_loop3A_514], %parallel_loop3A_508 masked %parallel_loop3A_503 {add = true} : memref<6656x16xi32, #tpu.memory_space<vmem>>[vector<16xi32>, vector<16xi32>], vector<16xi32>, vector<16xi1>
    } {sc.loop_unroll_factor = 8 : i64, sc.parallel_access}
    %add3A_343 = arith.constant 144000 : i32
    %add3A_344 = arith.addi %mul3A_2, %add3A_343 : i32
    %dma_start3A_345 = arith.constant 16 : i32
    %dma_start3A_346 = tpu.memref_slice %arg5[%dma_start3A_345] : memref<8032xi32, #tpu.memory_space<vmem>> -> memref<8000xi32, #tpu.memory_space<vmem>>
    %dma_start3A_347 = tpu.memref_slice %arg2[%add3A_344] : memref<6400000xi32, #tpu.memory_space<hbm>> -> memref<8000xi32, #tpu.memory_space<hbm>>
    %dma_start3A_348 = arith.constant 16 : i32
    %dma_start3A_349 = tpu.memref_slice %arg5[%dma_start3A_348] : memref<8032xi32, #tpu.memory_space<vmem>> -> memref<8000xi32, #tpu.memory_space<vmem>>
    %dma_start3A_350 = tpu.memref_slice %arg2[%add3A_344] : memref<6400000xi32, #tpu.memory_space<hbm>> -> memref<8000xi32, #tpu.memory_space<hbm>>
    tpu.enqueue_dma source(%dma_start3A_350 : memref<8000xi32, #tpu.memory_space<hbm>>) target(%dma_start3A_349 : memref<8000xi32, #tpu.memory_space<vmem>>) target_semaphore(%arg11 : memref<!tpu.dma_semaphore, #tpu.memory_space<semaphore_mem>>)
    %dma_wait3A_351 = arith.constant 16 : i32
    %dma_wait3A_352 = tpu.memref_slice %arg6[%dma_wait3A_351] : memref<8032xi32, #tpu.memory_space<vmem>> -> memref<8000xi32, #tpu.memory_space<vmem>>
    %dma_wait3A_353 = tpu.memref_slice %arg2[%add3A_327] : memref<6400000xi32, #tpu.memory_space<hbm>> -> memref<8000xi32, #tpu.memory_space<hbm>>
    %dma_wait3A_354 = arith.constant 16 : i32
    %dma_wait3A_355 = tpu.memref_slice %arg6[%dma_wait3A_354] : memref<8032xi32, #tpu.memory_space<vmem>> -> memref<8000xi32, #tpu.memory_space<vmem>>
    %dma_wait3A_356 = tpu.memref_slice %arg2[%add3A_327] : memref<6400000xi32, #tpu.memory_space<hbm>> -> memref<8000xi32, #tpu.memory_space<hbm>>
    tpu.wait_dma2 semaphore(%arg12 : memref<!tpu.dma_semaphore, #tpu.memory_space<semaphore_mem>>) src(%dma_wait3A_356 : memref<8000xi32, #tpu.memory_space<hbm>>) dst(%dma_wait3A_355 : memref<8000xi32, #tpu.memory_space<vmem>>)
    %parallel_loop3A_357 = arith.constant 0 : i32
    %parallel_loop3A_358 = arith.constant 500 : i32
    %parallel_loop3A_359 = arith.constant 1 : i32
    scf.for %parallel_loop3A_485 = %parallel_loop3A_357 to %parallel_loop3A_358 step %parallel_loop3A_359  : i32 {
      %parallel_loop3A_486 = arith.constant 16 : i32
      %parallel_loop3A_487 = arith.muli %parallel_loop3A_485, %parallel_loop3A_486 : i32
      %parallel_loop3A_488 = arith.constant 16 : i32
      %parallel_loop3A_489 = arith.addi %parallel_loop3A_487, %parallel_loop3A_488 : i32
      %parallel_loop3A_490 = arith.index_cast %parallel_loop3A_489 : i32 to index
      %parallel_loop3A_491 = tpu.vector_load %arg6[%parallel_loop3A_490] {strides = array<i32>} : memref<8032xi32, #tpu.memory_space<vmem>>, vector<16xi32>,
      %parallel_loop3A_492 = arith.constant 1 : i32
      %parallel_loop3A_493 = arith.subi %parallel_loop3A_489, %parallel_loop3A_492 : i32
      %parallel_loop3A_494 = arith.index_cast %parallel_loop3A_493 : i32 to index
      %parallel_loop3A_495 = tpu.vector_load %arg6[%parallel_loop3A_494] {strides = array<i32>} : memref<8032xi32, #tpu.memory_space<vmem>>, vector<16xi32>,
      %parallel_loop3A_496 = arith.constant 1 : i32
      %parallel_loop3A_497 = arith.addi %parallel_loop3A_489, %parallel_loop3A_496 : i32
      %parallel_loop3A_498 = arith.index_cast %parallel_loop3A_497 : i32 to index
      %parallel_loop3A_499 = tpu.vector_load %arg6[%parallel_loop3A_498] {strides = array<i32>} : memref<8032xi32, #tpu.memory_space<vmem>>, vector<16xi32>,
      %parallel_loop3A_500 = arith.cmpi ne, %parallel_loop3A_491, %parallel_loop3A_495 : vector<16xi32>
      %parallel_loop3A_501 = arith.ori %parallel_loop3A_500, %eq3A_51 : vector<16xi1>
      %parallel_loop3A_502 = arith.cmpi ne, %parallel_loop3A_491, %parallel_loop3A_499 : vector<16xi32>
      %parallel_loop3A_503 = arith.ori %parallel_loop3A_502, %eq3A_54 : vector<16xi1>
      %parallel_loop3A_504 = tpu.scan <max>, %iota3A masked %parallel_loop3A_501 : vector<16xi32>, vector<16xi1> -> vector<16xi32>
      %parallel_loop3A_505 = arith.subi %iota3A, %parallel_loop3A_504 : vector<16xi32>
      %parallel_loop3A_506 = arith.constant 1 : i32
      %parallel_loop3A_507 = vector.broadcast %parallel_loop3A_506 : i32 to vector<16xi32>
      %parallel_loop3A_508 = arith.addi %parallel_loop3A_505, %parallel_loop3A_507 : vector<16xi32>
      %parallel_loop3A_509 = arith.constant 4 : i32
      %parallel_loop3A_510 = vector.broadcast %parallel_loop3A_509 : i32 to vector<16xi32>
      %parallel_loop3A_511 = arith.shrsi %parallel_loop3A_491, %parallel_loop3A_510 : vector<16xi32>
      %parallel_loop3A_512 = arith.constant 15 : i32
      %parallel_loop3A_513 = vector.broadcast %parallel_loop3A_512 : i32 to vector<16xi32>
      %parallel_loop3A_514 = arith.andi %parallel_loop3A_491, %parallel_loop3A_513 : vector<16xi32>
      tpu.vector_store_idx %arg4[%parallel_loop3A_511, %parallel_loop3A_514], %parallel_loop3A_508 masked %parallel_loop3A_503 {add = true} : memref<6656x16xi32, #tpu.memory_space<vmem>>[vector<16xi32>, vector<16xi32>], vector<16xi32>, vector<16xi1>
    } {sc.loop_unroll_factor = 8 : i64, sc.parallel_access}
    %add3A_360 = arith.constant 152000 : i32
    %add3A_361 = arith.addi %mul3A_2, %add3A_360 : i32
    %dma_start3A_362 = arith.constant 16 : i32
    %dma_start3A_363 = tpu.memref_slice %arg6[%dma_start3A_362] : memref<8032xi32, #tpu.memory_space<vmem>> -> memref<8000xi32, #tpu.memory_space<vmem>>
    %dma_start3A_364 = tpu.memref_slice %arg2[%add3A_361] : memref<6400000xi32, #tpu.memory_space<hbm>> -> memref<8000xi32, #tpu.memory_space<hbm>>
    %dma_start3A_365 = arith.constant 16 : i32
    %dma_start3A_366 = tpu.memref_slice %arg6[%dma_start3A_365] : memref<8032xi32, #tpu.memory_space<vmem>> -> memref<8000xi32, #tpu.memory_space<vmem>>
    %dma_start3A_367 = tpu.memref_slice %arg2[%add3A_361] : memref<6400000xi32, #tpu.memory_space<hbm>> -> memref<8000xi32, #tpu.memory_space<hbm>>
    tpu.enqueue_dma source(%dma_start3A_367 : memref<8000xi32, #tpu.memory_space<hbm>>) target(%dma_start3A_366 : memref<8000xi32, #tpu.memory_space<vmem>>) target_semaphore(%arg12 : memref<!tpu.dma_semaphore, #tpu.memory_space<semaphore_mem>>)
    %dma_wait3A_368 = arith.constant 16 : i32
    %dma_wait3A_369 = tpu.memref_slice %arg5[%dma_wait3A_368] : memref<8032xi32, #tpu.memory_space<vmem>> -> memref<8000xi32, #tpu.memory_space<vmem>>
    %dma_wait3A_370 = tpu.memref_slice %arg2[%add3A_344] : memref<6400000xi32, #tpu.memory_space<hbm>> -> memref<8000xi32, #tpu.memory_space<hbm>>
    %dma_wait3A_371 = arith.constant 16 : i32
    %dma_wait3A_372 = tpu.memref_slice %arg5[%dma_wait3A_371] : memref<8032xi32, #tpu.memory_space<vmem>> -> memref<8000xi32, #tpu.memory_space<vmem>>
    %dma_wait3A_373 = tpu.memref_slice %arg2[%add3A_344] : memref<6400000xi32, #tpu.memory_space<hbm>> -> memref<8000xi32, #tpu.memory_space<hbm>>
    tpu.wait_dma2 semaphore(%arg11 : memref<!tpu.dma_semaphore, #tpu.memory_space<semaphore_mem>>) src(%dma_wait3A_373 : memref<8000xi32, #tpu.memory_space<hbm>>) dst(%dma_wait3A_372 : memref<8000xi32, #tpu.memory_space<vmem>>)
    %parallel_loop3A_374 = arith.constant 0 : i32
    %parallel_loop3A_375 = arith.constant 500 : i32
    %parallel_loop3A_376 = arith.constant 1 : i32
    scf.for %parallel_loop3A_485 = %parallel_loop3A_374 to %parallel_loop3A_375 step %parallel_loop3A_376  : i32 {
      %parallel_loop3A_486 = arith.constant 16 : i32
      %parallel_loop3A_487 = arith.muli %parallel_loop3A_485, %parallel_loop3A_486 : i32
      %parallel_loop3A_488 = arith.constant 16 : i32
      %parallel_loop3A_489 = arith.addi %parallel_loop3A_487, %parallel_loop3A_488 : i32
      %parallel_loop3A_490 = arith.index_cast %parallel_loop3A_489 : i32 to index
      %parallel_loop3A_491 = tpu.vector_load %arg5[%parallel_loop3A_490] {strides = array<i32>} : memref<8032xi32, #tpu.memory_space<vmem>>, vector<16xi32>,
      %parallel_loop3A_492 = arith.constant 1 : i32
      %parallel_loop3A_493 = arith.subi %parallel_loop3A_489, %parallel_loop3A_492 : i32
      %parallel_loop3A_494 = arith.index_cast %parallel_loop3A_493 : i32 to index
      %parallel_loop3A_495 = tpu.vector_load %arg5[%parallel_loop3A_494] {strides = array<i32>} : memref<8032xi32, #tpu.memory_space<vmem>>, vector<16xi32>,
      %parallel_loop3A_496 = arith.constant 1 : i32
      %parallel_loop3A_497 = arith.addi %parallel_loop3A_489, %parallel_loop3A_496 : i32
      %parallel_loop3A_498 = arith.index_cast %parallel_loop3A_497 : i32 to index
      %parallel_loop3A_499 = tpu.vector_load %arg5[%parallel_loop3A_498] {strides = array<i32>} : memref<8032xi32, #tpu.memory_space<vmem>>, vector<16xi32>,
      %parallel_loop3A_500 = arith.cmpi ne, %parallel_loop3A_491, %parallel_loop3A_495 : vector<16xi32>
      %parallel_loop3A_501 = arith.ori %parallel_loop3A_500, %eq3A_51 : vector<16xi1>
      %parallel_loop3A_502 = arith.cmpi ne, %parallel_loop3A_491, %parallel_loop3A_499 : vector<16xi32>
      %parallel_loop3A_503 = arith.ori %parallel_loop3A_502, %eq3A_54 : vector<16xi1>
      %parallel_loop3A_504 = tpu.scan <max>, %iota3A masked %parallel_loop3A_501 : vector<16xi32>, vector<16xi1> -> vector<16xi32>
      %parallel_loop3A_505 = arith.subi %iota3A, %parallel_loop3A_504 : vector<16xi32>
      %parallel_loop3A_506 = arith.constant 1 : i32
      %parallel_loop3A_507 = vector.broadcast %parallel_loop3A_506 : i32 to vector<16xi32>
      %parallel_loop3A_508 = arith.addi %parallel_loop3A_505, %parallel_loop3A_507 : vector<16xi32>
      %parallel_loop3A_509 = arith.constant 4 : i32
      %parallel_loop3A_510 = vector.broadcast %parallel_loop3A_509 : i32 to vector<16xi32>
      %parallel_loop3A_511 = arith.shrsi %parallel_loop3A_491, %parallel_loop3A_510 : vector<16xi32>
      %parallel_loop3A_512 = arith.constant 15 : i32
      %parallel_loop3A_513 = vector.broadcast %parallel_loop3A_512 : i32 to vector<16xi32>
      %parallel_loop3A_514 = arith.andi %parallel_loop3A_491, %parallel_loop3A_513 : vector<16xi32>
      tpu.vector_store_idx %arg4[%parallel_loop3A_511, %parallel_loop3A_514], %parallel_loop3A_508 masked %parallel_loop3A_503 {add = true} : memref<6656x16xi32, #tpu.memory_space<vmem>>[vector<16xi32>, vector<16xi32>], vector<16xi32>, vector<16xi1>
    } {sc.loop_unroll_factor = 8 : i64, sc.parallel_access}
    %add3A_377 = arith.constant 160000 : i32
    %add3A_378 = arith.addi %mul3A_2, %add3A_377 : i32
    %dma_start3A_379 = arith.constant 16 : i32
    %dma_start3A_380 = tpu.memref_slice %arg5[%dma_start3A_379] : memref<8032xi32, #tpu.memory_space<vmem>> -> memref<8000xi32, #tpu.memory_space<vmem>>
    %dma_start3A_381 = tpu.memref_slice %arg2[%add3A_378] : memref<6400000xi32, #tpu.memory_space<hbm>> -> memref<8000xi32, #tpu.memory_space<hbm>>
    %dma_start3A_382 = arith.constant 16 : i32
    %dma_start3A_383 = tpu.memref_slice %arg5[%dma_start3A_382] : memref<8032xi32, #tpu.memory_space<vmem>> -> memref<8000xi32, #tpu.memory_space<vmem>>
    %dma_start3A_384 = tpu.memref_slice %arg2[%add3A_378] : memref<6400000xi32, #tpu.memory_space<hbm>> -> memref<8000xi32, #tpu.memory_space<hbm>>
    tpu.enqueue_dma source(%dma_start3A_384 : memref<8000xi32, #tpu.memory_space<hbm>>) target(%dma_start3A_383 : memref<8000xi32, #tpu.memory_space<vmem>>) target_semaphore(%arg11 : memref<!tpu.dma_semaphore, #tpu.memory_space<semaphore_mem>>)
    %dma_wait3A_385 = arith.constant 16 : i32
    %dma_wait3A_386 = tpu.memref_slice %arg6[%dma_wait3A_385] : memref<8032xi32, #tpu.memory_space<vmem>> -> memref<8000xi32, #tpu.memory_space<vmem>>
    %dma_wait3A_387 = tpu.memref_slice %arg2[%add3A_361] : memref<6400000xi32, #tpu.memory_space<hbm>> -> memref<8000xi32, #tpu.memory_space<hbm>>
    %dma_wait3A_388 = arith.constant 16 : i32
    %dma_wait3A_389 = tpu.memref_slice %arg6[%dma_wait3A_388] : memref<8032xi32, #tpu.memory_space<vmem>> -> memref<8000xi32, #tpu.memory_space<vmem>>
    %dma_wait3A_390 = tpu.memref_slice %arg2[%add3A_361] : memref<6400000xi32, #tpu.memory_space<hbm>> -> memref<8000xi32, #tpu.memory_space<hbm>>
    tpu.wait_dma2 semaphore(%arg12 : memref<!tpu.dma_semaphore, #tpu.memory_space<semaphore_mem>>) src(%dma_wait3A_390 : memref<8000xi32, #tpu.memory_space<hbm>>) dst(%dma_wait3A_389 : memref<8000xi32, #tpu.memory_space<vmem>>)
    %parallel_loop3A_391 = arith.constant 0 : i32
    %parallel_loop3A_392 = arith.constant 500 : i32
    %parallel_loop3A_393 = arith.constant 1 : i32
    scf.for %parallel_loop3A_485 = %parallel_loop3A_391 to %parallel_loop3A_392 step %parallel_loop3A_393  : i32 {
      %parallel_loop3A_486 = arith.constant 16 : i32
      %parallel_loop3A_487 = arith.muli %parallel_loop3A_485, %parallel_loop3A_486 : i32
      %parallel_loop3A_488 = arith.constant 16 : i32
      %parallel_loop3A_489 = arith.addi %parallel_loop3A_487, %parallel_loop3A_488 : i32
      %parallel_loop3A_490 = arith.index_cast %parallel_loop3A_489 : i32 to index
      %parallel_loop3A_491 = tpu.vector_load %arg6[%parallel_loop3A_490] {strides = array<i32>} : memref<8032xi32, #tpu.memory_space<vmem>>, vector<16xi32>,
      %parallel_loop3A_492 = arith.constant 1 : i32
      %parallel_loop3A_493 = arith.subi %parallel_loop3A_489, %parallel_loop3A_492 : i32
      %parallel_loop3A_494 = arith.index_cast %parallel_loop3A_493 : i32 to index
      %parallel_loop3A_495 = tpu.vector_load %arg6[%parallel_loop3A_494] {strides = array<i32>} : memref<8032xi32, #tpu.memory_space<vmem>>, vector<16xi32>,
      %parallel_loop3A_496 = arith.constant 1 : i32
      %parallel_loop3A_497 = arith.addi %parallel_loop3A_489, %parallel_loop3A_496 : i32
      %parallel_loop3A_498 = arith.index_cast %parallel_loop3A_497 : i32 to index
      %parallel_loop3A_499 = tpu.vector_load %arg6[%parallel_loop3A_498] {strides = array<i32>} : memref<8032xi32, #tpu.memory_space<vmem>>, vector<16xi32>,
      %parallel_loop3A_500 = arith.cmpi ne, %parallel_loop3A_491, %parallel_loop3A_495 : vector<16xi32>
      %parallel_loop3A_501 = arith.ori %parallel_loop3A_500, %eq3A_51 : vector<16xi1>
      %parallel_loop3A_502 = arith.cmpi ne, %parallel_loop3A_491, %parallel_loop3A_499 : vector<16xi32>
      %parallel_loop3A_503 = arith.ori %parallel_loop3A_502, %eq3A_54 : vector<16xi1>
      %parallel_loop3A_504 = tpu.scan <max>, %iota3A masked %parallel_loop3A_501 : vector<16xi32>, vector<16xi1> -> vector<16xi32>
      %parallel_loop3A_505 = arith.subi %iota3A, %parallel_loop3A_504 : vector<16xi32>
      %parallel_loop3A_506 = arith.constant 1 : i32
      %parallel_loop3A_507 = vector.broadcast %parallel_loop3A_506 : i32 to vector<16xi32>
      %parallel_loop3A_508 = arith.addi %parallel_loop3A_505, %parallel_loop3A_507 : vector<16xi32>
      %parallel_loop3A_509 = arith.constant 4 : i32
      %parallel_loop3A_510 = vector.broadcast %parallel_loop3A_509 : i32 to vector<16xi32>
      %parallel_loop3A_511 = arith.shrsi %parallel_loop3A_491, %parallel_loop3A_510 : vector<16xi32>
      %parallel_loop3A_512 = arith.constant 15 : i32
      %parallel_loop3A_513 = vector.broadcast %parallel_loop3A_512 : i32 to vector<16xi32>
      %parallel_loop3A_514 = arith.andi %parallel_loop3A_491, %parallel_loop3A_513 : vector<16xi32>
      tpu.vector_store_idx %arg4[%parallel_loop3A_511, %parallel_loop3A_514], %parallel_loop3A_508 masked %parallel_loop3A_503 {add = true} : memref<6656x16xi32, #tpu.memory_space<vmem>>[vector<16xi32>, vector<16xi32>], vector<16xi32>, vector<16xi1>
    } {sc.loop_unroll_factor = 8 : i64, sc.parallel_access}
    %add3A_394 = arith.constant 168000 : i32
    %add3A_395 = arith.addi %mul3A_2, %add3A_394 : i32
    %dma_start3A_396 = arith.constant 16 : i32
    %dma_start3A_397 = tpu.memref_slice %arg6[%dma_start3A_396] : memref<8032xi32, #tpu.memory_space<vmem>> -> memref<8000xi32, #tpu.memory_space<vmem>>
    %dma_start3A_398 = tpu.memref_slice %arg2[%add3A_395] : memref<6400000xi32, #tpu.memory_space<hbm>> -> memref<8000xi32, #tpu.memory_space<hbm>>
    %dma_start3A_399 = arith.constant 16 : i32
    %dma_start3A_400 = tpu.memref_slice %arg6[%dma_start3A_399] : memref<8032xi32, #tpu.memory_space<vmem>> -> memref<8000xi32, #tpu.memory_space<vmem>>
    %dma_start3A_401 = tpu.memref_slice %arg2[%add3A_395] : memref<6400000xi32, #tpu.memory_space<hbm>> -> memref<8000xi32, #tpu.memory_space<hbm>>
    tpu.enqueue_dma source(%dma_start3A_401 : memref<8000xi32, #tpu.memory_space<hbm>>) target(%dma_start3A_400 : memref<8000xi32, #tpu.memory_space<vmem>>) target_semaphore(%arg12 : memref<!tpu.dma_semaphore, #tpu.memory_space<semaphore_mem>>)
    %dma_wait3A_402 = arith.constant 16 : i32
    %dma_wait3A_403 = tpu.memref_slice %arg5[%dma_wait3A_402] : memref<8032xi32, #tpu.memory_space<vmem>> -> memref<8000xi32, #tpu.memory_space<vmem>>
    %dma_wait3A_404 = tpu.memref_slice %arg2[%add3A_378] : memref<6400000xi32, #tpu.memory_space<hbm>> -> memref<8000xi32, #tpu.memory_space<hbm>>
    %dma_wait3A_405 = arith.constant 16 : i32
    %dma_wait3A_406 = tpu.memref_slice %arg5[%dma_wait3A_405] : memref<8032xi32, #tpu.memory_space<vmem>> -> memref<8000xi32, #tpu.memory_space<vmem>>
    %dma_wait3A_407 = tpu.memref_slice %arg2[%add3A_378] : memref<6400000xi32, #tpu.memory_space<hbm>> -> memref<8000xi32, #tpu.memory_space<hbm>>
    tpu.wait_dma2 semaphore(%arg11 : memref<!tpu.dma_semaphore, #tpu.memory_space<semaphore_mem>>) src(%dma_wait3A_407 : memref<8000xi32, #tpu.memory_space<hbm>>) dst(%dma_wait3A_406 : memref<8000xi32, #tpu.memory_space<vmem>>)
    %parallel_loop3A_408 = arith.constant 0 : i32
    %parallel_loop3A_409 = arith.constant 500 : i32
    %parallel_loop3A_410 = arith.constant 1 : i32
    scf.for %parallel_loop3A_485 = %parallel_loop3A_408 to %parallel_loop3A_409 step %parallel_loop3A_410  : i32 {
      %parallel_loop3A_486 = arith.constant 16 : i32
      %parallel_loop3A_487 = arith.muli %parallel_loop3A_485, %parallel_loop3A_486 : i32
      %parallel_loop3A_488 = arith.constant 16 : i32
      %parallel_loop3A_489 = arith.addi %parallel_loop3A_487, %parallel_loop3A_488 : i32
      %parallel_loop3A_490 = arith.index_cast %parallel_loop3A_489 : i32 to index
      %parallel_loop3A_491 = tpu.vector_load %arg5[%parallel_loop3A_490] {strides = array<i32>} : memref<8032xi32, #tpu.memory_space<vmem>>, vector<16xi32>,
      %parallel_loop3A_492 = arith.constant 1 : i32
      %parallel_loop3A_493 = arith.subi %parallel_loop3A_489, %parallel_loop3A_492 : i32
      %parallel_loop3A_494 = arith.index_cast %parallel_loop3A_493 : i32 to index
      %parallel_loop3A_495 = tpu.vector_load %arg5[%parallel_loop3A_494] {strides = array<i32>} : memref<8032xi32, #tpu.memory_space<vmem>>, vector<16xi32>,
      %parallel_loop3A_496 = arith.constant 1 : i32
      %parallel_loop3A_497 = arith.addi %parallel_loop3A_489, %parallel_loop3A_496 : i32
      %parallel_loop3A_498 = arith.index_cast %parallel_loop3A_497 : i32 to index
      %parallel_loop3A_499 = tpu.vector_load %arg5[%parallel_loop3A_498] {strides = array<i32>} : memref<8032xi32, #tpu.memory_space<vmem>>, vector<16xi32>,
      %parallel_loop3A_500 = arith.cmpi ne, %parallel_loop3A_491, %parallel_loop3A_495 : vector<16xi32>
      %parallel_loop3A_501 = arith.ori %parallel_loop3A_500, %eq3A_51 : vector<16xi1>
      %parallel_loop3A_502 = arith.cmpi ne, %parallel_loop3A_491, %parallel_loop3A_499 : vector<16xi32>
      %parallel_loop3A_503 = arith.ori %parallel_loop3A_502, %eq3A_54 : vector<16xi1>
      %parallel_loop3A_504 = tpu.scan <max>, %iota3A masked %parallel_loop3A_501 : vector<16xi32>, vector<16xi1> -> vector<16xi32>
      %parallel_loop3A_505 = arith.subi %iota3A, %parallel_loop3A_504 : vector<16xi32>
      %parallel_loop3A_506 = arith.constant 1 : i32
      %parallel_loop3A_507 = vector.broadcast %parallel_loop3A_506 : i32 to vector<16xi32>
      %parallel_loop3A_508 = arith.addi %parallel_loop3A_505, %parallel_loop3A_507 : vector<16xi32>
      %parallel_loop3A_509 = arith.constant 4 : i32
      %parallel_loop3A_510 = vector.broadcast %parallel_loop3A_509 : i32 to vector<16xi32>
      %parallel_loop3A_511 = arith.shrsi %parallel_loop3A_491, %parallel_loop3A_510 : vector<16xi32>
      %parallel_loop3A_512 = arith.constant 15 : i32
      %parallel_loop3A_513 = vector.broadcast %parallel_loop3A_512 : i32 to vector<16xi32>
      %parallel_loop3A_514 = arith.andi %parallel_loop3A_491, %parallel_loop3A_513 : vector<16xi32>
      tpu.vector_store_idx %arg4[%parallel_loop3A_511, %parallel_loop3A_514], %parallel_loop3A_508 masked %parallel_loop3A_503 {add = true} : memref<6656x16xi32, #tpu.memory_space<vmem>>[vector<16xi32>, vector<16xi32>], vector<16xi32>, vector<16xi1>
    } {sc.loop_unroll_factor = 8 : i64, sc.parallel_access}
    %add3A_411 = arith.constant 176000 : i32
    %add3A_412 = arith.addi %mul3A_2, %add3A_411 : i32
    %dma_start3A_413 = arith.constant 16 : i32
    %dma_start3A_414 = tpu.memref_slice %arg5[%dma_start3A_413] : memref<8032xi32, #tpu.memory_space<vmem>> -> memref<8000xi32, #tpu.memory_space<vmem>>
    %dma_start3A_415 = tpu.memref_slice %arg2[%add3A_412] : memref<6400000xi32, #tpu.memory_space<hbm>> -> memref<8000xi32, #tpu.memory_space<hbm>>
    %dma_start3A_416 = arith.constant 16 : i32
    %dma_start3A_417 = tpu.memref_slice %arg5[%dma_start3A_416] : memref<8032xi32, #tpu.memory_space<vmem>> -> memref<8000xi32, #tpu.memory_space<vmem>>
    %dma_start3A_418 = tpu.memref_slice %arg2[%add3A_412] : memref<6400000xi32, #tpu.memory_space<hbm>> -> memref<8000xi32, #tpu.memory_space<hbm>>
    tpu.enqueue_dma source(%dma_start3A_418 : memref<8000xi32, #tpu.memory_space<hbm>>) target(%dma_start3A_417 : memref<8000xi32, #tpu.memory_space<vmem>>) target_semaphore(%arg11 : memref<!tpu.dma_semaphore, #tpu.memory_space<semaphore_mem>>)
    %dma_wait3A_419 = arith.constant 16 : i32
    %dma_wait3A_420 = tpu.memref_slice %arg6[%dma_wait3A_419] : memref<8032xi32, #tpu.memory_space<vmem>> -> memref<8000xi32, #tpu.memory_space<vmem>>
    %dma_wait3A_421 = tpu.memref_slice %arg2[%add3A_395] : memref<6400000xi32, #tpu.memory_space<hbm>> -> memref<8000xi32, #tpu.memory_space<hbm>>
    %dma_wait3A_422 = arith.constant 16 : i32
    %dma_wait3A_423 = tpu.memref_slice %arg6[%dma_wait3A_422] : memref<8032xi32, #tpu.memory_space<vmem>> -> memref<8000xi32, #tpu.memory_space<vmem>>
    %dma_wait3A_424 = tpu.memref_slice %arg2[%add3A_395] : memref<6400000xi32, #tpu.memory_space<hbm>> -> memref<8000xi32, #tpu.memory_space<hbm>>
    tpu.wait_dma2 semaphore(%arg12 : memref<!tpu.dma_semaphore, #tpu.memory_space<semaphore_mem>>) src(%dma_wait3A_424 : memref<8000xi32, #tpu.memory_space<hbm>>) dst(%dma_wait3A_423 : memref<8000xi32, #tpu.memory_space<vmem>>)
    %parallel_loop3A_425 = arith.constant 0 : i32
    %parallel_loop3A_426 = arith.constant 500 : i32
    %parallel_loop3A_427 = arith.constant 1 : i32
    scf.for %parallel_loop3A_485 = %parallel_loop3A_425 to %parallel_loop3A_426 step %parallel_loop3A_427  : i32 {
      %parallel_loop3A_486 = arith.constant 16 : i32
      %parallel_loop3A_487 = arith.muli %parallel_loop3A_485, %parallel_loop3A_486 : i32
      %parallel_loop3A_488 = arith.constant 16 : i32
      %parallel_loop3A_489 = arith.addi %parallel_loop3A_487, %parallel_loop3A_488 : i32
      %parallel_loop3A_490 = arith.index_cast %parallel_loop3A_489 : i32 to index
      %parallel_loop3A_491 = tpu.vector_load %arg6[%parallel_loop3A_490] {strides = array<i32>} : memref<8032xi32, #tpu.memory_space<vmem>>, vector<16xi32>,
      %parallel_loop3A_492 = arith.constant 1 : i32
      %parallel_loop3A_493 = arith.subi %parallel_loop3A_489, %parallel_loop3A_492 : i32
      %parallel_loop3A_494 = arith.index_cast %parallel_loop3A_493 : i32 to index
      %parallel_loop3A_495 = tpu.vector_load %arg6[%parallel_loop3A_494] {strides = array<i32>} : memref<8032xi32, #tpu.memory_space<vmem>>, vector<16xi32>,
      %parallel_loop3A_496 = arith.constant 1 : i32
      %parallel_loop3A_497 = arith.addi %parallel_loop3A_489, %parallel_loop3A_496 : i32
      %parallel_loop3A_498 = arith.index_cast %parallel_loop3A_497 : i32 to index
      %parallel_loop3A_499 = tpu.vector_load %arg6[%parallel_loop3A_498] {strides = array<i32>} : memref<8032xi32, #tpu.memory_space<vmem>>, vector<16xi32>,
      %parallel_loop3A_500 = arith.cmpi ne, %parallel_loop3A_491, %parallel_loop3A_495 : vector<16xi32>
      %parallel_loop3A_501 = arith.ori %parallel_loop3A_500, %eq3A_51 : vector<16xi1>
      %parallel_loop3A_502 = arith.cmpi ne, %parallel_loop3A_491, %parallel_loop3A_499 : vector<16xi32>
      %parallel_loop3A_503 = arith.ori %parallel_loop3A_502, %eq3A_54 : vector<16xi1>
      %parallel_loop3A_504 = tpu.scan <max>, %iota3A masked %parallel_loop3A_501 : vector<16xi32>, vector<16xi1> -> vector<16xi32>
      %parallel_loop3A_505 = arith.subi %iota3A, %parallel_loop3A_504 : vector<16xi32>
      %parallel_loop3A_506 = arith.constant 1 : i32
      %parallel_loop3A_507 = vector.broadcast %parallel_loop3A_506 : i32 to vector<16xi32>
      %parallel_loop3A_508 = arith.addi %parallel_loop3A_505, %parallel_loop3A_507 : vector<16xi32>
      %parallel_loop3A_509 = arith.constant 4 : i32
      %parallel_loop3A_510 = vector.broadcast %parallel_loop3A_509 : i32 to vector<16xi32>
      %parallel_loop3A_511 = arith.shrsi %parallel_loop3A_491, %parallel_loop3A_510 : vector<16xi32>
      %parallel_loop3A_512 = arith.constant 15 : i32
      %parallel_loop3A_513 = vector.broadcast %parallel_loop3A_512 : i32 to vector<16xi32>
      %parallel_loop3A_514 = arith.andi %parallel_loop3A_491, %parallel_loop3A_513 : vector<16xi32>
      tpu.vector_store_idx %arg4[%parallel_loop3A_511, %parallel_loop3A_514], %parallel_loop3A_508 masked %parallel_loop3A_503 {add = true} : memref<6656x16xi32, #tpu.memory_space<vmem>>[vector<16xi32>, vector<16xi32>], vector<16xi32>, vector<16xi1>
    } {sc.loop_unroll_factor = 8 : i64, sc.parallel_access}
    %add3A_428 = arith.constant 184000 : i32
    %add3A_429 = arith.addi %mul3A_2, %add3A_428 : i32
    %dma_start3A_430 = arith.constant 16 : i32
    %dma_start3A_431 = tpu.memref_slice %arg6[%dma_start3A_430] : memref<8032xi32, #tpu.memory_space<vmem>> -> memref<8000xi32, #tpu.memory_space<vmem>>
    %dma_start3A_432 = tpu.memref_slice %arg2[%add3A_429] : memref<6400000xi32, #tpu.memory_space<hbm>> -> memref<8000xi32, #tpu.memory_space<hbm>>
    %dma_start3A_433 = arith.constant 16 : i32
    %dma_start3A_434 = tpu.memref_slice %arg6[%dma_start3A_433] : memref<8032xi32, #tpu.memory_space<vmem>> -> memref<8000xi32, #tpu.memory_space<vmem>>
    %dma_start3A_435 = tpu.memref_slice %arg2[%add3A_429] : memref<6400000xi32, #tpu.memory_space<hbm>> -> memref<8000xi32, #tpu.memory_space<hbm>>
    tpu.enqueue_dma source(%dma_start3A_435 : memref<8000xi32, #tpu.memory_space<hbm>>) target(%dma_start3A_434 : memref<8000xi32, #tpu.memory_space<vmem>>) target_semaphore(%arg12 : memref<!tpu.dma_semaphore, #tpu.memory_space<semaphore_mem>>)
    %dma_wait3A_436 = arith.constant 16 : i32
    %dma_wait3A_437 = tpu.memref_slice %arg5[%dma_wait3A_436] : memref<8032xi32, #tpu.memory_space<vmem>> -> memref<8000xi32, #tpu.memory_space<vmem>>
    %dma_wait3A_438 = tpu.memref_slice %arg2[%add3A_412] : memref<6400000xi32, #tpu.memory_space<hbm>> -> memref<8000xi32, #tpu.memory_space<hbm>>
    %dma_wait3A_439 = arith.constant 16 : i32
    %dma_wait3A_440 = tpu.memref_slice %arg5[%dma_wait3A_439] : memref<8032xi32, #tpu.memory_space<vmem>> -> memref<8000xi32, #tpu.memory_space<vmem>>
    %dma_wait3A_441 = tpu.memref_slice %arg2[%add3A_412] : memref<6400000xi32, #tpu.memory_space<hbm>> -> memref<8000xi32, #tpu.memory_space<hbm>>
    tpu.wait_dma2 semaphore(%arg11 : memref<!tpu.dma_semaphore, #tpu.memory_space<semaphore_mem>>) src(%dma_wait3A_441 : memref<8000xi32, #tpu.memory_space<hbm>>) dst(%dma_wait3A_440 : memref<8000xi32, #tpu.memory_space<vmem>>)
    %parallel_loop3A_442 = arith.constant 0 : i32
    %parallel_loop3A_443 = arith.constant 500 : i32
    %parallel_loop3A_444 = arith.constant 1 : i32
    scf.for %parallel_loop3A_485 = %parallel_loop3A_442 to %parallel_loop3A_443 step %parallel_loop3A_444  : i32 {
      %parallel_loop3A_486 = arith.constant 16 : i32
      %parallel_loop3A_487 = arith.muli %parallel_loop3A_485, %parallel_loop3A_486 : i32
      %parallel_loop3A_488 = arith.constant 16 : i32
      %parallel_loop3A_489 = arith.addi %parallel_loop3A_487, %parallel_loop3A_488 : i32
      %parallel_loop3A_490 = arith.index_cast %parallel_loop3A_489 : i32 to index
      %parallel_loop3A_491 = tpu.vector_load %arg5[%parallel_loop3A_490] {strides = array<i32>} : memref<8032xi32, #tpu.memory_space<vmem>>, vector<16xi32>,
      %parallel_loop3A_492 = arith.constant 1 : i32
      %parallel_loop3A_493 = arith.subi %parallel_loop3A_489, %parallel_loop3A_492 : i32
      %parallel_loop3A_494 = arith.index_cast %parallel_loop3A_493 : i32 to index
      %parallel_loop3A_495 = tpu.vector_load %arg5[%parallel_loop3A_494] {strides = array<i32>} : memref<8032xi32, #tpu.memory_space<vmem>>, vector<16xi32>,
      %parallel_loop3A_496 = arith.constant 1 : i32
      %parallel_loop3A_497 = arith.addi %parallel_loop3A_489, %parallel_loop3A_496 : i32
      %parallel_loop3A_498 = arith.index_cast %parallel_loop3A_497 : i32 to index
      %parallel_loop3A_499 = tpu.vector_load %arg5[%parallel_loop3A_498] {strides = array<i32>} : memref<8032xi32, #tpu.memory_space<vmem>>, vector<16xi32>,
      %parallel_loop3A_500 = arith.cmpi ne, %parallel_loop3A_491, %parallel_loop3A_495 : vector<16xi32>
      %parallel_loop3A_501 = arith.ori %parallel_loop3A_500, %eq3A_51 : vector<16xi1>
      %parallel_loop3A_502 = arith.cmpi ne, %parallel_loop3A_491, %parallel_loop3A_499 : vector<16xi32>
      %parallel_loop3A_503 = arith.ori %parallel_loop3A_502, %eq3A_54 : vector<16xi1>
      %parallel_loop3A_504 = tpu.scan <max>, %iota3A masked %parallel_loop3A_501 : vector<16xi32>, vector<16xi1> -> vector<16xi32>
      %parallel_loop3A_505 = arith.subi %iota3A, %parallel_loop3A_504 : vector<16xi32>
      %parallel_loop3A_506 = arith.constant 1 : i32
      %parallel_loop3A_507 = vector.broadcast %parallel_loop3A_506 : i32 to vector<16xi32>
      %parallel_loop3A_508 = arith.addi %parallel_loop3A_505, %parallel_loop3A_507 : vector<16xi32>
      %parallel_loop3A_509 = arith.constant 4 : i32
      %parallel_loop3A_510 = vector.broadcast %parallel_loop3A_509 : i32 to vector<16xi32>
      %parallel_loop3A_511 = arith.shrsi %parallel_loop3A_491, %parallel_loop3A_510 : vector<16xi32>
      %parallel_loop3A_512 = arith.constant 15 : i32
      %parallel_loop3A_513 = vector.broadcast %parallel_loop3A_512 : i32 to vector<16xi32>
      %parallel_loop3A_514 = arith.andi %parallel_loop3A_491, %parallel_loop3A_513 : vector<16xi32>
      tpu.vector_store_idx %arg4[%parallel_loop3A_511, %parallel_loop3A_514], %parallel_loop3A_508 masked %parallel_loop3A_503 {add = true} : memref<6656x16xi32, #tpu.memory_space<vmem>>[vector<16xi32>, vector<16xi32>], vector<16xi32>, vector<16xi1>
    } {sc.loop_unroll_factor = 8 : i64, sc.parallel_access}
    %add3A_445 = arith.constant 192000 : i32
    %add3A_446 = arith.addi %mul3A_2, %add3A_445 : i32
    %dma_start3A_447 = arith.constant 16 : i32
    %dma_start3A_448 = tpu.memref_slice %arg5[%dma_start3A_447] : memref<8032xi32, #tpu.memory_space<vmem>> -> memref<8000xi32, #tpu.memory_space<vmem>>
    %dma_start3A_449 = tpu.memref_slice %arg2[%add3A_446] : memref<6400000xi32, #tpu.memory_space<hbm>> -> memref<8000xi32, #tpu.memory_space<hbm>>
    %dma_start3A_450 = arith.constant 16 : i32
    %dma_start3A_451 = tpu.memref_slice %arg5[%dma_start3A_450] : memref<8032xi32, #tpu.memory_space<vmem>> -> memref<8000xi32, #tpu.memory_space<vmem>>
    %dma_start3A_452 = tpu.memref_slice %arg2[%add3A_446] : memref<6400000xi32, #tpu.memory_space<hbm>> -> memref<8000xi32, #tpu.memory_space<hbm>>
    tpu.enqueue_dma source(%dma_start3A_452 : memref<8000xi32, #tpu.memory_space<hbm>>) target(%dma_start3A_451 : memref<8000xi32, #tpu.memory_space<vmem>>) target_semaphore(%arg11 : memref<!tpu.dma_semaphore, #tpu.memory_space<semaphore_mem>>)
    %dma_wait3A_453 = arith.constant 16 : i32
    %dma_wait3A_454 = tpu.memref_slice %arg6[%dma_wait3A_453] : memref<8032xi32, #tpu.memory_space<vmem>> -> memref<8000xi32, #tpu.memory_space<vmem>>
    %dma_wait3A_455 = tpu.memref_slice %arg2[%add3A_429] : memref<6400000xi32, #tpu.memory_space<hbm>> -> memref<8000xi32, #tpu.memory_space<hbm>>
    %dma_wait3A_456 = arith.constant 16 : i32
    %dma_wait3A_457 = tpu.memref_slice %arg6[%dma_wait3A_456] : memref<8032xi32, #tpu.memory_space<vmem>> -> memref<8000xi32, #tpu.memory_space<vmem>>
    %dma_wait3A_458 = tpu.memref_slice %arg2[%add3A_429] : memref<6400000xi32, #tpu.memory_space<hbm>> -> memref<8000xi32, #tpu.memory_space<hbm>>
    tpu.wait_dma2 semaphore(%arg12 : memref<!tpu.dma_semaphore, #tpu.memory_space<semaphore_mem>>) src(%dma_wait3A_458 : memref<8000xi32, #tpu.memory_space<hbm>>) dst(%dma_wait3A_457 : memref<8000xi32, #tpu.memory_space<vmem>>)
    %parallel_loop3A_459 = arith.constant 0 : i32
    %parallel_loop3A_460 = arith.constant 500 : i32
    %parallel_loop3A_461 = arith.constant 1 : i32
    scf.for %parallel_loop3A_485 = %parallel_loop3A_459 to %parallel_loop3A_460 step %parallel_loop3A_461  : i32 {
      %parallel_loop3A_486 = arith.constant 16 : i32
      %parallel_loop3A_487 = arith.muli %parallel_loop3A_485, %parallel_loop3A_486 : i32
      %parallel_loop3A_488 = arith.constant 16 : i32
      %parallel_loop3A_489 = arith.addi %parallel_loop3A_487, %parallel_loop3A_488 : i32
      %parallel_loop3A_490 = arith.index_cast %parallel_loop3A_489 : i32 to index
      %parallel_loop3A_491 = tpu.vector_load %arg6[%parallel_loop3A_490] {strides = array<i32>} : memref<8032xi32, #tpu.memory_space<vmem>>, vector<16xi32>,
      %parallel_loop3A_492 = arith.constant 1 : i32
      %parallel_loop3A_493 = arith.subi %parallel_loop3A_489, %parallel_loop3A_492 : i32
      %parallel_loop3A_494 = arith.index_cast %parallel_loop3A_493 : i32 to index
      %parallel_loop3A_495 = tpu.vector_load %arg6[%parallel_loop3A_494] {strides = array<i32>} : memref<8032xi32, #tpu.memory_space<vmem>>, vector<16xi32>,
      %parallel_loop3A_496 = arith.constant 1 : i32
      %parallel_loop3A_497 = arith.addi %parallel_loop3A_489, %parallel_loop3A_496 : i32
      %parallel_loop3A_498 = arith.index_cast %parallel_loop3A_497 : i32 to index
      %parallel_loop3A_499 = tpu.vector_load %arg6[%parallel_loop3A_498] {strides = array<i32>} : memref<8032xi32, #tpu.memory_space<vmem>>, vector<16xi32>,
      %parallel_loop3A_500 = arith.cmpi ne, %parallel_loop3A_491, %parallel_loop3A_495 : vector<16xi32>
      %parallel_loop3A_501 = arith.ori %parallel_loop3A_500, %eq3A_51 : vector<16xi1>
      %parallel_loop3A_502 = arith.cmpi ne, %parallel_loop3A_491, %parallel_loop3A_499 : vector<16xi32>
      %parallel_loop3A_503 = arith.ori %parallel_loop3A_502, %eq3A_54 : vector<16xi1>
      %parallel_loop3A_504 = tpu.scan <max>, %iota3A masked %parallel_loop3A_501 : vector<16xi32>, vector<16xi1> -> vector<16xi32>
      %parallel_loop3A_505 = arith.subi %iota3A, %parallel_loop3A_504 : vector<16xi32>
      %parallel_loop3A_506 = arith.constant 1 : i32
      %parallel_loop3A_507 = vector.broadcast %parallel_loop3A_506 : i32 to vector<16xi32>
      %parallel_loop3A_508 = arith.addi %parallel_loop3A_505, %parallel_loop3A_507 : vector<16xi32>
      %parallel_loop3A_509 = arith.constant 4 : i32
      %parallel_loop3A_510 = vector.broadcast %parallel_loop3A_509 : i32 to vector<16xi32>
      %parallel_loop3A_511 = arith.shrsi %parallel_loop3A_491, %parallel_loop3A_510 : vector<16xi32>
      %parallel_loop3A_512 = arith.constant 15 : i32
      %parallel_loop3A_513 = vector.broadcast %parallel_loop3A_512 : i32 to vector<16xi32>
      %parallel_loop3A_514 = arith.andi %parallel_loop3A_491, %parallel_loop3A_513 : vector<16xi32>
      tpu.vector_store_idx %arg4[%parallel_loop3A_511, %parallel_loop3A_514], %parallel_loop3A_508 masked %parallel_loop3A_503 {add = true} : memref<6656x16xi32, #tpu.memory_space<vmem>>[vector<16xi32>, vector<16xi32>], vector<16xi32>, vector<16xi1>
    } {sc.loop_unroll_factor = 8 : i64, sc.parallel_access}
    %dma_wait3A_462 = arith.constant 16 : i32
    %dma_wait3A_463 = tpu.memref_slice %arg5[%dma_wait3A_462] : memref<8032xi32, #tpu.memory_space<vmem>> -> memref<8000xi32, #tpu.memory_space<vmem>>
    %dma_wait3A_464 = tpu.memref_slice %arg2[%add3A_446] : memref<6400000xi32, #tpu.memory_space<hbm>> -> memref<8000xi32, #tpu.memory_space<hbm>>
    %dma_wait3A_465 = arith.constant 16 : i32
    %dma_wait3A_466 = tpu.memref_slice %arg5[%dma_wait3A_465] : memref<8032xi32, #tpu.memory_space<vmem>> -> memref<8000xi32, #tpu.memory_space<vmem>>
    %dma_wait3A_467 = tpu.memref_slice %arg2[%add3A_446] : memref<6400000xi32, #tpu.memory_space<hbm>> -> memref<8000xi32, #tpu.memory_space<hbm>>
    tpu.wait_dma2 semaphore(%arg11 : memref<!tpu.dma_semaphore, #tpu.memory_space<semaphore_mem>>) src(%dma_wait3A_467 : memref<8000xi32, #tpu.memory_space<hbm>>) dst(%dma_wait3A_466 : memref<8000xi32, #tpu.memory_space<vmem>>)
    %parallel_loop3A_468 = arith.constant 0 : i32
    %parallel_loop3A_469 = arith.constant 500 : i32
    %parallel_loop3A_470 = arith.constant 1 : i32
    scf.for %parallel_loop3A_485 = %parallel_loop3A_468 to %parallel_loop3A_469 step %parallel_loop3A_470  : i32 {
      %parallel_loop3A_486 = arith.constant 16 : i32
      %parallel_loop3A_487 = arith.muli %parallel_loop3A_485, %parallel_loop3A_486 : i32
      %parallel_loop3A_488 = arith.constant 16 : i32
      %parallel_loop3A_489 = arith.addi %parallel_loop3A_487, %parallel_loop3A_488 : i32
      %parallel_loop3A_490 = arith.index_cast %parallel_loop3A_489 : i32 to index
      %parallel_loop3A_491 = tpu.vector_load %arg5[%parallel_loop3A_490] {strides = array<i32>} : memref<8032xi32, #tpu.memory_space<vmem>>, vector<16xi32>,
      %parallel_loop3A_492 = arith.constant 1 : i32
      %parallel_loop3A_493 = arith.subi %parallel_loop3A_489, %parallel_loop3A_492 : i32
      %parallel_loop3A_494 = arith.index_cast %parallel_loop3A_493 : i32 to index
      %parallel_loop3A_495 = tpu.vector_load %arg5[%parallel_loop3A_494] {strides = array<i32>} : memref<8032xi32, #tpu.memory_space<vmem>>, vector<16xi32>,
      %parallel_loop3A_496 = arith.constant 1 : i32
      %parallel_loop3A_497 = arith.addi %parallel_loop3A_489, %parallel_loop3A_496 : i32
      %parallel_loop3A_498 = arith.index_cast %parallel_loop3A_497 : i32 to index
      %parallel_loop3A_499 = tpu.vector_load %arg5[%parallel_loop3A_498] {strides = array<i32>} : memref<8032xi32, #tpu.memory_space<vmem>>, vector<16xi32>,
      %parallel_loop3A_500 = arith.cmpi ne, %parallel_loop3A_491, %parallel_loop3A_495 : vector<16xi32>
      %parallel_loop3A_501 = arith.ori %parallel_loop3A_500, %eq3A_51 : vector<16xi1>
      %parallel_loop3A_502 = arith.cmpi ne, %parallel_loop3A_491, %parallel_loop3A_499 : vector<16xi32>
      %parallel_loop3A_503 = arith.ori %parallel_loop3A_502, %eq3A_54 : vector<16xi1>
      %parallel_loop3A_504 = tpu.scan <max>, %iota3A masked %parallel_loop3A_501 : vector<16xi32>, vector<16xi1> -> vector<16xi32>
      %parallel_loop3A_505 = arith.subi %iota3A, %parallel_loop3A_504 : vector<16xi32>
      %parallel_loop3A_506 = arith.constant 1 : i32
      %parallel_loop3A_507 = vector.broadcast %parallel_loop3A_506 : i32 to vector<16xi32>
      %parallel_loop3A_508 = arith.addi %parallel_loop3A_505, %parallel_loop3A_507 : vector<16xi32>
      %parallel_loop3A_509 = arith.constant 4 : i32
      %parallel_loop3A_510 = vector.broadcast %parallel_loop3A_509 : i32 to vector<16xi32>
      %parallel_loop3A_511 = arith.shrsi %parallel_loop3A_491, %parallel_loop3A_510 : vector<16xi32>
      %parallel_loop3A_512 = arith.constant 15 : i32
      %parallel_loop3A_513 = vector.broadcast %parallel_loop3A_512 : i32 to vector<16xi32>
      %parallel_loop3A_514 = arith.andi %parallel_loop3A_491, %parallel_loop3A_513 : vector<16xi32>
      tpu.vector_store_idx %arg4[%parallel_loop3A_511, %parallel_loop3A_514], %parallel_loop3A_508 masked %parallel_loop3A_503 {add = true} : memref<6656x16xi32, #tpu.memory_space<vmem>>[vector<16xi32>, vector<16xi32>], vector<16xi32>, vector<16xi1>
    } {sc.loop_unroll_factor = 8 : i64, sc.parallel_access}
    %barrier3A = arith.constant 0 : index
    tpu.barrier barrier_id(%barrier3A)
    %while3A_471 = arith.constant 0 : i32
    %while3A_472 = arith.subi %add3A_32, %shift_right_arithmetic3A_28 : i32
    %while3A_473 = arith.addi %shift_right_arithmetic3A_28, %while3A_472 : i32
    %while3A_474 = arith.constant 1 : i32
    %while3A_475 = arith.divsi %while3A_472, %while3A_474 : i32
    %while3A_476 = arith.muli %while3A_475, %while3A_474 : i32
    %while3A_477 = arith.addi %shift_right_arithmetic3A_28, %while3A_476 : i32
    %while3A_478 = arith.constant 1 : i32
    scf.for %while3A_485 = %shift_right_arithmetic3A_28 to %while3A_477 step %while3A_478  : i32 {
      %mul3A_486 = arith.constant 64 : i32
      %mul3A_487 = arith.muli %while3A_485, %mul3A_486 : i32
      %add3A_488 = arith.constant 0 : i32
      %add3A_489 = arith.addi %mul3A_487, %add3A_488 : i32
      %add3A_490 = vector.broadcast %add3A_489 : i32 to vector<16xi32>
      %add3A_491 = arith.addi %add3A_490, %iota3A : vector<16xi32>
      %swap3A = arith.constant 0 : index
      %swap3A_492 = tpu.vector_load %arg7[%swap3A] {strides = array<i32>} : memref<64xi32, #tpu.memory_space<vmem>>, vector<16xi32>,
      tpu.vector_store %arg7[%swap3A], %add3A_491 {strides = array<i32>} : memref<64xi32, #tpu.memory_space<vmem>>, vector<16xi32>,
      %add3A_493 = arith.constant 16 : i32
      %add3A_494 = arith.addi %mul3A_487, %add3A_493 : i32
      %add3A_495 = vector.broadcast %add3A_494 : i32 to vector<16xi32>
      %add3A_496 = arith.addi %add3A_495, %iota3A : vector<16xi32>
      %swap3A_497 = arith.constant 16 : index
      %swap3A_498 = tpu.vector_load %arg7[%swap3A_497] {strides = array<i32>} : memref<64xi32, #tpu.memory_space<vmem>>, vector<16xi32>,
      tpu.vector_store %arg7[%swap3A_497], %add3A_496 {strides = array<i32>} : memref<64xi32, #tpu.memory_space<vmem>>, vector<16xi32>,
      %add3A_499 = arith.constant 32 : i32
      %add3A_500 = arith.addi %mul3A_487, %add3A_499 : i32
      %add3A_501 = vector.broadcast %add3A_500 : i32 to vector<16xi32>
      %add3A_502 = arith.addi %add3A_501, %iota3A : vector<16xi32>
      %swap3A_503 = arith.constant 32 : index
      %swap3A_504 = tpu.vector_load %arg7[%swap3A_503] {strides = array<i32>} : memref<64xi32, #tpu.memory_space<vmem>>, vector<16xi32>,
      tpu.vector_store %arg7[%swap3A_503], %add3A_502 {strides = array<i32>} : memref<64xi32, #tpu.memory_space<vmem>>, vector<16xi32>,
      %add3A_505 = arith.constant 48 : i32
      %add3A_506 = arith.addi %mul3A_487, %add3A_505 : i32
      %add3A_507 = vector.broadcast %add3A_506 : i32 to vector<16xi32>
      %add3A_508 = arith.addi %add3A_507, %iota3A : vector<16xi32>
      %swap3A_509 = arith.constant 48 : index
      %swap3A_510 = tpu.vector_load %arg7[%swap3A_509] {strides = array<i32>} : memref<64xi32, #tpu.memory_space<vmem>>, vector<16xi32>,
      tpu.vector_store %arg7[%swap3A_509], %add3A_508 {strides = array<i32>} : memref<64xi32, #tpu.memory_space<vmem>>, vector<16xi32>,
      "tpu.region"() ({
        %run_scoped3A = tpu.sem_alloc : memref<!tpu.dma_semaphore, #tpu.memory_space<semaphore_mem>>
        %dma_start3A_511 = arith.constant 0 : i32
        %dma_start3A_512 = tpu.memref_slice %arg4[%mul3A_487, %dma_start3A_511] : memref<6656x16xi32, #tpu.memory_space<vmem>> -> memref<64x16xi32, #tpu.memory_space<vmem>>
        %dma_start3A_513 = arith.constant 0 : i32
        %dma_start3A_514 = arith.constant 0 : i32
        %dma_start3A_515 = tpu.memref_slice %arg10[%dma_start3A_513, %dma_start3A_514] : memref<6656x16xi32, #tpu.memory_space<vmem_shared>> -> memref<6656x16xi32, #tpu.memory_space<vmem_shared>>
        tpu.enqueue_indirect_dma source(%dma_start3A_512 : memref<64x16xi32, #tpu.memory_space<vmem>>) target(%dma_start3A_515 : memref<6656x16xi32, #tpu.memory_space<vmem_shared>>) offsets(%arg7 : memref<64xi32, #tpu.memory_space<vmem>>) semaphore(%run_scoped3A : memref<!tpu.dma_semaphore, #tpu.memory_space<semaphore_mem>>) {add = true}
        %dma_wait3A_516 = arith.constant 0 : i32
        %dma_wait3A_517 = tpu.memref_slice %arg4[%mul3A_487, %dma_wait3A_516] : memref<6656x16xi32, #tpu.memory_space<vmem>> -> memref<64x16xi32, #tpu.memory_space<vmem>>
        %dma_wait3A_518 = arith.constant 0 : i32
        %dma_wait3A_519 = arith.constant 0 : i32
        %dma_wait3A_520 = tpu.memref_slice %arg10[%dma_wait3A_518, %dma_wait3A_519] : memref<6656x16xi32, #tpu.memory_space<vmem_shared>> -> memref<6656x16xi32, #tpu.memory_space<vmem_shared>>
        tpu.wait_indirect_dma semaphore(%run_scoped3A : memref<!tpu.dma_semaphore, #tpu.memory_space<semaphore_mem>>) src(%dma_wait3A_517 : memref<64x16xi32, #tpu.memory_space<vmem>>) dst(%dma_wait3A_520 : memref<6656x16xi32, #tpu.memory_space<vmem_shared>>)
        tpu.yield
      }) : () -> ()
    }
    %while3A_479 = arith.constant 1 : i32
    scf.for %while3A_485 = %while3A_477 to %while3A_473 step %while3A_479  : i32 {
      %mul3A_486 = arith.constant 64 : i32
      %mul3A_487 = arith.muli %while3A_485, %mul3A_486 : i32
      %add3A_488 = arith.constant 0 : i32
      %add3A_489 = arith.addi %mul3A_487, %add3A_488 : i32
      %add3A_490 = vector.broadcast %add3A_489 : i32 to vector<16xi32>
      %add3A_491 = arith.addi %add3A_490, %iota3A : vector<16xi32>
      %swap3A = arith.constant 0 : index
      %swap3A_492 = tpu.vector_load %arg7[%swap3A] {strides = array<i32>} : memref<64xi32, #tpu.memory_space<vmem>>, vector<16xi32>,
      tpu.vector_store %arg7[%swap3A], %add3A_491 {strides = array<i32>} : memref<64xi32, #tpu.memory_space<vmem>>, vector<16xi32>,
      %add3A_493 = arith.constant 16 : i32
      %add3A_494 = arith.addi %mul3A_487, %add3A_493 : i32
      %add3A_495 = vector.broadcast %add3A_494 : i32 to vector<16xi32>
      %add3A_496 = arith.addi %add3A_495, %iota3A : vector<16xi32>
      %swap3A_497 = arith.constant 16 : index
      %swap3A_498 = tpu.vector_load %arg7[%swap3A_497] {strides = array<i32>} : memref<64xi32, #tpu.memory_space<vmem>>, vector<16xi32>,
      tpu.vector_store %arg7[%swap3A_497], %add3A_496 {strides = array<i32>} : memref<64xi32, #tpu.memory_space<vmem>>, vector<16xi32>,
      %add3A_499 = arith.constant 32 : i32
      %add3A_500 = arith.addi %mul3A_487, %add3A_499 : i32
      %add3A_501 = vector.broadcast %add3A_500 : i32 to vector<16xi32>
      %add3A_502 = arith.addi %add3A_501, %iota3A : vector<16xi32>
      %swap3A_503 = arith.constant 32 : index
      %swap3A_504 = tpu.vector_load %arg7[%swap3A_503] {strides = array<i32>} : memref<64xi32, #tpu.memory_space<vmem>>, vector<16xi32>,
      tpu.vector_store %arg7[%swap3A_503], %add3A_502 {strides = array<i32>} : memref<64xi32, #tpu.memory_space<vmem>>, vector<16xi32>,
      %add3A_505 = arith.constant 48 : i32
      %add3A_506 = arith.addi %mul3A_487, %add3A_505 : i32
      %add3A_507 = vector.broadcast %add3A_506 : i32 to vector<16xi32>
      %add3A_508 = arith.addi %add3A_507, %iota3A : vector<16xi32>
      %swap3A_509 = arith.constant 48 : index
      %swap3A_510 = tpu.vector_load %arg7[%swap3A_509] {strides = array<i32>} : memref<64xi32, #tpu.memory_space<vmem>>, vector<16xi32>,
      tpu.vector_store %arg7[%swap3A_509], %add3A_508 {strides = array<i32>} : memref<64xi32, #tpu.memory_space<vmem>>, vector<16xi32>,
      "tpu.region"() ({
        %run_scoped3A = tpu.sem_alloc : memref<!tpu.dma_semaphore, #tpu.memory_space<semaphore_mem>>
        %dma_start3A_511 = arith.constant 0 : i32
        %dma_start3A_512 = tpu.memref_slice %arg4[%mul3A_487, %dma_start3A_511] : memref<6656x16xi32, #tpu.memory_space<vmem>> -> memref<64x16xi32, #tpu.memory_space<vmem>>
        %dma_start3A_513 = arith.constant 0 : i32
        %dma_start3A_514 = arith.constant 0 : i32
        %dma_start3A_515 = tpu.memref_slice %arg10[%dma_start3A_513, %dma_start3A_514] : memref<6656x16xi32, #tpu.memory_space<vmem_shared>> -> memref<6656x16xi32, #tpu.memory_space<vmem_shared>>
        tpu.enqueue_indirect_dma source(%dma_start3A_512 : memref<64x16xi32, #tpu.memory_space<vmem>>) target(%dma_start3A_515 : memref<6656x16xi32, #tpu.memory_space<vmem_shared>>) offsets(%arg7 : memref<64xi32, #tpu.memory_space<vmem>>) semaphore(%run_scoped3A : memref<!tpu.dma_semaphore, #tpu.memory_space<semaphore_mem>>) {add = true}
        %dma_wait3A_516 = arith.constant 0 : i32
        %dma_wait3A_517 = tpu.memref_slice %arg4[%mul3A_487, %dma_wait3A_516] : memref<6656x16xi32, #tpu.memory_space<vmem>> -> memref<64x16xi32, #tpu.memory_space<vmem>>
        %dma_wait3A_518 = arith.constant 0 : i32
        %dma_wait3A_519 = arith.constant 0 : i32
        %dma_wait3A_520 = tpu.memref_slice %arg10[%dma_wait3A_518, %dma_wait3A_519] : memref<6656x16xi32, #tpu.memory_space<vmem_shared>> -> memref<6656x16xi32, #tpu.memory_space<vmem_shared>>
        tpu.wait_indirect_dma semaphore(%run_scoped3A : memref<!tpu.dma_semaphore, #tpu.memory_space<semaphore_mem>>) src(%dma_wait3A_517 : memref<64x16xi32, #tpu.memory_space<vmem>>) dst(%dma_wait3A_520 : memref<6656x16xi32, #tpu.memory_space<vmem_shared>>)
        tpu.yield
      }) : () -> ()
    }
    %barrier3A_480 = arith.constant 0 : index
    tpu.barrier barrier_id(%barrier3A_480)
    %mul3A_481 = arith.constant 416 : i32
    %mul3A_482 = arith.muli %arg1, %mul3A_481 : i32
    %mul3A_483 = arith.constant 416 : i32
    %mul3A_484 = arith.muli %arg1, %mul3A_483 : i32
    "tpu.region"() ({
      %run_scoped3A = tpu.sem_alloc : memref<!tpu.dma_semaphore, #tpu.memory_space<semaphore_mem>>
      %dma_start3A_485 = arith.constant 0 : i32
      %dma_start3A_486 = arith.constant 0 : i32
      %dma_start3A_487 = tpu.memref_slice %arg3[%arg0, %dma_start3A_485, %dma_start3A_486] : memref<2x6656x16xi32, #tpu.memory_space<hbm>> -> memref<1x6656x16xi32, #tpu.memory_space<hbm>>
      %dma_start3A_488 = tpu.memref_squeeze %dma_start3A_487 : memref<1x6656x16xi32, #tpu.memory_space<hbm>> -> memref<6656x16xi32, #tpu.memory_space<hbm>>
      %dma_start3A_489 = arith.constant 0 : i32
      %dma_start3A_490 = tpu.memref_slice %dma_start3A_488[%mul3A_484, %dma_start3A_489] : memref<6656x16xi32, #tpu.memory_space<hbm>> -> memref<416x16xi32, #tpu.memory_space<hbm>>
      %dma_start3A_491 = arith.constant 0 : i32
      %dma_start3A_492 = tpu.memref_slice %arg10[%mul3A_482, %dma_start3A_491] : memref<6656x16xi32, #tpu.memory_space<vmem_shared>> -> memref<416x16xi32, #tpu.memory_space<vmem_shared>>
      tpu.enqueue_dma source(%dma_start3A_492 : memref<416x16xi32, #tpu.memory_space<vmem_shared>>) target(%dma_start3A_490 : memref<416x16xi32, #tpu.memory_space<hbm>>) target_semaphore(%run_scoped3A : memref<!tpu.dma_semaphore, #tpu.memory_space<semaphore_mem>>)
      %dma_wait3A_493 = arith.constant 0 : i32
      %dma_wait3A_494 = arith.constant 0 : i32
      %dma_wait3A_495 = tpu.memref_slice %arg3[%arg0, %dma_wait3A_493, %dma_wait3A_494] : memref<2x6656x16xi32, #tpu.memory_space<hbm>> -> memref<1x6656x16xi32, #tpu.memory_space<hbm>>
      %dma_wait3A_496 = tpu.memref_squeeze %dma_wait3A_495 : memref<1x6656x16xi32, #tpu.memory_space<hbm>> -> memref<6656x16xi32, #tpu.memory_space<hbm>>
      %dma_wait3A_497 = arith.constant 0 : i32
      %dma_wait3A_498 = tpu.memref_slice %dma_wait3A_496[%mul3A_484, %dma_wait3A_497] : memref<6656x16xi32, #tpu.memory_space<hbm>> -> memref<416x16xi32, #tpu.memory_space<hbm>>
      %dma_wait3A_499 = arith.constant 0 : i32
      %dma_wait3A_500 = tpu.memref_slice %arg10[%mul3A_482, %dma_wait3A_499] : memref<6656x16xi32, #tpu.memory_space<vmem_shared>> -> memref<416x16xi32, #tpu.memory_space<vmem_shared>>
      tpu.wait_dma2 semaphore(%run_scoped3A : memref<!tpu.dma_semaphore, #tpu.memory_space<semaphore_mem>>) src(%dma_wait3A_500 : memref<416x16xi32, #tpu.memory_space<vmem_shared>>) dst(%dma_wait3A_498 : memref<416x16xi32, #tpu.memory_space<hbm>>)
      tpu.yield
    }) : () -> ()
    return
  }
}

module attributes {stable_mosaic.version = 14 : i64} {
  func.func @reduce_kernel(%arg0: memref<2x106496xi32, #tpu.memory_space<vmem>>, %arg1: memref<100000xi32, #tpu.memory_space<vmem>>) attributes {dimension_semantics = [], scalar_prefetch = 0 : i64, scratch_operands = 0 : i64, tpu.core_type = #tpu.core_type<tc>} {
    %get3A = arith.constant 0 : index
    %get3A_0 = arith.constant 0 : index
    %get3A_1 = vector.load %arg0[%get3A, %get3A_0] : memref<2x106496xi32, #tpu.memory_space<vmem>>, vector<1x100000xi32>
    %get3A_2 = vector.shape_cast %get3A_1 : vector<1x100000xi32> to vector<100000xi32>
    %get3A_3 = arith.constant 1 : index
    %get3A_4 = arith.constant 0 : index
    %get3A_5 = vector.load %arg0[%get3A_3, %get3A_4] : memref<2x106496xi32, #tpu.memory_space<vmem>>, vector<1x100000xi32>
    %get3A_6 = vector.shape_cast %get3A_5 : vector<1x100000xi32> to vector<100000xi32>
    %add3A = arith.addi %get3A_2, %get3A_6 : vector<100000xi32>
    %swap3A = arith.constant 0 : index
    %swap3A_7 = vector.load %arg1[%swap3A] : memref<100000xi32, #tpu.memory_space<vmem>>, vector<100000xi32>
    tpu.vector_store %arg1[%swap3A], %add3A {strides = array<i32>} : memref<100000xi32, #tpu.memory_space<vmem>>, vector<100000xi32>,
    return
  }
}

</mosaic_0001>

<sc_bundles>
// kernel: kernel.4.cloned.1.call-start
scs
__scs_entry_jumppad:
0x0: {  	(pc) =	sbr.rel $0x88, $3  }
0x1: {  	(tag) =	ssettag $0x0;
	lr =	simm.s32 $0x1  }
0x2: {  	[smem:$0x3FA0] =	sst lr;
	_ =	strace $0xD0000000  }
0x3: {  	_ = 	snop  }
0x4: {  	_ = 	snop  }
0x5: {  	_ = 	snop  }
0x6: {  	_ = 	snop  }
0x7: {  	_ = 	snop  }
__scs_overlays_trampoline_lowered:
0x8: {  	[smem:$0x3FAF] =	sst s0  }
0x9: {  	[smem:$0x3FB0] =	sst s1  }
0xa: {  	[smem:$0x3FB1] =	sst s2  }
0xb: {  	[smem:$0x3FB2] =	sst s3  }
0xc: {  	[smem:$0x3FB3] =	sst s4  }
0xd: {  	[smem:$0x3FB4] =	sst s5  }
0xe: {  	[smem:$0x3FB5] =	sst s6  }
0xf: {  	[smem:$0x3FB6] =	sst s7  }
0x10: {  	[smem:$0x3FB7] =	sst s8  }
0x11: {  	[smem:$0x3FB8] =	sst s9;
	s0 =	simm.s32 @!p0 $0x0  }
0x12: {  	s1 =	sld [smem:$0x3F9E];
	s0 =	simm.s32 @p0 $0x1  }
0x13: {  	[smem:$0x3FB9] =	sst s0;
	s0 =	simm.s32 @!p1 $0x0  }
0x14: {  	s2 =	sld [smem:$0x3F9D];
	s0 =	simm.s32 @p1 $0x1  }
0x15: {  	[smem:$0x3FBA] =	sst s0;
	s0 =	simm.s32 @!p2 $0x0  }
0x16: {  	s3 =	sld [smem:$0x3FDB];
	s0 =	simm.s32 @p2 $0x1  }
0x17: {  	s4 =	simm.s32 $0x1BF5;
	[smem:$0x3FBC] =	sst s0  }
0x18: {  	s0 =	sld [smem:$0x3F9F];
	_ =	swait.ge [sflag:s4], $0x0  }
0x19: {  	s7 =	sld [smem:$0x3FA0]  }
0x1a: {  	s8 =	sadd.s32 $0xFFFFE003, lr  }
0x1b: {  	s9 =	sadd.s32 $0xFFFFFEF7, lr;
	s5 =	simm.s32 $0xFFFFFFFF;
	p2 =	slt.u32 s8, $0xFFFFF086  }
0x1c: {  	p1 =	slt.u32 s9, $0xF7A;
	s5 =	simm.s32 @!p2 $0x0  }
0x1d: {  	s5 =	simm.s32 @p1 $0x1;
	p0 =	seq.s32 s7, s2  }
0x1e: {  	s7 =	smul.u32 @!p0 $0xF7A, s2;
	p2 =	seq.s32 @!p0 s5, $0x0  }
0x1f: {  	s9 =	smul.u32 $0xF7A, s1;
	s8 =	simm.s32 @!p0 $0x1BF5;
	p2 =	por !p2, p0  }
0x20: {  	[sflag:s8] =	ssyncset.s32 @!p0 $0xFFFFF086;
	s6 =	sadd.s32 @!p0 s3, s7;
	s7 =	simm.s32 @!p0 $0x108  }
0x21: {  	s3 =	sadd.s32 s3, s9;
	s6 =	sadd.s32 @!p0 $0x88, s6;
	s7 =	simm.s32 @p2 $0x1082  }
0x22: {  	[simem:s7], [sflag:s8] =	dma.local @!p0 [hbm:s6], $0xF7A  }
0x23: {  	s9 =	sor.u32 $0xD0000000, s2;
	s6 =	simm.s32 $0x108;
	_ =	swait.ge @!p0 [sflag:s8], $0x0  }
0x24: {  	s3 =	sadd.s32 $0x88, s3;
	s6 =	simm.s32 @!p1 $0x1082;
	[sflag:s4] =	ssyncset.s32 $0xFFFFF086  }
0x25: {  	[simem:s6], [sflag:s4] =	dma.local [hbm:s3], $0xF7A  }
0x26: {  	[smem:$0x3FA0] =	sst s1;
	(tag) =	ssettag s2;
	_ =	strace s9  }
0x27: {  	s1 =	sld [smem:$0x3FB0]  }
0x28: {  	s2 =	sld [smem:$0x3FB1]  }
0x29: {  	s4 =	sld [smem:$0x3FB3]  }
0x2a: {  	p0 =	seq.s32 s5, $0x0;
	s5 =	sld [smem:$0x3FB4]  }
0x2b: {  	s6 =	sld [smem:$0x3FB5]  }
0x2c: {  	s7 =	sld [smem:$0x3FB6]  }
0x2d: {  	s3 =	simm.s32 $0x108;
	s8 =	sld [smem:$0x3FB7]  }
0x2e: {  	s3 =	simm.s32 @!p0 $0x1082;
	s9 =	sld [smem:$0x3FB8]  }
0x2f: {  	lr =	sadd.s32 s0, s3;
	s0 =	sld [smem:$0x3FAF]  }
0x30: {  	s3 =	sld [smem:$0x3FB2]  }
0x31: {  	[smem:$0x3FBB] =	sst s10  }
0x32: {  	s10 =	sld [smem:$0x3FB9];
	_ =	sdelay $0x3  }
0x33: {  	p0 =	seq.s32 s10, $0x1;
	s10 =	sld [smem:$0x3FBB];
	_ =	sdelay $0x3  }
0x34: {  	[smem:$0x3FBB] =	sst s10  }
0x35: {  	s10 =	sld [smem:$0x3FBA];
	_ =	sdelay $0x3  }
0x36: {  	p1 =	seq.s32 s10, $0x1;
	s10 =	sld [smem:$0x3FBB];
	_ =	sdelay $0x3  }
0x37: {  	[smem:$0x3FBB] =	sst s10  }
0x38: {  	s10 =	sld [smem:$0x3FBC]  }
0x39: {  	_ = 	snop;
	(pc) =	sbr.ind lr, $3  }
0x3a: {  	_ = 	snop  }
0x3b: {  	_ = 	snop  }
0x3c: {  	p2 =	seq.s32 s10, $0x1;
	s10 =	sld [smem:$0x3FBB]  }
0x3d: {  	_ =	shalt  }
0x3e: {  	_ =	shalt  }
0x3f: {  	_ =	shalt  }
0x40: {  	_ =	shalt  }
0x41: {  	_ =	shalt  }
0x42: {  	_ =	shalt  }
0x43: {  	_ =	shalt  }
0x44: {  	_ =	shalt  }
0x45: {  	_ =	shalt  }
0x46: {  	_ =	shalt  }
0x47: {  	_ =	shalt  }
0x48: {  	_ =	shalt  }
0x49: {  	_ =	shalt  }
0x4a: {  	_ =	shalt  }
0x4b: {  	_ =	shalt  }
0x4c: {  	_ =	shalt  }
0x4d: {  	_ =	shalt  }
0x4e: {  	_ =	shalt  }
0x4f: {  	_ =	shalt  }
0x50: {  	_ =	shalt  }
0x51: {  	_ =	shalt  }
0x52: {  	_ =	shalt  }
0x53: {  	_ =	shalt  }
0x54: {  	_ =	shalt  }
0x55: {  	_ =	shalt  }
0x56: {  	_ =	shalt  }
0x57: {  	_ =	shalt  }
0x58: {  	_ =	shalt  }
0x59: {  	_ =	shalt  }
0x5a: {  	_ =	shalt  }
0x5b: {  	_ =	shalt  }
0x5c: {  	_ =	shalt  }
0x5d: {  	_ =	shalt  }
0x5e: {  	_ =	shalt  }
0x5f: {  	_ =	shalt  }
0x60: {  	_ =	shalt  }
0x61: {  	_ =	shalt  }
0x62: {  	_ =	shalt  }
0x63: {  	_ =	shalt  }
0x64: {  	_ =	shalt  }
0x65: {  	_ =	shalt  }
0x66: {  	_ =	shalt  }
0x67: {  	_ =	shalt  }
0x68: {  	_ =	shalt  }
0x69: {  	_ =	shalt  }
0x6a: {  	_ =	shalt  }
0x6b: {  	_ =	shalt  }
0x6c: {  	_ =	shalt  }
0x6d: {  	_ =	shalt  }
0x6e: {  	_ =	shalt  }
0x6f: {  	_ =	shalt  }
0x70: {  	_ =	shalt  }
0x71: {  	_ =	shalt  }
0x72: {  	_ =	shalt  }
0x73: {  	_ =	shalt  }
0x74: {  	_ =	shalt  }
0x75: {  	_ =	shalt  }
0x76: {  	_ =	shalt  }
0x77: {  	_ =	shalt  }
0x78: {  	_ =	shalt  }
0x79: {  	_ =	shalt  }
0x7a: {  	_ =	shalt  }
0x7b: {  	_ =	shalt  }
0x7c: {  	_ =	shalt  }
0x7d: {  	_ =	shalt  }
0x7e: {  	_ =	shalt  }
0x7f: {  	_ =	shalt  }
0x80: {  	_ =	shalt  }
0x81: {  	_ =	shalt  }
0x82: {  	_ =	shalt  }
0x83: {  	_ =	shalt  }
0x84: {  	_ =	shalt  }
0x85: {  	_ =	shalt  }
0x86: {  	_ =	shalt  }
0x87: {  	_ =	shalt  }
.Lfunc_end0:
.L_simem_size_0:
called_computation_lowered:
.L_overlay_start_0:
0x88: {  	s2 =	sld [smem:$0x3FD9]  }
0x89: {  	s3 =	sld [smem:$0x3FFE];
	_ =	sdelay $0x1  }
0x8a: {  	s1 =	srdreg.scid  }
0x8b: {  	s0 =	sand.u32 $0x1, s1  }
0x8c: {  	s17 =	sshll.u32 s0, $0xA;
	s2 =	sadd.s32 s3, s2  }
0x8d: {  	s2 =	sadd.s32 s2, s17  }
0x8e: {  	[smem:$0x3FC7] =	sst s2  }
0x8f: {  	_ = 	snop  }
0x90: {  	s2 =	sld [smem:$0x3FC9];
	(tm) =	ssettm $0x1  }
0x91: {  	s18 =	sld [smem:$0x3FFB];
	_ =	sdelay $0x3  }
0x92: {  	_ =	strace s18  }
0x93: {  	s3 =	sld [smem:$0x3FFC];
	_ =	sdelay $0x3  }
0x94: {  	_ =	strace s3  }
0x95: {  	s3 =	sld [smem:$0x3FFD];
	_ =	sdelay $0x3  }
0x96: {  	_ =	strace s3  }
0x97: {  	_ =	strace $0x8FFFFFFF  }
0x98: {  	s19 =	sld [smem:$0x3FDB];
	_ =	sdelay $0x1  }
0x99: {  	s4 =	simm.s32 $_scs_section_size  }
0x9a: {  	s5 =	simm.s32 $_size__tile_overlayer_lowered;
	s6 =	simm.s32 $_tile_overlayer_lowered  }
0x9b: {  	s22 =	simm.s32 $0x1BFF;
	s21 =	sshll.u32 s6, $0x1;
	s3 =	sadd.s32 s4, s19  }
0x9c: {  	s7 =	simm.s32 $0x0;
	s20 =	sshll.u32 s5, $0x1;
	s5 =	sadd.s32 s21, s3  }
0x9d: {  	[timem:s7], [sflag:s22] =	dma.local [hbm:s5], s20  }
0x9e: {  	_ =	swait.ge [sflag:s22], s20  }
0x9f: {  	s4 =	ssub.s32 $0x0, s20;
	[sflag:s22] =	ssyncset.done $0x0  }
0xa0: {  	[sflag:s22] =	ssyncadd.s32 s4;
	_ =	sdelay $0x1  }
0xa1: {  	s23 =	simm.s32 $0x1B8B  }
0xa2: {  	_ =	swait.ge [sflag:s23], $0x1  }
0xa3: {  	[sflag:s23] =	ssyncset.done $0x0  }
0xa4: {  	s25 =	simm.s32 $0x1B8E;
	s24 =	sld [smem:$0x3FFE];
	[sflag:s23] =	ssyncadd.s32 $0xFFFFFFFF  }
0xa5: {  	s26 =	simm.s32 $execute0_lowered;
	[smem:$0x3FD2] =	sst s25  }
0xa6: {  	s5 =	sshll.u32 s26, $0x1;
	_ =	strace $0x80000046;
	[dreg:$0x1] =	wrdreg $0xFFFFFFFF  }
0xa7: {  	s28 =	simm.s32 $_size_execute0_lowered;
	s3 =	sadd.s32 s3, s5;
	[dreg:$0x0] =	wrdreg $0x0  }
0xa8: {  	s5 =	sshll.u32 s28, $0x1;
	[dreg:$0x2] =	wrdreg s3  }
0xa9: {  	[dreg:$0x3] =	wrdreg s5  }
0xaa: {  	[dreg:$0x4] =	wrdreg $0xC0  }
0xab: {  	_ =	task [dreg:s7], $0x5FFFF  }
0xac: {  	[dreg:$0x1] =	wrdreg $0xFFFFFFFF  }
0xad: {  	[dreg:$0x0] =	wrdreg $0x60  }
0xae: {  	[dreg:$0x2] =	wrdreg s2  }
0xaf: {  	[dreg:$0x3] =	wrdreg s24  }
0xb0: {  	[dreg:$0x4] =	wrdreg $0x1DF200  }
0xb1: {  	[dreg:$0x5] =	wrdreg $0x9  }
0xb2: {  	_ =	task.clear_ibuf [dreg:s7], $0x6FFFF;
	_ =	strace $0x90000046  }
0xb3: {  	s29 =	simm.s32 $0x9;
	_ =	strace $0x80000048  }
0xb4: {  	_ =	swait.ge [sflag:s29], $0x1  }
0xb5: {  	[sflag:s29] =	ssyncadd.s32 $0xFFFFFFFF  }
0xb6: {  	_ =	strace $0x90000048  }
0xb7: {  	_ =	sfence  }
0xb8: {  	s30 =	sld [smem:$0x0];
	_ =	sdelay $0x2  }
0xb9: {  	s31 =	sshll.u32 s1, $0xD;
	s1 =	sshrl.u32 s1, $0x2  }
0xba: {  	s3 =	sand.u32 $0x4000, s31;
	s1 =	sadd.s32 s1, s30  }
0xbb: {  	s0 =	sor.u32 s3, s0;
	s1 =	sshll.u32 s1, $0x11  }
0xbc: {  	s0 =	sor.u32 s1, s0  }
0xbd: {  	s0 =	sadd.s32 $0x8F2B, s0  }
0xbe: {  	[sflag:s0] =	ssyncadd.remote.s32 $0x1  }
0xbf: {  	_ =	sfence.sel $0xFFFF  }
0xc0: {  	[dreg:$0x0] =	wrdreg $0xFFFFFFFF;
	(pc) =	sbr.abs _section_cstart, $3  }
0xc1: {  	[dreg:$0x1] =	wrdreg $0xFFFFFFFF  }
0xc2: {  	_ =	task.clear_ibuf [dreg:s7], $0x2FFFF;
	_ =	strace $0x9FFFFFFF  }
0xc3: {  	(tm) =	ssettm $0x7FFFFFFF  }
tec
execute0_lowered:
.L_overlay_start_1:
0x0: {  	(tag) =	ssettag $0x1  }
0x1: {  	s3 =	srdreg.scid;
	s8 =	stileid.u32  }
0x2: {  	s4 =	sand.u32 $0x1, s3;
	s5 =	sshll.u32 s8, $0x1  }
0x3: {  	s0 =	rddreg [dreg:$0x0];
	s5 =	sor.u32 s4, s5  }
0x4: {  	s1 =	rddreg [dreg:$0x1];
	s5 =	smul.u32 $0x30D40, s5  }
0x5: {  	s2 =	rddreg [dreg:$0x2];
	s3 =	simm.s32 $0x0;
	s11 =	smul.u32 $0x1A00, s8  }
0x6: {  	s8 =	simm.s32 $0x1BF70;
	[smem:$0x7FF] =	sst s3;
	s9 =	sshrl.u32 s5, $0x3  }
0x7: {  	s6 =	smul.u32 $0x3400, s4;
	s7 =	ssub.s32 $0x2, s4;
	s4 =	sadd.s32 s0, s9  }
0x8: {  	_ =	strace $0x80000047;
	s10 =	sshrl.u32 s7, $0x1;
	s12 =	sadd.s32 $0x61A6, s4  }
0x9: {  	s1 =	sadd.s32 s6, s1;
	s13 =	sadd.s32 $0x3E8, s4;
	[dreg:$0x4] =	wrdreg s12  }
0xa: {  	s6 =	sadd.s32 s11, s2;
	s14 =	sadd.s32 $0x7D0, s4;
	[dreg:$0x5] =	wrdreg s13  }
0xb: {  	s5 =	ssub.s32 s7, s10;
	s15 =	sadd.s32 $0xBB8, s4;
	[dreg:$0x6] =	wrdreg s14  }
0xc: {  	s1 =	sadd.s32 $0x400, s1;
	s16 =	sadd.s32 $0xFA0, s4;
	[dreg:$0x7] =	wrdreg s15  }
0xd: {  	s7 =	simm.s32 $0x3;
	s17 =	sadd.s32 $0x1388, s4;
	[dreg:$0x8] =	wrdreg s16  }
0xe: {  	s10 =	simm.s32 $0x2;
	s18 =	sadd.s32 $0x1770, s4;
	[dreg:$0x9] =	wrdreg s17  }
0xf: {  	s0 =	sshrl.u32 s11, $0x3;
	s19 =	sadd.s32 $0x1B58, s4;
	[dreg:$0xa] =	wrdreg s18  }
0x10: {  	s9 =	simm.s32 $0x1;
	s20 =	sadd.s32 $0x1F40, s4;
	[dreg:$0xb] =	wrdreg s19  }
0x11: {  	s11 =	simm.s32 $0x40;
	s21 =	sadd.s32 $0x2328, s4;
	[dreg:$0xc] =	wrdreg s20  }
0x12: {  	s22 =	sadd.s32 $0x2710, s4;
	s23 =	sadd.s32 $0x2AF8, s4;
	[dreg:$0xd] =	wrdreg s21  }
0x13: {  	s24 =	sadd.s32 $0x2EE0, s4;
	s25 =	sadd.s32 $0x32C8, s4;
	[dreg:$0xe] =	wrdreg s22  }
0x14: {  	s26 =	sadd.s32 $0x36B0, s4;
	s28 =	sadd.s32 $0x4A38, s4;
	[dreg:$0xf] =	wrdreg s23  }
0x15: {  	s29 =	sadd.s32 $0x4E20, s4;
	s30 =	sadd.s32 $0x5208, s4;
	[dreg:$0x10] =	wrdreg s24  }
.Ltmp0:
0x16: {  	s31 =	sadd.s32 $0x55F0, s4;
	[dreg:$0x11] =	wrdreg s25;
	(pc) =	sbr.rel .LBB2_1-.Ltmp0, $4  }
0x17: {  	[dreg:$0x12] =	wrdreg s26;
	s21 =	sadd.s32 $0x3A98, s4;
	s22 =	sadd.s32 $0x3E80, s4  }
0x18: {  	s23 =	sadd.s32 s0, s1;
	s24 =	sadd.s32 $0x4268, s4;
	s25 =	smax.u32 s5, $0x1  }
0x19: {  	v0 =	vimm.s32 $0x0;
	v1 =	vlaneseq.u32;
	s26 =	sadd.s32 $0x4650, s4;
	s1 =	sadd.s32 $0x59D8, s4;
	s0 =	sadd.s32 $0x5DC0, s4  }
0x1a: {  	vm0 =	vmmov $0x1;
	vm1 =	vcmask $0x3F3C;
	v2 =	vadd.s32 $0x1, v1;
	s5 =	simm.s32 $0x1A010;
	s12 =	simm.s32 $0x1DEC0;
	s13 =	simm.s32 $0x0  }
.LBB2_109:
0x1b: {  	_ =	swait.ge [sflag:s7], $0x400  }
0x1c: {  	[sflag:s7] =	ssyncset.done $0x0  }
0x1d: {  	[sflag:s7] =	ssyncadd.s32 $0xFFFFFC00  }
.LBB2_110:
0x1e: {  	s14 =	stileid.u32;
	s13 =	sadd.s32 $0x1, s13  }
0x1f: {  	[bflag:$0x0] =	sbarrier.arrive $0xFFFF;
	s14 =	sshll.u32 s14, $0x6;
	p0 =	sne.s32 s13, s25  }
.Ltmp1:
0x20: {  	s15 =	sshrl.u32 s6, $0x3;
	s14 =	sor.u32 $0x1C03, s14;
	(pc) =	sbr.rel @!p0 .LBB2_111-.Ltmp1, $4  }
0x21: {  	[hbm:s23], [sflag:s14] =	dma.local [spmem:s15], $0x340  }
0x22: {  	_ =	swait.ge [sflag:s7], $0x340  }
0x23: {  	[sflag:s7] =	ssyncset.done $0x0  }
0x24: {  	[sflag:s7] =	ssyncadd.s32 $0xFFFFFCC0  }
.LBB2_1:
0x25: {  	[tilespmem:s5], [sflag:$0x1] =	stream.linear.gather [hbm4b:s4+s3], $0x1F40, $0x38;
	[tilespmem:$0x1F920] =	vst v63  }
0x26: {  	s14 =	simm.s32 $0x1DF00  }
0x27: {  	[tilespmem:s14], [sflag:$0x3] =	stream.linear.gather [hbm4b:s4+s3], $0x10, $0x38;
	[tilespmem:$0x1F920] =	vst v63  }
0x28: {  	_ =	swait.ge [sflag:s7], $0x10  }
0x29: {  	[sflag:s7] =	ssyncset.done $0x0  }
0x2a: {  	s15 =	simm.s32 $0x1DF10;
	s20 =	rddreg [dreg:$0x4];
	[sflag:s7] =	ssyncadd.s32 $0xFFFFFFF0  }
0x2b: {  	[tilespmem:s15], [sflag:$0x3] =	stream.linear.gather [hbm4b:s20+s3], $0x10, $0x38;
	[tilespmem:$0x1F920] =	vst v63  }
0x2c: {  	_ =	swait.ge [sflag:s7], $0x10  }
0x2d: {  	[sflag:s7] =	ssyncset.done $0x0  }
0x2e: {  	[sflag:s7] =	ssyncadd.s32 $0xFFFFFFF0  }
0x2f: {  	v4 =	vld [tilespmem:$0x1DF00]  }
0x30: {  	v3 =	vld [tilespmem:$0x1DF10];
	[tilespmem:s11+$0xFFFFFFC0] =	vst v0  }
0x31: {  	[tilespmem:s11+$0x30] =	vst v0  }
0x32: {  	[tilespmem:s11+$0x20] =	vst v0  }
0x33: {  	[tilespmem:s11+$0x10] =	vst v0  }
0x34: {  	[tilespmem:s11+$0x0] =	vst v0  }
0x35: {  	[tilespmem:s11+$0xFFFFFFF0] =	vst v0  }
0x36: {  	s14 =	simm.s32 $0x40;
	s15 =	simm.s32 $0x0;
	[tilespmem:s11+$0xFFFFFFE0] =	vst v0  }
.LBB2_2:
0x37: {  	s15 =	sadd.s32 $0x8, s15;
	[tilespmem:s14+$0xFFFFFFD0] =	vst v0;
	s14 =	sadd.s32 $0x80, s14  }
0x38: {  	[tilespmem:s14+$0xFFFFFFC0] =	vst v0;
	p0 =	slt.u32 s15, $0x198  }
0x39: {  	[tilespmem:s14+$0x30] =	vst v0  }
.Ltmp2:
0x3a: {  	[tilespmem:s14+$0x20] =	vst v0;
	(pc) =	sbr.rel @p0 .LBB2_2-.Ltmp2, $4  }
0x3b: {  	[tilespmem:s14+$0x10] =	vst v0  }
0x3c: {  	[tilespmem:s14+$0x0] =	vst v0  }
0x3d: {  	[tilespmem:s14+$0xFFFFFFF0] =	vst v0  }
0x3e: {  	[tilespmem:s14+$0xFFFFFFE0] =	vst v0  }
0x3f: {  	v4 =	vxor.u32 $0x80000000, v4  }
0x40: {  	v3 =	vxor.u32 $0x80000000, v3;
	(xrf0) =	vmin.scan.msk.u32 $0xffff, v4  }
0x41: {  	(xrf0) =	vmax.scan.msk.u32 $0xffff, v3;
	_ =	sdelay $0x4  }
0x42: {  	v3, _, _ =	vpop (xrf0)  }
0x43: {  	(v2sf) =	vpush v3, $0xF;
	v3, _, _ =	vpop (xrf0)  }
0x44: {  	(v2sf) =	vpush v3, $0xF;
	_ =	sdelay $0xd  }
0x45: {  	s15 =	spop (v2sf)  }
0x46: {  	s16 =	spop (v2sf)  }
0x47: {  	s15 =	sshra.s32 s15, $0xA;
	s16 =	sshra.s32 s16, $0xA  }
0x48: {  	[tilespmem:s14+$0xFFFFFFD0] =	vst v0;
	s14 =	sxor.u32 $0xFFE00000, s15;
	s15 =	sxor.u32 $0xFFE00000, s16  }
0x49: {  	s16 =	sshll.u32 s14, $0x6;
	s17 =	sshll.u32 s15, $0x6  }
0x4a: {  	p0 =	sgt.s32 s16, s17  }
.Ltmp3:
0x4b: {  	_ = 	snop;
	(pc) =	sbr.rel @p0 .LBB2_6-.Ltmp3, $4  }
0x4c: {  	[spmem:s6] =	stream.linear.scatter [tilespmem:s3], [sflag:$0x3], $0x1A00, $0x38;
	[tilespmem:$0x1F920] =	vst v63  }
0x4d: {  	_ =	swait.ge [sflag:s7], $0x1A00  }
0x4e: {  	[sflag:s7] =	ssyncset.done $0x0  }
0x4f: {  	[sflag:s7] =	ssyncadd.s32 $0xFFFFE600  }
0x50: {  	s18 =	sadd.s32 $0xFFFFFFFF, s16  }
0x51: {  	s17 =	sor.u32 $0x3F, s17;
	s18 =	sadd.s32 $0x1, s18  }
0x52: {  	p0 =	slt.s32 s18, s17  }
.Ltmp4:
0x53: {  	_ = 	snop;
	(pc) =	sbr.rel @!p0 .LBB2_6-.Ltmp4, $4  }
0x54: {  	_ = 	snop  }
0x55: {  	s19 =	sshll.u32 s14, $0xC  }
0x56: {  	s19 =	sshra.s32 s19, $0x2  }
0x57: {  	[tilespmem:s19+$0x0] =	vst v0  }
.LBB2_5:
0x58: {  	s18 =	sadd.s32 $0x1, s18  }
0x59: {  	p0 =	slt.s32 s18, s17  }
.Ltmp5:
0x5a: {  	_ = 	snop;
	(pc) =	sbr.rel @p0 .LBB2_5-.Ltmp5, $3  }
0x5b: {  	_ =	sdelay $0x1  }
0x5c: {  	s19 =	sadd.s32 $0x10, s19  }
0x5d: {  	[tilespmem:s19+$0x0] =	vst v0  }
.LBB2_6:
0x5e: {  	s17 =	rddreg [dreg:$0x5]  }
0x5f: {  	[tilespmem:s8], [sflag:$0x2] =	stream.linear.gather [hbm4b:s17+s3], $0x1F40, $0x38;
	[tilespmem:$0x1F920] =	vst v63  }
0x60: {  	_ =	swait.ge [sflag:s9], $0x1F40  }
0x61: {  	[sflag:s9] =	ssyncset.done $0x0  }
0x62: {  	s20 =	simm.s32 $0x1A041;
	[sflag:s9] =	ssyncadd.s32 $0xFFFFE0C0  }
0x63: {  	v10 =	vld [tilespmem:s20+$0x3F]  }
0x64: {  	v7 =	vld [tilespmem:s20+$0x3E]  }
0x65: {  	v9 =	vld [tilespmem:s20+$0xFFFFFFCE]  }
0x66: {  	v15 =	vld [tilespmem:s20+$0xFFFFFFDF]  }
0x67: {  	v11 =	vld [tilespmem:s20+$0x40]  }
0x68: {  	v8 =	vld [tilespmem:s20+$0xFFFFFFDE]  }
0x69: {  	v3 =	vld [tilespmem:s20+$0xFFFFFFEF]  }
0x6a: {  	v12 =	vld [tilespmem:s20+$0xFFFFFFEE]  }
0x6b: {  	v4 =	vld [tilespmem:s20+$0xFFFFFFFF]  }
0x6c: {  	v13 =	vld [tilespmem:s20+$0xFFFFFFFE]  }
0x6d: {  	v6 =	vld [tilespmem:s20+$0xF]  }
0x6e: {  	v14 =	vld [tilespmem:s20+$0xE]  }
0x6f: {  	v5 =	vld [tilespmem:s20+$0x1F]  }
0x70: {  	v16 =	vld [tilespmem:s20+$0x1E]  }
0x71: {  	v17 =	vld [tilespmem:s20+$0x2E]  }
0x72: {  	v61 =	vld [tilespmem:s20+$0x0];
	vm2 =	vne.s32 v10, v7  }
0x73: {  	v7 =	vld [tilespmem:s20+$0x2F];
	vm3 =	vne.s32 v15, v8;
	vm2 =	vmor vm2, vm0  }
0x74: {  	v8 =	vld [tilespmem:s20+$0xFFFFFFCF];
	(xrf0) =	vmax.scan.msk.u32 vm2, v1;
	vm2 =	vmor vm3, vm0;
	vm3 =	vne.s32 v3, v12  }
0x75: {  	v62 =	vld [tilespmem:s20+$0x10];
	(xrf0) =	vmax.scan.msk.u32 vm2, v1;
	vm2 =	vmor vm3, vm0;
	vm3 =	vne.s32 v4, v13  }
0x76: {  	v13 =	vld [tilespmem:s20+$0xFFFFFFE0];
	(xrf0) =	vmax.scan.msk.u32 vm2, v1;
	vm2 =	vmor vm3, vm0;
	vm3 =	vne.s32 v6, v14  }
0x77: {  	v12 =	vld [tilespmem:s20+$0xFFFFFFD0];
	(xrf0) =	vmax.scan.msk.u32 vm2, v1;
	vm2 =	vmor vm3, vm0;
	vm3 =	vne.s32 v5, v16  }
0x78: {  	v14 =	vld [tilespmem:s20+$0xFFFFFFF0];
	(xrf0) =	vmax.scan.msk.u32 vm2, v1;
	vm2 =	vmor vm3, vm0;
	vm3 =	vne.s32 v7, v17  }
0x79: {  	vm4 =	vne.s32 v10, v11;
	(xrf0) =	vmax.scan.msk.u32 vm2, v1;
	vm2 =	vmor vm3, vm0;
	vm3 =	vne.s32 v8, v9  }
0x7a: {  	v18 =	vld [tilespmem:s20+$0x20];
	vm4 =	vmor vm4, vm1;
	v9, _, _ =	vpop (xrf0);
	(xrf0) =	vmax.scan.msk.u32 vm2, v1;
	vm2 =	vmor vm3, vm0  }
0x7b: {  	v19 =	vld [tilespmem:s20+$0x30];
	vm3 =	vne.s32 v15, v13;
	v11, _, _ =	vpop (xrf0);
	(xrf0) =	vmax.scan.msk.u32 vm2, v1  }
0x7c: {  	vm5 =	vne.s32 v4, v61;
	vm6 =	vne.s32 v6, v62;
	vm7 =	vmor vm3, vm1;
	v13, _, _ =	vpop (xrf0)  }
0x7d: {  	vm2 =	vne.s32 v8, v12;
	vm3 =	vne.s32 v3, v14;
	v14 =	vsub.s32 v2, v9;
	v12, _, _ =	vpop (xrf0)  }
0x7e: {  	v20 =	vsub.s32 v2, v11;
	vm8 =	vmor vm2, vm1;
	v11 =	vsub.s32 v2, v12;
	v12, _, _ =	vpop (xrf0)  }
0x7f: {  	s17 =	simm.s32 $0x0;
	vm2 =	vmor vm3, vm1;
	vm3 =	vmor vm5, vm1;
	v9 =	vsub.s32 v2, v13;
	v13, _, _ =	vpop (xrf0)  }
0x80: {  	vm5 =	vne.s32 v5, v18;
	[tilespmem:v10+s17+$0x0] =	vst.idx.add.s32.msk vm4, v14;
	vm4 =	vmor vm6, vm1;
	vm6 =	vne.s32 v7, v19;
	v63, _, _ =	vpop (xrf0)  }
0x81: {  	vm5 =	vmor vm5, vm1;
	v12 =	vsub.s32 v2, v12;
	v13 =	vsub.s32 v2, v13;
	v10, _, _ =	vpop (xrf0)  }
0x82: {  	s18 =	simm.s32 $0x0;
	s19 =	simm.s32 $0x0;
	s20 =	simm.s32 $0x1A0C1;
	vm6 =	vmor vm6, vm1;
	v14 =	vsub.s32 v2, v63;
	[tilespmem:v15+s17+$0x0] =	vst.idx.add.s32.msk vm7, v20;
	v10 =	vsub.s32 v2, v10  }
.LBB2_7:
0x83: {  	v15 =	vld [tilespmem:s20+$0x3F];
	v16 =	vmovc v11;
	v17 =	vmovc v12;
	v18 =	vmov v13;
	v19 =	vmov v14;
	vm7 =	vmmov vm8  }
0x84: {  	s18 =	sadd.s32 $0x8, s18;
	v11 =	vld [tilespmem:s20+$0x3E]  }
0x85: {  	p0 =	slt.u32 s18, $0x1E8;
	v12 =	vld [tilespmem:s20+$0xFFFFFFCE]  }
0x86: {  	v20 =	vld [tilespmem:s20+$0xFFFFFFDF]  }
0x87: {  	v13 =	vld [tilespmem:s20+$0x40]  }
0x88: {  	v14 =	vld [tilespmem:s20+$0xFFFFFFDE]  }
0x89: {  	v21 =	vld [tilespmem:s20+$0xFFFFFFEF];
	vm8 =	vne.s32 v15, v11  }
0x8a: {  	v11 =	vld [tilespmem:s20+$0xFFFFFFEE];
	vm8 =	vmor vm8, vm0  }
0x8b: {  	v22 =	vld [tilespmem:s20+$0xFFFFFFFF];
	(xrf0) =	vmax.scan.msk.u32 vm8, v1  }
0x8c: {  	v23 =	vld [tilespmem:s20+$0xFFFFFFFE];
	vm8 =	vne.s32 v15, v13  }
0x8d: {  	vm9 =	vne.s32 v20, v14;
	v24 =	vld [tilespmem:s20+$0xF];
	vm8 =	vmor vm8, vm1  }
0x8e: {  	vm9 =	vmor vm9, vm0;
	v13 =	vld [tilespmem:s20+$0xE]  }
0x8f: {  	vm10 =	vne.s32 v21, v11;
	v25 =	vld [tilespmem:s20+$0x1F];
	(xrf0) =	vmax.scan.msk.u32 vm9, v1  }
0x90: {  	vm9 =	vmor vm10, vm0;
	v11 =	vld [tilespmem:s20+$0x1E]  }
0x91: {  	vm10 =	vne.s32 v22, v23;
	v23 =	vld [tilespmem:s20+$0x2F];
	(xrf0) =	vmax.scan.msk.u32 vm9, v1;
	v14, _, _ =	vpop (xrf0)  }
0x92: {  	vm9 =	vmor vm10, vm0;
	v26 =	vld [tilespmem:s20+$0x2E];
	v14 =	vsub.s32 v2, v14  }
0x93: {  	vm10 =	vne.s32 v24, v13;
	[tilespmem:v15+s17+$0x0] =	vst.idx.add.s32.msk vm8, v14;
	(xrf0) =	vmax.scan.msk.u32 vm9, v1  }
0x94: {  	v15 =	vld [tilespmem:s20+$0xFFFFFFCF];
	vm8 =	vmor vm10, vm0  }
0x95: {  	v13 =	vld [tilespmem:s20+$0xFFFFFFD0];
	vm9 =	vne.s32 v25, v11;
	v11, _, _ =	vpop (xrf0);
	(xrf0) =	vmax.scan.msk.u32 vm8, v1  }
0x96: {  	v14 =	vld [tilespmem:s20+$0xFFFFFFE0];
	v27 =	vsub.s32 v2, v11;
	vm8 =	vmor vm9, vm0  }
0x97: {  	v28 =	vld [tilespmem:s20+$0xFFFFFFF0];
	vm9 =	vne.s32 v23, v26;
	v11, _, _ =	vpop (xrf0);
	(xrf0) =	vmax.scan.msk.u32 vm8, v1  }
0x98: {  	v26 =	vsub.s32 v2, v11;
	v29 =	vld [tilespmem:s20+$0x0];
	vm8 =	vmor vm9, vm0  }
0x99: {  	vm9 =	vne.s32 v15, v12;
	v30 =	vld [tilespmem:s20+$0x10];
	v11, _, _ =	vpop (xrf0);
	(xrf0) =	vmax.scan.msk.u32 vm8, v1  }
0x9a: {  	vm9 =	vmor vm9, vm0;
	vm8 =	vne.s32 v15, v13;
	v11 =	vsub.s32 v2, v11;
	v31 =	vld [tilespmem:s20+$0x20]  }
0x9b: {  	vm8 =	vmor vm8, vm1;
	vm10 =	vne.s32 v20, v14;
	v14 =	vld [tilespmem:s20+$0x30];
	(xrf0) =	vmax.scan.msk.u32 vm9, v1;
	v12, _, _ =	vpop (xrf0)  }
0x9c: {  	vm9 =	vmor vm10, vm1;
	vm10 =	vne.s32 v21, v28;
	v12 =	vsub.s32 v2, v12;
	[tilespmem:v8+s19+$0x0] =	vst.idx.add.s32.msk vm7, v10  }
0x9d: {  	vm7 =	vne.s32 v22, v29;
	v8, _, _ =	vpop (xrf0);
	[tilespmem:v3+s19+$0x0] =	vst.idx.add.s32.msk vm2, v9;
	vm2 =	vmor vm10, vm1;
	v3 =	vmov v21  }
.Ltmp6:
0x9e: {  	vm10 =	vne.s32 v24, v30;
	v13 =	vsub.s32 v2, v8;
	[tilespmem:v4+s19+$0x0] =	vst.idx.add.s32.msk vm3, v16;
	vm3 =	vmor vm7, vm1;
	(pc) =	sbr.rel @p0 .LBB2_7-.Ltmp6, $4  }
0x9f: {  	v4 =	vmov v22;
	vm7 =	vne.s32 v25, v31;
	v8, _, _ =	vpop (xrf0);
	[tilespmem:v6+s19+$0x0] =	vst.idx.add.s32.msk vm4, v17;
	vm4 =	vmor vm10, vm1  }
0xa0: {  	vm10 =	vne.s32 v23, v14;
	v14 =	vsub.s32 v2, v8;
	[tilespmem:v5+s19+$0x0] =	vst.idx.add.s32.msk vm5, v18;
	vm5 =	vmor vm7, vm1  }
0xa1: {  	v6 =	vmov v24;
	v5 =	vmov v25;
	v8, _, _ =	vpop (xrf0);
	[tilespmem:v7+s19+$0x0] =	vst.idx.add.s32.msk vm6, v19;
	vm6 =	vmor vm10, vm1;
	s19 =	smov.u32 s17  }
0xa2: {  	s20 =	sadd.s32 $0x80, s20;
	v9 =	vmovc v26;
	v7 =	vmov v23;
	v10 =	vsub.s32 v2, v8;
	[tilespmem:v20+s19+$0x0] =	vst.idx.add.s32.msk vm9, v27;
	v8 =	vmov v15  }
0xa3: {  	_ =	sdelay $0x4  }
0xa4: {  	[tilespmem:v8+s19+$0x0] =	vst.idx.add.s32.msk vm8, v10  }
0xa5: {  	[tilespmem:v3+s19+$0x0] =	vst.idx.add.s32.msk vm2, v9  }
0xa6: {  	[tilespmem:v4+s19+$0x0] =	vst.idx.add.s32.msk vm3, v11  }
0xa7: {  	[tilespmem:v6+s19+$0x0] =	vst.idx.add.s32.msk vm4, v12  }
0xa8: {  	[tilespmem:v5+s19+$0x0] =	vst.idx.add.s32.msk vm5, v13  }
0xa9: {  	vm7 =	vmmov vm8;
	[tilespmem:v7+s19+$0x0] =	vst.idx.add.s32.msk vm6, v14  }
.LBB2_9:
0xaa: {  	s18 =	sshra.s32 s17, $0x2  }
0xab: {  	v3 =	vld [tilespmem:s18+$0x1BF10]  }
0xac: {  	v4 =	vld [tilespmem:s18+$0x1BF0F];
	_ =	sdelay $0x2  }
0xad: {  	v5 =	vld [tilespmem:s18+$0x1BF11];
	_ =	sdelay $0x1  }
0xae: {  	vm2 =	vne.s32 v3, v4  }
0xaf: {  	vm2 =	vmor vm2, vm0  }
0xb0: {  	(xrf0) =	vmax.scan.msk.u32 vm2, v1  }
0xb1: {  	vm2 =	vne.s32 v3, v5  }
0xb2: {  	vm2 =	vmor vm2, vm1  }
0xb3: {  	p0 =	sne.s32 s17, $0xC0  }
.Ltmp7:
0xb4: {  	_ = 	snop;
	(pc) =	sbr.rel @p0 .LBB2_9-.Ltmp7, $4  }
0xb5: {  	_ = 	snop  }
0xb6: {  	v63, _, _ =	vpop (xrf0)  }
0xb7: {  	v4 =	vsub.s32 v2, v63  }
0xb8: {  	s17 =	sadd.s32 $0x40, s17;
	[tilespmem:v3+s3+$0x0] =	vst.idx.add.s32.msk vm2, v4  }
0xb9: {  	s17 =	rddreg [dreg:$0x6]  }
0xba: {  	[tilespmem:s5], [sflag:$0x1] =	stream.linear.gather [hbm4b:s17+s3], $0x1F40, $0x38;
	[tilespmem:$0x1F920] =	vst v63  }
0xbb: {  	_ =	swait.ge [sflag:s10], $0x1F40  }
0xbc: {  	[sflag:s10] =	ssyncset.done $0x0  }
0xbd: {  	s20 =	simm.s32 $0x1BFA1;
	[sflag:s10] =	ssyncadd.s32 $0xFFFFE0C0  }
0xbe: {  	v10 =	vld [tilespmem:s20+$0x3F]  }
0xbf: {  	v7 =	vld [tilespmem:s20+$0x3E]  }
0xc0: {  	v9 =	vld [tilespmem:s20+$0xFFFFFFCE]  }
0xc1: {  	v15 =	vld [tilespmem:s20+$0xFFFFFFDF]  }
0xc2: {  	v11 =	vld [tilespmem:s20+$0x40]  }
0xc3: {  	v8 =	vld [tilespmem:s20+$0xFFFFFFDE]  }
0xc4: {  	v3 =	vld [tilespmem:s20+$0xFFFFFFEF]  }
0xc5: {  	v12 =	vld [tilespmem:s20+$0xFFFFFFEE]  }
0xc6: {  	v4 =	vld [tilespmem:s20+$0xFFFFFFFF]  }
0xc7: {  	v13 =	vld [tilespmem:s20+$0xFFFFFFFE]  }
0xc8: {  	v6 =	vld [tilespmem:s20+$0xF]  }
0xc9: {  	v14 =	vld [tilespmem:s20+$0xE]  }
0xca: {  	v5 =	vld [tilespmem:s20+$0x1F]  }
0xcb: {  	v16 =	vld [tilespmem:s20+$0x1E]  }
0xcc: {  	v17 =	vld [tilespmem:s20+$0x2E]  }
0xcd: {  	v61 =	vld [tilespmem:s20+$0x0];
	vm2 =	vne.s32 v10, v7  }
0xce: {  	v7 =	vld [tilespmem:s20+$0x2F];
	vm3 =	vne.s32 v15, v8;
	vm2 =	vmor vm2, vm0  }
0xcf: {  	v8 =	vld [tilespmem:s20+$0xFFFFFFCF];
	(xrf0) =	vmax.scan.msk.u32 vm2, v1;
	vm2 =	vmor vm3, vm0;
	vm3 =	vne.s32 v3, v12  }
0xd0: {  	v62 =	vld [tilespmem:s20+$0x10];
	(xrf0) =	vmax.scan.msk.u32 vm2, v1;
	vm2 =	vmor vm3, vm0;
	vm3 =	vne.s32 v4, v13  }
0xd1: {  	v13 =	vld [tilespmem:s20+$0xFFFFFFE0];
	(xrf0) =	vmax.scan.msk.u32 vm2, v1;
	vm2 =	vmor vm3, vm0;
	vm3 =	vne.s32 v6, v14  }
0xd2: {  	v12 =	vld [tilespmem:s20+$0xFFFFFFD0];
	(xrf0) =	vmax.scan.msk.u32 vm2, v1;
	vm2 =	vmor vm3, vm0;
	vm3 =	vne.s32 v5, v16  }
0xd3: {  	v14 =	vld [tilespmem:s20+$0xFFFFFFF0];
	(xrf0) =	vmax.scan.msk.u32 vm2, v1;
	vm2 =	vmor vm3, vm0;
	vm3 =	vne.s32 v7, v17  }
0xd4: {  	vm4 =	vne.s32 v10, v11;
	(xrf0) =	vmax.scan.msk.u32 vm2, v1;
	vm2 =	vmor vm3, vm0;
	vm3 =	vne.s32 v8, v9  }
0xd5: {  	v18 =	vld [tilespmem:s20+$0x20];
	vm4 =	vmor vm4, vm1;
	v9, _, _ =	vpop (xrf0);
	(xrf0) =	vmax.scan.msk.u32 vm2, v1;
	vm2 =	vmor vm3, vm0  }
0xd6: {  	v19 =	vld [tilespmem:s20+$0x30];
	vm3 =	vne.s32 v15, v13;
	v11, _, _ =	vpop (xrf0);
	(xrf0) =	vmax.scan.msk.u32 vm2, v1  }
0xd7: {  	vm5 =	vne.s32 v4, v61;
	vm6 =	vne.s32 v6, v62;
	vm7 =	vmor vm3, vm1;
	v13, _, _ =	vpop (xrf0)  }
0xd8: {  	vm2 =	vne.s32 v8, v12;
	vm3 =	vne.s32 v3, v14;
	v14 =	vsub.s32 v2, v9;
	v12, _, _ =	vpop (xrf0)  }
0xd9: {  	v20 =	vsub.s32 v2, v11;
	vm8 =	vmor vm2, vm1;
	v11 =	vsub.s32 v2, v12;
	v12, _, _ =	vpop (xrf0)  }
0xda: {  	s17 =	simm.s32 $0x0;
	vm2 =	vmor vm3, vm1;
	vm3 =	vmor vm5, vm1;
	v9 =	vsub.s32 v2, v13;
	v13, _, _ =	vpop (xrf0)  }
0xdb: {  	vm5 =	vne.s32 v5, v18;
	[tilespmem:v10+s17+$0x0] =	vst.idx.add.s32.msk vm4, v14;
	vm4 =	vmor vm6, vm1;
	vm6 =	vne.s32 v7, v19;
	v63, _, _ =	vpop (xrf0)  }
0xdc: {  	vm5 =	vmor vm5, vm1;
	v12 =	vsub.s32 v2, v12;
	v13 =	vsub.s32 v2, v13;
	v10, _, _ =	vpop (xrf0)  }
0xdd: {  	s18 =	simm.s32 $0x0;
	s19 =	simm.s32 $0x0;
	s20 =	simm.s32 $0x1C021;
	vm6 =	vmor vm6, vm1;
	v14 =	vsub.s32 v2, v63;
	[tilespmem:v15+s17+$0x0] =	vst.idx.add.s32.msk vm7, v20;
	v10 =	vsub.s32 v2, v10  }
.LBB2_11:
0xde: {  	v15 =	vld [tilespmem:s20+$0x3F];
	v16 =	vmovc v11;
	v17 =	vmovc v12;
	v18 =	vmov v13;
	v19 =	vmov v14;
	vm7 =	vmmov vm8  }
0xdf: {  	s18 =	sadd.s32 $0x8, s18;
	v11 =	vld [tilespmem:s20+$0x3E]  }
0xe0: {  	p0 =	slt.u32 s18, $0x1E8;
	v12 =	vld [tilespmem:s20+$0xFFFFFFCE]  }
0xe1: {  	v20 =	vld [tilespmem:s20+$0xFFFFFFDF]  }
0xe2: {  	v13 =	vld [tilespmem:s20+$0x40]  }
0xe3: {  	v14 =	vld [tilespmem:s20+$0xFFFFFFDE]  }
0xe4: {  	v21 =	vld [tilespmem:s20+$0xFFFFFFEF];
	vm8 =	vne.s32 v15, v11  }
0xe5: {  	v11 =	vld [tilespmem:s20+$0xFFFFFFEE];
	vm8 =	vmor vm8, vm0  }
0xe6: {  	v22 =	vld [tilespmem:s20+$0xFFFFFFFF];
	(xrf0) =	vmax.scan.msk.u32 vm8, v1  }
0xe7: {  	v23 =	vld [tilespmem:s20+$0xFFFFFFFE];
	vm8 =	vne.s32 v15, v13  }
0xe8: {  	vm9 =	vne.s32 v20, v14;
	v24 =	vld [tilespmem:s20+$0xF];
	vm8 =	vmor vm8, vm1  }
0xe9: {  	vm9 =	vmor vm9, vm0;
	v13 =	vld [tilespmem:s20+$0xE]  }
0xea: {  	vm10 =	vne.s32 v21, v11;
	v25 =	vld [tilespmem:s20+$0x1F];
	(xrf0) =	vmax.scan.msk.u32 vm9, v1  }
0xeb: {  	vm9 =	vmor vm10, vm0;
	v11 =	vld [tilespmem:s20+$0x1E]  }
0xec: {  	vm10 =	vne.s32 v22, v23;
	v23 =	vld [tilespmem:s20+$0x2F];
	(xrf0) =	vmax.scan.msk.u32 vm9, v1;
	v14, _, _ =	vpop (xrf0)  }
0xed: {  	vm9 =	vmor vm10, vm0;
	v26 =	vld [tilespmem:s20+$0x2E];
	v14 =	vsub.s32 v2, v14  }
0xee: {  	vm10 =	vne.s32 v24, v13;
	[tilespmem:v15+s17+$0x0] =	vst.idx.add.s32.msk vm8, v14;
	(xrf0) =	vmax.scan.msk.u32 vm9, v1  }
0xef: {  	v15 =	vld [tilespmem:s20+$0xFFFFFFCF];
	vm8 =	vmor vm10, vm0  }
0xf0: {  	v13 =	vld [tilespmem:s20+$0xFFFFFFD0];
	vm9 =	vne.s32 v25, v11;
	v11, _, _ =	vpop (xrf0);
	(xrf0) =	vmax.scan.msk.u32 vm8, v1  }
0xf1: {  	v14 =	vld [tilespmem:s20+$0xFFFFFFE0];
	v27 =	vsub.s32 v2, v11;
	vm8 =	vmor vm9, vm0  }
0xf2: {  	v28 =	vld [tilespmem:s20+$0xFFFFFFF0];
	vm9 =	vne.s32 v23, v26;
	v11, _, _ =	vpop (xrf0);
	(xrf0) =	vmax.scan.msk.u32 vm8, v1  }
0xf3: {  	v26 =	vsub.s32 v2, v11;
	v29 =	vld [tilespmem:s20+$0x0];
	vm8 =	vmor vm9, vm0  }
0xf4: {  	vm9 =	vne.s32 v15, v12;
	v30 =	vld [tilespmem:s20+$0x10];
	v11, _, _ =	vpop (xrf0);
	(xrf0) =	vmax.scan.msk.u32 vm8, v1  }
0xf5: {  	vm9 =	vmor vm9, vm0;
	vm8 =	vne.s32 v15, v13;
	v11 =	vsub.s32 v2, v11;
	v31 =	vld [tilespmem:s20+$0x20]  }
0xf6: {  	vm8 =	vmor vm8, vm1;
	vm10 =	vne.s32 v20, v14;
	v14 =	vld [tilespmem:s20+$0x30];
	(xrf0) =	vmax.scan.msk.u32 vm9, v1;
	v12, _, _ =	vpop (xrf0)  }
0xf7: {  	vm9 =	vmor vm10, vm1;
	vm10 =	vne.s32 v21, v28;
	v12 =	vsub.s32 v2, v12;
	[tilespmem:v8+s19+$0x0] =	vst.idx.add.s32.msk vm7, v10  }
0xf8: {  	vm7 =	vne.s32 v22, v29;
	v8, _, _ =	vpop (xrf0);
	[tilespmem:v3+s19+$0x0] =	vst.idx.add.s32.msk vm2, v9;
	vm2 =	vmor vm10, vm1;
	v3 =	vmov v21  }
.Ltmp8:
0xf9: {  	vm10 =	vne.s32 v24, v30;
	v13 =	vsub.s32 v2, v8;
	[tilespmem:v4+s19+$0x0] =	vst.idx.add.s32.msk vm3, v16;
	vm3 =	vmor vm7, vm1;
	(pc) =	sbr.rel @p0 .LBB2_11-.Ltmp8, $4  }
0xfa: {  	v4 =	vmov v22;
	vm7 =	vne.s32 v25, v31;
	v8, _, _ =	vpop (xrf0);
	[tilespmem:v6+s19+$0x0] =	vst.idx.add.s32.msk vm4, v17;
	vm4 =	vmor vm10, vm1  }
0xfb: {  	vm10 =	vne.s32 v23, v14;
	v14 =	vsub.s32 v2, v8;
	[tilespmem:v5+s19+$0x0] =	vst.idx.add.s32.msk vm5, v18;
	vm5 =	vmor vm7, vm1  }
0xfc: {  	v6 =	vmov v24;
	v5 =	vmov v25;
	v8, _, _ =	vpop (xrf0);
	[tilespmem:v7+s19+$0x0] =	vst.idx.add.s32.msk vm6, v19;
	vm6 =	vmor vm10, vm1;
	s19 =	smov.u32 s17  }
0xfd: {  	s20 =	sadd.s32 $0x80, s20;
	v9 =	vmovc v26;
	v7 =	vmov v23;
	v10 =	vsub.s32 v2, v8;
	[tilespmem:v20+s19+$0x0] =	vst.idx.add.s32.msk vm9, v27;
	v8 =	vmov v15  }
0xfe: {  	_ =	sdelay $0x4  }
0xff: {  	[tilespmem:v8+s19+$0x0] =	vst.idx.add.s32.msk vm8, v10  }
0x100: {  	[tilespmem:v3+s19+$0x0] =	vst.idx.add.s32.msk vm2, v9  }
0x101: {  	[tilespmem:v4+s19+$0x0] =	vst.idx.add.s32.msk vm3, v11  }
0x102: {  	[tilespmem:v6+s19+$0x0] =	vst.idx.add.s32.msk vm4, v12  }
0x103: {  	[tilespmem:v5+s19+$0x0] =	vst.idx.add.s32.msk vm5, v13  }
0x104: {  	vm7 =	vmmov vm8;
	[tilespmem:v7+s19+$0x0] =	vst.idx.add.s32.msk vm6, v14  }
.LBB2_13:
0x105: {  	s18 =	sshra.s32 s17, $0x2  }
0x106: {  	v3 =	vld [tilespmem:s18+$0x1DE70]  }
0x107: {  	v4 =	vld [tilespmem:s18+$0x1DE6F];
	_ =	sdelay $0x2  }
0x108: {  	v5 =	vld [tilespmem:s18+$0x1DE71];
	_ =	sdelay $0x1  }
0x109: {  	vm2 =	vne.s32 v3, v4  }
0x10a: {  	vm2 =	vmor vm2, vm0  }
0x10b: {  	(xrf0) =	vmax.scan.msk.u32 vm2, v1  }
0x10c: {  	vm2 =	vne.s32 v3, v5  }
0x10d: {  	vm2 =	vmor vm2, vm1  }
0x10e: {  	p0 =	sne.s32 s17, $0xC0  }
.Ltmp9:
0x10f: {  	_ = 	snop;
	(pc) =	sbr.rel @p0 .LBB2_13-.Ltmp9, $4  }
0x110: {  	_ = 	snop  }
0x111: {  	v63, _, _ =	vpop (xrf0)  }
0x112: {  	v4 =	vsub.s32 v2, v63  }
0x113: {  	s17 =	sadd.s32 $0x40, s17;
	[tilespmem:v3+s3+$0x0] =	vst.idx.add.s32.msk vm2, v4  }
0x114: {  	s17 =	rddreg [dreg:$0x7]  }
0x115: {  	[tilespmem:s8], [sflag:$0x2] =	stream.linear.gather [hbm4b:s17+s3], $0x1F40, $0x38;
	[tilespmem:$0x1F920] =	vst v63  }
0x116: {  	_ =	swait.ge [sflag:s9], $0x1F40  }
0x117: {  	[sflag:s9] =	ssyncset.done $0x0  }
0x118: {  	s20 =	simm.s32 $0x1A041;
	[sflag:s9] =	ssyncadd.s32 $0xFFFFE0C0  }
0x119: {  	v10 =	vld [tilespmem:s20+$0x3F]  }
0x11a: {  	v7 =	vld [tilespmem:s20+$0x3E]  }
0x11b: {  	v9 =	vld [tilespmem:s20+$0xFFFFFFCE]  }
0x11c: {  	v15 =	vld [tilespmem:s20+$0xFFFFFFDF]  }
0x11d: {  	v11 =	vld [tilespmem:s20+$0x40]  }
0x11e: {  	v8 =	vld [tilespmem:s20+$0xFFFFFFDE]  }
0x11f: {  	v3 =	vld [tilespmem:s20+$0xFFFFFFEF]  }
0x120: {  	v12 =	vld [tilespmem:s20+$0xFFFFFFEE]  }
0x121: {  	v4 =	vld [tilespmem:s20+$0xFFFFFFFF]  }
0x122: {  	v13 =	vld [tilespmem:s20+$0xFFFFFFFE]  }
0x123: {  	v6 =	vld [tilespmem:s20+$0xF]  }
0x124: {  	v14 =	vld [tilespmem:s20+$0xE]  }
0x125: {  	v5 =	vld [tilespmem:s20+$0x1F]  }
0x126: {  	v16 =	vld [tilespmem:s20+$0x1E]  }
0x127: {  	v17 =	vld [tilespmem:s20+$0x2E]  }
0x128: {  	v61 =	vld [tilespmem:s20+$0x0];
	vm2 =	vne.s32 v10, v7  }
0x129: {  	v7 =	vld [tilespmem:s20+$0x2F];
	vm3 =	vne.s32 v15, v8;
	vm2 =	vmor vm2, vm0  }
0x12a: {  	v8 =	vld [tilespmem:s20+$0xFFFFFFCF];
	(xrf0) =	vmax.scan.msk.u32 vm2, v1;
	vm2 =	vmor vm3, vm0;
	vm3 =	vne.s32 v3, v12  }
0x12b: {  	v62 =	vld [tilespmem:s20+$0x10];
	(xrf0) =	vmax.scan.msk.u32 vm2, v1;
	vm2 =	vmor vm3, vm0;
	vm3 =	vne.s32 v4, v13  }
0x12c: {  	v13 =	vld [tilespmem:s20+$0xFFFFFFE0];
	(xrf0) =	vmax.scan.msk.u32 vm2, v1;
	vm2 =	vmor vm3, vm0;
	vm3 =	vne.s32 v6, v14  }
0x12d: {  	v12 =	vld [tilespmem:s20+$0xFFFFFFD0];
	(xrf0) =	vmax.scan.msk.u32 vm2, v1;
	vm2 =	vmor vm3, vm0;
	vm3 =	vne.s32 v5, v16  }
0x12e: {  	v14 =	vld [tilespmem:s20+$0xFFFFFFF0];
	(xrf0) =	vmax.scan.msk.u32 vm2, v1;
	vm2 =	vmor vm3, vm0;
	vm3 =	vne.s32 v7, v17  }
0x12f: {  	vm4 =	vne.s32 v10, v11;
	(xrf0) =	vmax.scan.msk.u32 vm2, v1;
	vm2 =	vmor vm3, vm0;
	vm3 =	vne.s32 v8, v9  }
0x130: {  	v18 =	vld [tilespmem:s20+$0x20];
	vm4 =	vmor vm4, vm1;
	v9, _, _ =	vpop (xrf0);
	(xrf0) =	vmax.scan.msk.u32 vm2, v1;
	vm2 =	vmor vm3, vm0  }
0x131: {  	v19 =	vld [tilespmem:s20+$0x30];
	vm3 =	vne.s32 v15, v13;
	v11, _, _ =	vpop (xrf0);
	(xrf0) =	vmax.scan.msk.u32 vm2, v1  }
0x132: {  	vm5 =	vne.s32 v4, v61;
	vm6 =	vne.s32 v6, v62;
	vm7 =	vmor vm3, vm1;
	v13, _, _ =	vpop (xrf0)  }
0x133: {  	vm2 =	vne.s32 v8, v12;
	vm3 =	vne.s32 v3, v14;
	v14 =	vsub.s32 v2, v9;
	v12, _, _ =	vpop (xrf0)  }
0x134: {  	v20 =	vsub.s32 v2, v11;
	vm8 =	vmor vm2, vm1;
	v11 =	vsub.s32 v2, v12;
	v12, _, _ =	vpop (xrf0)  }
0x135: {  	s17 =	simm.s32 $0x0;
	vm2 =	vmor vm3, vm1;
	vm3 =	vmor vm5, vm1;
	v9 =	vsub.s32 v2, v13;
	v13, _, _ =	vpop (xrf0)  }
0x136: {  	vm5 =	vne.s32 v5, v18;
	[tilespmem:v10+s17+$0x0] =	vst.idx.add.s32.msk vm4, v14;
	vm4 =	vmor vm6, vm1;
	vm6 =	vne.s32 v7, v19;
	v63, _, _ =	vpop (xrf0)  }
0x137: {  	vm5 =	vmor vm5, vm1;
	v12 =	vsub.s32 v2, v12;
	v13 =	vsub.s32 v2, v13;
	v10, _, _ =	vpop (xrf0)  }
0x138: {  	s18 =	simm.s32 $0x0;
	s19 =	simm.s32 $0x0;
	s20 =	simm.s32 $0x1A0C1;
	vm6 =	vmor vm6, vm1;
	v14 =	vsub.s32 v2, v63;
	[tilespmem:v15+s17+$0x0] =	vst.idx.add.s32.msk vm7, v20;
	v10 =	vsub.s32 v2, v10  }
.LBB2_15:
0x139: {  	v15 =	vld [tilespmem:s20+$0x3F];
	v16 =	vmovc v11;
	v17 =	vmovc v12;
	v18 =	vmov v13;
	v19 =	vmov v14;
	vm7 =	vmmov vm8  }
0x13a: {  	s18 =	sadd.s32 $0x8, s18;
	v11 =	vld [tilespmem:s20+$0x3E]  }
0x13b: {  	p0 =	slt.u32 s18, $0x1E8;
	v12 =	vld [tilespmem:s20+$0xFFFFFFCE]  }
0x13c: {  	v20 =	vld [tilespmem:s20+$0xFFFFFFDF]  }
0x13d: {  	v13 =	vld [tilespmem:s20+$0x40]  }
0x13e: {  	v14 =	vld [tilespmem:s20+$0xFFFFFFDE]  }
0x13f: {  	v21 =	vld [tilespmem:s20+$0xFFFFFFEF];
	vm8 =	vne.s32 v15, v11  }
0x140: {  	v11 =	vld [tilespmem:s20+$0xFFFFFFEE];
	vm8 =	vmor vm8, vm0  }
0x141: {  	v22 =	vld [tilespmem:s20+$0xFFFFFFFF];
	(xrf0) =	vmax.scan.msk.u32 vm8, v1  }
0x142: {  	v23 =	vld [tilespmem:s20+$0xFFFFFFFE];
	vm8 =	vne.s32 v15, v13  }
0x143: {  	vm9 =	vne.s32 v20, v14;
	v24 =	vld [tilespmem:s20+$0xF];
	vm8 =	vmor vm8, vm1  }
0x144: {  	vm9 =	vmor vm9, vm0;
	v13 =	vld [tilespmem:s20+$0xE]  }
0x145: {  	vm10 =	vne.s32 v21, v11;
	v25 =	vld [tilespmem:s20+$0x1F];
	(xrf0) =	vmax.scan.msk.u32 vm9, v1  }
0x146: {  	vm9 =	vmor vm10, vm0;
	v11 =	vld [tilespmem:s20+$0x1E]  }
0x147: {  	vm10 =	vne.s32 v22, v23;
	v23 =	vld [tilespmem:s20+$0x2F];
	(xrf0) =	vmax.scan.msk.u32 vm9, v1;
	v14, _, _ =	vpop (xrf0)  }
0x148: {  	vm9 =	vmor vm10, vm0;
	v26 =	vld [tilespmem:s20+$0x2E];
	v14 =	vsub.s32 v2, v14  }
0x149: {  	vm10 =	vne.s32 v24, v13;
	[tilespmem:v15+s17+$0x0] =	vst.idx.add.s32.msk vm8, v14;
	(xrf0) =	vmax.scan.msk.u32 vm9, v1  }
0x14a: {  	v15 =	vld [tilespmem:s20+$0xFFFFFFCF];
	vm8 =	vmor vm10, vm0  }
0x14b: {  	v13 =	vld [tilespmem:s20+$0xFFFFFFD0];
	vm9 =	vne.s32 v25, v11;
	v11, _, _ =	vpop (xrf0);
	(xrf0) =	vmax.scan.msk.u32 vm8, v1  }
0x14c: {  	v14 =	vld [tilespmem:s20+$0xFFFFFFE0];
	v27 =	vsub.s32 v2, v11;
	vm8 =	vmor vm9, vm0  }
0x14d: {  	v28 =	vld [tilespmem:s20+$0xFFFFFFF0];
	vm9 =	vne.s32 v23, v26;
	v11, _, _ =	vpop (xrf0);
	(xrf0) =	vmax.scan.msk.u32 vm8, v1  }
0x14e: {  	v26 =	vsub.s32 v2, v11;
	v29 =	vld [tilespmem:s20+$0x0];
	vm8 =	vmor vm9, vm0  }
0x14f: {  	vm9 =	vne.s32 v15, v12;
	v30 =	vld [tilespmem:s20+$0x10];
	v11, _, _ =	vpop (xrf0);
	(xrf0) =	vmax.scan.msk.u32 vm8, v1  }
0x150: {  	vm9 =	vmor vm9, vm0;
	vm8 =	vne.s32 v15, v13;
	v11 =	vsub.s32 v2, v11;
	v31 =	vld [tilespmem:s20+$0x20]  }
0x151: {  	vm8 =	vmor vm8, vm1;
	vm10 =	vne.s32 v20, v14;
	v14 =	vld [tilespmem:s20+$0x30];
	(xrf0) =	vmax.scan.msk.u32 vm9, v1;
	v12, _, _ =	vpop (xrf0)  }
0x152: {  	vm9 =	vmor vm10, vm1;
	vm10 =	vne.s32 v21, v28;
	v12 =	vsub.s32 v2, v12;
	[tilespmem:v8+s19+$0x0] =	vst.idx.add.s32.msk vm7, v10  }
0x153: {  	vm7 =	vne.s32 v22, v29;
	v8, _, _ =	vpop (xrf0);
	[tilespmem:v3+s19+$0x0] =	vst.idx.add.s32.msk vm2, v9;
	vm2 =	vmor vm10, vm1;
	v3 =	vmov v21  }
.Ltmp10:
0x154: {  	vm10 =	vne.s32 v24, v30;
	v13 =	vsub.s32 v2, v8;
	[tilespmem:v4+s19+$0x0] =	vst.idx.add.s32.msk vm3, v16;
	vm3 =	vmor vm7, vm1;
	(pc) =	sbr.rel @p0 .LBB2_15-.Ltmp10, $4  }
0x155: {  	v4 =	vmov v22;
	vm7 =	vne.s32 v25, v31;
	v8, _, _ =	vpop (xrf0);
	[tilespmem:v6+s19+$0x0] =	vst.idx.add.s32.msk vm4, v17;
	vm4 =	vmor vm10, vm1  }
0x156: {  	vm10 =	vne.s32 v23, v14;
	v14 =	vsub.s32 v2, v8;
	[tilespmem:v5+s19+$0x0] =	vst.idx.add.s32.msk vm5, v18;
	vm5 =	vmor vm7, vm1  }
0x157: {  	v6 =	vmov v24;
	v5 =	vmov v25;
	v8, _, _ =	vpop (xrf0);
	[tilespmem:v7+s19+$0x0] =	vst.idx.add.s32.msk vm6, v19;
	vm6 =	vmor vm10, vm1;
	s19 =	smov.u32 s17  }
0x158: {  	s20 =	sadd.s32 $0x80, s20;
	v9 =	vmovc v26;
	v7 =	vmov v23;
	v10 =	vsub.s32 v2, v8;
	[tilespmem:v20+s19+$0x0] =	vst.idx.add.s32.msk vm9, v27;
	v8 =	vmov v15  }
0x159: {  	_ =	sdelay $0x4  }
0x15a: {  	[tilespmem:v8+s19+$0x0] =	vst.idx.add.s32.msk vm8, v10  }
0x15b: {  	[tilespmem:v3+s19+$0x0] =	vst.idx.add.s32.msk vm2, v9  }
0x15c: {  	[tilespmem:v4+s19+$0x0] =	vst.idx.add.s32.msk vm3, v11  }
0x15d: {  	[tilespmem:v6+s19+$0x0] =	vst.idx.add.s32.msk vm4, v12  }
0x15e: {  	[tilespmem:v5+s19+$0x0] =	vst.idx.add.s32.msk vm5, v13  }
0x15f: {  	vm7 =	vmmov vm8;
	[tilespmem:v7+s19+$0x0] =	vst.idx.add.s32.msk vm6, v14  }
.LBB2_17:
0x160: {  	s18 =	sshra.s32 s17, $0x2  }
0x161: {  	v3 =	vld [tilespmem:s18+$0x1BF10]  }
0x162: {  	v4 =	vld [tilespmem:s18+$0x1BF0F];
	_ =	sdelay $0x2  }
0x163: {  	v5 =	vld [tilespmem:s18+$0x1BF11];
	_ =	sdelay $0x1  }
0x164: {  	vm2 =	vne.s32 v3, v4  }
0x165: {  	vm2 =	vmor vm2, vm0  }
0x166: {  	(xrf0) =	vmax.scan.msk.u32 vm2, v1  }
0x167: {  	vm2 =	vne.s32 v3, v5  }
0x168: {  	vm2 =	vmor vm2, vm1  }
0x169: {  	p0 =	sne.s32 s17, $0xC0  }
.Ltmp11:
0x16a: {  	_ = 	snop;
	(pc) =	sbr.rel @p0 .LBB2_17-.Ltmp11, $4  }
0x16b: {  	_ = 	snop  }
0x16c: {  	v63, _, _ =	vpop (xrf0)  }
0x16d: {  	v4 =	vsub.s32 v2, v63  }
0x16e: {  	s17 =	sadd.s32 $0x40, s17;
	[tilespmem:v3+s3+$0x0] =	vst.idx.add.s32.msk vm2, v4  }
0x16f: {  	s17 =	rddreg [dreg:$0x8]  }
0x170: {  	[tilespmem:s5], [sflag:$0x1] =	stream.linear.gather [hbm4b:s17+s3], $0x1F40, $0x38;
	[tilespmem:$0x1F920] =	vst v63  }
0x171: {  	_ =	swait.ge [sflag:s10], $0x1F40  }
0x172: {  	[sflag:s10] =	ssyncset.done $0x0  }
0x173: {  	s20 =	simm.s32 $0x1BFA1;
	[sflag:s10] =	ssyncadd.s32 $0xFFFFE0C0  }
0x174: {  	v10 =	vld [tilespmem:s20+$0x3F]  }
0x175: {  	v7 =	vld [tilespmem:s20+$0x3E]  }
0x176: {  	v9 =	vld [tilespmem:s20+$0xFFFFFFCE]  }
0x177: {  	v15 =	vld [tilespmem:s20+$0xFFFFFFDF]  }
0x178: {  	v11 =	vld [tilespmem:s20+$0x40]  }
0x179: {  	v8 =	vld [tilespmem:s20+$0xFFFFFFDE]  }
0x17a: {  	v3 =	vld [tilespmem:s20+$0xFFFFFFEF]  }
0x17b: {  	v12 =	vld [tilespmem:s20+$0xFFFFFFEE]  }
0x17c: {  	v4 =	vld [tilespmem:s20+$0xFFFFFFFF]  }
0x17d: {  	v13 =	vld [tilespmem:s20+$0xFFFFFFFE]  }
0x17e: {  	v6 =	vld [tilespmem:s20+$0xF]  }
0x17f: {  	v14 =	vld [tilespmem:s20+$0xE]  }
0x180: {  	v5 =	vld [tilespmem:s20+$0x1F]  }
0x181: {  	v16 =	vld [tilespmem:s20+$0x1E]  }
0x182: {  	v17 =	vld [tilespmem:s20+$0x2E]  }
0x183: {  	v61 =	vld [tilespmem:s20+$0x0];
	vm2 =	vne.s32 v10, v7  }
0x184: {  	v7 =	vld [tilespmem:s20+$0x2F];
	vm3 =	vne.s32 v15, v8;
	vm2 =	vmor vm2, vm0  }
0x185: {  	v8 =	vld [tilespmem:s20+$0xFFFFFFCF];
	(xrf0) =	vmax.scan.msk.u32 vm2, v1;
	vm2 =	vmor vm3, vm0;
	vm3 =	vne.s32 v3, v12  }
0x186: {  	v62 =	vld [tilespmem:s20+$0x10];
	(xrf0) =	vmax.scan.msk.u32 vm2, v1;
	vm2 =	vmor vm3, vm0;
	vm3 =	vne.s32 v4, v13  }
0x187: {  	v13 =	vld [tilespmem:s20+$0xFFFFFFE0];
	(xrf0) =	vmax.scan.msk.u32 vm2, v1;
	vm2 =	vmor vm3, vm0;
	vm3 =	vne.s32 v6, v14  }
0x188: {  	v12 =	vld [tilespmem:s20+$0xFFFFFFD0];
	(xrf0) =	vmax.scan.msk.u32 vm2, v1;
	vm2 =	vmor vm3, vm0;
	vm3 =	vne.s32 v5, v16  }
0x189: {  	v14 =	vld [tilespmem:s20+$0xFFFFFFF0];
	(xrf0) =	vmax.scan.msk.u32 vm2, v1;
	vm2 =	vmor vm3, vm0;
	vm3 =	vne.s32 v7, v17  }
0x18a: {  	vm4 =	vne.s32 v10, v11;
	(xrf0) =	vmax.scan.msk.u32 vm2, v1;
	vm2 =	vmor vm3, vm0;
	vm3 =	vne.s32 v8, v9  }
0x18b: {  	v18 =	vld [tilespmem:s20+$0x20];
	vm4 =	vmor vm4, vm1;
	v9, _, _ =	vpop (xrf0);
	(xrf0) =	vmax.scan.msk.u32 vm2, v1;
	vm2 =	vmor vm3, vm0  }
0x18c: {  	v19 =	vld [tilespmem:s20+$0x30];
	vm3 =	vne.s32 v15, v13;
	v11, _, _ =	vpop (xrf0);
	(xrf0) =	vmax.scan.msk.u32 vm2, v1  }
0x18d: {  	vm5 =	vne.s32 v4, v61;
	vm6 =	vne.s32 v6, v62;
	vm7 =	vmor vm3, vm1;
	v13, _, _ =	vpop (xrf0)  }
0x18e: {  	vm2 =	vne.s32 v8, v12;
	vm3 =	vne.s32 v3, v14;
	v14 =	vsub.s32 v2, v9;
	v12, _, _ =	vpop (xrf0)  }
0x18f: {  	v20 =	vsub.s32 v2, v11;
	vm8 =	vmor vm2, vm1;
	v11 =	vsub.s32 v2, v12;
	v12, _, _ =	vpop (xrf0)  }
0x190: {  	s17 =	simm.s32 $0x0;
	vm2 =	vmor vm3, vm1;
	vm3 =	vmor vm5, vm1;
	v9 =	vsub.s32 v2, v13;
	v13, _, _ =	vpop (xrf0)  }
0x191: {  	vm5 =	vne.s32 v5, v18;
	[tilespmem:v10+s17+$0x0] =	vst.idx.add.s32.msk vm4, v14;
	vm4 =	vmor vm6, vm1;
	vm6 =	vne.s32 v7, v19;
	v63, _, _ =	vpop (xrf0)  }
0x192: {  	vm5 =	vmor vm5, vm1;
	v12 =	vsub.s32 v2, v12;
	v13 =	vsub.s32 v2, v13;
	v10, _, _ =	vpop (xrf0)  }
0x193: {  	s18 =	simm.s32 $0x0;
	s19 =	simm.s32 $0x0;
	s20 =	simm.s32 $0x1C021;
	vm6 =	vmor vm6, vm1;
	v14 =	vsub.s32 v2, v63;
	[tilespmem:v15+s17+$0x0] =	vst.idx.add.s32.msk vm7, v20;
	v10 =	vsub.s32 v2, v10  }
.LBB2_19:
0x194: {  	v15 =	vld [tilespmem:s20+$0x3F];
	v16 =	vmovc v11;
	v17 =	vmovc v12;
	v18 =	vmov v13;
	v19 =	vmov v14;
	vm7 =	vmmov vm8  }
0x195: {  	s18 =	sadd.s32 $0x8, s18;
	v11 =	vld [tilespmem:s20+$0x3E]  }
0x196: {  	p0 =	slt.u32 s18, $0x1E8;
	v12 =	vld [tilespmem:s20+$0xFFFFFFCE]  }
0x197: {  	v20 =	vld [tilespmem:s20+$0xFFFFFFDF]  }
0x198: {  	v13 =	vld [tilespmem:s20+$0x40]  }
0x199: {  	v14 =	vld [tilespmem:s20+$0xFFFFFFDE]  }
0x19a: {  	v21 =	vld [tilespmem:s20+$0xFFFFFFEF];
	vm8 =	vne.s32 v15, v11  }
0x19b: {  	v11 =	vld [tilespmem:s20+$0xFFFFFFEE];
	vm8 =	vmor vm8, vm0  }
0x19c: {  	v22 =	vld [tilespmem:s20+$0xFFFFFFFF];
	(xrf0) =	vmax.scan.msk.u32 vm8, v1  }
0x19d: {  	v23 =	vld [tilespmem:s20+$0xFFFFFFFE];
	vm8 =	vne.s32 v15, v13  }
0x19e: {  	vm9 =	vne.s32 v20, v14;
	v24 =	vld [tilespmem:s20+$0xF];
	vm8 =	vmor vm8, vm1  }
0x19f: {  	vm9 =	vmor vm9, vm0;
	v13 =	vld [tilespmem:s20+$0xE]  }
0x1a0: {  	vm10 =	vne.s32 v21, v11;
	v25 =	vld [tilespmem:s20+$0x1F];
	(xrf0) =	vmax.scan.msk.u32 vm9, v1  }
0x1a1: {  	vm9 =	vmor vm10, vm0;
	v11 =	vld [tilespmem:s20+$0x1E]  }
0x1a2: {  	vm10 =	vne.s32 v22, v23;
	v23 =	vld [tilespmem:s20+$0x2F];
	(xrf0) =	vmax.scan.msk.u32 vm9, v1;
	v14, _, _ =	vpop (xrf0)  }
0x1a3: {  	vm9 =	vmor vm10, vm0;
	v26 =	vld [tilespmem:s20+$0x2E];
	v14 =	vsub.s32 v2, v14  }
0x1a4: {  	vm10 =	vne.s32 v24, v13;
	[tilespmem:v15+s17+$0x0] =	vst.idx.add.s32.msk vm8, v14;
	(xrf0) =	vmax.scan.msk.u32 vm9, v1  }
0x1a5: {  	v15 =	vld [tilespmem:s20+$0xFFFFFFCF];
	vm8 =	vmor vm10, vm0  }
0x1a6: {  	v13 =	vld [tilespmem:s20+$0xFFFFFFD0];
	vm9 =	vne.s32 v25, v11;
	v11, _, _ =	vpop (xrf0);
	(xrf0) =	vmax.scan.msk.u32 vm8, v1  }
0x1a7: {  	v14 =	vld [tilespmem:s20+$0xFFFFFFE0];
	v27 =	vsub.s32 v2, v11;
	vm8 =	vmor vm9, vm0  }
0x1a8: {  	v28 =	vld [tilespmem:s20+$0xFFFFFFF0];
	vm9 =	vne.s32 v23, v26;
	v11, _, _ =	vpop (xrf0);
	(xrf0) =	vmax.scan.msk.u32 vm8, v1  }
0x1a9: {  	v26 =	vsub.s32 v2, v11;
	v29 =	vld [tilespmem:s20+$0x0];
	vm8 =	vmor vm9, vm0  }
0x1aa: {  	vm9 =	vne.s32 v15, v12;
	v30 =	vld [tilespmem:s20+$0x10];
	v11, _, _ =	vpop (xrf0);
	(xrf0) =	vmax.scan.msk.u32 vm8, v1  }
0x1ab: {  	vm9 =	vmor vm9, vm0;
	vm8 =	vne.s32 v15, v13;
	v11 =	vsub.s32 v2, v11;
	v31 =	vld [tilespmem:s20+$0x20]  }
0x1ac: {  	vm8 =	vmor vm8, vm1;
	vm10 =	vne.s32 v20, v14;
	v14 =	vld [tilespmem:s20+$0x30];
	(xrf0) =	vmax.scan.msk.u32 vm9, v1;
	v12, _, _ =	vpop (xrf0)  }
0x1ad: {  	vm9 =	vmor vm10, vm1;
	vm10 =	vne.s32 v21, v28;
	v12 =	vsub.s32 v2, v12;
	[tilespmem:v8+s19+$0x0] =	vst.idx.add.s32.msk vm7, v10  }
0x1ae: {  	vm7 =	vne.s32 v22, v29;
	v8, _, _ =	vpop (xrf0);
	[tilespmem:v3+s19+$0x0] =	vst.idx.add.s32.msk vm2, v9;
	vm2 =	vmor vm10, vm1;
	v3 =	vmov v21  }
.Ltmp12:
0x1af: {  	vm10 =	vne.s32 v24, v30;
	v13 =	vsub.s32 v2, v8;
	[tilespmem:v4+s19+$0x0] =	vst.idx.add.s32.msk vm3, v16;
	vm3 =	vmor vm7, vm1;
	(pc) =	sbr.rel @p0 .LBB2_19-.Ltmp12, $4  }
0x1b0: {  	v4 =	vmov v22;
	vm7 =	vne.s32 v25, v31;
	v8, _, _ =	vpop (xrf0);
	[tilespmem:v6+s19+$0x0] =	vst.idx.add.s32.msk vm4, v17;
	vm4 =	vmor vm10, vm1  }
0x1b1: {  	vm10 =	vne.s32 v23, v14;
	v14 =	vsub.s32 v2, v8;
	[tilespmem:v5+s19+$0x0] =	vst.idx.add.s32.msk vm5, v18;
	vm5 =	vmor vm7, vm1  }
0x1b2: {  	v6 =	vmov v24;
	v5 =	vmov v25;
	v8, _, _ =	vpop (xrf0);
	[tilespmem:v7+s19+$0x0] =	vst.idx.add.s32.msk vm6, v19;
	vm6 =	vmor vm10, vm1;
	s19 =	smov.u32 s17  }
0x1b3: {  	s20 =	sadd.s32 $0x80, s20;
	v9 =	vmovc v26;
	v7 =	vmov v23;
	v10 =	vsub.s32 v2, v8;
	[tilespmem:v20+s19+$0x0] =	vst.idx.add.s32.msk vm9, v27;
	v8 =	vmov v15  }
0x1b4: {  	_ =	sdelay $0x4  }
0x1b5: {  	[tilespmem:v8+s19+$0x0] =	vst.idx.add.s32.msk vm8, v10  }
0x1b6: {  	[tilespmem:v3+s19+$0x0] =	vst.idx.add.s32.msk vm2, v9  }
0x1b7: {  	[tilespmem:v4+s19+$0x0] =	vst.idx.add.s32.msk vm3, v11  }
0x1b8: {  	[tilespmem:v6+s19+$0x0] =	vst.idx.add.s32.msk vm4, v12  }
0x1b9: {  	[tilespmem:v5+s19+$0x0] =	vst.idx.add.s32.msk vm5, v13  }
0x1ba: {  	vm7 =	vmmov vm8;
	[tilespmem:v7+s19+$0x0] =	vst.idx.add.s32.msk vm6, v14  }
.LBB2_21:
0x1bb: {  	s18 =	sshra.s32 s17, $0x2  }
0x1bc: {  	v3 =	vld [tilespmem:s18+$0x1DE70]  }
0x1bd: {  	v4 =	vld [tilespmem:s18+$0x1DE6F];
	_ =	sdelay $0x2  }
0x1be: {  	v5 =	vld [tilespmem:s18+$0x1DE71];
	_ =	sdelay $0x1  }
0x1bf: {  	vm2 =	vne.s32 v3, v4  }
0x1c0: {  	vm2 =	vmor vm2, vm0  }
0x1c1: {  	(xrf0) =	vmax.scan.msk.u32 vm2, v1  }
0x1c2: {  	vm2 =	vne.s32 v3, v5  }
0x1c3: {  	vm2 =	vmor vm2, vm1  }
0x1c4: {  	p0 =	sne.s32 s17, $0xC0  }
.Ltmp13:
0x1c5: {  	_ = 	snop;
	(pc) =	sbr.rel @p0 .LBB2_21-.Ltmp13, $4  }
0x1c6: {  	_ = 	snop  }
0x1c7: {  	v63, _, _ =	vpop (xrf0)  }
0x1c8: {  	v4 =	vsub.s32 v2, v63  }
0x1c9: {  	s17 =	sadd.s32 $0x40, s17;
	[tilespmem:v3+s3+$0x0] =	vst.idx.add.s32.msk vm2, v4  }
0x1ca: {  	s17 =	rddreg [dreg:$0x9]  }
0x1cb: {  	[tilespmem:s8], [sflag:$0x2] =	stream.linear.gather [hbm4b:s17+s3], $0x1F40, $0x38;
	[tilespmem:$0x1F920] =	vst v63  }
0x1cc: {  	_ =	swait.ge [sflag:s9], $0x1F40  }
0x1cd: {  	[sflag:s9] =	ssyncset.done $0x0  }
0x1ce: {  	s20 =	simm.s32 $0x1A041;
	[sflag:s9] =	ssyncadd.s32 $0xFFFFE0C0  }
0x1cf: {  	v10 =	vld [tilespmem:s20+$0x3F]  }
0x1d0: {  	v7 =	vld [tilespmem:s20+$0x3E]  }
0x1d1: {  	v9 =	vld [tilespmem:s20+$0xFFFFFFCE]  }
0x1d2: {  	v15 =	vld [tilespmem:s20+$0xFFFFFFDF]  }
0x1d3: {  	v11 =	vld [tilespmem:s20+$0x40]  }
0x1d4: {  	v8 =	vld [tilespmem:s20+$0xFFFFFFDE]  }
0x1d5: {  	v3 =	vld [tilespmem:s20+$0xFFFFFFEF]  }
0x1d6: {  	v12 =	vld [tilespmem:s20+$0xFFFFFFEE]  }
0x1d7: {  	v4 =	vld [tilespmem:s20+$0xFFFFFFFF]  }
0x1d8: {  	v13 =	vld [tilespmem:s20+$0xFFFFFFFE]  }
0x1d9: {  	v6 =	vld [tilespmem:s20+$0xF]  }
0x1da: {  	v14 =	vld [tilespmem:s20+$0xE]  }
0x1db: {  	v5 =	vld [tilespmem:s20+$0x1F]  }
0x1dc: {  	v16 =	vld [tilespmem:s20+$0x1E]  }
0x1dd: {  	v17 =	vld [tilespmem:s20+$0x2E]  }
0x1de: {  	v61 =	vld [tilespmem:s20+$0x0];
	vm2 =	vne.s32 v10, v7  }
0x1df: {  	v7 =	vld [tilespmem:s20+$0x2F];
	vm3 =	vne.s32 v15, v8;
	vm2 =	vmor vm2, vm0  }
0x1e0: {  	v8 =	vld [tilespmem:s20+$0xFFFFFFCF];
	(xrf0) =	vmax.scan.msk.u32 vm2, v1;
	vm2 =	vmor vm3, vm0;
	vm3 =	vne.s32 v3, v12  }
0x1e1: {  	v62 =	vld [tilespmem:s20+$0x10];
	(xrf0) =	vmax.scan.msk.u32 vm2, v1;
	vm2 =	vmor vm3, vm0;
	vm3 =	vne.s32 v4, v13  }
0x1e2: {  	v13 =	vld [tilespmem:s20+$0xFFFFFFE0];
	(xrf0) =	vmax.scan.msk.u32 vm2, v1;
	vm2 =	vmor vm3, vm0;
	vm3 =	vne.s32 v6, v14  }
0x1e3: {  	v12 =	vld [tilespmem:s20+$0xFFFFFFD0];
	(xrf0) =	vmax.scan.msk.u32 vm2, v1;
	vm2 =	vmor vm3, vm0;
	vm3 =	vne.s32 v5, v16  }
0x1e4: {  	v14 =	vld [tilespmem:s20+$0xFFFFFFF0];
	(xrf0) =	vmax.scan.msk.u32 vm2, v1;
	vm2 =	vmor vm3, vm0;
	vm3 =	vne.s32 v7, v17  }
0x1e5: {  	vm4 =	vne.s32 v10, v11;
	(xrf0) =	vmax.scan.msk.u32 vm2, v1;
	vm2 =	vmor vm3, vm0;
	vm3 =	vne.s32 v8, v9  }
0x1e6: {  	v18 =	vld [tilespmem:s20+$0x20];
	vm4 =	vmor vm4, vm1;
	v9, _, _ =	vpop (xrf0);
	(xrf0) =	vmax.scan.msk.u32 vm2, v1;
	vm2 =	vmor vm3, vm0  }
0x1e7: {  	v19 =	vld [tilespmem:s20+$0x30];
	vm3 =	vne.s32 v15, v13;
	v11, _, _ =	vpop (xrf0);
	(xrf0) =	vmax.scan.msk.u32 vm2, v1  }
0x1e8: {  	vm5 =	vne.s32 v4, v61;
	vm6 =	vne.s32 v6, v62;
	vm7 =	vmor vm3, vm1;
	v13, _, _ =	vpop (xrf0)  }
0x1e9: {  	vm2 =	vne.s32 v8, v12;
	vm3 =	vne.s32 v3, v14;
	v14 =	vsub.s32 v2, v9;
	v12, _, _ =	vpop (xrf0)  }
0x1ea: {  	v20 =	vsub.s32 v2, v11;
	vm8 =	vmor vm2, vm1;
	v11 =	vsub.s32 v2, v12;
	v12, _, _ =	vpop (xrf0)  }
0x1eb: {  	s17 =	simm.s32 $0x0;
	vm2 =	vmor vm3, vm1;
	vm3 =	vmor vm5, vm1;
	v9 =	vsub.s32 v2, v13;
	v13, _, _ =	vpop (xrf0)  }
0x1ec: {  	vm5 =	vne.s32 v5, v18;
	[tilespmem:v10+s17+$0x0] =	vst.idx.add.s32.msk vm4, v14;
	vm4 =	vmor vm6, vm1;
	vm6 =	vne.s32 v7, v19;
	v63, _, _ =	vpop (xrf0)  }
0x1ed: {  	vm5 =	vmor vm5, vm1;
	v12 =	vsub.s32 v2, v12;
	v13 =	vsub.s32 v2, v13;
	v10, _, _ =	vpop (xrf0)  }
0x1ee: {  	s18 =	simm.s32 $0x0;
	s19 =	simm.s32 $0x0;
	s20 =	simm.s32 $0x1A0C1;
	vm6 =	vmor vm6, vm1;
	v14 =	vsub.s32 v2, v63;
	[tilespmem:v15+s17+$0x0] =	vst.idx.add.s32.msk vm7, v20;
	v10 =	vsub.s32 v2, v10  }
.LBB2_23:
0x1ef: {  	v15 =	vld [tilespmem:s20+$0x3F];
	v16 =	vmovc v11;
	v17 =	vmovc v12;
	v18 =	vmov v13;
	v19 =	vmov v14;
	vm7 =	vmmov vm8  }
0x1f0: {  	s18 =	sadd.s32 $0x8, s18;
	v11 =	vld [tilespmem:s20+$0x3E]  }
0x1f1: {  	p0 =	slt.u32 s18, $0x1E8;
	v12 =	vld [tilespmem:s20+$0xFFFFFFCE]  }
0x1f2: {  	v20 =	vld [tilespmem:s20+$0xFFFFFFDF]  }
0x1f3: {  	v13 =	vld [tilespmem:s20+$0x40]  }
0x1f4: {  	v14 =	vld [tilespmem:s20+$0xFFFFFFDE]  }
0x1f5: {  	v21 =	vld [tilespmem:s20+$0xFFFFFFEF];
	vm8 =	vne.s32 v15, v11  }
0x1f6: {  	v11 =	vld [tilespmem:s20+$0xFFFFFFEE];
	vm8 =	vmor vm8, vm0  }
0x1f7: {  	v22 =	vld [tilespmem:s20+$0xFFFFFFFF];
	(xrf0) =	vmax.scan.msk.u32 vm8, v1  }
0x1f8: {  	v23 =	vld [tilespmem:s20+$0xFFFFFFFE];
	vm8 =	vne.s32 v15, v13  }
0x1f9: {  	vm9 =	vne.s32 v20, v14;
	v24 =	vld [tilespmem:s20+$0xF];
	vm8 =	vmor vm8, vm1  }
0x1fa: {  	vm9 =	vmor vm9, vm0;
	v13 =	vld [tilespmem:s20+$0xE]  }
0x1fb: {  	vm10 =	vne.s32 v21, v11;
	v25 =	vld [tilespmem:s20+$0x1F];
	(xrf0) =	vmax.scan.msk.u32 vm9, v1  }
0x1fc: {  	vm9 =	vmor vm10, vm0;
	v11 =	vld [tilespmem:s20+$0x1E]  }
0x1fd: {  	vm10 =	vne.s32 v22, v23;
	v23 =	vld [tilespmem:s20+$0x2F];
	(xrf0) =	vmax.scan.msk.u32 vm9, v1;
	v14, _, _ =	vpop (xrf0)  }
0x1fe: {  	vm9 =	vmor vm10, vm0;
	v26 =	vld [tilespmem:s20+$0x2E];
	v14 =	vsub.s32 v2, v14  }
0x1ff: {  	vm10 =	vne.s32 v24, v13;
	[tilespmem:v15+s17+$0x0] =	vst.idx.add.s32.msk vm8, v14;
	(xrf0) =	vmax.scan.msk.u32 vm9, v1  }
0x200: {  	v15 =	vld [tilespmem:s20+$0xFFFFFFCF];
	vm8 =	vmor vm10, vm0  }
0x201: {  	v13 =	vld [tilespmem:s20+$0xFFFFFFD0];
	vm9 =	vne.s32 v25, v11;
	v11, _, _ =	vpop (xrf0);
	(xrf0) =	vmax.scan.msk.u32 vm8, v1  }
0x202: {  	v14 =	vld [tilespmem:s20+$0xFFFFFFE0];
	v27 =	vsub.s32 v2, v11;
	vm8 =	vmor vm9, vm0  }
0x203: {  	v28 =	vld [tilespmem:s20+$0xFFFFFFF0];
	vm9 =	vne.s32 v23, v26;
	v11, _, _ =	vpop (xrf0);
	(xrf0) =	vmax.scan.msk.u32 vm8, v1  }
0x204: {  	v26 =	vsub.s32 v2, v11;
	v29 =	vld [tilespmem:s20+$0x0];
	vm8 =	vmor vm9, vm0  }
0x205: {  	vm9 =	vne.s32 v15, v12;
	v30 =	vld [tilespmem:s20+$0x10];
	v11, _, _ =	vpop (xrf0);
	(xrf0) =	vmax.scan.msk.u32 vm8, v1  }
0x206: {  	vm9 =	vmor vm9, vm0;
	vm8 =	vne.s32 v15, v13;
	v11 =	vsub.s32 v2, v11;
	v31 =	vld [tilespmem:s20+$0x20]  }
0x207: {  	vm8 =	vmor vm8, vm1;
	vm10 =	vne.s32 v20, v14;
	v14 =	vld [tilespmem:s20+$0x30];
	(xrf0) =	vmax.scan.msk.u32 vm9, v1;
	v12, _, _ =	vpop (xrf0)  }
0x208: {  	vm9 =	vmor vm10, vm1;
	vm10 =	vne.s32 v21, v28;
	v12 =	vsub.s32 v2, v12;
	[tilespmem:v8+s19+$0x0] =	vst.idx.add.s32.msk vm7, v10  }
0x209: {  	vm7 =	vne.s32 v22, v29;
	v8, _, _ =	vpop (xrf0);
	[tilespmem:v3+s19+$0x0] =	vst.idx.add.s32.msk vm2, v9;
	vm2 =	vmor vm10, vm1;
	v3 =	vmov v21  }
.Ltmp14:
0x20a: {  	vm10 =	vne.s32 v24, v30;
	v13 =	vsub.s32 v2, v8;
	[tilespmem:v4+s19+$0x0] =	vst.idx.add.s32.msk vm3, v16;
	vm3 =	vmor vm7, vm1;
	(pc) =	sbr.rel @p0 .LBB2_23-.Ltmp14, $4  }
0x20b: {  	v4 =	vmov v22;
	vm7 =	vne.s32 v25, v31;
	v8, _, _ =	vpop (xrf0);
	[tilespmem:v6+s19+$0x0] =	vst.idx.add.s32.msk vm4, v17;
	vm4 =	vmor vm10, vm1  }
0x20c: {  	vm10 =	vne.s32 v23, v14;
	v14 =	vsub.s32 v2, v8;
	[tilespmem:v5+s19+$0x0] =	vst.idx.add.s32.msk vm5, v18;
	vm5 =	vmor vm7, vm1  }
0x20d: {  	v6 =	vmov v24;
	v5 =	vmov v25;
	v8, _, _ =	vpop (xrf0);
	[tilespmem:v7+s19+$0x0] =	vst.idx.add.s32.msk vm6, v19;
	vm6 =	vmor vm10, vm1;
	s19 =	smov.u32 s17  }
0x20e: {  	s20 =	sadd.s32 $0x80, s20;
	v9 =	vmovc v26;
	v7 =	vmov v23;
	v10 =	vsub.s32 v2, v8;
	[tilespmem:v20+s19+$0x0] =	vst.idx.add.s32.msk vm9, v27;
	v8 =	vmov v15  }
0x20f: {  	_ =	sdelay $0x4  }
0x210: {  	[tilespmem:v8+s19+$0x0] =	vst.idx.add.s32.msk vm8, v10  }
0x211: {  	[tilespmem:v3+s19+$0x0] =	vst.idx.add.s32.msk vm2, v9  }
0x212: {  	[tilespmem:v4+s19+$0x0] =	vst.idx.add.s32.msk vm3, v11  }
0x213: {  	[tilespmem:v6+s19+$0x0] =	vst.idx.add.s32.msk vm4, v12  }
0x214: {  	[tilespmem:v5+s19+$0x0] =	vst.idx.add.s32.msk vm5, v13  }
0x215: {  	vm7 =	vmmov vm8;
	[tilespmem:v7+s19+$0x0] =	vst.idx.add.s32.msk vm6, v14  }
.LBB2_25:
0x216: {  	s18 =	sshra.s32 s17, $0x2  }
0x217: {  	v3 =	vld [tilespmem:s18+$0x1BF10]  }
0x218: {  	v4 =	vld [tilespmem:s18+$0x1BF0F];
	_ =	sdelay $0x2  }
0x219: {  	v5 =	vld [tilespmem:s18+$0x1BF11];
	_ =	sdelay $0x1  }
0x21a: {  	vm2 =	vne.s32 v3, v4  }
0x21b: {  	vm2 =	vmor vm2, vm0  }
0x21c: {  	(xrf0) =	vmax.scan.msk.u32 vm2, v1  }
0x21d: {  	vm2 =	vne.s32 v3, v5  }
0x21e: {  	vm2 =	vmor vm2, vm1  }
0x21f: {  	p0 =	sne.s32 s17, $0xC0  }
.Ltmp15:
0x220: {  	_ = 	snop;
	(pc) =	sbr.rel @p0 .LBB2_25-.Ltmp15, $4  }
0x221: {  	_ = 	snop  }
0x222: {  	v63, _, _ =	vpop (xrf0)  }
0x223: {  	v4 =	vsub.s32 v2, v63  }
0x224: {  	s17 =	sadd.s32 $0x40, s17;
	[tilespmem:v3+s3+$0x0] =	vst.idx.add.s32.msk vm2, v4  }
0x225: {  	s17 =	rddreg [dreg:$0xa]  }
0x226: {  	[tilespmem:s5], [sflag:$0x1] =	stream.linear.gather [hbm4b:s17+s3], $0x1F40, $0x38;
	[tilespmem:$0x1F920] =	vst v63  }
0x227: {  	_ =	swait.ge [sflag:s10], $0x1F40  }
0x228: {  	[sflag:s10] =	ssyncset.done $0x0  }
0x229: {  	s20 =	simm.s32 $0x1BFA1;
	[sflag:s10] =	ssyncadd.s32 $0xFFFFE0C0  }
0x22a: {  	v10 =	vld [tilespmem:s20+$0x3F]  }
0x22b: {  	v7 =	vld [tilespmem:s20+$0x3E]  }
0x22c: {  	v9 =	vld [tilespmem:s20+$0xFFFFFFCE]  }
0x22d: {  	v15 =	vld [tilespmem:s20+$0xFFFFFFDF]  }
0x22e: {  	v11 =	vld [tilespmem:s20+$0x40]  }
0x22f: {  	v8 =	vld [tilespmem:s20+$0xFFFFFFDE]  }
0x230: {  	v3 =	vld [tilespmem:s20+$0xFFFFFFEF]  }
0x231: {  	v12 =	vld [tilespmem:s20+$0xFFFFFFEE]  }
0x232: {  	v4 =	vld [tilespmem:s20+$0xFFFFFFFF]  }
0x233: {  	v13 =	vld [tilespmem:s20+$0xFFFFFFFE]  }
0x234: {  	v6 =	vld [tilespmem:s20+$0xF]  }
0x235: {  	v14 =	vld [tilespmem:s20+$0xE]  }
0x236: {  	v5 =	vld [tilespmem:s20+$0x1F]  }
0x237: {  	v16 =	vld [tilespmem:s20+$0x1E]  }
0x238: {  	v17 =	vld [tilespmem:s20+$0x2E]  }
0x239: {  	v61 =	vld [tilespmem:s20+$0x0];
	vm2 =	vne.s32 v10, v7  }
0x23a: {  	v7 =	vld [tilespmem:s20+$0x2F];
	vm3 =	vne.s32 v15, v8;
	vm2 =	vmor vm2, vm0  }
0x23b: {  	v8 =	vld [tilespmem:s20+$0xFFFFFFCF];
	(xrf0) =	vmax.scan.msk.u32 vm2, v1;
	vm2 =	vmor vm3, vm0;
	vm3 =	vne.s32 v3, v12  }
0x23c: {  	v62 =	vld [tilespmem:s20+$0x10];
	(xrf0) =	vmax.scan.msk.u32 vm2, v1;
	vm2 =	vmor vm3, vm0;
	vm3 =	vne.s32 v4, v13  }
0x23d: {  	v13 =	vld [tilespmem:s20+$0xFFFFFFE0];
	(xrf0) =	vmax.scan.msk.u32 vm2, v1;
	vm2 =	vmor vm3, vm0;
	vm3 =	vne.s32 v6, v14  }
0x23e: {  	v12 =	vld [tilespmem:s20+$0xFFFFFFD0];
	(xrf0) =	vmax.scan.msk.u32 vm2, v1;
	vm2 =	vmor vm3, vm0;
	vm3 =	vne.s32 v5, v16  }
0x23f: {  	v14 =	vld [tilespmem:s20+$0xFFFFFFF0];
	(xrf0) =	vmax.scan.msk.u32 vm2, v1;
	vm2 =	vmor vm3, vm0;
	vm3 =	vne.s32 v7, v17  }
0x240: {  	vm4 =	vne.s32 v10, v11;
	(xrf0) =	vmax.scan.msk.u32 vm2, v1;
	vm2 =	vmor vm3, vm0;
	vm3 =	vne.s32 v8, v9  }
0x241: {  	v18 =	vld [tilespmem:s20+$0x20];
	vm4 =	vmor vm4, vm1;
	v9, _, _ =	vpop (xrf0);
	(xrf0) =	vmax.scan.msk.u32 vm2, v1;
	vm2 =	vmor vm3, vm0  }
0x242: {  	v19 =	vld [tilespmem:s20+$0x30];
	vm3 =	vne.s32 v15, v13;
	v11, _, _ =	vpop (xrf0);
	(xrf0) =	vmax.scan.msk.u32 vm2, v1  }
0x243: {  	vm5 =	vne.s32 v4, v61;
	vm6 =	vne.s32 v6, v62;
	vm7 =	vmor vm3, vm1;
	v13, _, _ =	vpop (xrf0)  }
0x244: {  	vm2 =	vne.s32 v8, v12;
	vm3 =	vne.s32 v3, v14;
	v14 =	vsub.s32 v2, v9;
	v12, _, _ =	vpop (xrf0)  }
0x245: {  	v20 =	vsub.s32 v2, v11;
	vm8 =	vmor vm2, vm1;
	v11 =	vsub.s32 v2, v12;
	v12, _, _ =	vpop (xrf0)  }
0x246: {  	s17 =	simm.s32 $0x0;
	vm2 =	vmor vm3, vm1;
	vm3 =	vmor vm5, vm1;
	v9 =	vsub.s32 v2, v13;
	v13, _, _ =	vpop (xrf0)  }
0x247: {  	vm5 =	vne.s32 v5, v18;
	[tilespmem:v10+s17+$0x0] =	vst.idx.add.s32.msk vm4, v14;
	vm4 =	vmor vm6, vm1;
	vm6 =	vne.s32 v7, v19;
	v63, _, _ =	vpop (xrf0)  }
0x248: {  	vm5 =	vmor vm5, vm1;
	v12 =	vsub.s32 v2, v12;
	v13 =	vsub.s32 v2, v13;
	v10, _, _ =	vpop (xrf0)  }
0x249: {  	s18 =	simm.s32 $0x0;
	s19 =	simm.s32 $0x0;
	s20 =	simm.s32 $0x1C021;
	vm6 =	vmor vm6, vm1;
	v14 =	vsub.s32 v2, v63;
	[tilespmem:v15+s17+$0x0] =	vst.idx.add.s32.msk vm7, v20;
	v10 =	vsub.s32 v2, v10  }
.LBB2_27:
0x24a: {  	v15 =	vld [tilespmem:s20+$0x3F];
	v16 =	vmovc v11;
	v17 =	vmovc v12;
	v18 =	vmov v13;
	v19 =	vmov v14;
	vm7 =	vmmov vm8  }
0x24b: {  	s18 =	sadd.s32 $0x8, s18;
	v11 =	vld [tilespmem:s20+$0x3E]  }
0x24c: {  	p0 =	slt.u32 s18, $0x1E8;
	v12 =	vld [tilespmem:s20+$0xFFFFFFCE]  }
0x24d: {  	v20 =	vld [tilespmem:s20+$0xFFFFFFDF]  }
0x24e: {  	v13 =	vld [tilespmem:s20+$0x40]  }
0x24f: {  	v14 =	vld [tilespmem:s20+$0xFFFFFFDE]  }
0x250: {  	v21 =	vld [tilespmem:s20+$0xFFFFFFEF];
	vm8 =	vne.s32 v15, v11  }
0x251: {  	v11 =	vld [tilespmem:s20+$0xFFFFFFEE];
	vm8 =	vmor vm8, vm0  }
0x252: {  	v22 =	vld [tilespmem:s20+$0xFFFFFFFF];
	(xrf0) =	vmax.scan.msk.u32 vm8, v1  }
0x253: {  	v23 =	vld [tilespmem:s20+$0xFFFFFFFE];
	vm8 =	vne.s32 v15, v13  }
0x254: {  	vm9 =	vne.s32 v20, v14;
	v24 =	vld [tilespmem:s20+$0xF];
	vm8 =	vmor vm8, vm1  }
0x255: {  	vm9 =	vmor vm9, vm0;
	v13 =	vld [tilespmem:s20+$0xE]  }
0x256: {  	vm10 =	vne.s32 v21, v11;
	v25 =	vld [tilespmem:s20+$0x1F];
	(xrf0) =	vmax.scan.msk.u32 vm9, v1  }
0x257: {  	vm9 =	vmor vm10, vm0;
	v11 =	vld [tilespmem:s20+$0x1E]  }
0x258: {  	vm10 =	vne.s32 v22, v23;
	v23 =	vld [tilespmem:s20+$0x2F];
	(xrf0) =	vmax.scan.msk.u32 vm9, v1;
	v14, _, _ =	vpop (xrf0)  }
0x259: {  	vm9 =	vmor vm10, vm0;
	v26 =	vld [tilespmem:s20+$0x2E];
	v14 =	vsub.s32 v2, v14  }
0x25a: {  	vm10 =	vne.s32 v24, v13;
	[tilespmem:v15+s17+$0x0] =	vst.idx.add.s32.msk vm8, v14;
	(xrf0) =	vmax.scan.msk.u32 vm9, v1  }
0x25b: {  	v15 =	vld [tilespmem:s20+$0xFFFFFFCF];
	vm8 =	vmor vm10, vm0  }
0x25c: {  	v13 =	vld [tilespmem:s20+$0xFFFFFFD0];
	vm9 =	vne.s32 v25, v11;
	v11, _, _ =	vpop (xrf0);
	(xrf0) =	vmax.scan.msk.u32 vm8, v1  }
0x25d: {  	v14 =	vld [tilespmem:s20+$0xFFFFFFE0];
	v27 =	vsub.s32 v2, v11;
	vm8 =	vmor vm9, vm0  }
0x25e: {  	v28 =	vld [tilespmem:s20+$0xFFFFFFF0];
	vm9 =	vne.s32 v23, v26;
	v11, _, _ =	vpop (xrf0);
	(xrf0) =	vmax.scan.msk.u32 vm8, v1  }
0x25f: {  	v26 =	vsub.s32 v2, v11;
	v29 =	vld [tilespmem:s20+$0x0];
	vm8 =	vmor vm9, vm0  }
0x260: {  	vm9 =	vne.s32 v15, v12;
	v30 =	vld [tilespmem:s20+$0x10];
	v11, _, _ =	vpop (xrf0);
	(xrf0) =	vmax.scan.msk.u32 vm8, v1  }
0x261: {  	vm9 =	vmor vm9, vm0;
	vm8 =	vne.s32 v15, v13;
	v11 =	vsub.s32 v2, v11;
	v31 =	vld [tilespmem:s20+$0x20]  }
0x262: {  	vm8 =	vmor vm8, vm1;
	vm10 =	vne.s32 v20, v14;
	v14 =	vld [tilespmem:s20+$0x30];
	(xrf0) =	vmax.scan.msk.u32 vm9, v1;
	v12, _, _ =	vpop (xrf0)  }
0x263: {  	vm9 =	vmor vm10, vm1;
	vm10 =	vne.s32 v21, v28;
	v12 =	vsub.s32 v2, v12;
	[tilespmem:v8+s19+$0x0] =	vst.idx.add.s32.msk vm7, v10  }
0x264: {  	vm7 =	vne.s32 v22, v29;
	v8, _, _ =	vpop (xrf0);
	[tilespmem:v3+s19+$0x0] =	vst.idx.add.s32.msk vm2, v9;
	vm2 =	vmor vm10, vm1;
	v3 =	vmov v21  }
.Ltmp16:
0x265: {  	vm10 =	vne.s32 v24, v30;
	v13 =	vsub.s32 v2, v8;
	[tilespmem:v4+s19+$0x0] =	vst.idx.add.s32.msk vm3, v16;
	vm3 =	vmor vm7, vm1;
	(pc) =	sbr.rel @p0 .LBB2_27-.Ltmp16, $4  }
0x266: {  	v4 =	vmov v22;
	vm7 =	vne.s32 v25, v31;
	v8, _, _ =	vpop (xrf0);
	[tilespmem:v6+s19+$0x0] =	vst.idx.add.s32.msk vm4, v17;
	vm4 =	vmor vm10, vm1  }
0x267: {  	vm10 =	vne.s32 v23, v14;
	v14 =	vsub.s32 v2, v8;
	[tilespmem:v5+s19+$0x0] =	vst.idx.add.s32.msk vm5, v18;
	vm5 =	vmor vm7, vm1  }
0x268: {  	v6 =	vmov v24;
	v5 =	vmov v25;
	v8, _, _ =	vpop (xrf0);
	[tilespmem:v7+s19+$0x0] =	vst.idx.add.s32.msk vm6, v19;
	vm6 =	vmor vm10, vm1;
	s19 =	smov.u32 s17  }
0x269: {  	s20 =	sadd.s32 $0x80, s20;
	v9 =	vmovc v26;
	v7 =	vmov v23;
	v10 =	vsub.s32 v2, v8;
	[tilespmem:v20+s19+$0x0] =	vst.idx.add.s32.msk vm9, v27;
	v8 =	vmov v15  }
0x26a: {  	_ =	sdelay $0x4  }
0x26b: {  	[tilespmem:v8+s19+$0x0] =	vst.idx.add.s32.msk vm8, v10  }
0x26c: {  	[tilespmem:v3+s19+$0x0] =	vst.idx.add.s32.msk vm2, v9  }
0x26d: {  	[tilespmem:v4+s19+$0x0] =	vst.idx.add.s32.msk vm3, v11  }
0x26e: {  	[tilespmem:v6+s19+$0x0] =	vst.idx.add.s32.msk vm4, v12  }
0x26f: {  	[tilespmem:v5+s19+$0x0] =	vst.idx.add.s32.msk vm5, v13  }
0x270: {  	vm7 =	vmmov vm8;
	[tilespmem:v7+s19+$0x0] =	vst.idx.add.s32.msk vm6, v14  }
.LBB2_29:
0x271: {  	s18 =	sshra.s32 s17, $0x2  }
0x272: {  	v3 =	vld [tilespmem:s18+$0x1DE70]  }
0x273: {  	v4 =	vld [tilespmem:s18+$0x1DE6F];
	_ =	sdelay $0x2  }
0x274: {  	v5 =	vld [tilespmem:s18+$0x1DE71];
	_ =	sdelay $0x1  }
0x275: {  	vm2 =	vne.s32 v3, v4  }
0x276: {  	vm2 =	vmor vm2, vm0  }
0x277: {  	(xrf0) =	vmax.scan.msk.u32 vm2, v1  }
0x278: {  	vm2 =	vne.s32 v3, v5  }
0x279: {  	vm2 =	vmor vm2, vm1  }
0x27a: {  	p0 =	sne.s32 s17, $0xC0  }
.Ltmp17:
0x27b: {  	_ = 	snop;
	(pc) =	sbr.rel @p0 .LBB2_29-.Ltmp17, $4  }
0x27c: {  	_ = 	snop  }
0x27d: {  	v63, _, _ =	vpop (xrf0)  }
0x27e: {  	v4 =	vsub.s32 v2, v63  }
0x27f: {  	s17 =	sadd.s32 $0x40, s17;
	[tilespmem:v3+s3+$0x0] =	vst.idx.add.s32.msk vm2, v4  }
0x280: {  	s17 =	rddreg [dreg:$0xb]  }
0x281: {  	[tilespmem:s8], [sflag:$0x2] =	stream.linear.gather [hbm4b:s17+s3], $0x1F40, $0x38;
	[tilespmem:$0x1F920] =	vst v63  }
0x282: {  	_ =	swait.ge [sflag:s9], $0x1F40  }
0x283: {  	[sflag:s9] =	ssyncset.done $0x0  }
0x284: {  	s20 =	simm.s32 $0x1A041;
	[sflag:s9] =	ssyncadd.s32 $0xFFFFE0C0  }
0x285: {  	v10 =	vld [tilespmem:s20+$0x3F]  }
0x286: {  	v7 =	vld [tilespmem:s20+$0x3E]  }
0x287: {  	v9 =	vld [tilespmem:s20+$0xFFFFFFCE]  }
0x288: {  	v15 =	vld [tilespmem:s20+$0xFFFFFFDF]  }
0x289: {  	v11 =	vld [tilespmem:s20+$0x40]  }
0x28a: {  	v8 =	vld [tilespmem:s20+$0xFFFFFFDE]  }
0x28b: {  	v3 =	vld [tilespmem:s20+$0xFFFFFFEF]  }
0x28c: {  	v12 =	vld [tilespmem:s20+$0xFFFFFFEE]  }
0x28d: {  	v4 =	vld [tilespmem:s20+$0xFFFFFFFF]  }
0x28e: {  	v13 =	vld [tilespmem:s20+$0xFFFFFFFE]  }
0x28f: {  	v6 =	vld [tilespmem:s20+$0xF]  }
0x290: {  	v14 =	vld [tilespmem:s20+$0xE]  }
0x291: {  	v5 =	vld [tilespmem:s20+$0x1F]  }
0x292: {  	v16 =	vld [tilespmem:s20+$0x1E]  }
0x293: {  	v17 =	vld [tilespmem:s20+$0x2E]  }
0x294: {  	v61 =	vld [tilespmem:s20+$0x0];
	vm2 =	vne.s32 v10, v7  }
0x295: {  	v7 =	vld [tilespmem:s20+$0x2F];
	vm3 =	vne.s32 v15, v8;
	vm2 =	vmor vm2, vm0  }
0x296: {  	v8 =	vld [tilespmem:s20+$0xFFFFFFCF];
	(xrf0) =	vmax.scan.msk.u32 vm2, v1;
	vm2 =	vmor vm3, vm0;
	vm3 =	vne.s32 v3, v12  }
0x297: {  	v62 =	vld [tilespmem:s20+$0x10];
	(xrf0) =	vmax.scan.msk.u32 vm2, v1;
	vm2 =	vmor vm3, vm0;
	vm3 =	vne.s32 v4, v13  }
0x298: {  	v13 =	vld [tilespmem:s20+$0xFFFFFFE0];
	(xrf0) =	vmax.scan.msk.u32 vm2, v1;
	vm2 =	vmor vm3, vm0;
	vm3 =	vne.s32 v6, v14  }
0x299: {  	v12 =	vld [tilespmem:s20+$0xFFFFFFD0];
	(xrf0) =	vmax.scan.msk.u32 vm2, v1;
	vm2 =	vmor vm3, vm0;
	vm3 =	vne.s32 v5, v16  }
0x29a: {  	v14 =	vld [tilespmem:s20+$0xFFFFFFF0];
	(xrf0) =	vmax.scan.msk.u32 vm2, v1;
	vm2 =	vmor vm3, vm0;
	vm3 =	vne.s32 v7, v17  }
0x29b: {  	vm4 =	vne.s32 v10, v11;
	(xrf0) =	vmax.scan.msk.u32 vm2, v1;
	vm2 =	vmor vm3, vm0;
	vm3 =	vne.s32 v8, v9  }
0x29c: {  	v18 =	vld [tilespmem:s20+$0x20];
	vm4 =	vmor vm4, vm1;
	v9, _, _ =	vpop (xrf0);
	(xrf0) =	vmax.scan.msk.u32 vm2, v1;
	vm2 =	vmor vm3, vm0  }
0x29d: {  	v19 =	vld [tilespmem:s20+$0x30];
	vm3 =	vne.s32 v15, v13;
	v11, _, _ =	vpop (xrf0);
	(xrf0) =	vmax.scan.msk.u32 vm2, v1  }
0x29e: {  	vm5 =	vne.s32 v4, v61;
	vm6 =	vne.s32 v6, v62;
	vm7 =	vmor vm3, vm1;
	v13, _, _ =	vpop (xrf0)  }
0x29f: {  	vm2 =	vne.s32 v8, v12;
	vm3 =	vne.s32 v3, v14;
	v14 =	vsub.s32 v2, v9;
	v12, _, _ =	vpop (xrf0)  }
0x2a0: {  	v20 =	vsub.s32 v2, v11;
	vm8 =	vmor vm2, vm1;
	v11 =	vsub.s32 v2, v12;
	v12, _, _ =	vpop (xrf0)  }
0x2a1: {  	s17 =	simm.s32 $0x0;
	vm2 =	vmor vm3, vm1;
	vm3 =	vmor vm5, vm1;
	v9 =	vsub.s32 v2, v13;
	v13, _, _ =	vpop (xrf0)  }
0x2a2: {  	vm5 =	vne.s32 v5, v18;
	[tilespmem:v10+s17+$0x0] =	vst.idx.add.s32.msk vm4, v14;
	vm4 =	vmor vm6, vm1;
	vm6 =	vne.s32 v7, v19;
	v63, _, _ =	vpop (xrf0)  }
0x2a3: {  	vm5 =	vmor vm5, vm1;
	v12 =	vsub.s32 v2, v12;
	v13 =	vsub.s32 v2, v13;
	v10, _, _ =	vpop (xrf0)  }
0x2a4: {  	s18 =	simm.s32 $0x0;
	s19 =	simm.s32 $0x0;
	s20 =	simm.s32 $0x1A0C1;
	vm6 =	vmor vm6, vm1;
	v14 =	vsub.s32 v2, v63;
	[tilespmem:v15+s17+$0x0] =	vst.idx.add.s32.msk vm7, v20;
	v10 =	vsub.s32 v2, v10  }
.LBB2_31:
0x2a5: {  	v15 =	vld [tilespmem:s20+$0x3F];
	v16 =	vmovc v11;
	v17 =	vmovc v12;
	v18 =	vmov v13;
	v19 =	vmov v14;
	vm7 =	vmmov vm8  }
0x2a6: {  	s18 =	sadd.s32 $0x8, s18;
	v11 =	vld [tilespmem:s20+$0x3E]  }
0x2a7: {  	p0 =	slt.u32 s18, $0x1E8;
	v12 =	vld [tilespmem:s20+$0xFFFFFFCE]  }
0x2a8: {  	v20 =	vld [tilespmem:s20+$0xFFFFFFDF]  }
0x2a9: {  	v13 =	vld [tilespmem:s20+$0x40]  }
0x2aa: {  	v14 =	vld [tilespmem:s20+$0xFFFFFFDE]  }
0x2ab: {  	v21 =	vld [tilespmem:s20+$0xFFFFFFEF];
	vm8 =	vne.s32 v15, v11  }
0x2ac: {  	v11 =	vld [tilespmem:s20+$0xFFFFFFEE];
	vm8 =	vmor vm8, vm0  }
0x2ad: {  	v22 =	vld [tilespmem:s20+$0xFFFFFFFF];
	(xrf0) =	vmax.scan.msk.u32 vm8, v1  }
0x2ae: {  	v23 =	vld [tilespmem:s20+$0xFFFFFFFE];
	vm8 =	vne.s32 v15, v13  }
0x2af: {  	vm9 =	vne.s32 v20, v14;
	v24 =	vld [tilespmem:s20+$0xF];
	vm8 =	vmor vm8, vm1  }
0x2b0: {  	vm9 =	vmor vm9, vm0;
	v13 =	vld [tilespmem:s20+$0xE]  }
0x2b1: {  	vm10 =	vne.s32 v21, v11;
	v25 =	vld [tilespmem:s20+$0x1F];
	(xrf0) =	vmax.scan.msk.u32 vm9, v1  }
0x2b2: {  	vm9 =	vmor vm10, vm0;
	v11 =	vld [tilespmem:s20+$0x1E]  }
0x2b3: {  	vm10 =	vne.s32 v22, v23;
	v23 =	vld [tilespmem:s20+$0x2F];
	(xrf0) =	vmax.scan.msk.u32 vm9, v1;
	v14, _, _ =	vpop (xrf0)  }
0x2b4: {  	vm9 =	vmor vm10, vm0;
	v26 =	vld [tilespmem:s20+$0x2E];
	v14 =	vsub.s32 v2, v14  }
0x2b5: {  	vm10 =	vne.s32 v24, v13;
	[tilespmem:v15+s17+$0x0] =	vst.idx.add.s32.msk vm8, v14;
	(xrf0) =	vmax.scan.msk.u32 vm9, v1  }
0x2b6: {  	v15 =	vld [tilespmem:s20+$0xFFFFFFCF];
	vm8 =	vmor vm10, vm0  }
0x2b7: {  	v13 =	vld [tilespmem:s20+$0xFFFFFFD0];
	vm9 =	vne.s32 v25, v11;
	v11, _, _ =	vpop (xrf0);
	(xrf0) =	vmax.scan.msk.u32 vm8, v1  }
0x2b8: {  	v14 =	vld [tilespmem:s20+$0xFFFFFFE0];
	v27 =	vsub.s32 v2, v11;
	vm8 =	vmor vm9, vm0  }
0x2b9: {  	v28 =	vld [tilespmem:s20+$0xFFFFFFF0];
	vm9 =	vne.s32 v23, v26;
	v11, _, _ =	vpop (xrf0);
	(xrf0) =	vmax.scan.msk.u32 vm8, v1  }
0x2ba: {  	v26 =	vsub.s32 v2, v11;
	v29 =	vld [tilespmem:s20+$0x0];
	vm8 =	vmor vm9, vm0  }
0x2bb: {  	vm9 =	vne.s32 v15, v12;
	v30 =	vld [tilespmem:s20+$0x10];
	v11, _, _ =	vpop (xrf0);
	(xrf0) =	vmax.scan.msk.u32 vm8, v1  }
0x2bc: {  	vm9 =	vmor vm9, vm0;
	vm8 =	vne.s32 v15, v13;
	v11 =	vsub.s32 v2, v11;
	v31 =	vld [tilespmem:s20+$0x20]  }
0x2bd: {  	vm8 =	vmor vm8, vm1;
	vm10 =	vne.s32 v20, v14;
	v14 =	vld [tilespmem:s20+$0x30];
	(xrf0) =	vmax.scan.msk.u32 vm9, v1;
	v12, _, _ =	vpop (xrf0)  }
0x2be: {  	vm9 =	vmor vm10, vm1;
	vm10 =	vne.s32 v21, v28;
	v12 =	vsub.s32 v2, v12;
	[tilespmem:v8+s19+$0x0] =	vst.idx.add.s32.msk vm7, v10  }
0x2bf: {  	vm7 =	vne.s32 v22, v29;
	v8, _, _ =	vpop (xrf0);
	[tilespmem:v3+s19+$0x0] =	vst.idx.add.s32.msk vm2, v9;
	vm2 =	vmor vm10, vm1;
	v3 =	vmov v21  }
.Ltmp18:
0x2c0: {  	vm10 =	vne.s32 v24, v30;
	v13 =	vsub.s32 v2, v8;
	[tilespmem:v4+s19+$0x0] =	vst.idx.add.s32.msk vm3, v16;
	vm3 =	vmor vm7, vm1;
	(pc) =	sbr.rel @p0 .LBB2_31-.Ltmp18, $4  }
0x2c1: {  	v4 =	vmov v22;
	vm7 =	vne.s32 v25, v31;
	v8, _, _ =	vpop (xrf0);
	[tilespmem:v6+s19+$0x0] =	vst.idx.add.s32.msk vm4, v17;
	vm4 =	vmor vm10, vm1  }
0x2c2: {  	vm10 =	vne.s32 v23, v14;
	v14 =	vsub.s32 v2, v8;
	[tilespmem:v5+s19+$0x0] =	vst.idx.add.s32.msk vm5, v18;
	vm5 =	vmor vm7, vm1  }
0x2c3: {  	v6 =	vmov v24;
	v5 =	vmov v25;
	v8, _, _ =	vpop (xrf0);
	[tilespmem:v7+s19+$0x0] =	vst.idx.add.s32.msk vm6, v19;
	vm6 =	vmor vm10, vm1;
	s19 =	smov.u32 s17  }
0x2c4: {  	s20 =	sadd.s32 $0x80, s20;
	v9 =	vmovc v26;
	v7 =	vmov v23;
	v10 =	vsub.s32 v2, v8;
	[tilespmem:v20+s19+$0x0] =	vst.idx.add.s32.msk vm9, v27;
	v8 =	vmov v15  }
0x2c5: {  	_ =	sdelay $0x4  }
0x2c6: {  	[tilespmem:v8+s19+$0x0] =	vst.idx.add.s32.msk vm8, v10  }
0x2c7: {  	[tilespmem:v3+s19+$0x0] =	vst.idx.add.s32.msk vm2, v9  }
0x2c8: {  	[tilespmem:v4+s19+$0x0] =	vst.idx.add.s32.msk vm3, v11  }
0x2c9: {  	[tilespmem:v6+s19+$0x0] =	vst.idx.add.s32.msk vm4, v12  }
0x2ca: {  	[tilespmem:v5+s19+$0x0] =	vst.idx.add.s32.msk vm5, v13  }
0x2cb: {  	vm7 =	vmmov vm8;
	[tilespmem:v7+s19+$0x0] =	vst.idx.add.s32.msk vm6, v14  }
.LBB2_33:
0x2cc: {  	s18 =	sshra.s32 s17, $0x2  }
0x2cd: {  	v3 =	vld [tilespmem:s18+$0x1BF10]  }
0x2ce: {  	v4 =	vld [tilespmem:s18+$0x1BF0F];
	_ =	sdelay $0x2  }
0x2cf: {  	v5 =	vld [tilespmem:s18+$0x1BF11];
	_ =	sdelay $0x1  }
0x2d0: {  	vm2 =	vne.s32 v3, v4  }
0x2d1: {  	vm2 =	vmor vm2, vm0  }
0x2d2: {  	(xrf0) =	vmax.scan.msk.u32 vm2, v1  }
0x2d3: {  	vm2 =	vne.s32 v3, v5  }
0x2d4: {  	vm2 =	vmor vm2, vm1  }
0x2d5: {  	p0 =	sne.s32 s17, $0xC0  }
.Ltmp19:
0x2d6: {  	_ = 	snop;
	(pc) =	sbr.rel @p0 .LBB2_33-.Ltmp19, $4  }
0x2d7: {  	_ = 	snop  }
0x2d8: {  	v63, _, _ =	vpop (xrf0)  }
0x2d9: {  	v4 =	vsub.s32 v2, v63  }
0x2da: {  	s17 =	sadd.s32 $0x40, s17;
	[tilespmem:v3+s3+$0x0] =	vst.idx.add.s32.msk vm2, v4  }
0x2db: {  	s17 =	rddreg [dreg:$0xc]  }
0x2dc: {  	[tilespmem:s5], [sflag:$0x1] =	stream.linear.gather [hbm4b:s17+s3], $0x1F40, $0x38;
	[tilespmem:$0x1F920] =	vst v63  }
0x2dd: {  	_ =	swait.ge [sflag:s10], $0x1F40  }
0x2de: {  	[sflag:s10] =	ssyncset.done $0x0  }
0x2df: {  	s20 =	simm.s32 $0x1BFA1;
	[sflag:s10] =	ssyncadd.s32 $0xFFFFE0C0  }
0x2e0: {  	v10 =	vld [tilespmem:s20+$0x3F]  }
0x2e1: {  	v7 =	vld [tilespmem:s20+$0x3E]  }
0x2e2: {  	v9 =	vld [tilespmem:s20+$0xFFFFFFCE]  }
0x2e3: {  	v15 =	vld [tilespmem:s20+$0xFFFFFFDF]  }
0x2e4: {  	v11 =	vld [tilespmem:s20+$0x40]  }
0x2e5: {  	v8 =	vld [tilespmem:s20+$0xFFFFFFDE]  }
0x2e6: {  	v3 =	vld [tilespmem:s20+$0xFFFFFFEF]  }
0x2e7: {  	v12 =	vld [tilespmem:s20+$0xFFFFFFEE]  }
0x2e8: {  	v4 =	vld [tilespmem:s20+$0xFFFFFFFF]  }
0x2e9: {  	v13 =	vld [tilespmem:s20+$0xFFFFFFFE]  }
0x2ea: {  	v6 =	vld [tilespmem:s20+$0xF]  }
0x2eb: {  	v14 =	vld [tilespmem:s20+$0xE]  }
0x2ec: {  	v5 =	vld [tilespmem:s20+$0x1F]  }
0x2ed: {  	v16 =	vld [tilespmem:s20+$0x1E]  }
0x2ee: {  	v17 =	vld [tilespmem:s20+$0x2E]  }
0x2ef: {  	v61 =	vld [tilespmem:s20+$0x0];
	vm2 =	vne.s32 v10, v7  }
0x2f0: {  	v7 =	vld [tilespmem:s20+$0x2F];
	vm3 =	vne.s32 v15, v8;
	vm2 =	vmor vm2, vm0  }
0x2f1: {  	v8 =	vld [tilespmem:s20+$0xFFFFFFCF];
	(xrf0) =	vmax.scan.msk.u32 vm2, v1;
	vm2 =	vmor vm3, vm0;
	vm3 =	vne.s32 v3, v12  }
0x2f2: {  	v62 =	vld [tilespmem:s20+$0x10];
	(xrf0) =	vmax.scan.msk.u32 vm2, v1;
	vm2 =	vmor vm3, vm0;
	vm3 =	vne.s32 v4, v13  }
0x2f3: {  	v13 =	vld [tilespmem:s20+$0xFFFFFFE0];
	(xrf0) =	vmax.scan.msk.u32 vm2, v1;
	vm2 =	vmor vm3, vm0;
	vm3 =	vne.s32 v6, v14  }
0x2f4: {  	v12 =	vld [tilespmem:s20+$0xFFFFFFD0];
	(xrf0) =	vmax.scan.msk.u32 vm2, v1;
	vm2 =	vmor vm3, vm0;
	vm3 =	vne.s32 v5, v16  }
0x2f5: {  	v14 =	vld [tilespmem:s20+$0xFFFFFFF0];
	(xrf0) =	vmax.scan.msk.u32 vm2, v1;
	vm2 =	vmor vm3, vm0;
	vm3 =	vne.s32 v7, v17  }
0x2f6: {  	vm4 =	vne.s32 v10, v11;
	(xrf0) =	vmax.scan.msk.u32 vm2, v1;
	vm2 =	vmor vm3, vm0;
	vm3 =	vne.s32 v8, v9  }
0x2f7: {  	v18 =	vld [tilespmem:s20+$0x20];
	vm4 =	vmor vm4, vm1;
	v9, _, _ =	vpop (xrf0);
	(xrf0) =	vmax.scan.msk.u32 vm2, v1;
	vm2 =	vmor vm3, vm0  }
0x2f8: {  	v19 =	vld [tilespmem:s20+$0x30];
	vm3 =	vne.s32 v15, v13;
	v11, _, _ =	vpop (xrf0);
	(xrf0) =	vmax.scan.msk.u32 vm2, v1  }
0x2f9: {  	vm5 =	vne.s32 v4, v61;
	vm6 =	vne.s32 v6, v62;
	vm7 =	vmor vm3, vm1;
	v13, _, _ =	vpop (xrf0)  }
0x2fa: {  	vm2 =	vne.s32 v8, v12;
	vm3 =	vne.s32 v3, v14;
	v14 =	vsub.s32 v2, v9;
	v12, _, _ =	vpop (xrf0)  }
0x2fb: {  	v20 =	vsub.s32 v2, v11;
	vm8 =	vmor vm2, vm1;
	v11 =	vsub.s32 v2, v12;
	v12, _, _ =	vpop (xrf0)  }
0x2fc: {  	s17 =	simm.s32 $0x0;
	vm2 =	vmor vm3, vm1;
	vm3 =	vmor vm5, vm1;
	v9 =	vsub.s32 v2, v13;
	v13, _, _ =	vpop (xrf0)  }
0x2fd: {  	vm5 =	vne.s32 v5, v18;
	[tilespmem:v10+s17+$0x0] =	vst.idx.add.s32.msk vm4, v14;
	vm4 =	vmor vm6, vm1;
	vm6 =	vne.s32 v7, v19;
	v63, _, _ =	vpop (xrf0)  }
0x2fe: {  	vm5 =	vmor vm5, vm1;
	v12 =	vsub.s32 v2, v12;
	v13 =	vsub.s32 v2, v13;
	v10, _, _ =	vpop (xrf0)  }
0x2ff: {  	s18 =	simm.s32 $0x0;
	s19 =	simm.s32 $0x0;
	s20 =	simm.s32 $0x1C021;
	vm6 =	vmor vm6, vm1;
	v14 =	vsub.s32 v2, v63;
	[tilespmem:v15+s17+$0x0] =	vst.idx.add.s32.msk vm7, v20;
	v10 =	vsub.s32 v2, v10  }
.LBB2_35:
0x300: {  	v15 =	vld [tilespmem:s20+$0x3F];
	v16 =	vmovc v11;
	v17 =	vmovc v12;
	v18 =	vmov v13;
	v19 =	vmov v14;
	vm7 =	vmmov vm8  }
0x301: {  	s18 =	sadd.s32 $0x8, s18;
	v11 =	vld [tilespmem:s20+$0x3E]  }
0x302: {  	p0 =	slt.u32 s18, $0x1E8;
	v12 =	vld [tilespmem:s20+$0xFFFFFFCE]  }
0x303: {  	v20 =	vld [tilespmem:s20+$0xFFFFFFDF]  }
0x304: {  	v13 =	vld [tilespmem:s20+$0x40]  }
0x305: {  	v14 =	vld [tilespmem:s20+$0xFFFFFFDE]  }
0x306: {  	v21 =	vld [tilespmem:s20+$0xFFFFFFEF];
	vm8 =	vne.s32 v15, v11  }
0x307: {  	v11 =	vld [tilespmem:s20+$0xFFFFFFEE];
	vm8 =	vmor vm8, vm0  }
0x308: {  	v22 =	vld [tilespmem:s20+$0xFFFFFFFF];
	(xrf0) =	vmax.scan.msk.u32 vm8, v1  }
0x309: {  	v23 =	vld [tilespmem:s20+$0xFFFFFFFE];
	vm8 =	vne.s32 v15, v13  }
0x30a: {  	vm9 =	vne.s32 v20, v14;
	v24 =	vld [tilespmem:s20+$0xF];
	vm8 =	vmor vm8, vm1  }
0x30b: {  	vm9 =	vmor vm9, vm0;
	v13 =	vld [tilespmem:s20+$0xE]  }
0x30c: {  	vm10 =	vne.s32 v21, v11;
	v25 =	vld [tilespmem:s20+$0x1F];
	(xrf0) =	vmax.scan.msk.u32 vm9, v1  }
0x30d: {  	vm9 =	vmor vm10, vm0;
	v11 =	vld [tilespmem:s20+$0x1E]  }
0x30e: {  	vm10 =	vne.s32 v22, v23;
	v23 =	vld [tilespmem:s20+$0x2F];
	(xrf0) =	vmax.scan.msk.u32 vm9, v1;
	v14, _, _ =	vpop (xrf0)  }
0x30f: {  	vm9 =	vmor vm10, vm0;
	v26 =	vld [tilespmem:s20+$0x2E];
	v14 =	vsub.s32 v2, v14  }
0x310: {  	vm10 =	vne.s32 v24, v13;
	[tilespmem:v15+s17+$0x0] =	vst.idx.add.s32.msk vm8, v14;
	(xrf0) =	vmax.scan.msk.u32 vm9, v1  }
0x311: {  	v15 =	vld [tilespmem:s20+$0xFFFFFFCF];
	vm8 =	vmor vm10, vm0  }
0x312: {  	v13 =	vld [tilespmem:s20+$0xFFFFFFD0];
	vm9 =	vne.s32 v25, v11;
	v11, _, _ =	vpop (xrf0);
	(xrf0) =	vmax.scan.msk.u32 vm8, v1  }
0x313: {  	v14 =	vld [tilespmem:s20+$0xFFFFFFE0];
	v27 =	vsub.s32 v2, v11;
	vm8 =	vmor vm9, vm0  }
0x314: {  	v28 =	vld [tilespmem:s20+$0xFFFFFFF0];
	vm9 =	vne.s32 v23, v26;
	v11, _, _ =	vpop (xrf0);
	(xrf0) =	vmax.scan.msk.u32 vm8, v1  }
0x315: {  	v26 =	vsub.s32 v2, v11;
	v29 =	vld [tilespmem:s20+$0x0];
	vm8 =	vmor vm9, vm0  }
0x316: {  	vm9 =	vne.s32 v15, v12;
	v30 =	vld [tilespmem:s20+$0x10];
	v11, _, _ =	vpop (xrf0);
	(xrf0) =	vmax.scan.msk.u32 vm8, v1  }
0x317: {  	vm9 =	vmor vm9, vm0;
	vm8 =	vne.s32 v15, v13;
	v11 =	vsub.s32 v2, v11;
	v31 =	vld [tilespmem:s20+$0x20]  }
0x318: {  	vm8 =	vmor vm8, vm1;
	vm10 =	vne.s32 v20, v14;
	v14 =	vld [tilespmem:s20+$0x30];
	(xrf0) =	vmax.scan.msk.u32 vm9, v1;
	v12, _, _ =	vpop (xrf0)  }
0x319: {  	vm9 =	vmor vm10, vm1;
	vm10 =	vne.s32 v21, v28;
	v12 =	vsub.s32 v2, v12;
	[tilespmem:v8+s19+$0x0] =	vst.idx.add.s32.msk vm7, v10  }
0x31a: {  	vm7 =	vne.s32 v22, v29;
	v8, _, _ =	vpop (xrf0);
	[tilespmem:v3+s19+$0x0] =	vst.idx.add.s32.msk vm2, v9;
	vm2 =	vmor vm10, vm1;
	v3 =	vmov v21  }
.Ltmp20:
0x31b: {  	vm10 =	vne.s32 v24, v30;
	v13 =	vsub.s32 v2, v8;
	[tilespmem:v4+s19+$0x0] =	vst.idx.add.s32.msk vm3, v16;
	vm3 =	vmor vm7, vm1;
	(pc) =	sbr.rel @p0 .LBB2_35-.Ltmp20, $4  }
0x31c: {  	v4 =	vmov v22;
	vm7 =	vne.s32 v25, v31;
	v8, _, _ =	vpop (xrf0);
	[tilespmem:v6+s19+$0x0] =	vst.idx.add.s32.msk vm4, v17;
	vm4 =	vmor vm10, vm1  }
0x31d: {  	vm10 =	vne.s32 v23, v14;
	v14 =	vsub.s32 v2, v8;
	[tilespmem:v5+s19+$0x0] =	vst.idx.add.s32.msk vm5, v18;
	vm5 =	vmor vm7, vm1  }
0x31e: {  	v6 =	vmov v24;
	v5 =	vmov v25;
	v8, _, _ =	vpop (xrf0);
	[tilespmem:v7+s19+$0x0] =	vst.idx.add.s32.msk vm6, v19;
	vm6 =	vmor vm10, vm1;
	s19 =	smov.u32 s17  }
0x31f: {  	s20 =	sadd.s32 $0x80, s20;
	v9 =	vmovc v26;
	v7 =	vmov v23;
	v10 =	vsub.s32 v2, v8;
	[tilespmem:v20+s19+$0x0] =	vst.idx.add.s32.msk vm9, v27;
	v8 =	vmov v15  }
0x320: {  	_ =	sdelay $0x4  }
0x321: {  	[tilespmem:v8+s19+$0x0] =	vst.idx.add.s32.msk vm8, v10  }
0x322: {  	[tilespmem:v3+s19+$0x0] =	vst.idx.add.s32.msk vm2, v9  }
0x323: {  	[tilespmem:v4+s19+$0x0] =	vst.idx.add.s32.msk vm3, v11  }
0x324: {  	[tilespmem:v6+s19+$0x0] =	vst.idx.add.s32.msk vm4, v12  }
0x325: {  	[tilespmem:v5+s19+$0x0] =	vst.idx.add.s32.msk vm5, v13  }
0x326: {  	vm7 =	vmmov vm8;
	[tilespmem:v7+s19+$0x0] =	vst.idx.add.s32.msk vm6, v14  }
.LBB2_37:
0x327: {  	s18 =	sshra.s32 s17, $0x2  }
0x328: {  	v3 =	vld [tilespmem:s18+$0x1DE70]  }
0x329: {  	v4 =	vld [tilespmem:s18+$0x1DE6F];
	_ =	sdelay $0x2  }
0x32a: {  	v5 =	vld [tilespmem:s18+$0x1DE71];
	_ =	sdelay $0x1  }
0x32b: {  	vm2 =	vne.s32 v3, v4  }
0x32c: {  	vm2 =	vmor vm2, vm0  }
0x32d: {  	(xrf0) =	vmax.scan.msk.u32 vm2, v1  }
0x32e: {  	vm2 =	vne.s32 v3, v5  }
0x32f: {  	vm2 =	vmor vm2, vm1  }
0x330: {  	p0 =	sne.s32 s17, $0xC0  }
.Ltmp21:
0x331: {  	_ = 	snop;
	(pc) =	sbr.rel @p0 .LBB2_37-.Ltmp21, $4  }
0x332: {  	_ = 	snop  }
0x333: {  	v63, _, _ =	vpop (xrf0)  }
0x334: {  	v4 =	vsub.s32 v2, v63  }
0x335: {  	s17 =	sadd.s32 $0x40, s17;
	[tilespmem:v3+s3+$0x0] =	vst.idx.add.s32.msk vm2, v4  }
0x336: {  	s17 =	rddreg [dreg:$0xd]  }
0x337: {  	[tilespmem:s8], [sflag:$0x2] =	stream.linear.gather [hbm4b:s17+s3], $0x1F40, $0x38;
	[tilespmem:$0x1F920] =	vst v63  }
0x338: {  	_ =	swait.ge [sflag:s9], $0x1F40  }
0x339: {  	[sflag:s9] =	ssyncset.done $0x0  }
0x33a: {  	s20 =	simm.s32 $0x1A041;
	[sflag:s9] =	ssyncadd.s32 $0xFFFFE0C0  }
0x33b: {  	v10 =	vld [tilespmem:s20+$0x3F]  }
0x33c: {  	v7 =	vld [tilespmem:s20+$0x3E]  }
0x33d: {  	v9 =	vld [tilespmem:s20+$0xFFFFFFCE]  }
0x33e: {  	v15 =	vld [tilespmem:s20+$0xFFFFFFDF]  }
0x33f: {  	v11 =	vld [tilespmem:s20+$0x40]  }
0x340: {  	v8 =	vld [tilespmem:s20+$0xFFFFFFDE]  }
0x341: {  	v3 =	vld [tilespmem:s20+$0xFFFFFFEF]  }
0x342: {  	v12 =	vld [tilespmem:s20+$0xFFFFFFEE]  }
0x343: {  	v4 =	vld [tilespmem:s20+$0xFFFFFFFF]  }
0x344: {  	v13 =	vld [tilespmem:s20+$0xFFFFFFFE]  }
0x345: {  	v6 =	vld [tilespmem:s20+$0xF]  }
0x346: {  	v14 =	vld [tilespmem:s20+$0xE]  }
0x347: {  	v5 =	vld [tilespmem:s20+$0x1F]  }
0x348: {  	v16 =	vld [tilespmem:s20+$0x1E]  }
0x349: {  	v17 =	vld [tilespmem:s20+$0x2E]  }
0x34a: {  	v61 =	vld [tilespmem:s20+$0x0];
	vm2 =	vne.s32 v10, v7  }
0x34b: {  	v7 =	vld [tilespmem:s20+$0x2F];
	vm3 =	vne.s32 v15, v8;
	vm2 =	vmor vm2, vm0  }
0x34c: {  	v8 =	vld [tilespmem:s20+$0xFFFFFFCF];
	(xrf0) =	vmax.scan.msk.u32 vm2, v1;
	vm2 =	vmor vm3, vm0;
	vm3 =	vne.s32 v3, v12  }
0x34d: {  	v62 =	vld [tilespmem:s20+$0x10];
	(xrf0) =	vmax.scan.msk.u32 vm2, v1;
	vm2 =	vmor vm3, vm0;
	vm3 =	vne.s32 v4, v13  }
0x34e: {  	v13 =	vld [tilespmem:s20+$0xFFFFFFE0];
	(xrf0) =	vmax.scan.msk.u32 vm2, v1;
	vm2 =	vmor vm3, vm0;
	vm3 =	vne.s32 v6, v14  }
0x34f: {  	v12 =	vld [tilespmem:s20+$0xFFFFFFD0];
	(xrf0) =	vmax.scan.msk.u32 vm2, v1;
	vm2 =	vmor vm3, vm0;
	vm3 =	vne.s32 v5, v16  }
0x350: {  	v14 =	vld [tilespmem:s20+$0xFFFFFFF0];
	(xrf0) =	vmax.scan.msk.u32 vm2, v1;
	vm2 =	vmor vm3, vm0;
	vm3 =	vne.s32 v7, v17  }
0x351: {  	vm4 =	vne.s32 v10, v11;
	(xrf0) =	vmax.scan.msk.u32 vm2, v1;
	vm2 =	vmor vm3, vm0;
	vm3 =	vne.s32 v8, v9  }
0x352: {  	v18 =	vld [tilespmem:s20+$0x20];
	vm4 =	vmor vm4, vm1;
	v9, _, _ =	vpop (xrf0);
	(xrf0) =	vmax.scan.msk.u32 vm2, v1;
	vm2 =	vmor vm3, vm0  }
0x353: {  	v19 =	vld [tilespmem:s20+$0x30];
	vm3 =	vne.s32 v15, v13;
	v11, _, _ =	vpop (xrf0);
	(xrf0) =	vmax.scan.msk.u32 vm2, v1  }
0x354: {  	vm5 =	vne.s32 v4, v61;
	vm6 =	vne.s32 v6, v62;
	vm7 =	vmor vm3, vm1;
	v13, _, _ =	vpop (xrf0)  }
0x355: {  	vm2 =	vne.s32 v8, v12;
	vm3 =	vne.s32 v3, v14;
	v14 =	vsub.s32 v2, v9;
	v12, _, _ =	vpop (xrf0)  }
0x356: {  	v20 =	vsub.s32 v2, v11;
	vm8 =	vmor vm2, vm1;
	v11 =	vsub.s32 v2, v12;
	v12, _, _ =	vpop (xrf0)  }
0x357: {  	s17 =	simm.s32 $0x0;
	vm2 =	vmor vm3, vm1;
	vm3 =	vmor vm5, vm1;
	v9 =	vsub.s32 v2, v13;
	v13, _, _ =	vpop (xrf0)  }
0x358: {  	vm5 =	vne.s32 v5, v18;
	[tilespmem:v10+s17+$0x0] =	vst.idx.add.s32.msk vm4, v14;
	vm4 =	vmor vm6, vm1;
	vm6 =	vne.s32 v7, v19;
	v63, _, _ =	vpop (xrf0)  }
0x359: {  	vm5 =	vmor vm5, vm1;
	v12 =	vsub.s32 v2, v12;
	v13 =	vsub.s32 v2, v13;
	v10, _, _ =	vpop (xrf0)  }
0x35a: {  	s18 =	simm.s32 $0x0;
	s19 =	simm.s32 $0x0;
	s20 =	simm.s32 $0x1A0C1;
	vm6 =	vmor vm6, vm1;
	v14 =	vsub.s32 v2, v63;
	[tilespmem:v15+s17+$0x0] =	vst.idx.add.s32.msk vm7, v20;
	v10 =	vsub.s32 v2, v10  }
.LBB2_39:
0x35b: {  	v15 =	vld [tilespmem:s20+$0x3F];
	v16 =	vmovc v11;
	v17 =	vmovc v12;
	v18 =	vmov v13;
	v19 =	vmov v14;
	vm7 =	vmmov vm8  }
0x35c: {  	s18 =	sadd.s32 $0x8, s18;
	v11 =	vld [tilespmem:s20+$0x3E]  }
0x35d: {  	p0 =	slt.u32 s18, $0x1E8;
	v12 =	vld [tilespmem:s20+$0xFFFFFFCE]  }
0x35e: {  	v20 =	vld [tilespmem:s20+$0xFFFFFFDF]  }
0x35f: {  	v13 =	vld [tilespmem:s20+$0x40]  }
0x360: {  	v14 =	vld [tilespmem:s20+$0xFFFFFFDE]  }
0x361: {  	v21 =	vld [tilespmem:s20+$0xFFFFFFEF];
	vm8 =	vne.s32 v15, v11  }
0x362: {  	v11 =	vld [tilespmem:s20+$0xFFFFFFEE];
	vm8 =	vmor vm8, vm0  }
0x363: {  	v22 =	vld [tilespmem:s20+$0xFFFFFFFF];
	(xrf0) =	vmax.scan.msk.u32 vm8, v1  }
0x364: {  	v23 =	vld [tilespmem:s20+$0xFFFFFFFE];
	vm8 =	vne.s32 v15, v13  }
0x365: {  	vm9 =	vne.s32 v20, v14;
	v24 =	vld [tilespmem:s20+$0xF];
	vm8 =	vmor vm8, vm1  }
0x366: {  	vm9 =	vmor vm9, vm0;
	v13 =	vld [tilespmem:s20+$0xE]  }
0x367: {  	vm10 =	vne.s32 v21, v11;
	v25 =	vld [tilespmem:s20+$0x1F];
	(xrf0) =	vmax.scan.msk.u32 vm9, v1  }
0x368: {  	vm9 =	vmor vm10, vm0;
	v11 =	vld [tilespmem:s20+$0x1E]  }
0x369: {  	vm10 =	vne.s32 v22, v23;
	v23 =	vld [tilespmem:s20+$0x2F];
	(xrf0) =	vmax.scan.msk.u32 vm9, v1;
	v14, _, _ =	vpop (xrf0)  }
0x36a: {  	vm9 =	vmor vm10, vm0;
	v26 =	vld [tilespmem:s20+$0x2E];
	v14 =	vsub.s32 v2, v14  }
0x36b: {  	vm10 =	vne.s32 v24, v13;
	[tilespmem:v15+s17+$0x0] =	vst.idx.add.s32.msk vm8, v14;
	(xrf0) =	vmax.scan.msk.u32 vm9, v1  }
0x36c: {  	v15 =	vld [tilespmem:s20+$0xFFFFFFCF];
	vm8 =	vmor vm10, vm0  }
0x36d: {  	v13 =	vld [tilespmem:s20+$0xFFFFFFD0];
	vm9 =	vne.s32 v25, v11;
	v11, _, _ =	vpop (xrf0);
	(xrf0) =	vmax.scan.msk.u32 vm8, v1  }
0x36e: {  	v14 =	vld [tilespmem:s20+$0xFFFFFFE0];
	v27 =	vsub.s32 v2, v11;
	vm8 =	vmor vm9, vm0  }
0x36f: {  	v28 =	vld [tilespmem:s20+$0xFFFFFFF0];
	vm9 =	vne.s32 v23, v26;
	v11, _, _ =	vpop (xrf0);
	(xrf0) =	vmax.scan.msk.u32 vm8, v1  }
0x370: {  	v26 =	vsub.s32 v2, v11;
	v29 =	vld [tilespmem:s20+$0x0];
	vm8 =	vmor vm9, vm0  }
0x371: {  	vm9 =	vne.s32 v15, v12;
	v30 =	vld [tilespmem:s20+$0x10];
	v11, _, _ =	vpop (xrf0);
	(xrf0) =	vmax.scan.msk.u32 vm8, v1  }
0x372: {  	vm9 =	vmor vm9, vm0;
	vm8 =	vne.s32 v15, v13;
	v11 =	vsub.s32 v2, v11;
	v31 =	vld [tilespmem:s20+$0x20]  }
0x373: {  	vm8 =	vmor vm8, vm1;
	vm10 =	vne.s32 v20, v14;
	v14 =	vld [tilespmem:s20+$0x30];
	(xrf0) =	vmax.scan.msk.u32 vm9, v1;
	v12, _, _ =	vpop (xrf0)  }
0x374: {  	vm9 =	vmor vm10, vm1;
	vm10 =	vne.s32 v21, v28;
	v12 =	vsub.s32 v2, v12;
	[tilespmem:v8+s19+$0x0] =	vst.idx.add.s32.msk vm7, v10  }
0x375: {  	vm7 =	vne.s32 v22, v29;
	v8, _, _ =	vpop (xrf0);
	[tilespmem:v3+s19+$0x0] =	vst.idx.add.s32.msk vm2, v9;
	vm2 =	vmor vm10, vm1;
	v3 =	vmov v21  }
.Ltmp22:
0x376: {  	vm10 =	vne.s32 v24, v30;
	v13 =	vsub.s32 v2, v8;
	[tilespmem:v4+s19+$0x0] =	vst.idx.add.s32.msk vm3, v16;
	vm3 =	vmor vm7, vm1;
	(pc) =	sbr.rel @p0 .LBB2_39-.Ltmp22, $4  }
0x377: {  	v4 =	vmov v22;
	vm7 =	vne.s32 v25, v31;
	v8, _, _ =	vpop (xrf0);
	[tilespmem:v6+s19+$0x0] =	vst.idx.add.s32.msk vm4, v17;
	vm4 =	vmor vm10, vm1  }
0x378: {  	vm10 =	vne.s32 v23, v14;
	v14 =	vsub.s32 v2, v8;
	[tilespmem:v5+s19+$0x0] =	vst.idx.add.s32.msk vm5, v18;
	vm5 =	vmor vm7, vm1  }
0x379: {  	v6 =	vmov v24;
	v5 =	vmov v25;
	v8, _, _ =	vpop (xrf0);
	[tilespmem:v7+s19+$0x0] =	vst.idx.add.s32.msk vm6, v19;
	vm6 =	vmor vm10, vm1;
	s19 =	smov.u32 s17  }
0x37a: {  	s20 =	sadd.s32 $0x80, s20;
	v9 =	vmovc v26;
	v7 =	vmov v23;
	v10 =	vsub.s32 v2, v8;
	[tilespmem:v20+s19+$0x0] =	vst.idx.add.s32.msk vm9, v27;
	v8 =	vmov v15  }
0x37b: {  	_ =	sdelay $0x4  }
0x37c: {  	[tilespmem:v8+s19+$0x0] =	vst.idx.add.s32.msk vm8, v10  }
0x37d: {  	[tilespmem:v3+s19+$0x0] =	vst.idx.add.s32.msk vm2, v9  }
0x37e: {  	[tilespmem:v4+s19+$0x0] =	vst.idx.add.s32.msk vm3, v11  }
0x37f: {  	[tilespmem:v6+s19+$0x0] =	vst.idx.add.s32.msk vm4, v12  }
0x380: {  	[tilespmem:v5+s19+$0x0] =	vst.idx.add.s32.msk vm5, v13  }
0x381: {  	vm7 =	vmmov vm8;
	[tilespmem:v7+s19+$0x0] =	vst.idx.add.s32.msk vm6, v14  }
.LBB2_41:
0x382: {  	s18 =	sshra.s32 s17, $0x2  }
0x383: {  	v3 =	vld [tilespmem:s18+$0x1BF10]  }
0x384: {  	v4 =	vld [tilespmem:s18+$0x1BF0F];
	_ =	sdelay $0x2  }
0x385: {  	v5 =	vld [tilespmem:s18+$0x1BF11];
	_ =	sdelay $0x1  }
0x386: {  	vm2 =	vne.s32 v3, v4  }
0x387: {  	vm2 =	vmor vm2, vm0  }
0x388: {  	(xrf0) =	vmax.scan.msk.u32 vm2, v1  }
0x389: {  	vm2 =	vne.s32 v3, v5  }
0x38a: {  	vm2 =	vmor vm2, vm1  }
0x38b: {  	p0 =	sne.s32 s17, $0xC0  }
.Ltmp23:
0x38c: {  	_ = 	snop;
	(pc) =	sbr.rel @p0 .LBB2_41-.Ltmp23, $4  }
0x38d: {  	_ = 	snop  }
0x38e: {  	v63, _, _ =	vpop (xrf0)  }
0x38f: {  	v4 =	vsub.s32 v2, v63  }
0x390: {  	s17 =	sadd.s32 $0x40, s17;
	[tilespmem:v3+s3+$0x0] =	vst.idx.add.s32.msk vm2, v4  }
0x391: {  	s17 =	rddreg [dreg:$0xe]  }
0x392: {  	[tilespmem:s5], [sflag:$0x1] =	stream.linear.gather [hbm4b:s17+s3], $0x1F40, $0x38;
	[tilespmem:$0x1F920] =	vst v63  }
0x393: {  	_ =	swait.ge [sflag:s10], $0x1F40  }
0x394: {  	[sflag:s10] =	ssyncset.done $0x0  }
0x395: {  	s20 =	simm.s32 $0x1BFA1;
	[sflag:s10] =	ssyncadd.s32 $0xFFFFE0C0  }
0x396: {  	v10 =	vld [tilespmem:s20+$0x3F]  }
0x397: {  	v7 =	vld [tilespmem:s20+$0x3E]  }
0x398: {  	v9 =	vld [tilespmem:s20+$0xFFFFFFCE]  }
0x399: {  	v15 =	vld [tilespmem:s20+$0xFFFFFFDF]  }
0x39a: {  	v11 =	vld [tilespmem:s20+$0x40]  }
0x39b: {  	v8 =	vld [tilespmem:s20+$0xFFFFFFDE]  }
0x39c: {  	v3 =	vld [tilespmem:s20+$0xFFFFFFEF]  }
0x39d: {  	v12 =	vld [tilespmem:s20+$0xFFFFFFEE]  }
0x39e: {  	v4 =	vld [tilespmem:s20+$0xFFFFFFFF]  }
0x39f: {  	v13 =	vld [tilespmem:s20+$0xFFFFFFFE]  }
0x3a0: {  	v6 =	vld [tilespmem:s20+$0xF]  }
0x3a1: {  	v14 =	vld [tilespmem:s20+$0xE]  }
0x3a2: {  	v5 =	vld [tilespmem:s20+$0x1F]  }
0x3a3: {  	v16 =	vld [tilespmem:s20+$0x1E]  }
0x3a4: {  	v17 =	vld [tilespmem:s20+$0x2E]  }
0x3a5: {  	v61 =	vld [tilespmem:s20+$0x0];
	vm2 =	vne.s32 v10, v7  }
0x3a6: {  	v7 =	vld [tilespmem:s20+$0x2F];
	vm3 =	vne.s32 v15, v8;
	vm2 =	vmor vm2, vm0  }
0x3a7: {  	v8 =	vld [tilespmem:s20+$0xFFFFFFCF];
	(xrf0) =	vmax.scan.msk.u32 vm2, v1;
	vm2 =	vmor vm3, vm0;
	vm3 =	vne.s32 v3, v12  }
0x3a8: {  	v62 =	vld [tilespmem:s20+$0x10];
	(xrf0) =	vmax.scan.msk.u32 vm2, v1;
	vm2 =	vmor vm3, vm0;
	vm3 =	vne.s32 v4, v13  }
0x3a9: {  	v13 =	vld [tilespmem:s20+$0xFFFFFFE0];
	(xrf0) =	vmax.scan.msk.u32 vm2, v1;
	vm2 =	vmor vm3, vm0;
	vm3 =	vne.s32 v6, v14  }
0x3aa: {  	v12 =	vld [tilespmem:s20+$0xFFFFFFD0];
	(xrf0) =	vmax.scan.msk.u32 vm2, v1;
	vm2 =	vmor vm3, vm0;
	vm3 =	vne.s32 v5, v16  }
0x3ab: {  	v14 =	vld [tilespmem:s20+$0xFFFFFFF0];
	(xrf0) =	vmax.scan.msk.u32 vm2, v1;
	vm2 =	vmor vm3, vm0;
	vm3 =	vne.s32 v7, v17  }
0x3ac: {  	vm4 =	vne.s32 v10, v11;
	(xrf0) =	vmax.scan.msk.u32 vm2, v1;
	vm2 =	vmor vm3, vm0;
	vm3 =	vne.s32 v8, v9  }
0x3ad: {  	v18 =	vld [tilespmem:s20+$0x20];
	vm4 =	vmor vm4, vm1;
	v9, _, _ =	vpop (xrf0);
	(xrf0) =	vmax.scan.msk.u32 vm2, v1;
	vm2 =	vmor vm3, vm0  }
0x3ae: {  	v19 =	vld [tilespmem:s20+$0x30];
	vm3 =	vne.s32 v15, v13;
	v11, _, _ =	vpop (xrf0);
	(xrf0) =	vmax.scan.msk.u32 vm2, v1  }
0x3af: {  	vm5 =	vne.s32 v4, v61;
	vm6 =	vne.s32 v6, v62;
	vm7 =	vmor vm3, vm1;
	v13, _, _ =	vpop (xrf0)  }
0x3b0: {  	vm2 =	vne.s32 v8, v12;
	vm3 =	vne.s32 v3, v14;
	v14 =	vsub.s32 v2, v9;
	v12, _, _ =	vpop (xrf0)  }
0x3b1: {  	v20 =	vsub.s32 v2, v11;
	vm8 =	vmor vm2, vm1;
	v11 =	vsub.s32 v2, v12;
	v12, _, _ =	vpop (xrf0)  }
0x3b2: {  	s17 =	simm.s32 $0x0;
	vm2 =	vmor vm3, vm1;
	vm3 =	vmor vm5, vm1;
	v9 =	vsub.s32 v2, v13;
	v13, _, _ =	vpop (xrf0)  }
0x3b3: {  	vm5 =	vne.s32 v5, v18;
	[tilespmem:v10+s17+$0x0] =	vst.idx.add.s32.msk vm4, v14;
	vm4 =	vmor vm6, vm1;
	vm6 =	vne.s32 v7, v19;
	v63, _, _ =	vpop (xrf0)  }
0x3b4: {  	vm5 =	vmor vm5, vm1;
	v12 =	vsub.s32 v2, v12;
	v13 =	vsub.s32 v2, v13;
	v10, _, _ =	vpop (xrf0)  }
0x3b5: {  	s18 =	simm.s32 $0x0;
	s19 =	simm.s32 $0x0;
	s20 =	simm.s32 $0x1C021;
	vm6 =	vmor vm6, vm1;
	v14 =	vsub.s32 v2, v63;
	[tilespmem:v15+s17+$0x0] =	vst.idx.add.s32.msk vm7, v20;
	v10 =	vsub.s32 v2, v10  }
.LBB2_43:
0x3b6: {  	v15 =	vld [tilespmem:s20+$0x3F];
	v16 =	vmovc v11;
	v17 =	vmovc v12;
	v18 =	vmov v13;
	v19 =	vmov v14;
	vm7 =	vmmov vm8  }
0x3b7: {  	s18 =	sadd.s32 $0x8, s18;
	v11 =	vld [tilespmem:s20+$0x3E]  }
0x3b8: {  	p0 =	slt.u32 s18, $0x1E8;
	v12 =	vld [tilespmem:s20+$0xFFFFFFCE]  }
0x3b9: {  	v20 =	vld [tilespmem:s20+$0xFFFFFFDF]  }
0x3ba: {  	v13 =	vld [tilespmem:s20+$0x40]  }
0x3bb: {  	v14 =	vld [tilespmem:s20+$0xFFFFFFDE]  }
0x3bc: {  	v21 =	vld [tilespmem:s20+$0xFFFFFFEF];
	vm8 =	vne.s32 v15, v11  }
0x3bd: {  	v11 =	vld [tilespmem:s20+$0xFFFFFFEE];
	vm8 =	vmor vm8, vm0  }
0x3be: {  	v22 =	vld [tilespmem:s20+$0xFFFFFFFF];
	(xrf0) =	vmax.scan.msk.u32 vm8, v1  }
0x3bf: {  	v23 =	vld [tilespmem:s20+$0xFFFFFFFE];
	vm8 =	vne.s32 v15, v13  }
0x3c0: {  	vm9 =	vne.s32 v20, v14;
	v24 =	vld [tilespmem:s20+$0xF];
	vm8 =	vmor vm8, vm1  }
0x3c1: {  	vm9 =	vmor vm9, vm0;
	v13 =	vld [tilespmem:s20+$0xE]  }
0x3c2: {  	vm10 =	vne.s32 v21, v11;
	v25 =	vld [tilespmem:s20+$0x1F];
	(xrf0) =	vmax.scan.msk.u32 vm9, v1  }
0x3c3: {  	vm9 =	vmor vm10, vm0;
	v11 =	vld [tilespmem:s20+$0x1E]  }
0x3c4: {  	vm10 =	vne.s32 v22, v23;
	v23 =	vld [tilespmem:s20+$0x2F];
	(xrf0) =	vmax.scan.msk.u32 vm9, v1;
	v14, _, _ =	vpop (xrf0)  }
0x3c5: {  	vm9 =	vmor vm10, vm0;
	v26 =	vld [tilespmem:s20+$0x2E];
	v14 =	vsub.s32 v2, v14  }
0x3c6: {  	vm10 =	vne.s32 v24, v13;
	[tilespmem:v15+s17+$0x0] =	vst.idx.add.s32.msk vm8, v14;
	(xrf0) =	vmax.scan.msk.u32 vm9, v1  }
0x3c7: {  	v15 =	vld [tilespmem:s20+$0xFFFFFFCF];
	vm8 =	vmor vm10, vm0  }
0x3c8: {  	v13 =	vld [tilespmem:s20+$0xFFFFFFD0];
	vm9 =	vne.s32 v25, v11;
	v11, _, _ =	vpop (xrf0);
	(xrf0) =	vmax.scan.msk.u32 vm8, v1  }
0x3c9: {  	v14 =	vld [tilespmem:s20+$0xFFFFFFE0];
	v27 =	vsub.s32 v2, v11;
	vm8 =	vmor vm9, vm0  }
0x3ca: {  	v28 =	vld [tilespmem:s20+$0xFFFFFFF0];
	vm9 =	vne.s32 v23, v26;
	v11, _, _ =	vpop (xrf0);
	(xrf0) =	vmax.scan.msk.u32 vm8, v1  }
0x3cb: {  	v26 =	vsub.s32 v2, v11;
	v29 =	vld [tilespmem:s20+$0x0];
	vm8 =	vmor vm9, vm0  }
0x3cc: {  	vm9 =	vne.s32 v15, v12;
	v30 =	vld [tilespmem:s20+$0x10];
	v11, _, _ =	vpop (xrf0);
	(xrf0) =	vmax.scan.msk.u32 vm8, v1  }
0x3cd: {  	vm9 =	vmor vm9, vm0;
	vm8 =	vne.s32 v15, v13;
	v11 =	vsub.s32 v2, v11;
	v31 =	vld [tilespmem:s20+$0x20]  }
0x3ce: {  	vm8 =	vmor vm8, vm1;
	vm10 =	vne.s32 v20, v14;
	v14 =	vld [tilespmem:s20+$0x30];
	(xrf0) =	vmax.scan.msk.u32 vm9, v1;
	v12, _, _ =	vpop (xrf0)  }
0x3cf: {  	vm9 =	vmor vm10, vm1;
	vm10 =	vne.s32 v21, v28;
	v12 =	vsub.s32 v2, v12;
	[tilespmem:v8+s19+$0x0] =	vst.idx.add.s32.msk vm7, v10  }
0x3d0: {  	vm7 =	vne.s32 v22, v29;
	v8, _, _ =	vpop (xrf0);
	[tilespmem:v3+s19+$0x0] =	vst.idx.add.s32.msk vm2, v9;
	vm2 =	vmor vm10, vm1;
	v3 =	vmov v21  }
.Ltmp24:
0x3d1: {  	vm10 =	vne.s32 v24, v30;
	v13 =	vsub.s32 v2, v8;
	[tilespmem:v4+s19+$0x0] =	vst.idx.add.s32.msk vm3, v16;
	vm3 =	vmor vm7, vm1;
	(pc) =	sbr.rel @p0 .LBB2_43-.Ltmp24, $4  }
0x3d2: {  	v4 =	vmov v22;
	vm7 =	vne.s32 v25, v31;
	v8, _, _ =	vpop (xrf0);
	[tilespmem:v6+s19+$0x0] =	vst.idx.add.s32.msk vm4, v17;
	vm4 =	vmor vm10, vm1  }
0x3d3: {  	vm10 =	vne.s32 v23, v14;
	v14 =	vsub.s32 v2, v8;
	[tilespmem:v5+s19+$0x0] =	vst.idx.add.s32.msk vm5, v18;
	vm5 =	vmor vm7, vm1  }
0x3d4: {  	v6 =	vmov v24;
	v5 =	vmov v25;
	v8, _, _ =	vpop (xrf0);
	[tilespmem:v7+s19+$0x0] =	vst.idx.add.s32.msk vm6, v19;
	vm6 =	vmor vm10, vm1;
	s19 =	smov.u32 s17  }
0x3d5: {  	s20 =	sadd.s32 $0x80, s20;
	v9 =	vmovc v26;
	v7 =	vmov v23;
	v10 =	vsub.s32 v2, v8;
	[tilespmem:v20+s19+$0x0] =	vst.idx.add.s32.msk vm9, v27;
	v8 =	vmov v15  }
0x3d6: {  	_ =	sdelay $0x4  }
0x3d7: {  	[tilespmem:v8+s19+$0x0] =	vst.idx.add.s32.msk vm8, v10  }
0x3d8: {  	[tilespmem:v3+s19+$0x0] =	vst.idx.add.s32.msk vm2, v9  }
0x3d9: {  	[tilespmem:v4+s19+$0x0] =	vst.idx.add.s32.msk vm3, v11  }
0x3da: {  	[tilespmem:v6+s19+$0x0] =	vst.idx.add.s32.msk vm4, v12  }
0x3db: {  	[tilespmem:v5+s19+$0x0] =	vst.idx.add.s32.msk vm5, v13  }
0x3dc: {  	vm7 =	vmmov vm8;
	[tilespmem:v7+s19+$0x0] =	vst.idx.add.s32.msk vm6, v14  }
.LBB2_45:
0x3dd: {  	s18 =	sshra.s32 s17, $0x2  }
0x3de: {  	v3 =	vld [tilespmem:s18+$0x1DE70]  }
0x3df: {  	v4 =	vld [tilespmem:s18+$0x1DE6F];
	_ =	sdelay $0x2  }
0x3e0: {  	v5 =	vld [tilespmem:s18+$0x1DE71];
	_ =	sdelay $0x1  }
0x3e1: {  	vm2 =	vne.s32 v3, v4  }
0x3e2: {  	vm2 =	vmor vm2, vm0  }
0x3e3: {  	(xrf0) =	vmax.scan.msk.u32 vm2, v1  }
0x3e4: {  	vm2 =	vne.s32 v3, v5  }
0x3e5: {  	vm2 =	vmor vm2, vm1  }
0x3e6: {  	p0 =	sne.s32 s17, $0xC0  }
.Ltmp25:
0x3e7: {  	_ = 	snop;
	(pc) =	sbr.rel @p0 .LBB2_45-.Ltmp25, $4  }
0x3e8: {  	_ = 	snop  }
0x3e9: {  	v63, _, _ =	vpop (xrf0)  }
0x3ea: {  	v4 =	vsub.s32 v2, v63  }
0x3eb: {  	s17 =	sadd.s32 $0x40, s17;
	[tilespmem:v3+s3+$0x0] =	vst.idx.add.s32.msk vm2, v4  }
0x3ec: {  	s17 =	rddreg [dreg:$0xf]  }
0x3ed: {  	[tilespmem:s8], [sflag:$0x2] =	stream.linear.gather [hbm4b:s17+s3], $0x1F40, $0x38;
	[tilespmem:$0x1F920] =	vst v63  }
0x3ee: {  	_ =	swait.ge [sflag:s9], $0x1F40  }
0x3ef: {  	[sflag:s9] =	ssyncset.done $0x0  }
0x3f0: {  	s20 =	simm.s32 $0x1A041;
	[sflag:s9] =	ssyncadd.s32 $0xFFFFE0C0  }
0x3f1: {  	v10 =	vld [tilespmem:s20+$0x3F]  }
0x3f2: {  	v7 =	vld [tilespmem:s20+$0x3E]  }
0x3f3: {  	v9 =	vld [tilespmem:s20+$0xFFFFFFCE]  }
0x3f4: {  	v15 =	vld [tilespmem:s20+$0xFFFFFFDF]  }
0x3f5: {  	v11 =	vld [tilespmem:s20+$0x40]  }
0x3f6: {  	v8 =	vld [tilespmem:s20+$0xFFFFFFDE]  }
0x3f7: {  	v3 =	vld [tilespmem:s20+$0xFFFFFFEF]  }
0x3f8: {  	v12 =	vld [tilespmem:s20+$0xFFFFFFEE]  }
0x3f9: {  	v4 =	vld [tilespmem:s20+$0xFFFFFFFF]  }
0x3fa: {  	v13 =	vld [tilespmem:s20+$0xFFFFFFFE]  }
0x3fb: {  	v6 =	vld [tilespmem:s20+$0xF]  }
0x3fc: {  	v14 =	vld [tilespmem:s20+$0xE]  }
0x3fd: {  	v5 =	vld [tilespmem:s20+$0x1F]  }
0x3fe: {  	v16 =	vld [tilespmem:s20+$0x1E]  }
0x3ff: {  	v17 =	vld [tilespmem:s20+$0x2E]  }
0x400: {  	v61 =	vld [tilespmem:s20+$0x0];
	vm2 =	vne.s32 v10, v7  }
0x401: {  	v7 =	vld [tilespmem:s20+$0x2F];
	vm3 =	vne.s32 v15, v8;
	vm2 =	vmor vm2, vm0  }
0x402: {  	v8 =	vld [tilespmem:s20+$0xFFFFFFCF];
	(xrf0) =	vmax.scan.msk.u32 vm2, v1;
	vm2 =	vmor vm3, vm0;
	vm3 =	vne.s32 v3, v12  }
0x403: {  	v62 =	vld [tilespmem:s20+$0x10];
	(xrf0) =	vmax.scan.msk.u32 vm2, v1;
	vm2 =	vmor vm3, vm0;
	vm3 =	vne.s32 v4, v13  }
0x404: {  	v13 =	vld [tilespmem:s20+$0xFFFFFFE0];
	(xrf0) =	vmax.scan.msk.u32 vm2, v1;
	vm2 =	vmor vm3, vm0;
	vm3 =	vne.s32 v6, v14  }
0x405: {  	v12 =	vld [tilespmem:s20+$0xFFFFFFD0];
	(xrf0) =	vmax.scan.msk.u32 vm2, v1;
	vm2 =	vmor vm3, vm0;
	vm3 =	vne.s32 v5, v16  }
0x406: {  	v14 =	vld [tilespmem:s20+$0xFFFFFFF0];
	(xrf0) =	vmax.scan.msk.u32 vm2, v1;
	vm2 =	vmor vm3, vm0;
	vm3 =	vne.s32 v7, v17  }
0x407: {  	vm4 =	vne.s32 v10, v11;
	(xrf0) =	vmax.scan.msk.u32 vm2, v1;
	vm2 =	vmor vm3, vm0;
	vm3 =	vne.s32 v8, v9  }
0x408: {  	v18 =	vld [tilespmem:s20+$0x20];
	vm4 =	vmor vm4, vm1;
	v9, _, _ =	vpop (xrf0);
	(xrf0) =	vmax.scan.msk.u32 vm2, v1;
	vm2 =	vmor vm3, vm0  }
0x409: {  	v19 =	vld [tilespmem:s20+$0x30];
	vm3 =	vne.s32 v15, v13;
	v11, _, _ =	vpop (xrf0);
	(xrf0) =	vmax.scan.msk.u32 vm2, v1  }
0x40a: {  	vm5 =	vne.s32 v4, v61;
	vm6 =	vne.s32 v6, v62;
	vm7 =	vmor vm3, vm1;
	v13, _, _ =	vpop (xrf0)  }
0x40b: {  	vm2 =	vne.s32 v8, v12;
	vm3 =	vne.s32 v3, v14;
	v14 =	vsub.s32 v2, v9;
	v12, _, _ =	vpop (xrf0)  }
0x40c: {  	v20 =	vsub.s32 v2, v11;
	vm8 =	vmor vm2, vm1;
	v11 =	vsub.s32 v2, v12;
	v12, _, _ =	vpop (xrf0)  }
0x40d: {  	s17 =	simm.s32 $0x0;
	vm2 =	vmor vm3, vm1;
	vm3 =	vmor vm5, vm1;
	v9 =	vsub.s32 v2, v13;
	v13, _, _ =	vpop (xrf0)  }
0x40e: {  	vm5 =	vne.s32 v5, v18;
	[tilespmem:v10+s17+$0x0] =	vst.idx.add.s32.msk vm4, v14;
	vm4 =	vmor vm6, vm1;
	vm6 =	vne.s32 v7, v19;
	v63, _, _ =	vpop (xrf0)  }
0x40f: {  	vm5 =	vmor vm5, vm1;
	v12 =	vsub.s32 v2, v12;
	v13 =	vsub.s32 v2, v13;
	v10, _, _ =	vpop (xrf0)  }
0x410: {  	s18 =	simm.s32 $0x0;
	s19 =	simm.s32 $0x0;
	s20 =	simm.s32 $0x1A0C1;
	vm6 =	vmor vm6, vm1;
	v14 =	vsub.s32 v2, v63;
	[tilespmem:v15+s17+$0x0] =	vst.idx.add.s32.msk vm7, v20;
	v10 =	vsub.s32 v2, v10  }
.LBB2_47:
0x411: {  	v15 =	vld [tilespmem:s20+$0x3F];
	v16 =	vmovc v11;
	v17 =	vmovc v12;
	v18 =	vmov v13;
	v19 =	vmov v14;
	vm7 =	vmmov vm8  }
0x412: {  	s18 =	sadd.s32 $0x8, s18;
	v11 =	vld [tilespmem:s20+$0x3E]  }
0x413: {  	p0 =	slt.u32 s18, $0x1E8;
	v12 =	vld [tilespmem:s20+$0xFFFFFFCE]  }
0x414: {  	v20 =	vld [tilespmem:s20+$0xFFFFFFDF]  }
0x415: {  	v13 =	vld [tilespmem:s20+$0x40]  }
0x416: {  	v14 =	vld [tilespmem:s20+$0xFFFFFFDE]  }
0x417: {  	v21 =	vld [tilespmem:s20+$0xFFFFFFEF];
	vm8 =	vne.s32 v15, v11  }
0x418: {  	v11 =	vld [tilespmem:s20+$0xFFFFFFEE];
	vm8 =	vmor vm8, vm0  }
0x419: {  	v22 =	vld [tilespmem:s20+$0xFFFFFFFF];
	(xrf0) =	vmax.scan.msk.u32 vm8, v1  }
0x41a: {  	v23 =	vld [tilespmem:s20+$0xFFFFFFFE];
	vm8 =	vne.s32 v15, v13  }
0x41b: {  	vm9 =	vne.s32 v20, v14;
	v24 =	vld [tilespmem:s20+$0xF];
	vm8 =	vmor vm8, vm1  }
0x41c: {  	vm9 =	vmor vm9, vm0;
	v13 =	vld [tilespmem:s20+$0xE]  }
0x41d: {  	vm10 =	vne.s32 v21, v11;
	v25 =	vld [tilespmem:s20+$0x1F];
	(xrf0) =	vmax.scan.msk.u32 vm9, v1  }
0x41e: {  	vm9 =	vmor vm10, vm0;
	v11 =	vld [tilespmem:s20+$0x1E]  }
0x41f: {  	vm10 =	vne.s32 v22, v23;
	v23 =	vld [tilespmem:s20+$0x2F];
	(xrf0) =	vmax.scan.msk.u32 vm9, v1;
	v14, _, _ =	vpop (xrf0)  }
0x420: {  	vm9 =	vmor vm10, vm0;
	v26 =	vld [tilespmem:s20+$0x2E];
	v14 =	vsub.s32 v2, v14  }
0x421: {  	vm10 =	vne.s32 v24, v13;
	[tilespmem:v15+s17+$0x0] =	vst.idx.add.s32.msk vm8, v14;
	(xrf0) =	vmax.scan.msk.u32 vm9, v1  }
0x422: {  	v15 =	vld [tilespmem:s20+$0xFFFFFFCF];
	vm8 =	vmor vm10, vm0  }
0x423: {  	v13 =	vld [tilespmem:s20+$0xFFFFFFD0];
	vm9 =	vne.s32 v25, v11;
	v11, _, _ =	vpop (xrf0);
	(xrf0) =	vmax.scan.msk.u32 vm8, v1  }
0x424: {  	v14 =	vld [tilespmem:s20+$0xFFFFFFE0];
	v27 =	vsub.s32 v2, v11;
	vm8 =	vmor vm9, vm0  }
0x425: {  	v28 =	vld [tilespmem:s20+$0xFFFFFFF0];
	vm9 =	vne.s32 v23, v26;
	v11, _, _ =	vpop (xrf0);
	(xrf0) =	vmax.scan.msk.u32 vm8, v1  }
0x426: {  	v26 =	vsub.s32 v2, v11;
	v29 =	vld [tilespmem:s20+$0x0];
	vm8 =	vmor vm9, vm0  }
0x427: {  	vm9 =	vne.s32 v15, v12;
	v30 =	vld [tilespmem:s20+$0x10];
	v11, _, _ =	vpop (xrf0);
	(xrf0) =	vmax.scan.msk.u32 vm8, v1  }
0x428: {  	vm9 =	vmor vm9, vm0;
	vm8 =	vne.s32 v15, v13;
	v11 =	vsub.s32 v2, v11;
	v31 =	vld [tilespmem:s20+$0x20]  }
0x429: {  	vm8 =	vmor vm8, vm1;
	vm10 =	vne.s32 v20, v14;
	v14 =	vld [tilespmem:s20+$0x30];
	(xrf0) =	vmax.scan.msk.u32 vm9, v1;
	v12, _, _ =	vpop (xrf0)  }
0x42a: {  	vm9 =	vmor vm10, vm1;
	vm10 =	vne.s32 v21, v28;
	v12 =	vsub.s32 v2, v12;
	[tilespmem:v8+s19+$0x0] =	vst.idx.add.s32.msk vm7, v10  }
0x42b: {  	vm7 =	vne.s32 v22, v29;
	v8, _, _ =	vpop (xrf0);
	[tilespmem:v3+s19+$0x0] =	vst.idx.add.s32.msk vm2, v9;
	vm2 =	vmor vm10, vm1;
	v3 =	vmov v21  }
.Ltmp26:
0x42c: {  	vm10 =	vne.s32 v24, v30;
	v13 =	vsub.s32 v2, v8;
	[tilespmem:v4+s19+$0x0] =	vst.idx.add.s32.msk vm3, v16;
	vm3 =	vmor vm7, vm1;
	(pc) =	sbr.rel @p0 .LBB2_47-.Ltmp26, $4  }
0x42d: {  	v4 =	vmov v22;
	vm7 =	vne.s32 v25, v31;
	v8, _, _ =	vpop (xrf0);
	[tilespmem:v6+s19+$0x0] =	vst.idx.add.s32.msk vm4, v17;
	vm4 =	vmor vm10, vm1  }
0x42e: {  	vm10 =	vne.s32 v23, v14;
	v14 =	vsub.s32 v2, v8;
	[tilespmem:v5+s19+$0x0] =	vst.idx.add.s32.msk vm5, v18;
	vm5 =	vmor vm7, vm1  }
0x42f: {  	v6 =	vmov v24;
	v5 =	vmov v25;
	v8, _, _ =	vpop (xrf0);
	[tilespmem:v7+s19+$0x0] =	vst.idx.add.s32.msk vm6, v19;
	vm6 =	vmor vm10, vm1;
	s19 =	smov.u32 s17  }
0x430: {  	s20 =	sadd.s32 $0x80, s20;
	v9 =	vmovc v26;
	v7 =	vmov v23;
	v10 =	vsub.s32 v2, v8;
	[tilespmem:v20+s19+$0x0] =	vst.idx.add.s32.msk vm9, v27;
	v8 =	vmov v15  }
0x431: {  	_ =	sdelay $0x4  }
0x432: {  	[tilespmem:v8+s19+$0x0] =	vst.idx.add.s32.msk vm8, v10  }
0x433: {  	[tilespmem:v3+s19+$0x0] =	vst.idx.add.s32.msk vm2, v9  }
0x434: {  	[tilespmem:v4+s19+$0x0] =	vst.idx.add.s32.msk vm3, v11  }
0x435: {  	[tilespmem:v6+s19+$0x0] =	vst.idx.add.s32.msk vm4, v12  }
0x436: {  	[tilespmem:v5+s19+$0x0] =	vst.idx.add.s32.msk vm5, v13  }
0x437: {  	vm7 =	vmmov vm8;
	[tilespmem:v7+s19+$0x0] =	vst.idx.add.s32.msk vm6, v14  }
.LBB2_49:
0x438: {  	s18 =	sshra.s32 s17, $0x2  }
0x439: {  	v3 =	vld [tilespmem:s18+$0x1BF10]  }
0x43a: {  	v4 =	vld [tilespmem:s18+$0x1BF0F];
	_ =	sdelay $0x2  }
0x43b: {  	v5 =	vld [tilespmem:s18+$0x1BF11];
	_ =	sdelay $0x1  }
0x43c: {  	vm2 =	vne.s32 v3, v4  }
0x43d: {  	vm2 =	vmor vm2, vm0  }
0x43e: {  	(xrf0) =	vmax.scan.msk.u32 vm2, v1  }
0x43f: {  	vm2 =	vne.s32 v3, v5  }
0x440: {  	vm2 =	vmor vm2, vm1  }
0x441: {  	p0 =	sne.s32 s17, $0xC0  }
.Ltmp27:
0x442: {  	_ = 	snop;
	(pc) =	sbr.rel @p0 .LBB2_49-.Ltmp27, $4  }
0x443: {  	_ = 	snop  }
0x444: {  	v63, _, _ =	vpop (xrf0)  }
0x445: {  	v4 =	vsub.s32 v2, v63  }
0x446: {  	s17 =	sadd.s32 $0x40, s17;
	[tilespmem:v3+s3+$0x0] =	vst.idx.add.s32.msk vm2, v4  }
0x447: {  	s17 =	rddreg [dreg:$0x10]  }
0x448: {  	[tilespmem:s5], [sflag:$0x1] =	stream.linear.gather [hbm4b:s17+s3], $0x1F40, $0x38;
	[tilespmem:$0x1F920] =	vst v63  }
0x449: {  	_ =	swait.ge [sflag:s10], $0x1F40  }
0x44a: {  	[sflag:s10] =	ssyncset.done $0x0  }
0x44b: {  	s20 =	simm.s32 $0x1BFA1;
	[sflag:s10] =	ssyncadd.s32 $0xFFFFE0C0  }
0x44c: {  	v10 =	vld [tilespmem:s20+$0x3F]  }
0x44d: {  	v7 =	vld [tilespmem:s20+$0x3E]  }
0x44e: {  	v9 =	vld [tilespmem:s20+$0xFFFFFFCE]  }
0x44f: {  	v15 =	vld [tilespmem:s20+$0xFFFFFFDF]  }
0x450: {  	v11 =	vld [tilespmem:s20+$0x40]  }
0x451: {  	v8 =	vld [tilespmem:s20+$0xFFFFFFDE]  }
0x452: {  	v3 =	vld [tilespmem:s20+$0xFFFFFFEF]  }
0x453: {  	v12 =	vld [tilespmem:s20+$0xFFFFFFEE]  }
0x454: {  	v4 =	vld [tilespmem:s20+$0xFFFFFFFF]  }
0x455: {  	v13 =	vld [tilespmem:s20+$0xFFFFFFFE]  }
0x456: {  	v6 =	vld [tilespmem:s20+$0xF]  }
0x457: {  	v14 =	vld [tilespmem:s20+$0xE]  }
0x458: {  	v5 =	vld [tilespmem:s20+$0x1F]  }
0x459: {  	v16 =	vld [tilespmem:s20+$0x1E]  }
0x45a: {  	v17 =	vld [tilespmem:s20+$0x2E]  }
0x45b: {  	v61 =	vld [tilespmem:s20+$0x0];
	vm2 =	vne.s32 v10, v7  }
0x45c: {  	v7 =	vld [tilespmem:s20+$0x2F];
	vm3 =	vne.s32 v15, v8;
	vm2 =	vmor vm2, vm0  }
0x45d: {  	v8 =	vld [tilespmem:s20+$0xFFFFFFCF];
	(xrf0) =	vmax.scan.msk.u32 vm2, v1;
	vm2 =	vmor vm3, vm0;
	vm3 =	vne.s32 v3, v12  }
0x45e: {  	v62 =	vld [tilespmem:s20+$0x10];
	(xrf0) =	vmax.scan.msk.u32 vm2, v1;
	vm2 =	vmor vm3, vm0;
	vm3 =	vne.s32 v4, v13  }
0x45f: {  	v13 =	vld [tilespmem:s20+$0xFFFFFFE0];
	(xrf0) =	vmax.scan.msk.u32 vm2, v1;
	vm2 =	vmor vm3, vm0;
	vm3 =	vne.s32 v6, v14  }
0x460: {  	v12 =	vld [tilespmem:s20+$0xFFFFFFD0];
	(xrf0) =	vmax.scan.msk.u32 vm2, v1;
	vm2 =	vmor vm3, vm0;
	vm3 =	vne.s32 v5, v16  }
0x461: {  	v14 =	vld [tilespmem:s20+$0xFFFFFFF0];
	(xrf0) =	vmax.scan.msk.u32 vm2, v1;
	vm2 =	vmor vm3, vm0;
	vm3 =	vne.s32 v7, v17  }
0x462: {  	vm4 =	vne.s32 v10, v11;
	(xrf0) =	vmax.scan.msk.u32 vm2, v1;
	vm2 =	vmor vm3, vm0;
	vm3 =	vne.s32 v8, v9  }
0x463: {  	v18 =	vld [tilespmem:s20+$0x20];
	vm4 =	vmor vm4, vm1;
	v9, _, _ =	vpop (xrf0);
	(xrf0) =	vmax.scan.msk.u32 vm2, v1;
	vm2 =	vmor vm3, vm0  }
0x464: {  	v19 =	vld [tilespmem:s20+$0x30];
	vm3 =	vne.s32 v15, v13;
	v11, _, _ =	vpop (xrf0);
	(xrf0) =	vmax.scan.msk.u32 vm2, v1  }
0x465: {  	vm5 =	vne.s32 v4, v61;
	vm6 =	vne.s32 v6, v62;
	vm7 =	vmor vm3, vm1;
	v13, _, _ =	vpop (xrf0)  }
0x466: {  	vm2 =	vne.s32 v8, v12;
	vm3 =	vne.s32 v3, v14;
	v14 =	vsub.s32 v2, v9;
	v12, _, _ =	vpop (xrf0)  }
0x467: {  	v20 =	vsub.s32 v2, v11;
	vm8 =	vmor vm2, vm1;
	v11 =	vsub.s32 v2, v12;
	v12, _, _ =	vpop (xrf0)  }
0x468: {  	s17 =	simm.s32 $0x0;
	vm2 =	vmor vm3, vm1;
	vm3 =	vmor vm5, vm1;
	v9 =	vsub.s32 v2, v13;
	v13, _, _ =	vpop (xrf0)  }
0x469: {  	vm5 =	vne.s32 v5, v18;
	[tilespmem:v10+s17+$0x0] =	vst.idx.add.s32.msk vm4, v14;
	vm4 =	vmor vm6, vm1;
	vm6 =	vne.s32 v7, v19;
	v63, _, _ =	vpop (xrf0)  }
0x46a: {  	vm5 =	vmor vm5, vm1;
	v12 =	vsub.s32 v2, v12;
	v13 =	vsub.s32 v2, v13;
	v10, _, _ =	vpop (xrf0)  }
0x46b: {  	s18 =	simm.s32 $0x0;
	s19 =	simm.s32 $0x0;
	s20 =	simm.s32 $0x1C021;
	vm6 =	vmor vm6, vm1;
	v14 =	vsub.s32 v2, v63;
	[tilespmem:v15+s17+$0x0] =	vst.idx.add.s32.msk vm7, v20;
	v10 =	vsub.s32 v2, v10  }
.LBB2_51:
0x46c: {  	v15 =	vld [tilespmem:s20+$0x3F];
	v16 =	vmovc v11;
	v17 =	vmovc v12;
	v18 =	vmov v13;
	v19 =	vmov v14;
	vm7 =	vmmov vm8  }
0x46d: {  	s18 =	sadd.s32 $0x8, s18;
	v11 =	vld [tilespmem:s20+$0x3E]  }
0x46e: {  	p0 =	slt.u32 s18, $0x1E8;
	v12 =	vld [tilespmem:s20+$0xFFFFFFCE]  }
0x46f: {  	v20 =	vld [tilespmem:s20+$0xFFFFFFDF]  }
0x470: {  	v13 =	vld [tilespmem:s20+$0x40]  }
0x471: {  	v14 =	vld [tilespmem:s20+$0xFFFFFFDE]  }
0x472: {  	v21 =	vld [tilespmem:s20+$0xFFFFFFEF];
	vm8 =	vne.s32 v15, v11  }
0x473: {  	v11 =	vld [tilespmem:s20+$0xFFFFFFEE];
	vm8 =	vmor vm8, vm0  }
0x474: {  	v22 =	vld [tilespmem:s20+$0xFFFFFFFF];
	(xrf0) =	vmax.scan.msk.u32 vm8, v1  }
0x475: {  	v23 =	vld [tilespmem:s20+$0xFFFFFFFE];
	vm8 =	vne.s32 v15, v13  }
0x476: {  	vm9 =	vne.s32 v20, v14;
	v24 =	vld [tilespmem:s20+$0xF];
	vm8 =	vmor vm8, vm1  }
0x477: {  	vm9 =	vmor vm9, vm0;
	v13 =	vld [tilespmem:s20+$0xE]  }
0x478: {  	vm10 =	vne.s32 v21, v11;
	v25 =	vld [tilespmem:s20+$0x1F];
	(xrf0) =	vmax.scan.msk.u32 vm9, v1  }
0x479: {  	vm9 =	vmor vm10, vm0;
	v11 =	vld [tilespmem:s20+$0x1E]  }
0x47a: {  	vm10 =	vne.s32 v22, v23;
	v23 =	vld [tilespmem:s20+$0x2F];
	(xrf0) =	vmax.scan.msk.u32 vm9, v1;
	v14, _, _ =	vpop (xrf0)  }
0x47b: {  	vm9 =	vmor vm10, vm0;
	v26 =	vld [tilespmem:s20+$0x2E];
	v14 =	vsub.s32 v2, v14  }
0x47c: {  	vm10 =	vne.s32 v24, v13;
	[tilespmem:v15+s17+$0x0] =	vst.idx.add.s32.msk vm8, v14;
	(xrf0) =	vmax.scan.msk.u32 vm9, v1  }
0x47d: {  	v15 =	vld [tilespmem:s20+$0xFFFFFFCF];
	vm8 =	vmor vm10, vm0  }
0x47e: {  	v13 =	vld [tilespmem:s20+$0xFFFFFFD0];
	vm9 =	vne.s32 v25, v11;
	v11, _, _ =	vpop (xrf0);
	(xrf0) =	vmax.scan.msk.u32 vm8, v1  }
0x47f: {  	v14 =	vld [tilespmem:s20+$0xFFFFFFE0];
	v27 =	vsub.s32 v2, v11;
	vm8 =	vmor vm9, vm0  }
0x480: {  	v28 =	vld [tilespmem:s20+$0xFFFFFFF0];
	vm9 =	vne.s32 v23, v26;
	v11, _, _ =	vpop (xrf0);
	(xrf0) =	vmax.scan.msk.u32 vm8, v1  }
0x481: {  	v26 =	vsub.s32 v2, v11;
	v29 =	vld [tilespmem:s20+$0x0];
	vm8 =	vmor vm9, vm0  }
0x482: {  	vm9 =	vne.s32 v15, v12;
	v30 =	vld [tilespmem:s20+$0x10];
	v11, _, _ =	vpop (xrf0);
	(xrf0) =	vmax.scan.msk.u32 vm8, v1  }
0x483: {  	vm9 =	vmor vm9, vm0;
	vm8 =	vne.s32 v15, v13;
	v11 =	vsub.s32 v2, v11;
	v31 =	vld [tilespmem:s20+$0x20]  }
0x484: {  	vm8 =	vmor vm8, vm1;
	vm10 =	vne.s32 v20, v14;
	v14 =	vld [tilespmem:s20+$0x30];
	(xrf0) =	vmax.scan.msk.u32 vm9, v1;
	v12, _, _ =	vpop (xrf0)  }
0x485: {  	vm9 =	vmor vm10, vm1;
	vm10 =	vne.s32 v21, v28;
	v12 =	vsub.s32 v2, v12;
	[tilespmem:v8+s19+$0x0] =	vst.idx.add.s32.msk vm7, v10  }
0x486: {  	vm7 =	vne.s32 v22, v29;
	v8, _, _ =	vpop (xrf0);
	[tilespmem:v3+s19+$0x0] =	vst.idx.add.s32.msk vm2, v9;
	vm2 =	vmor vm10, vm1;
	v3 =	vmov v21  }
.Ltmp28:
0x487: {  	vm10 =	vne.s32 v24, v30;
	v13 =	vsub.s32 v2, v8;
	[tilespmem:v4+s19+$0x0] =	vst.idx.add.s32.msk vm3, v16;
	vm3 =	vmor vm7, vm1;
	(pc) =	sbr.rel @p0 .LBB2_51-.Ltmp28, $4  }
0x488: {  	v4 =	vmov v22;
	vm7 =	vne.s32 v25, v31;
	v8, _, _ =	vpop (xrf0);
	[tilespmem:v6+s19+$0x0] =	vst.idx.add.s32.msk vm4, v17;
	vm4 =	vmor vm10, vm1  }
0x489: {  	vm10 =	vne.s32 v23, v14;
	v14 =	vsub.s32 v2, v8;
	[tilespmem:v5+s19+$0x0] =	vst.idx.add.s32.msk vm5, v18;
	vm5 =	vmor vm7, vm1  }
0x48a: {  	v6 =	vmov v24;
	v5 =	vmov v25;
	v8, _, _ =	vpop (xrf0);
	[tilespmem:v7+s19+$0x0] =	vst.idx.add.s32.msk vm6, v19;
	vm6 =	vmor vm10, vm1;
	s19 =	smov.u32 s17  }
0x48b: {  	s20 =	sadd.s32 $0x80, s20;
	v9 =	vmovc v26;
	v7 =	vmov v23;
	v10 =	vsub.s32 v2, v8;
	[tilespmem:v20+s19+$0x0] =	vst.idx.add.s32.msk vm9, v27;
	v8 =	vmov v15  }
0x48c: {  	_ =	sdelay $0x4  }
0x48d: {  	[tilespmem:v8+s19+$0x0] =	vst.idx.add.s32.msk vm8, v10  }
0x48e: {  	[tilespmem:v3+s19+$0x0] =	vst.idx.add.s32.msk vm2, v9  }
0x48f: {  	[tilespmem:v4+s19+$0x0] =	vst.idx.add.s32.msk vm3, v11  }
0x490: {  	[tilespmem:v6+s19+$0x0] =	vst.idx.add.s32.msk vm4, v12  }
0x491: {  	[tilespmem:v5+s19+$0x0] =	vst.idx.add.s32.msk vm5, v13  }
0x492: {  	vm7 =	vmmov vm8;
	[tilespmem:v7+s19+$0x0] =	vst.idx.add.s32.msk vm6, v14  }
.LBB2_53:
0x493: {  	s18 =	sshra.s32 s17, $0x2  }
0x494: {  	v3 =	vld [tilespmem:s18+$0x1DE70]  }
0x495: {  	v4 =	vld [tilespmem:s18+$0x1DE6F];
	_ =	sdelay $0x2  }
0x496: {  	v5 =	vld [tilespmem:s18+$0x1DE71];
	_ =	sdelay $0x1  }
0x497: {  	vm2 =	vne.s32 v3, v4  }
0x498: {  	vm2 =	vmor vm2, vm0  }
0x499: {  	(xrf0) =	vmax.scan.msk.u32 vm2, v1  }
0x49a: {  	vm2 =	vne.s32 v3, v5  }
0x49b: {  	vm2 =	vmor vm2, vm1  }
0x49c: {  	p0 =	sne.s32 s17, $0xC0  }
.Ltmp29:
0x49d: {  	_ = 	snop;
	(pc) =	sbr.rel @p0 .LBB2_53-.Ltmp29, $4  }
0x49e: {  	_ = 	snop  }
0x49f: {  	v63, _, _ =	vpop (xrf0)  }
0x4a0: {  	v4 =	vsub.s32 v2, v63  }
0x4a1: {  	s17 =	sadd.s32 $0x40, s17;
	[tilespmem:v3+s3+$0x0] =	vst.idx.add.s32.msk vm2, v4  }
0x4a2: {  	s17 =	rddreg [dreg:$0x11]  }
0x4a3: {  	[tilespmem:s8], [sflag:$0x2] =	stream.linear.gather [hbm4b:s17+s3], $0x1F40, $0x38;
	[tilespmem:$0x1F920] =	vst v63  }
0x4a4: {  	_ =	swait.ge [sflag:s9], $0x1F40  }
0x4a5: {  	[sflag:s9] =	ssyncset.done $0x0  }
0x4a6: {  	s20 =	simm.s32 $0x1A041;
	[sflag:s9] =	ssyncadd.s32 $0xFFFFE0C0  }
0x4a7: {  	v10 =	vld [tilespmem:s20+$0x3F]  }
0x4a8: {  	v7 =	vld [tilespmem:s20+$0x3E]  }
0x4a9: {  	v9 =	vld [tilespmem:s20+$0xFFFFFFCE]  }
0x4aa: {  	v15 =	vld [tilespmem:s20+$0xFFFFFFDF]  }
0x4ab: {  	v11 =	vld [tilespmem:s20+$0x40]  }
0x4ac: {  	v8 =	vld [tilespmem:s20+$0xFFFFFFDE]  }
0x4ad: {  	v3 =	vld [tilespmem:s20+$0xFFFFFFEF]  }
0x4ae: {  	v12 =	vld [tilespmem:s20+$0xFFFFFFEE]  }
0x4af: {  	v4 =	vld [tilespmem:s20+$0xFFFFFFFF]  }
0x4b0: {  	v13 =	vld [tilespmem:s20+$0xFFFFFFFE]  }
0x4b1: {  	v6 =	vld [tilespmem:s20+$0xF]  }
0x4b2: {  	v14 =	vld [tilespmem:s20+$0xE]  }
0x4b3: {  	v5 =	vld [tilespmem:s20+$0x1F]  }
0x4b4: {  	v16 =	vld [tilespmem:s20+$0x1E]  }
0x4b5: {  	v17 =	vld [tilespmem:s20+$0x2E]  }
0x4b6: {  	v61 =	vld [tilespmem:s20+$0x0];
	vm2 =	vne.s32 v10, v7  }
0x4b7: {  	v7 =	vld [tilespmem:s20+$0x2F];
	vm3 =	vne.s32 v15, v8;
	vm2 =	vmor vm2, vm0  }
0x4b8: {  	v8 =	vld [tilespmem:s20+$0xFFFFFFCF];
	(xrf0) =	vmax.scan.msk.u32 vm2, v1;
	vm2 =	vmor vm3, vm0;
	vm3 =	vne.s32 v3, v12  }
0x4b9: {  	v62 =	vld [tilespmem:s20+$0x10];
	(xrf0) =	vmax.scan.msk.u32 vm2, v1;
	vm2 =	vmor vm3, vm0;
	vm3 =	vne.s32 v4, v13  }
0x4ba: {  	v13 =	vld [tilespmem:s20+$0xFFFFFFE0];
	(xrf0) =	vmax.scan.msk.u32 vm2, v1;
	vm2 =	vmor vm3, vm0;
	vm3 =	vne.s32 v6, v14  }
0x4bb: {  	v12 =	vld [tilespmem:s20+$0xFFFFFFD0];
	(xrf0) =	vmax.scan.msk.u32 vm2, v1;
	vm2 =	vmor vm3, vm0;
	vm3 =	vne.s32 v5, v16  }
0x4bc: {  	v14 =	vld [tilespmem:s20+$0xFFFFFFF0];
	(xrf0) =	vmax.scan.msk.u32 vm2, v1;
	vm2 =	vmor vm3, vm0;
	vm3 =	vne.s32 v7, v17  }
0x4bd: {  	vm4 =	vne.s32 v10, v11;
	(xrf0) =	vmax.scan.msk.u32 vm2, v1;
	vm2 =	vmor vm3, vm0;
	vm3 =	vne.s32 v8, v9  }
0x4be: {  	v18 =	vld [tilespmem:s20+$0x20];
	vm4 =	vmor vm4, vm1;
	v9, _, _ =	vpop (xrf0);
	(xrf0) =	vmax.scan.msk.u32 vm2, v1;
	vm2 =	vmor vm3, vm0  }
0x4bf: {  	v19 =	vld [tilespmem:s20+$0x30];
	vm3 =	vne.s32 v15, v13;
	v11, _, _ =	vpop (xrf0);
	(xrf0) =	vmax.scan.msk.u32 vm2, v1  }
0x4c0: {  	vm5 =	vne.s32 v4, v61;
	vm6 =	vne.s32 v6, v62;
	vm7 =	vmor vm3, vm1;
	v13, _, _ =	vpop (xrf0)  }
0x4c1: {  	vm2 =	vne.s32 v8, v12;
	vm3 =	vne.s32 v3, v14;
	v14 =	vsub.s32 v2, v9;
	v12, _, _ =	vpop (xrf0)  }
0x4c2: {  	v20 =	vsub.s32 v2, v11;
	vm8 =	vmor vm2, vm1;
	v11 =	vsub.s32 v2, v12;
	v12, _, _ =	vpop (xrf0)  }
0x4c3: {  	s17 =	simm.s32 $0x0;
	vm2 =	vmor vm3, vm1;
	vm3 =	vmor vm5, vm1;
	v9 =	vsub.s32 v2, v13;
	v13, _, _ =	vpop (xrf0)  }
0x4c4: {  	vm5 =	vne.s32 v5, v18;
	[tilespmem:v10+s17+$0x0] =	vst.idx.add.s32.msk vm4, v14;
	vm4 =	vmor vm6, vm1;
	vm6 =	vne.s32 v7, v19;
	v63, _, _ =	vpop (xrf0)  }
0x4c5: {  	vm5 =	vmor vm5, vm1;
	v12 =	vsub.s32 v2, v12;
	v13 =	vsub.s32 v2, v13;
	v10, _, _ =	vpop (xrf0)  }
0x4c6: {  	s18 =	simm.s32 $0x0;
	s19 =	simm.s32 $0x0;
	s20 =	simm.s32 $0x1A0C1;
	vm6 =	vmor vm6, vm1;
	v14 =	vsub.s32 v2, v63;
	[tilespmem:v15+s17+$0x0] =	vst.idx.add.s32.msk vm7, v20;
	v10 =	vsub.s32 v2, v10  }
.LBB2_55:
0x4c7: {  	v15 =	vld [tilespmem:s20+$0x3F];
	v16 =	vmovc v11;
	v17 =	vmovc v12;
	v18 =	vmov v13;
	v19 =	vmov v14;
	vm7 =	vmmov vm8  }
0x4c8: {  	s18 =	sadd.s32 $0x8, s18;
	v11 =	vld [tilespmem:s20+$0x3E]  }
0x4c9: {  	p0 =	slt.u32 s18, $0x1E8;
	v12 =	vld [tilespmem:s20+$0xFFFFFFCE]  }
0x4ca: {  	v20 =	vld [tilespmem:s20+$0xFFFFFFDF]  }
0x4cb: {  	v13 =	vld [tilespmem:s20+$0x40]  }
0x4cc: {  	v14 =	vld [tilespmem:s20+$0xFFFFFFDE]  }
0x4cd: {  	v21 =	vld [tilespmem:s20+$0xFFFFFFEF];
	vm8 =	vne.s32 v15, v11  }
0x4ce: {  	v11 =	vld [tilespmem:s20+$0xFFFFFFEE];
	vm8 =	vmor vm8, vm0  }
0x4cf: {  	v22 =	vld [tilespmem:s20+$0xFFFFFFFF];
	(xrf0) =	vmax.scan.msk.u32 vm8, v1  }
0x4d0: {  	v23 =	vld [tilespmem:s20+$0xFFFFFFFE];
	vm8 =	vne.s32 v15, v13  }
0x4d1: {  	vm9 =	vne.s32 v20, v14;
	v24 =	vld [tilespmem:s20+$0xF];
	vm8 =	vmor vm8, vm1  }
0x4d2: {  	vm9 =	vmor vm9, vm0;
	v13 =	vld [tilespmem:s20+$0xE]  }
0x4d3: {  	vm10 =	vne.s32 v21, v11;
	v25 =	vld [tilespmem:s20+$0x1F];
	(xrf0) =	vmax.scan.msk.u32 vm9, v1  }
0x4d4: {  	vm9 =	vmor vm10, vm0;
	v11 =	vld [tilespmem:s20+$0x1E]  }
0x4d5: {  	vm10 =	vne.s32 v22, v23;
	v23 =	vld [tilespmem:s20+$0x2F];
	(xrf0) =	vmax.scan.msk.u32 vm9, v1;
	v14, _, _ =	vpop (xrf0)  }
0x4d6: {  	vm9 =	vmor vm10, vm0;
	v26 =	vld [tilespmem:s20+$0x2E];
	v14 =	vsub.s32 v2, v14  }
0x4d7: {  	vm10 =	vne.s32 v24, v13;
	[tilespmem:v15+s17+$0x0] =	vst.idx.add.s32.msk vm8, v14;
	(xrf0) =	vmax.scan.msk.u32 vm9, v1  }
0x4d8: {  	v15 =	vld [tilespmem:s20+$0xFFFFFFCF];
	vm8 =	vmor vm10, vm0  }
0x4d9: {  	v13 =	vld [tilespmem:s20+$0xFFFFFFD0];
	vm9 =	vne.s32 v25, v11;
	v11, _, _ =	vpop (xrf0);
	(xrf0) =	vmax.scan.msk.u32 vm8, v1  }
0x4da: {  	v14 =	vld [tilespmem:s20+$0xFFFFFFE0];
	v27 =	vsub.s32 v2, v11;
	vm8 =	vmor vm9, vm0  }
0x4db: {  	v28 =	vld [tilespmem:s20+$0xFFFFFFF0];
	vm9 =	vne.s32 v23, v26;
	v11, _, _ =	vpop (xrf0);
	(xrf0) =	vmax.scan.msk.u32 vm8, v1  }
0x4dc: {  	v26 =	vsub.s32 v2, v11;
	v29 =	vld [tilespmem:s20+$0x0];
	vm8 =	vmor vm9, vm0  }
0x4dd: {  	vm9 =	vne.s32 v15, v12;
	v30 =	vld [tilespmem:s20+$0x10];
	v11, _, _ =	vpop (xrf0);
	(xrf0) =	vmax.scan.msk.u32 vm8, v1  }
0x4de: {  	vm9 =	vmor vm9, vm0;
	vm8 =	vne.s32 v15, v13;
	v11 =	vsub.s32 v2, v11;
	v31 =	vld [tilespmem:s20+$0x20]  }
0x4df: {  	vm8 =	vmor vm8, vm1;
	vm10 =	vne.s32 v20, v14;
	v14 =	vld [tilespmem:s20+$0x30];
	(xrf0) =	vmax.scan.msk.u32 vm9, v1;
	v12, _, _ =	vpop (xrf0)  }
0x4e0: {  	vm9 =	vmor vm10, vm1;
	vm10 =	vne.s32 v21, v28;
	v12 =	vsub.s32 v2, v12;
	[tilespmem:v8+s19+$0x0] =	vst.idx.add.s32.msk vm7, v10  }
0x4e1: {  	vm7 =	vne.s32 v22, v29;
	v8, _, _ =	vpop (xrf0);
	[tilespmem:v3+s19+$0x0] =	vst.idx.add.s32.msk vm2, v9;
	vm2 =	vmor vm10, vm1;
	v3 =	vmov v21  }
.Ltmp30:
0x4e2: {  	vm10 =	vne.s32 v24, v30;
	v13 =	vsub.s32 v2, v8;
	[tilespmem:v4+s19+$0x0] =	vst.idx.add.s32.msk vm3, v16;
	vm3 =	vmor vm7, vm1;
	(pc) =	sbr.rel @p0 .LBB2_55-.Ltmp30, $4  }
0x4e3: {  	v4 =	vmov v22;
	vm7 =	vne.s32 v25, v31;
	v8, _, _ =	vpop (xrf0);
	[tilespmem:v6+s19+$0x0] =	vst.idx.add.s32.msk vm4, v17;
	vm4 =	vmor vm10, vm1  }
0x4e4: {  	vm10 =	vne.s32 v23, v14;
	v14 =	vsub.s32 v2, v8;
	[tilespmem:v5+s19+$0x0] =	vst.idx.add.s32.msk vm5, v18;
	vm5 =	vmor vm7, vm1  }
0x4e5: {  	v6 =	vmov v24;
	v5 =	vmov v25;
	v8, _, _ =	vpop (xrf0);
	[tilespmem:v7+s19+$0x0] =	vst.idx.add.s32.msk vm6, v19;
	vm6 =	vmor vm10, vm1;
	s19 =	smov.u32 s17  }
0x4e6: {  	s20 =	sadd.s32 $0x80, s20;
	v9 =	vmovc v26;
	v7 =	vmov v23;
	v10 =	vsub.s32 v2, v8;
	[tilespmem:v20+s19+$0x0] =	vst.idx.add.s32.msk vm9, v27;
	v8 =	vmov v15  }
0x4e7: {  	_ =	sdelay $0x4  }
0x4e8: {  	[tilespmem:v8+s19+$0x0] =	vst.idx.add.s32.msk vm8, v10  }
0x4e9: {  	[tilespmem:v3+s19+$0x0] =	vst.idx.add.s32.msk vm2, v9  }
0x4ea: {  	[tilespmem:v4+s19+$0x0] =	vst.idx.add.s32.msk vm3, v11  }
0x4eb: {  	[tilespmem:v6+s19+$0x0] =	vst.idx.add.s32.msk vm4, v12  }
0x4ec: {  	[tilespmem:v5+s19+$0x0] =	vst.idx.add.s32.msk vm5, v13  }
0x4ed: {  	vm7 =	vmmov vm8;
	[tilespmem:v7+s19+$0x0] =	vst.idx.add.s32.msk vm6, v14  }
.LBB2_57:
0x4ee: {  	s18 =	sshra.s32 s17, $0x2  }
0x4ef: {  	v3 =	vld [tilespmem:s18+$0x1BF10]  }
0x4f0: {  	v4 =	vld [tilespmem:s18+$0x1BF0F];
	_ =	sdelay $0x2  }
0x4f1: {  	v5 =	vld [tilespmem:s18+$0x1BF11];
	_ =	sdelay $0x1  }
0x4f2: {  	vm2 =	vne.s32 v3, v4  }
0x4f3: {  	vm2 =	vmor vm2, vm0  }
0x4f4: {  	(xrf0) =	vmax.scan.msk.u32 vm2, v1  }
0x4f5: {  	vm2 =	vne.s32 v3, v5  }
0x4f6: {  	vm2 =	vmor vm2, vm1  }
0x4f7: {  	p0 =	sne.s32 s17, $0xC0  }
.Ltmp31:
0x4f8: {  	_ = 	snop;
	(pc) =	sbr.rel @p0 .LBB2_57-.Ltmp31, $4  }
0x4f9: {  	_ = 	snop  }
0x4fa: {  	v63, _, _ =	vpop (xrf0)  }
0x4fb: {  	v4 =	vsub.s32 v2, v63  }
0x4fc: {  	s17 =	sadd.s32 $0x40, s17;
	[tilespmem:v3+s3+$0x0] =	vst.idx.add.s32.msk vm2, v4  }
0x4fd: {  	s17 =	rddreg [dreg:$0x12]  }
0x4fe: {  	[tilespmem:s5], [sflag:$0x1] =	stream.linear.gather [hbm4b:s17+s3], $0x1F40, $0x38;
	[tilespmem:$0x1F920] =	vst v63  }
0x4ff: {  	_ =	swait.ge [sflag:s10], $0x1F40  }
0x500: {  	[sflag:s10] =	ssyncset.done $0x0  }
0x501: {  	s20 =	simm.s32 $0x1BFA1;
	[sflag:s10] =	ssyncadd.s32 $0xFFFFE0C0  }
0x502: {  	v10 =	vld [tilespmem:s20+$0x3F]  }
0x503: {  	v7 =	vld [tilespmem:s20+$0x3E]  }
0x504: {  	v9 =	vld [tilespmem:s20+$0xFFFFFFCE]  }
0x505: {  	v15 =	vld [tilespmem:s20+$0xFFFFFFDF]  }
0x506: {  	v11 =	vld [tilespmem:s20+$0x40]  }
0x507: {  	v8 =	vld [tilespmem:s20+$0xFFFFFFDE]  }
0x508: {  	v3 =	vld [tilespmem:s20+$0xFFFFFFEF]  }
0x509: {  	v12 =	vld [tilespmem:s20+$0xFFFFFFEE]  }
0x50a: {  	v4 =	vld [tilespmem:s20+$0xFFFFFFFF]  }
0x50b: {  	v13 =	vld [tilespmem:s20+$0xFFFFFFFE]  }
0x50c: {  	v6 =	vld [tilespmem:s20+$0xF]  }
0x50d: {  	v14 =	vld [tilespmem:s20+$0xE]  }
0x50e: {  	v5 =	vld [tilespmem:s20+$0x1F]  }
0x50f: {  	v16 =	vld [tilespmem:s20+$0x1E]  }
0x510: {  	v17 =	vld [tilespmem:s20+$0x2E]  }
0x511: {  	v61 =	vld [tilespmem:s20+$0x0];
	vm2 =	vne.s32 v10, v7  }
0x512: {  	v7 =	vld [tilespmem:s20+$0x2F];
	vm3 =	vne.s32 v15, v8;
	vm2 =	vmor vm2, vm0  }
0x513: {  	v8 =	vld [tilespmem:s20+$0xFFFFFFCF];
	(xrf0) =	vmax.scan.msk.u32 vm2, v1;
	vm2 =	vmor vm3, vm0;
	vm3 =	vne.s32 v3, v12  }
0x514: {  	v62 =	vld [tilespmem:s20+$0x10];
	(xrf0) =	vmax.scan.msk.u32 vm2, v1;
	vm2 =	vmor vm3, vm0;
	vm3 =	vne.s32 v4, v13  }
0x515: {  	v13 =	vld [tilespmem:s20+$0xFFFFFFE0];
	(xrf0) =	vmax.scan.msk.u32 vm2, v1;
	vm2 =	vmor vm3, vm0;
	vm3 =	vne.s32 v6, v14  }
0x516: {  	v12 =	vld [tilespmem:s20+$0xFFFFFFD0];
	(xrf0) =	vmax.scan.msk.u32 vm2, v1;
	vm2 =	vmor vm3, vm0;
	vm3 =	vne.s32 v5, v16  }
0x517: {  	v14 =	vld [tilespmem:s20+$0xFFFFFFF0];
	(xrf0) =	vmax.scan.msk.u32 vm2, v1;
	vm2 =	vmor vm3, vm0;
	vm3 =	vne.s32 v7, v17  }
0x518: {  	vm4 =	vne.s32 v10, v11;
	(xrf0) =	vmax.scan.msk.u32 vm2, v1;
	vm2 =	vmor vm3, vm0;
	vm3 =	vne.s32 v8, v9  }
0x519: {  	v18 =	vld [tilespmem:s20+$0x20];
	vm4 =	vmor vm4, vm1;
	v9, _, _ =	vpop (xrf0);
	(xrf0) =	vmax.scan.msk.u32 vm2, v1;
	vm2 =	vmor vm3, vm0  }
0x51a: {  	v19 =	vld [tilespmem:s20+$0x30];
	vm3 =	vne.s32 v15, v13;
	v11, _, _ =	vpop (xrf0);
	(xrf0) =	vmax.scan.msk.u32 vm2, v1  }
0x51b: {  	vm5 =	vne.s32 v4, v61;
	vm6 =	vne.s32 v6, v62;
	vm7 =	vmor vm3, vm1;
	v13, _, _ =	vpop (xrf0)  }
0x51c: {  	vm2 =	vne.s32 v8, v12;
	vm3 =	vne.s32 v3, v14;
	v14 =	vsub.s32 v2, v9;
	v12, _, _ =	vpop (xrf0)  }
0x51d: {  	v20 =	vsub.s32 v2, v11;
	vm8 =	vmor vm2, vm1;
	v11 =	vsub.s32 v2, v12;
	v12, _, _ =	vpop (xrf0)  }
0x51e: {  	s17 =	simm.s32 $0x0;
	vm2 =	vmor vm3, vm1;
	vm3 =	vmor vm5, vm1;
	v9 =	vsub.s32 v2, v13;
	v13, _, _ =	vpop (xrf0)  }
0x51f: {  	vm5 =	vne.s32 v5, v18;
	[tilespmem:v10+s17+$0x0] =	vst.idx.add.s32.msk vm4, v14;
	vm4 =	vmor vm6, vm1;
	vm6 =	vne.s32 v7, v19;
	v63, _, _ =	vpop (xrf0)  }
0x520: {  	vm5 =	vmor vm5, vm1;
	v12 =	vsub.s32 v2, v12;
	v13 =	vsub.s32 v2, v13;
	v10, _, _ =	vpop (xrf0)  }
0x521: {  	s18 =	simm.s32 $0x0;
	s19 =	simm.s32 $0x0;
	s20 =	simm.s32 $0x1C021;
	vm6 =	vmor vm6, vm1;
	v14 =	vsub.s32 v2, v63;
	[tilespmem:v15+s17+$0x0] =	vst.idx.add.s32.msk vm7, v20;
	v10 =	vsub.s32 v2, v10  }
.LBB2_59:
0x522: {  	v15 =	vld [tilespmem:s20+$0x3F];
	v16 =	vmovc v11;
	v17 =	vmovc v12;
	v18 =	vmov v13;
	v19 =	vmov v14;
	vm7 =	vmmov vm8  }
0x523: {  	s18 =	sadd.s32 $0x8, s18;
	v11 =	vld [tilespmem:s20+$0x3E]  }
0x524: {  	p0 =	slt.u32 s18, $0x1E8;
	v12 =	vld [tilespmem:s20+$0xFFFFFFCE]  }
0x525: {  	v20 =	vld [tilespmem:s20+$0xFFFFFFDF]  }
0x526: {  	v13 =	vld [tilespmem:s20+$0x40]  }
0x527: {  	v14 =	vld [tilespmem:s20+$0xFFFFFFDE]  }
0x528: {  	v21 =	vld [tilespmem:s20+$0xFFFFFFEF];
	vm8 =	vne.s32 v15, v11  }
0x529: {  	v11 =	vld [tilespmem:s20+$0xFFFFFFEE];
	vm8 =	vmor vm8, vm0  }
0x52a: {  	v22 =	vld [tilespmem:s20+$0xFFFFFFFF];
	(xrf0) =	vmax.scan.msk.u32 vm8, v1  }
0x52b: {  	v23 =	vld [tilespmem:s20+$0xFFFFFFFE];
	vm8 =	vne.s32 v15, v13  }
0x52c: {  	vm9 =	vne.s32 v20, v14;
	v24 =	vld [tilespmem:s20+$0xF];
	vm8 =	vmor vm8, vm1  }
0x52d: {  	vm9 =	vmor vm9, vm0;
	v13 =	vld [tilespmem:s20+$0xE]  }
0x52e: {  	vm10 =	vne.s32 v21, v11;
	v25 =	vld [tilespmem:s20+$0x1F];
	(xrf0) =	vmax.scan.msk.u32 vm9, v1  }
0x52f: {  	vm9 =	vmor vm10, vm0;
	v11 =	vld [tilespmem:s20+$0x1E]  }
0x530: {  	vm10 =	vne.s32 v22, v23;
	v23 =	vld [tilespmem:s20+$0x2F];
	(xrf0) =	vmax.scan.msk.u32 vm9, v1;
	v14, _, _ =	vpop (xrf0)  }
0x531: {  	vm9 =	vmor vm10, vm0;
	v26 =	vld [tilespmem:s20+$0x2E];
	v14 =	vsub.s32 v2, v14  }
0x532: {  	vm10 =	vne.s32 v24, v13;
	[tilespmem:v15+s17+$0x0] =	vst.idx.add.s32.msk vm8, v14;
	(xrf0) =	vmax.scan.msk.u32 vm9, v1  }
0x533: {  	v15 =	vld [tilespmem:s20+$0xFFFFFFCF];
	vm8 =	vmor vm10, vm0  }
0x534: {  	v13 =	vld [tilespmem:s20+$0xFFFFFFD0];
	vm9 =	vne.s32 v25, v11;
	v11, _, _ =	vpop (xrf0);
	(xrf0) =	vmax.scan.msk.u32 vm8, v1  }
0x535: {  	v14 =	vld [tilespmem:s20+$0xFFFFFFE0];
	v27 =	vsub.s32 v2, v11;
	vm8 =	vmor vm9, vm0  }
0x536: {  	v28 =	vld [tilespmem:s20+$0xFFFFFFF0];
	vm9 =	vne.s32 v23, v26;
	v11, _, _ =	vpop (xrf0);
	(xrf0) =	vmax.scan.msk.u32 vm8, v1  }
0x537: {  	v26 =	vsub.s32 v2, v11;
	v29 =	vld [tilespmem:s20+$0x0];
	vm8 =	vmor vm9, vm0  }
0x538: {  	vm9 =	vne.s32 v15, v12;
	v30 =	vld [tilespmem:s20+$0x10];
	v11, _, _ =	vpop (xrf0);
	(xrf0) =	vmax.scan.msk.u32 vm8, v1  }
0x539: {  	vm9 =	vmor vm9, vm0;
	vm8 =	vne.s32 v15, v13;
	v11 =	vsub.s32 v2, v11;
	v31 =	vld [tilespmem:s20+$0x20]  }
0x53a: {  	vm8 =	vmor vm8, vm1;
	vm10 =	vne.s32 v20, v14;
	v14 =	vld [tilespmem:s20+$0x30];
	(xrf0) =	vmax.scan.msk.u32 vm9, v1;
	v12, _, _ =	vpop (xrf0)  }
0x53b: {  	vm9 =	vmor vm10, vm1;
	vm10 =	vne.s32 v21, v28;
	v12 =	vsub.s32 v2, v12;
	[tilespmem:v8+s19+$0x0] =	vst.idx.add.s32.msk vm7, v10  }
0x53c: {  	vm7 =	vne.s32 v22, v29;
	v8, _, _ =	vpop (xrf0);
	[tilespmem:v3+s19+$0x0] =	vst.idx.add.s32.msk vm2, v9;
	vm2 =	vmor vm10, vm1;
	v3 =	vmov v21  }
.Ltmp32:
0x53d: {  	vm10 =	vne.s32 v24, v30;
	v13 =	vsub.s32 v2, v8;
	[tilespmem:v4+s19+$0x0] =	vst.idx.add.s32.msk vm3, v16;
	vm3 =	vmor vm7, vm1;
	(pc) =	sbr.rel @p0 .LBB2_59-.Ltmp32, $4  }
0x53e: {  	v4 =	vmov v22;
	vm7 =	vne.s32 v25, v31;
	v8, _, _ =	vpop (xrf0);
	[tilespmem:v6+s19+$0x0] =	vst.idx.add.s32.msk vm4, v17;
	vm4 =	vmor vm10, vm1  }
0x53f: {  	vm10 =	vne.s32 v23, v14;
	v14 =	vsub.s32 v2, v8;
	[tilespmem:v5+s19+$0x0] =	vst.idx.add.s32.msk vm5, v18;
	vm5 =	vmor vm7, vm1  }
0x540: {  	v6 =	vmov v24;
	v5 =	vmov v25;
	v8, _, _ =	vpop (xrf0);
	[tilespmem:v7+s19+$0x0] =	vst.idx.add.s32.msk vm6, v19;
	vm6 =	vmor vm10, vm1;
	s19 =	smov.u32 s17  }
0x541: {  	s20 =	sadd.s32 $0x80, s20;
	v9 =	vmovc v26;
	v7 =	vmov v23;
	v10 =	vsub.s32 v2, v8;
	[tilespmem:v20+s19+$0x0] =	vst.idx.add.s32.msk vm9, v27;
	v8 =	vmov v15  }
0x542: {  	_ =	sdelay $0x4  }
0x543: {  	[tilespmem:v8+s19+$0x0] =	vst.idx.add.s32.msk vm8, v10  }
0x544: {  	[tilespmem:v3+s19+$0x0] =	vst.idx.add.s32.msk vm2, v9  }
0x545: {  	[tilespmem:v4+s19+$0x0] =	vst.idx.add.s32.msk vm3, v11  }
0x546: {  	[tilespmem:v6+s19+$0x0] =	vst.idx.add.s32.msk vm4, v12  }
0x547: {  	[tilespmem:v5+s19+$0x0] =	vst.idx.add.s32.msk vm5, v13  }
0x548: {  	vm7 =	vmmov vm8;
	[tilespmem:v7+s19+$0x0] =	vst.idx.add.s32.msk vm6, v14  }
.LBB2_61:
0x549: {  	s18 =	sshra.s32 s17, $0x2  }
0x54a: {  	v3 =	vld [tilespmem:s18+$0x1DE70]  }
0x54b: {  	v4 =	vld [tilespmem:s18+$0x1DE6F];
	_ =	sdelay $0x2  }
0x54c: {  	v5 =	vld [tilespmem:s18+$0x1DE71];
	_ =	sdelay $0x1  }
0x54d: {  	vm2 =	vne.s32 v3, v4  }
0x54e: {  	vm2 =	vmor vm2, vm0  }
0x54f: {  	(xrf0) =	vmax.scan.msk.u32 vm2, v1  }
0x550: {  	vm2 =	vne.s32 v3, v5  }
0x551: {  	vm2 =	vmor vm2, vm1  }
0x552: {  	p0 =	sne.s32 s17, $0xC0  }
.Ltmp33:
0x553: {  	_ = 	snop;
	(pc) =	sbr.rel @p0 .LBB2_61-.Ltmp33, $4  }
0x554: {  	_ = 	snop  }
0x555: {  	v63, _, _ =	vpop (xrf0)  }
0x556: {  	v4 =	vsub.s32 v2, v63  }
0x557: {  	s17 =	sadd.s32 $0x40, s17;
	[tilespmem:v3+s3+$0x0] =	vst.idx.add.s32.msk vm2, v4  }
0x558: {  	[tilespmem:s8], [sflag:$0x2] =	stream.linear.gather [hbm4b:s21+s3], $0x1F40, $0x38;
	[tilespmem:$0x1F920] =	vst v63  }
0x559: {  	_ =	swait.ge [sflag:s9], $0x1F40  }
0x55a: {  	[sflag:s9] =	ssyncset.done $0x0  }
0x55b: {  	s17 =	simm.s32 $0x1A041;
	[sflag:s9] =	ssyncadd.s32 $0xFFFFE0C0  }
0x55c: {  	v10 =	vld [tilespmem:s17+$0x3F]  }
0x55d: {  	v7 =	vld [tilespmem:s17+$0x3E]  }
0x55e: {  	v9 =	vld [tilespmem:s17+$0xFFFFFFCE]  }
0x55f: {  	v15 =	vld [tilespmem:s17+$0xFFFFFFDF]  }
0x560: {  	v11 =	vld [tilespmem:s17+$0x40]  }
0x561: {  	v8 =	vld [tilespmem:s17+$0xFFFFFFDE]  }
0x562: {  	v3 =	vld [tilespmem:s17+$0xFFFFFFEF]  }
0x563: {  	v12 =	vld [tilespmem:s17+$0xFFFFFFEE]  }
0x564: {  	v4 =	vld [tilespmem:s17+$0xFFFFFFFF]  }
0x565: {  	v13 =	vld [tilespmem:s17+$0xFFFFFFFE]  }
0x566: {  	v6 =	vld [tilespmem:s17+$0xF]  }
0x567: {  	v14 =	vld [tilespmem:s17+$0xE]  }
0x568: {  	v5 =	vld [tilespmem:s17+$0x1F]  }
0x569: {  	v16 =	vld [tilespmem:s17+$0x1E]  }
0x56a: {  	v17 =	vld [tilespmem:s17+$0x2E]  }
0x56b: {  	v61 =	vld [tilespmem:s17+$0x0];
	vm2 =	vne.s32 v10, v7  }
0x56c: {  	v7 =	vld [tilespmem:s17+$0x2F];
	vm3 =	vne.s32 v15, v8;
	vm2 =	vmor vm2, vm0  }
0x56d: {  	v8 =	vld [tilespmem:s17+$0xFFFFFFCF];
	(xrf0) =	vmax.scan.msk.u32 vm2, v1;
	vm2 =	vmor vm3, vm0;
	vm3 =	vne.s32 v3, v12  }
0x56e: {  	v62 =	vld [tilespmem:s17+$0x10];
	(xrf0) =	vmax.scan.msk.u32 vm2, v1;
	vm2 =	vmor vm3, vm0;
	vm3 =	vne.s32 v4, v13  }
0x56f: {  	v13 =	vld [tilespmem:s17+$0xFFFFFFE0];
	(xrf0) =	vmax.scan.msk.u32 vm2, v1;
	vm2 =	vmor vm3, vm0;
	vm3 =	vne.s32 v6, v14  }
0x570: {  	v12 =	vld [tilespmem:s17+$0xFFFFFFD0];
	(xrf0) =	vmax.scan.msk.u32 vm2, v1;
	vm2 =	vmor vm3, vm0;
	vm3 =	vne.s32 v5, v16  }
0x571: {  	v14 =	vld [tilespmem:s17+$0xFFFFFFF0];
	(xrf0) =	vmax.scan.msk.u32 vm2, v1;
	vm2 =	vmor vm3, vm0;
	vm3 =	vne.s32 v7, v17  }
0x572: {  	vm4 =	vne.s32 v10, v11;
	(xrf0) =	vmax.scan.msk.u32 vm2, v1;
	vm2 =	vmor vm3, vm0;
	vm3 =	vne.s32 v8, v9  }
0x573: {  	v18 =	vld [tilespmem:s17+$0x20];
	vm4 =	vmor vm4, vm1;
	v9, _, _ =	vpop (xrf0);
	(xrf0) =	vmax.scan.msk.u32 vm2, v1;
	vm2 =	vmor vm3, vm0  }
0x574: {  	v19 =	vld [tilespmem:s17+$0x30];
	vm3 =	vne.s32 v15, v13;
	v11, _, _ =	vpop (xrf0);
	(xrf0) =	vmax.scan.msk.u32 vm2, v1  }
0x575: {  	vm5 =	vne.s32 v4, v61;
	vm6 =	vne.s32 v6, v62;
	vm7 =	vmor vm3, vm1;
	v13, _, _ =	vpop (xrf0)  }
0x576: {  	vm2 =	vne.s32 v8, v12;
	vm3 =	vne.s32 v3, v14;
	v14 =	vsub.s32 v2, v9;
	v12, _, _ =	vpop (xrf0)  }
0x577: {  	v20 =	vsub.s32 v2, v11;
	vm8 =	vmor vm2, vm1;
	v11 =	vsub.s32 v2, v12;
	v12, _, _ =	vpop (xrf0)  }
0x578: {  	s17 =	simm.s32 $0x0;
	vm2 =	vmor vm3, vm1;
	vm3 =	vmor vm5, vm1;
	v9 =	vsub.s32 v2, v13;
	v13, _, _ =	vpop (xrf0)  }
0x579: {  	vm5 =	vne.s32 v5, v18;
	[tilespmem:v10+s17+$0x0] =	vst.idx.add.s32.msk vm4, v14;
	vm4 =	vmor vm6, vm1;
	vm6 =	vne.s32 v7, v19;
	v63, _, _ =	vpop (xrf0)  }
0x57a: {  	vm5 =	vmor vm5, vm1;
	v12 =	vsub.s32 v2, v12;
	v13 =	vsub.s32 v2, v13;
	v10, _, _ =	vpop (xrf0)  }
0x57b: {  	s18 =	simm.s32 $0x0;
	s20 =	simm.s32 $0x1A0C1;
	s19 =	simm.s32 $0x0;
	vm6 =	vmor vm6, vm1;
	v14 =	vsub.s32 v2, v63;
	[tilespmem:v15+s17+$0x0] =	vst.idx.add.s32.msk vm7, v20;
	v10 =	vsub.s32 v2, v10  }
.LBB2_63:
0x57c: {  	v15 =	vld [tilespmem:s20+$0x3F];
	v16 =	vmovc v11;
	v17 =	vmovc v12;
	v18 =	vmov v13;
	v19 =	vmov v14;
	vm7 =	vmmov vm8  }
0x57d: {  	s18 =	sadd.s32 $0x8, s18;
	v11 =	vld [tilespmem:s20+$0x3E]  }
0x57e: {  	p0 =	slt.u32 s18, $0x1E8;
	v12 =	vld [tilespmem:s20+$0xFFFFFFCE]  }
0x57f: {  	v20 =	vld [tilespmem:s20+$0xFFFFFFDF]  }
0x580: {  	v13 =	vld [tilespmem:s20+$0x40]  }
0x581: {  	v14 =	vld [tilespmem:s20+$0xFFFFFFDE]  }
0x582: {  	v21 =	vld [tilespmem:s20+$0xFFFFFFEF];
	vm8 =	vne.s32 v15, v11  }
0x583: {  	v11 =	vld [tilespmem:s20+$0xFFFFFFEE];
	vm8 =	vmor vm8, vm0  }
0x584: {  	v22 =	vld [tilespmem:s20+$0xFFFFFFFF];
	(xrf0) =	vmax.scan.msk.u32 vm8, v1  }
0x585: {  	v23 =	vld [tilespmem:s20+$0xFFFFFFFE];
	vm8 =	vne.s32 v15, v13  }
0x586: {  	vm9 =	vne.s32 v20, v14;
	v24 =	vld [tilespmem:s20+$0xF];
	vm8 =	vmor vm8, vm1  }
0x587: {  	vm9 =	vmor vm9, vm0;
	v13 =	vld [tilespmem:s20+$0xE]  }
0x588: {  	vm10 =	vne.s32 v21, v11;
	v25 =	vld [tilespmem:s20+$0x1F];
	(xrf0) =	vmax.scan.msk.u32 vm9, v1  }
0x589: {  	vm9 =	vmor vm10, vm0;
	v11 =	vld [tilespmem:s20+$0x1E]  }
0x58a: {  	vm10 =	vne.s32 v22, v23;
	v23 =	vld [tilespmem:s20+$0x2F];
	(xrf0) =	vmax.scan.msk.u32 vm9, v1;
	v14, _, _ =	vpop (xrf0)  }
0x58b: {  	vm9 =	vmor vm10, vm0;
	v26 =	vld [tilespmem:s20+$0x2E];
	v14 =	vsub.s32 v2, v14  }
0x58c: {  	vm10 =	vne.s32 v24, v13;
	[tilespmem:v15+s17+$0x0] =	vst.idx.add.s32.msk vm8, v14;
	(xrf0) =	vmax.scan.msk.u32 vm9, v1  }
0x58d: {  	v15 =	vld [tilespmem:s20+$0xFFFFFFCF];
	vm8 =	vmor vm10, vm0  }
0x58e: {  	v13 =	vld [tilespmem:s20+$0xFFFFFFD0];
	vm9 =	vne.s32 v25, v11;
	v11, _, _ =	vpop (xrf0);
	(xrf0) =	vmax.scan.msk.u32 vm8, v1  }
0x58f: {  	v14 =	vld [tilespmem:s20+$0xFFFFFFE0];
	v27 =	vsub.s32 v2, v11;
	vm8 =	vmor vm9, vm0  }
0x590: {  	v28 =	vld [tilespmem:s20+$0xFFFFFFF0];
	vm9 =	vne.s32 v23, v26;
	v11, _, _ =	vpop (xrf0);
	(xrf0) =	vmax.scan.msk.u32 vm8, v1  }
0x591: {  	v26 =	vsub.s32 v2, v11;
	v29 =	vld [tilespmem:s20+$0x0];
	vm8 =	vmor vm9, vm0  }
0x592: {  	vm9 =	vne.s32 v15, v12;
	v30 =	vld [tilespmem:s20+$0x10];
	v11, _, _ =	vpop (xrf0);
	(xrf0) =	vmax.scan.msk.u32 vm8, v1  }
0x593: {  	vm9 =	vmor vm9, vm0;
	vm8 =	vne.s32 v15, v13;
	v11 =	vsub.s32 v2, v11;
	v31 =	vld [tilespmem:s20+$0x20]  }
0x594: {  	vm8 =	vmor vm8, vm1;
	vm10 =	vne.s32 v20, v14;
	v14 =	vld [tilespmem:s20+$0x30];
	(xrf0) =	vmax.scan.msk.u32 vm9, v1;
	v12, _, _ =	vpop (xrf0)  }
0x595: {  	vm9 =	vmor vm10, vm1;
	vm10 =	vne.s32 v21, v28;
	v12 =	vsub.s32 v2, v12;
	[tilespmem:v8+s19+$0x0] =	vst.idx.add.s32.msk vm7, v10  }
0x596: {  	vm7 =	vne.s32 v22, v29;
	v8, _, _ =	vpop (xrf0);
	[tilespmem:v3+s19+$0x0] =	vst.idx.add.s32.msk vm2, v9;
	vm2 =	vmor vm10, vm1;
	v3 =	vmov v21  }
.Ltmp34:
0x597: {  	vm10 =	vne.s32 v24, v30;
	v13 =	vsub.s32 v2, v8;
	[tilespmem:v4+s19+$0x0] =	vst.idx.add.s32.msk vm3, v16;
	vm3 =	vmor vm7, vm1;
	(pc) =	sbr.rel @p0 .LBB2_63-.Ltmp34, $4  }
0x598: {  	v4 =	vmov v22;
	vm7 =	vne.s32 v25, v31;
	v8, _, _ =	vpop (xrf0);
	[tilespmem:v6+s19+$0x0] =	vst.idx.add.s32.msk vm4, v17;
	vm4 =	vmor vm10, vm1  }
0x599: {  	vm10 =	vne.s32 v23, v14;
	v14 =	vsub.s32 v2, v8;
	[tilespmem:v5+s19+$0x0] =	vst.idx.add.s32.msk vm5, v18;
	vm5 =	vmor vm7, vm1  }
0x59a: {  	v6 =	vmov v24;
	v5 =	vmov v25;
	v8, _, _ =	vpop (xrf0);
	[tilespmem:v7+s19+$0x0] =	vst.idx.add.s32.msk vm6, v19;
	vm6 =	vmor vm10, vm1;
	s19 =	smov.u32 s17  }
0x59b: {  	s20 =	sadd.s32 $0x80, s20;
	v9 =	vmovc v26;
	v7 =	vmov v23;
	v10 =	vsub.s32 v2, v8;
	[tilespmem:v20+s19+$0x0] =	vst.idx.add.s32.msk vm9, v27;
	v8 =	vmov v15  }
0x59c: {  	_ =	sdelay $0x4  }
0x59d: {  	[tilespmem:v8+s19+$0x0] =	vst.idx.add.s32.msk vm8, v10  }
0x59e: {  	[tilespmem:v3+s19+$0x0] =	vst.idx.add.s32.msk vm2, v9  }
0x59f: {  	[tilespmem:v4+s19+$0x0] =	vst.idx.add.s32.msk vm3, v11  }
0x5a0: {  	[tilespmem:v6+s19+$0x0] =	vst.idx.add.s32.msk vm4, v12  }
0x5a1: {  	[tilespmem:v5+s19+$0x0] =	vst.idx.add.s32.msk vm5, v13  }
0x5a2: {  	vm7 =	vmmov vm8;
	[tilespmem:v7+s19+$0x0] =	vst.idx.add.s32.msk vm6, v14  }
.LBB2_65:
0x5a3: {  	s18 =	sshra.s32 s17, $0x2  }
0x5a4: {  	v3 =	vld [tilespmem:s18+$0x1BF10]  }
0x5a5: {  	v4 =	vld [tilespmem:s18+$0x1BF0F];
	_ =	sdelay $0x2  }
0x5a6: {  	v5 =	vld [tilespmem:s18+$0x1BF11];
	_ =	sdelay $0x1  }
0x5a7: {  	vm2 =	vne.s32 v3, v4  }
0x5a8: {  	vm2 =	vmor vm2, vm0  }
0x5a9: {  	(xrf0) =	vmax.scan.msk.u32 vm2, v1  }
0x5aa: {  	vm2 =	vne.s32 v3, v5  }
0x5ab: {  	vm2 =	vmor vm2, vm1  }
0x5ac: {  	p0 =	sne.s32 s17, $0xC0  }
.Ltmp35:
0x5ad: {  	_ = 	snop;
	(pc) =	sbr.rel @p0 .LBB2_65-.Ltmp35, $4  }
0x5ae: {  	_ = 	snop  }
0x5af: {  	v63, _, _ =	vpop (xrf0)  }
0x5b0: {  	v4 =	vsub.s32 v2, v63  }
0x5b1: {  	s17 =	sadd.s32 $0x40, s17;
	[tilespmem:v3+s3+$0x0] =	vst.idx.add.s32.msk vm2, v4  }
0x5b2: {  	[tilespmem:s5], [sflag:$0x1] =	stream.linear.gather [hbm4b:s22+s3], $0x1F40, $0x38;
	[tilespmem:$0x1F920] =	vst v63  }
0x5b3: {  	_ =	swait.ge [sflag:s10], $0x1F40  }
0x5b4: {  	[sflag:s10] =	ssyncset.done $0x0  }
0x5b5: {  	s17 =	simm.s32 $0x1BFA1;
	[sflag:s10] =	ssyncadd.s32 $0xFFFFE0C0  }
0x5b6: {  	v10 =	vld [tilespmem:s17+$0x3F]  }
0x5b7: {  	v7 =	vld [tilespmem:s17+$0x3E]  }
0x5b8: {  	v9 =	vld [tilespmem:s17+$0xFFFFFFCE]  }
0x5b9: {  	v15 =	vld [tilespmem:s17+$0xFFFFFFDF]  }
0x5ba: {  	v11 =	vld [tilespmem:s17+$0x40]  }
0x5bb: {  	v8 =	vld [tilespmem:s17+$0xFFFFFFDE]  }
0x5bc: {  	v3 =	vld [tilespmem:s17+$0xFFFFFFEF]  }
0x5bd: {  	v12 =	vld [tilespmem:s17+$0xFFFFFFEE]  }
0x5be: {  	v4 =	vld [tilespmem:s17+$0xFFFFFFFF]  }
0x5bf: {  	v13 =	vld [tilespmem:s17+$0xFFFFFFFE]  }
0x5c0: {  	v6 =	vld [tilespmem:s17+$0xF]  }
0x5c1: {  	v14 =	vld [tilespmem:s17+$0xE]  }
0x5c2: {  	v5 =	vld [tilespmem:s17+$0x1F]  }
0x5c3: {  	v16 =	vld [tilespmem:s17+$0x1E]  }
0x5c4: {  	v17 =	vld [tilespmem:s17+$0x2E]  }
0x5c5: {  	v61 =	vld [tilespmem:s17+$0x0];
	vm2 =	vne.s32 v10, v7  }
0x5c6: {  	v7 =	vld [tilespmem:s17+$0x2F];
	vm3 =	vne.s32 v15, v8;
	vm2 =	vmor vm2, vm0  }
0x5c7: {  	v8 =	vld [tilespmem:s17+$0xFFFFFFCF];
	(xrf0) =	vmax.scan.msk.u32 vm2, v1;
	vm2 =	vmor vm3, vm0;
	vm3 =	vne.s32 v3, v12  }
0x5c8: {  	v62 =	vld [tilespmem:s17+$0x10];
	(xrf0) =	vmax.scan.msk.u32 vm2, v1;
	vm2 =	vmor vm3, vm0;
	vm3 =	vne.s32 v4, v13  }
0x5c9: {  	v13 =	vld [tilespmem:s17+$0xFFFFFFE0];
	(xrf0) =	vmax.scan.msk.u32 vm2, v1;
	vm2 =	vmor vm3, vm0;
	vm3 =	vne.s32 v6, v14  }
0x5ca: {  	v12 =	vld [tilespmem:s17+$0xFFFFFFD0];
	(xrf0) =	vmax.scan.msk.u32 vm2, v1;
	vm2 =	vmor vm3, vm0;
	vm3 =	vne.s32 v5, v16  }
0x5cb: {  	v14 =	vld [tilespmem:s17+$0xFFFFFFF0];
	(xrf0) =	vmax.scan.msk.u32 vm2, v1;
	vm2 =	vmor vm3, vm0;
	vm3 =	vne.s32 v7, v17  }
0x5cc: {  	vm4 =	vne.s32 v10, v11;
	(xrf0) =	vmax.scan.msk.u32 vm2, v1;
	vm2 =	vmor vm3, vm0;
	vm3 =	vne.s32 v8, v9  }
0x5cd: {  	v18 =	vld [tilespmem:s17+$0x20];
	vm4 =	vmor vm4, vm1;
	v9, _, _ =	vpop (xrf0);
	(xrf0) =	vmax.scan.msk.u32 vm2, v1;
	vm2 =	vmor vm3, vm0  }
0x5ce: {  	v19 =	vld [tilespmem:s17+$0x30];
	vm3 =	vne.s32 v15, v13;
	v11, _, _ =	vpop (xrf0);
	(xrf0) =	vmax.scan.msk.u32 vm2, v1  }
0x5cf: {  	vm5 =	vne.s32 v4, v61;
	vm6 =	vne.s32 v6, v62;
	vm7 =	vmor vm3, vm1;
	v13, _, _ =	vpop (xrf0)  }
0x5d0: {  	vm2 =	vne.s32 v8, v12;
	vm3 =	vne.s32 v3, v14;
	v14 =	vsub.s32 v2, v9;
	v12, _, _ =	vpop (xrf0)  }
0x5d1: {  	v20 =	vsub.s32 v2, v11;
	vm8 =	vmor vm2, vm1;
	v11 =	vsub.s32 v2, v12;
	v12, _, _ =	vpop (xrf0)  }
0x5d2: {  	s17 =	simm.s32 $0x0;
	vm2 =	vmor vm3, vm1;
	vm3 =	vmor vm5, vm1;
	v9 =	vsub.s32 v2, v13;
	v13, _, _ =	vpop (xrf0)  }
0x5d3: {  	vm5 =	vne.s32 v5, v18;
	[tilespmem:v10+s17+$0x0] =	vst.idx.add.s32.msk vm4, v14;
	vm4 =	vmor vm6, vm1;
	vm6 =	vne.s32 v7, v19;
	v63, _, _ =	vpop (xrf0)  }
0x5d4: {  	vm5 =	vmor vm5, vm1;
	v12 =	vsub.s32 v2, v12;
	v13 =	vsub.s32 v2, v13;
	v10, _, _ =	vpop (xrf0)  }
0x5d5: {  	s18 =	simm.s32 $0x0;
	s20 =	simm.s32 $0x1C021;
	s19 =	simm.s32 $0x0;
	vm6 =	vmor vm6, vm1;
	v14 =	vsub.s32 v2, v63;
	[tilespmem:v15+s17+$0x0] =	vst.idx.add.s32.msk vm7, v20;
	v10 =	vsub.s32 v2, v10  }
.LBB2_67:
0x5d6: {  	v15 =	vld [tilespmem:s20+$0x3F];
	v16 =	vmovc v11;
	v17 =	vmovc v12;
	v18 =	vmov v13;
	v19 =	vmov v14;
	vm7 =	vmmov vm8  }
0x5d7: {  	s18 =	sadd.s32 $0x8, s18;
	v11 =	vld [tilespmem:s20+$0x3E]  }
0x5d8: {  	p0 =	slt.u32 s18, $0x1E8;
	v12 =	vld [tilespmem:s20+$0xFFFFFFCE]  }
0x5d9: {  	v20 =	vld [tilespmem:s20+$0xFFFFFFDF]  }
0x5da: {  	v13 =	vld [tilespmem:s20+$0x40]  }
0x5db: {  	v14 =	vld [tilespmem:s20+$0xFFFFFFDE]  }
0x5dc: {  	v21 =	vld [tilespmem:s20+$0xFFFFFFEF];
	vm8 =	vne.s32 v15, v11  }
0x5dd: {  	v11 =	vld [tilespmem:s20+$0xFFFFFFEE];
	vm8 =	vmor vm8, vm0  }
0x5de: {  	v22 =	vld [tilespmem:s20+$0xFFFFFFFF];
	(xrf0) =	vmax.scan.msk.u32 vm8, v1  }
0x5df: {  	v23 =	vld [tilespmem:s20+$0xFFFFFFFE];
	vm8 =	vne.s32 v15, v13  }
0x5e0: {  	vm9 =	vne.s32 v20, v14;
	v24 =	vld [tilespmem:s20+$0xF];
	vm8 =	vmor vm8, vm1  }
0x5e1: {  	vm9 =	vmor vm9, vm0;
	v13 =	vld [tilespmem:s20+$0xE]  }
0x5e2: {  	vm10 =	vne.s32 v21, v11;
	v25 =	vld [tilespmem:s20+$0x1F];
	(xrf0) =	vmax.scan.msk.u32 vm9, v1  }
0x5e3: {  	vm9 =	vmor vm10, vm0;
	v11 =	vld [tilespmem:s20+$0x1E]  }
0x5e4: {  	vm10 =	vne.s32 v22, v23;
	v23 =	vld [tilespmem:s20+$0x2F];
	(xrf0) =	vmax.scan.msk.u32 vm9, v1;
	v14, _, _ =	vpop (xrf0)  }
0x5e5: {  	vm9 =	vmor vm10, vm0;
	v26 =	vld [tilespmem:s20+$0x2E];
	v14 =	vsub.s32 v2, v14  }
0x5e6: {  	vm10 =	vne.s32 v24, v13;
	[tilespmem:v15+s17+$0x0] =	vst.idx.add.s32.msk vm8, v14;
	(xrf0) =	vmax.scan.msk.u32 vm9, v1  }
0x5e7: {  	v15 =	vld [tilespmem:s20+$0xFFFFFFCF];
	vm8 =	vmor vm10, vm0  }
0x5e8: {  	v13 =	vld [tilespmem:s20+$0xFFFFFFD0];
	vm9 =	vne.s32 v25, v11;
	v11, _, _ =	vpop (xrf0);
	(xrf0) =	vmax.scan.msk.u32 vm8, v1  }
0x5e9: {  	v14 =	vld [tilespmem:s20+$0xFFFFFFE0];
	v27 =	vsub.s32 v2, v11;
	vm8 =	vmor vm9, vm0  }
0x5ea: {  	v28 =	vld [tilespmem:s20+$0xFFFFFFF0];
	vm9 =	vne.s32 v23, v26;
	v11, _, _ =	vpop (xrf0);
	(xrf0) =	vmax.scan.msk.u32 vm8, v1  }
0x5eb: {  	v26 =	vsub.s32 v2, v11;
	v29 =	vld [tilespmem:s20+$0x0];
	vm8 =	vmor vm9, vm0  }
0x5ec: {  	vm9 =	vne.s32 v15, v12;
	v30 =	vld [tilespmem:s20+$0x10];
	v11, _, _ =	vpop (xrf0);
	(xrf0) =	vmax.scan.msk.u32 vm8, v1  }
0x5ed: {  	vm9 =	vmor vm9, vm0;
	vm8 =	vne.s32 v15, v13;
	v11 =	vsub.s32 v2, v11;
	v31 =	vld [tilespmem:s20+$0x20]  }
0x5ee: {  	vm8 =	vmor vm8, vm1;
	vm10 =	vne.s32 v20, v14;
	v14 =	vld [tilespmem:s20+$0x30];
	(xrf0) =	vmax.scan.msk.u32 vm9, v1;
	v12, _, _ =	vpop (xrf0)  }
0x5ef: {  	vm9 =	vmor vm10, vm1;
	vm10 =	vne.s32 v21, v28;
	v12 =	vsub.s32 v2, v12;
	[tilespmem:v8+s19+$0x0] =	vst.idx.add.s32.msk vm7, v10  }
0x5f0: {  	vm7 =	vne.s32 v22, v29;
	v8, _, _ =	vpop (xrf0);
	[tilespmem:v3+s19+$0x0] =	vst.idx.add.s32.msk vm2, v9;
	vm2 =	vmor vm10, vm1;
	v3 =	vmov v21  }
.Ltmp36:
0x5f1: {  	vm10 =	vne.s32 v24, v30;
	v13 =	vsub.s32 v2, v8;
	[tilespmem:v4+s19+$0x0] =	vst.idx.add.s32.msk vm3, v16;
	vm3 =	vmor vm7, vm1;
	(pc) =	sbr.rel @p0 .LBB2_67-.Ltmp36, $4  }
0x5f2: {  	v4 =	vmov v22;
	vm7 =	vne.s32 v25, v31;
	v8, _, _ =	vpop (xrf0);
	[tilespmem:v6+s19+$0x0] =	vst.idx.add.s32.msk vm4, v17;
	vm4 =	vmor vm10, vm1  }
0x5f3: {  	vm10 =	vne.s32 v23, v14;
	v14 =	vsub.s32 v2, v8;
	[tilespmem:v5+s19+$0x0] =	vst.idx.add.s32.msk vm5, v18;
	vm5 =	vmor vm7, vm1  }
0x5f4: {  	v6 =	vmov v24;
	v5 =	vmov v25;
	v8, _, _ =	vpop (xrf0);
	[tilespmem:v7+s19+$0x0] =	vst.idx.add.s32.msk vm6, v19;
	vm6 =	vmor vm10, vm1;
	s19 =	smov.u32 s17  }
0x5f5: {  	s20 =	sadd.s32 $0x80, s20;
	v9 =	vmovc v26;
	v7 =	vmov v23;
	v10 =	vsub.s32 v2, v8;
	[tilespmem:v20+s19+$0x0] =	vst.idx.add.s32.msk vm9, v27;
	v8 =	vmov v15  }
0x5f6: {  	_ =	sdelay $0x4  }
0x5f7: {  	[tilespmem:v8+s19+$0x0] =	vst.idx.add.s32.msk vm8, v10  }
0x5f8: {  	[tilespmem:v3+s19+$0x0] =	vst.idx.add.s32.msk vm2, v9  }
0x5f9: {  	[tilespmem:v4+s19+$0x0] =	vst.idx.add.s32.msk vm3, v11  }
0x5fa: {  	[tilespmem:v6+s19+$0x0] =	vst.idx.add.s32.msk vm4, v12  }
0x5fb: {  	[tilespmem:v5+s19+$0x0] =	vst.idx.add.s32.msk vm5, v13  }
0x5fc: {  	vm7 =	vmmov vm8;
	[tilespmem:v7+s19+$0x0] =	vst.idx.add.s32.msk vm6, v14  }
.LBB2_69:
0x5fd: {  	s18 =	sshra.s32 s17, $0x2  }
0x5fe: {  	v3 =	vld [tilespmem:s18+$0x1DE70]  }
0x5ff: {  	v4 =	vld [tilespmem:s18+$0x1DE6F];
	_ =	sdelay $0x2  }
0x600: {  	v5 =	vld [tilespmem:s18+$0x1DE71];
	_ =	sdelay $0x1  }
0x601: {  	vm2 =	vne.s32 v3, v4  }
0x602: {  	vm2 =	vmor vm2, vm0  }
0x603: {  	(xrf0) =	vmax.scan.msk.u32 vm2, v1  }
0x604: {  	vm2 =	vne.s32 v3, v5  }
0x605: {  	vm2 =	vmor vm2, vm1  }
0x606: {  	p0 =	sne.s32 s17, $0xC0  }
.Ltmp37:
0x607: {  	_ = 	snop;
	(pc) =	sbr.rel @p0 .LBB2_69-.Ltmp37, $4  }
0x608: {  	_ = 	snop  }
0x609: {  	v63, _, _ =	vpop (xrf0)  }
0x60a: {  	v4 =	vsub.s32 v2, v63  }
0x60b: {  	s17 =	sadd.s32 $0x40, s17;
	[tilespmem:v3+s3+$0x0] =	vst.idx.add.s32.msk vm2, v4  }
0x60c: {  	[tilespmem:s8], [sflag:$0x2] =	stream.linear.gather [hbm4b:s24+s3], $0x1F40, $0x38;
	[tilespmem:$0x1F920] =	vst v63  }
0x60d: {  	_ =	swait.ge [sflag:s9], $0x1F40  }
0x60e: {  	[sflag:s9] =	ssyncset.done $0x0  }
0x60f: {  	s17 =	simm.s32 $0x1A041;
	[sflag:s9] =	ssyncadd.s32 $0xFFFFE0C0  }
0x610: {  	v10 =	vld [tilespmem:s17+$0x3F]  }
0x611: {  	v7 =	vld [tilespmem:s17+$0x3E]  }
0x612: {  	v9 =	vld [tilespmem:s17+$0xFFFFFFCE]  }
0x613: {  	v15 =	vld [tilespmem:s17+$0xFFFFFFDF]  }
0x614: {  	v11 =	vld [tilespmem:s17+$0x40]  }
0x615: {  	v8 =	vld [tilespmem:s17+$0xFFFFFFDE]  }
0x616: {  	v3 =	vld [tilespmem:s17+$0xFFFFFFEF]  }
0x617: {  	v12 =	vld [tilespmem:s17+$0xFFFFFFEE]  }
0x618: {  	v4 =	vld [tilespmem:s17+$0xFFFFFFFF]  }
0x619: {  	v13 =	vld [tilespmem:s17+$0xFFFFFFFE]  }
0x61a: {  	v6 =	vld [tilespmem:s17+$0xF]  }
0x61b: {  	v14 =	vld [tilespmem:s17+$0xE]  }
0x61c: {  	v5 =	vld [tilespmem:s17+$0x1F]  }
0x61d: {  	v16 =	vld [tilespmem:s17+$0x1E]  }
0x61e: {  	v17 =	vld [tilespmem:s17+$0x2E]  }
0x61f: {  	v61 =	vld [tilespmem:s17+$0x0];
	vm2 =	vne.s32 v10, v7  }
0x620: {  	v7 =	vld [tilespmem:s17+$0x2F];
	vm3 =	vne.s32 v15, v8;
	vm2 =	vmor vm2, vm0  }
0x621: {  	v8 =	vld [tilespmem:s17+$0xFFFFFFCF];
	(xrf0) =	vmax.scan.msk.u32 vm2, v1;
	vm2 =	vmor vm3, vm0;
	vm3 =	vne.s32 v3, v12  }
0x622: {  	v62 =	vld [tilespmem:s17+$0x10];
	(xrf0) =	vmax.scan.msk.u32 vm2, v1;
	vm2 =	vmor vm3, vm0;
	vm3 =	vne.s32 v4, v13  }
0x623: {  	v13 =	vld [tilespmem:s17+$0xFFFFFFE0];
	(xrf0) =	vmax.scan.msk.u32 vm2, v1;
	vm2 =	vmor vm3, vm0;
	vm3 =	vne.s32 v6, v14  }
0x624: {  	v12 =	vld [tilespmem:s17+$0xFFFFFFD0];
	(xrf0) =	vmax.scan.msk.u32 vm2, v1;
	vm2 =	vmor vm3, vm0;
	vm3 =	vne.s32 v5, v16  }
0x625: {  	v14 =	vld [tilespmem:s17+$0xFFFFFFF0];
	(xrf0) =	vmax.scan.msk.u32 vm2, v1;
	vm2 =	vmor vm3, vm0;
	vm3 =	vne.s32 v7, v17  }
0x626: {  	vm4 =	vne.s32 v10, v11;
	(xrf0) =	vmax.scan.msk.u32 vm2, v1;
	vm2 =	vmor vm3, vm0;
	vm3 =	vne.s32 v8, v9  }
0x627: {  	v18 =	vld [tilespmem:s17+$0x20];
	vm4 =	vmor vm4, vm1;
	v9, _, _ =	vpop (xrf0);
	(xrf0) =	vmax.scan.msk.u32 vm2, v1;
	vm2 =	vmor vm3, vm0  }
0x628: {  	v19 =	vld [tilespmem:s17+$0x30];
	vm3 =	vne.s32 v15, v13;
	v11, _, _ =	vpop (xrf0);
	(xrf0) =	vmax.scan.msk.u32 vm2, v1  }
0x629: {  	vm5 =	vne.s32 v4, v61;
	vm6 =	vne.s32 v6, v62;
	vm7 =	vmor vm3, vm1;
	v13, _, _ =	vpop (xrf0)  }
0x62a: {  	vm2 =	vne.s32 v8, v12;
	vm3 =	vne.s32 v3, v14;
	v14 =	vsub.s32 v2, v9;
	v12, _, _ =	vpop (xrf0)  }
0x62b: {  	v20 =	vsub.s32 v2, v11;
	vm8 =	vmor vm2, vm1;
	v11 =	vsub.s32 v2, v12;
	v12, _, _ =	vpop (xrf0)  }
0x62c: {  	s17 =	simm.s32 $0x0;
	vm2 =	vmor vm3, vm1;
	vm3 =	vmor vm5, vm1;
	v9 =	vsub.s32 v2, v13;
	v13, _, _ =	vpop (xrf0)  }
0x62d: {  	vm5 =	vne.s32 v5, v18;
	[tilespmem:v10+s17+$0x0] =	vst.idx.add.s32.msk vm4, v14;
	vm4 =	vmor vm6, vm1;
	vm6 =	vne.s32 v7, v19;
	v63, _, _ =	vpop (xrf0)  }
0x62e: {  	vm5 =	vmor vm5, vm1;
	v12 =	vsub.s32 v2, v12;
	v13 =	vsub.s32 v2, v13;
	v10, _, _ =	vpop (xrf0)  }
0x62f: {  	s18 =	simm.s32 $0x0;
	s20 =	simm.s32 $0x1A0C1;
	s19 =	simm.s32 $0x0;
	vm6 =	vmor vm6, vm1;
	v14 =	vsub.s32 v2, v63;
	[tilespmem:v15+s17+$0x0] =	vst.idx.add.s32.msk vm7, v20;
	v10 =	vsub.s32 v2, v10  }
.LBB2_71:
0x630: {  	v15 =	vld [tilespmem:s20+$0x3F];
	v16 =	vmovc v11;
	v17 =	vmovc v12;
	v18 =	vmov v13;
	v19 =	vmov v14;
	vm7 =	vmmov vm8  }
0x631: {  	s18 =	sadd.s32 $0x8, s18;
	v11 =	vld [tilespmem:s20+$0x3E]  }
0x632: {  	p0 =	slt.u32 s18, $0x1E8;
	v12 =	vld [tilespmem:s20+$0xFFFFFFCE]  }
0x633: {  	v20 =	vld [tilespmem:s20+$0xFFFFFFDF]  }
0x634: {  	v13 =	vld [tilespmem:s20+$0x40]  }
0x635: {  	v14 =	vld [tilespmem:s20+$0xFFFFFFDE]  }
0x636: {  	v21 =	vld [tilespmem:s20+$0xFFFFFFEF];
	vm8 =	vne.s32 v15, v11  }
0x637: {  	v11 =	vld [tilespmem:s20+$0xFFFFFFEE];
	vm8 =	vmor vm8, vm0  }
0x638: {  	v22 =	vld [tilespmem:s20+$0xFFFFFFFF];
	(xrf0) =	vmax.scan.msk.u32 vm8, v1  }
0x639: {  	v23 =	vld [tilespmem:s20+$0xFFFFFFFE];
	vm8 =	vne.s32 v15, v13  }
0x63a: {  	vm9 =	vne.s32 v20, v14;
	v24 =	vld [tilespmem:s20+$0xF];
	vm8 =	vmor vm8, vm1  }
0x63b: {  	vm9 =	vmor vm9, vm0;
	v13 =	vld [tilespmem:s20+$0xE]  }
0x63c: {  	vm10 =	vne.s32 v21, v11;
	v25 =	vld [tilespmem:s20+$0x1F];
	(xrf0) =	vmax.scan.msk.u32 vm9, v1  }
0x63d: {  	vm9 =	vmor vm10, vm0;
	v11 =	vld [tilespmem:s20+$0x1E]  }
0x63e: {  	vm10 =	vne.s32 v22, v23;
	v23 =	vld [tilespmem:s20+$0x2F];
	(xrf0) =	vmax.scan.msk.u32 vm9, v1;
	v14, _, _ =	vpop (xrf0)  }
0x63f: {  	vm9 =	vmor vm10, vm0;
	v26 =	vld [tilespmem:s20+$0x2E];
	v14 =	vsub.s32 v2, v14  }
0x640: {  	vm10 =	vne.s32 v24, v13;
	[tilespmem:v15+s17+$0x0] =	vst.idx.add.s32.msk vm8, v14;
	(xrf0) =	vmax.scan.msk.u32 vm9, v1  }
0x641: {  	v15 =	vld [tilespmem:s20+$0xFFFFFFCF];
	vm8 =	vmor vm10, vm0  }
0x642: {  	v13 =	vld [tilespmem:s20+$0xFFFFFFD0];
	vm9 =	vne.s32 v25, v11;
	v11, _, _ =	vpop (xrf0);
	(xrf0) =	vmax.scan.msk.u32 vm8, v1  }
0x643: {  	v14 =	vld [tilespmem:s20+$0xFFFFFFE0];
	v27 =	vsub.s32 v2, v11;
	vm8 =	vmor vm9, vm0  }
0x644: {  	v28 =	vld [tilespmem:s20+$0xFFFFFFF0];
	vm9 =	vne.s32 v23, v26;
	v11, _, _ =	vpop (xrf0);
	(xrf0) =	vmax.scan.msk.u32 vm8, v1  }
0x645: {  	v26 =	vsub.s32 v2, v11;
	v29 =	vld [tilespmem:s20+$0x0];
	vm8 =	vmor vm9, vm0  }
0x646: {  	vm9 =	vne.s32 v15, v12;
	v30 =	vld [tilespmem:s20+$0x10];
	v11, _, _ =	vpop (xrf0);
	(xrf0) =	vmax.scan.msk.u32 vm8, v1  }
0x647: {  	vm9 =	vmor vm9, vm0;
	vm8 =	vne.s32 v15, v13;
	v11 =	vsub.s32 v2, v11;
	v31 =	vld [tilespmem:s20+$0x20]  }
0x648: {  	vm8 =	vmor vm8, vm1;
	vm10 =	vne.s32 v20, v14;
	v14 =	vld [tilespmem:s20+$0x30];
	(xrf0) =	vmax.scan.msk.u32 vm9, v1;
	v12, _, _ =	vpop (xrf0)  }
0x649: {  	vm9 =	vmor vm10, vm1;
	vm10 =	vne.s32 v21, v28;
	v12 =	vsub.s32 v2, v12;
	[tilespmem:v8+s19+$0x0] =	vst.idx.add.s32.msk vm7, v10  }
0x64a: {  	vm7 =	vne.s32 v22, v29;
	v8, _, _ =	vpop (xrf0);
	[tilespmem:v3+s19+$0x0] =	vst.idx.add.s32.msk vm2, v9;
	vm2 =	vmor vm10, vm1;
	v3 =	vmov v21  }
.Ltmp38:
0x64b: {  	vm10 =	vne.s32 v24, v30;
	v13 =	vsub.s32 v2, v8;
	[tilespmem:v4+s19+$0x0] =	vst.idx.add.s32.msk vm3, v16;
	vm3 =	vmor vm7, vm1;
	(pc) =	sbr.rel @p0 .LBB2_71-.Ltmp38, $4  }
0x64c: {  	v4 =	vmov v22;
	vm7 =	vne.s32 v25, v31;
	v8, _, _ =	vpop (xrf0);
	[tilespmem:v6+s19+$0x0] =	vst.idx.add.s32.msk vm4, v17;
	vm4 =	vmor vm10, vm1  }
0x64d: {  	vm10 =	vne.s32 v23, v14;
	v14 =	vsub.s32 v2, v8;
	[tilespmem:v5+s19+$0x0] =	vst.idx.add.s32.msk vm5, v18;
	vm5 =	vmor vm7, vm1  }
0x64e: {  	v6 =	vmov v24;
	v5 =	vmov v25;
	v8, _, _ =	vpop (xrf0);
	[tilespmem:v7+s19+$0x0] =	vst.idx.add.s32.msk vm6, v19;
	vm6 =	vmor vm10, vm1;
	s19 =	smov.u32 s17  }
0x64f: {  	s20 =	sadd.s32 $0x80, s20;
	v9 =	vmovc v26;
	v7 =	vmov v23;
	v10 =	vsub.s32 v2, v8;
	[tilespmem:v20+s19+$0x0] =	vst.idx.add.s32.msk vm9, v27;
	v8 =	vmov v15  }
0x650: {  	_ =	sdelay $0x4  }
0x651: {  	[tilespmem:v8+s19+$0x0] =	vst.idx.add.s32.msk vm8, v10  }
0x652: {  	[tilespmem:v3+s19+$0x0] =	vst.idx.add.s32.msk vm2, v9  }
0x653: {  	[tilespmem:v4+s19+$0x0] =	vst.idx.add.s32.msk vm3, v11  }
0x654: {  	[tilespmem:v6+s19+$0x0] =	vst.idx.add.s32.msk vm4, v12  }
0x655: {  	[tilespmem:v5+s19+$0x0] =	vst.idx.add.s32.msk vm5, v13  }
0x656: {  	vm7 =	vmmov vm8;
	[tilespmem:v7+s19+$0x0] =	vst.idx.add.s32.msk vm6, v14  }
.LBB2_73:
0x657: {  	s18 =	sshra.s32 s17, $0x2  }
0x658: {  	v3 =	vld [tilespmem:s18+$0x1BF10]  }
0x659: {  	v4 =	vld [tilespmem:s18+$0x1BF0F];
	_ =	sdelay $0x2  }
0x65a: {  	v5 =	vld [tilespmem:s18+$0x1BF11];
	_ =	sdelay $0x1  }
0x65b: {  	vm2 =	vne.s32 v3, v4  }
0x65c: {  	vm2 =	vmor vm2, vm0  }
0x65d: {  	(xrf0) =	vmax.scan.msk.u32 vm2, v1  }
0x65e: {  	vm2 =	vne.s32 v3, v5  }
0x65f: {  	vm2 =	vmor vm2, vm1  }
0x660: {  	p0 =	sne.s32 s17, $0xC0  }
.Ltmp39:
0x661: {  	_ = 	snop;
	(pc) =	sbr.rel @p0 .LBB2_73-.Ltmp39, $4  }
0x662: {  	_ = 	snop  }
0x663: {  	v63, _, _ =	vpop (xrf0)  }
0x664: {  	v4 =	vsub.s32 v2, v63  }
0x665: {  	s17 =	sadd.s32 $0x40, s17;
	[tilespmem:v3+s3+$0x0] =	vst.idx.add.s32.msk vm2, v4  }
0x666: {  	[tilespmem:s5], [sflag:$0x1] =	stream.linear.gather [hbm4b:s26+s3], $0x1F40, $0x38;
	[tilespmem:$0x1F920] =	vst v63  }
0x667: {  	_ =	swait.ge [sflag:s10], $0x1F40  }
0x668: {  	[sflag:s10] =	ssyncset.done $0x0  }
0x669: {  	s17 =	simm.s32 $0x1BFA1;
	[sflag:s10] =	ssyncadd.s32 $0xFFFFE0C0  }
0x66a: {  	v10 =	vld [tilespmem:s17+$0x3F]  }
0x66b: {  	v7 =	vld [tilespmem:s17+$0x3E]  }
0x66c: {  	v9 =	vld [tilespmem:s17+$0xFFFFFFCE]  }
0x66d: {  	v15 =	vld [tilespmem:s17+$0xFFFFFFDF]  }
0x66e: {  	v11 =	vld [tilespmem:s17+$0x40]  }
0x66f: {  	v8 =	vld [tilespmem:s17+$0xFFFFFFDE]  }
0x670: {  	v3 =	vld [tilespmem:s17+$0xFFFFFFEF]  }
0x671: {  	v12 =	vld [tilespmem:s17+$0xFFFFFFEE]  }
0x672: {  	v4 =	vld [tilespmem:s17+$0xFFFFFFFF]  }
0x673: {  	v13 =	vld [tilespmem:s17+$0xFFFFFFFE]  }
0x674: {  	v6 =	vld [tilespmem:s17+$0xF]  }
0x675: {  	v14 =	vld [tilespmem:s17+$0xE]  }
0x676: {  	v5 =	vld [tilespmem:s17+$0x1F]  }
0x677: {  	v16 =	vld [tilespmem:s17+$0x1E]  }
0x678: {  	v17 =	vld [tilespmem:s17+$0x2E]  }
0x679: {  	v61 =	vld [tilespmem:s17+$0x0];
	vm2 =	vne.s32 v10, v7  }
0x67a: {  	v7 =	vld [tilespmem:s17+$0x2F];
	vm3 =	vne.s32 v15, v8;
	vm2 =	vmor vm2, vm0  }
0x67b: {  	v8 =	vld [tilespmem:s17+$0xFFFFFFCF];
	(xrf0) =	vmax.scan.msk.u32 vm2, v1;
	vm2 =	vmor vm3, vm0;
	vm3 =	vne.s32 v3, v12  }
0x67c: {  	v62 =	vld [tilespmem:s17+$0x10];
	(xrf0) =	vmax.scan.msk.u32 vm2, v1;
	vm2 =	vmor vm3, vm0;
	vm3 =	vne.s32 v4, v13  }
0x67d: {  	v13 =	vld [tilespmem:s17+$0xFFFFFFE0];
	(xrf0) =	vmax.scan.msk.u32 vm2, v1;
	vm2 =	vmor vm3, vm0;
	vm3 =	vne.s32 v6, v14  }
0x67e: {  	v12 =	vld [tilespmem:s17+$0xFFFFFFD0];
	(xrf0) =	vmax.scan.msk.u32 vm2, v1;
	vm2 =	vmor vm3, vm0;
	vm3 =	vne.s32 v5, v16  }
0x67f: {  	v14 =	vld [tilespmem:s17+$0xFFFFFFF0];
	(xrf0) =	vmax.scan.msk.u32 vm2, v1;
	vm2 =	vmor vm3, vm0;
	vm3 =	vne.s32 v7, v17  }
0x680: {  	vm4 =	vne.s32 v10, v11;
	(xrf0) =	vmax.scan.msk.u32 vm2, v1;
	vm2 =	vmor vm3, vm0;
	vm3 =	vne.s32 v8, v9  }
0x681: {  	v18 =	vld [tilespmem:s17+$0x20];
	vm4 =	vmor vm4, vm1;
	v9, _, _ =	vpop (xrf0);
	(xrf0) =	vmax.scan.msk.u32 vm2, v1;
	vm2 =	vmor vm3, vm0  }
0x682: {  	v19 =	vld [tilespmem:s17+$0x30];
	vm3 =	vne.s32 v15, v13;
	v11, _, _ =	vpop (xrf0);
	(xrf0) =	vmax.scan.msk.u32 vm2, v1  }
0x683: {  	vm5 =	vne.s32 v4, v61;
	vm6 =	vne.s32 v6, v62;
	vm7 =	vmor vm3, vm1;
	v13, _, _ =	vpop (xrf0)  }
0x684: {  	vm2 =	vne.s32 v8, v12;
	vm3 =	vne.s32 v3, v14;
	v14 =	vsub.s32 v2, v9;
	v12, _, _ =	vpop (xrf0)  }
0x685: {  	v20 =	vsub.s32 v2, v11;
	vm8 =	vmor vm2, vm1;
	v11 =	vsub.s32 v2, v12;
	v12, _, _ =	vpop (xrf0)  }
0x686: {  	s17 =	simm.s32 $0x0;
	vm2 =	vmor vm3, vm1;
	vm3 =	vmor vm5, vm1;
	v9 =	vsub.s32 v2, v13;
	v13, _, _ =	vpop (xrf0)  }
0x687: {  	vm5 =	vne.s32 v5, v18;
	[tilespmem:v10+s17+$0x0] =	vst.idx.add.s32.msk vm4, v14;
	vm4 =	vmor vm6, vm1;
	vm6 =	vne.s32 v7, v19;
	v63, _, _ =	vpop (xrf0)  }
0x688: {  	vm5 =	vmor vm5, vm1;
	v12 =	vsub.s32 v2, v12;
	v13 =	vsub.s32 v2, v13;
	v10, _, _ =	vpop (xrf0)  }
0x689: {  	s18 =	simm.s32 $0x0;
	s20 =	simm.s32 $0x1C021;
	s19 =	simm.s32 $0x0;
	vm6 =	vmor vm6, vm1;
	v14 =	vsub.s32 v2, v63;
	[tilespmem:v15+s17+$0x0] =	vst.idx.add.s32.msk vm7, v20;
	v10 =	vsub.s32 v2, v10  }
.LBB2_75:
0x68a: {  	v15 =	vld [tilespmem:s20+$0x3F];
	v16 =	vmovc v11;
	v17 =	vmovc v12;
	v18 =	vmov v13;
	v19 =	vmov v14;
	vm7 =	vmmov vm8  }
0x68b: {  	s18 =	sadd.s32 $0x8, s18;
	v11 =	vld [tilespmem:s20+$0x3E]  }
0x68c: {  	p0 =	slt.u32 s18, $0x1E8;
	v12 =	vld [tilespmem:s20+$0xFFFFFFCE]  }
0x68d: {  	v20 =	vld [tilespmem:s20+$0xFFFFFFDF]  }
0x68e: {  	v13 =	vld [tilespmem:s20+$0x40]  }
0x68f: {  	v14 =	vld [tilespmem:s20+$0xFFFFFFDE]  }
0x690: {  	v21 =	vld [tilespmem:s20+$0xFFFFFFEF];
	vm8 =	vne.s32 v15, v11  }
0x691: {  	v11 =	vld [tilespmem:s20+$0xFFFFFFEE];
	vm8 =	vmor vm8, vm0  }
0x692: {  	v22 =	vld [tilespmem:s20+$0xFFFFFFFF];
	(xrf0) =	vmax.scan.msk.u32 vm8, v1  }
0x693: {  	v23 =	vld [tilespmem:s20+$0xFFFFFFFE];
	vm8 =	vne.s32 v15, v13  }
0x694: {  	vm9 =	vne.s32 v20, v14;
	v24 =	vld [tilespmem:s20+$0xF];
	vm8 =	vmor vm8, vm1  }
0x695: {  	vm9 =	vmor vm9, vm0;
	v13 =	vld [tilespmem:s20+$0xE]  }
0x696: {  	vm10 =	vne.s32 v21, v11;
	v25 =	vld [tilespmem:s20+$0x1F];
	(xrf0) =	vmax.scan.msk.u32 vm9, v1  }
0x697: {  	vm9 =	vmor vm10, vm0;
	v11 =	vld [tilespmem:s20+$0x1E]  }
0x698: {  	vm10 =	vne.s32 v22, v23;
	v23 =	vld [tilespmem:s20+$0x2F];
	(xrf0) =	vmax.scan.msk.u32 vm9, v1;
	v14, _, _ =	vpop (xrf0)  }
0x699: {  	vm9 =	vmor vm10, vm0;
	v26 =	vld [tilespmem:s20+$0x2E];
	v14 =	vsub.s32 v2, v14  }
0x69a: {  	vm10 =	vne.s32 v24, v13;
	[tilespmem:v15+s17+$0x0] =	vst.idx.add.s32.msk vm8, v14;
	(xrf0) =	vmax.scan.msk.u32 vm9, v1  }
0x69b: {  	v15 =	vld [tilespmem:s20+$0xFFFFFFCF];
	vm8 =	vmor vm10, vm0  }
0x69c: {  	v13 =	vld [tilespmem:s20+$0xFFFFFFD0];
	vm9 =	vne.s32 v25, v11;
	v11, _, _ =	vpop (xrf0);
	(xrf0) =	vmax.scan.msk.u32 vm8, v1  }
0x69d: {  	v14 =	vld [tilespmem:s20+$0xFFFFFFE0];
	v27 =	vsub.s32 v2, v11;
	vm8 =	vmor vm9, vm0  }
0x69e: {  	v28 =	vld [tilespmem:s20+$0xFFFFFFF0];
	vm9 =	vne.s32 v23, v26;
	v11, _, _ =	vpop (xrf0);
	(xrf0) =	vmax.scan.msk.u32 vm8, v1  }
0x69f: {  	v26 =	vsub.s32 v2, v11;
	v29 =	vld [tilespmem:s20+$0x0];
	vm8 =	vmor vm9, vm0  }
0x6a0: {  	vm9 =	vne.s32 v15, v12;
	v30 =	vld [tilespmem:s20+$0x10];
	v11, _, _ =	vpop (xrf0);
	(xrf0) =	vmax.scan.msk.u32 vm8, v1  }
0x6a1: {  	vm9 =	vmor vm9, vm0;
	vm8 =	vne.s32 v15, v13;
	v11 =	vsub.s32 v2, v11;
	v31 =	vld [tilespmem:s20+$0x20]  }
0x6a2: {  	vm8 =	vmor vm8, vm1;
	vm10 =	vne.s32 v20, v14;
	v14 =	vld [tilespmem:s20+$0x30];
	(xrf0) =	vmax.scan.msk.u32 vm9, v1;
	v12, _, _ =	vpop (xrf0)  }
0x6a3: {  	vm9 =	vmor vm10, vm1;
	vm10 =	vne.s32 v21, v28;
	v12 =	vsub.s32 v2, v12;
	[tilespmem:v8+s19+$0x0] =	vst.idx.add.s32.msk vm7, v10  }
0x6a4: {  	vm7 =	vne.s32 v22, v29;
	v8, _, _ =	vpop (xrf0);
	[tilespmem:v3+s19+$0x0] =	vst.idx.add.s32.msk vm2, v9;
	vm2 =	vmor vm10, vm1;
	v3 =	vmov v21  }
.Ltmp40:
0x6a5: {  	vm10 =	vne.s32 v24, v30;
	v13 =	vsub.s32 v2, v8;
	[tilespmem:v4+s19+$0x0] =	vst.idx.add.s32.msk vm3, v16;
	vm3 =	vmor vm7, vm1;
	(pc) =	sbr.rel @p0 .LBB2_75-.Ltmp40, $4  }
0x6a6: {  	v4 =	vmov v22;
	vm7 =	vne.s32 v25, v31;
	v8, _, _ =	vpop (xrf0);
	[tilespmem:v6+s19+$0x0] =	vst.idx.add.s32.msk vm4, v17;
	vm4 =	vmor vm10, vm1  }
0x6a7: {  	vm10 =	vne.s32 v23, v14;
	v14 =	vsub.s32 v2, v8;
	[tilespmem:v5+s19+$0x0] =	vst.idx.add.s32.msk vm5, v18;
	vm5 =	vmor vm7, vm1  }
0x6a8: {  	v6 =	vmov v24;
	v5 =	vmov v25;
	v8, _, _ =	vpop (xrf0);
	[tilespmem:v7+s19+$0x0] =	vst.idx.add.s32.msk vm6, v19;
	vm6 =	vmor vm10, vm1;
	s19 =	smov.u32 s17  }
0x6a9: {  	s20 =	sadd.s32 $0x80, s20;
	v9 =	vmovc v26;
	v7 =	vmov v23;
	v10 =	vsub.s32 v2, v8;
	[tilespmem:v20+s19+$0x0] =	vst.idx.add.s32.msk vm9, v27;
	v8 =	vmov v15  }
0x6aa: {  	_ =	sdelay $0x4  }
0x6ab: {  	[tilespmem:v8+s19+$0x0] =	vst.idx.add.s32.msk vm8, v10  }
0x6ac: {  	[tilespmem:v3+s19+$0x0] =	vst.idx.add.s32.msk vm2, v9  }
0x6ad: {  	[tilespmem:v4+s19+$0x0] =	vst.idx.add.s32.msk vm3, v11  }
0x6ae: {  	[tilespmem:v6+s19+$0x0] =	vst.idx.add.s32.msk vm4, v12  }
0x6af: {  	[tilespmem:v5+s19+$0x0] =	vst.idx.add.s32.msk vm5, v13  }
0x6b0: {  	vm7 =	vmmov vm8;
	[tilespmem:v7+s19+$0x0] =	vst.idx.add.s32.msk vm6, v14  }
.LBB2_77:
0x6b1: {  	s18 =	sshra.s32 s17, $0x2  }
0x6b2: {  	v3 =	vld [tilespmem:s18+$0x1DE70]  }
0x6b3: {  	v4 =	vld [tilespmem:s18+$0x1DE6F];
	_ =	sdelay $0x2  }
0x6b4: {  	v5 =	vld [tilespmem:s18+$0x1DE71];
	_ =	sdelay $0x1  }
0x6b5: {  	vm2 =	vne.s32 v3, v4  }
0x6b6: {  	vm2 =	vmor vm2, vm0  }
0x6b7: {  	(xrf0) =	vmax.scan.msk.u32 vm2, v1  }
0x6b8: {  	vm2 =	vne.s32 v3, v5  }
0x6b9: {  	vm2 =	vmor vm2, vm1  }
0x6ba: {  	p0 =	sne.s32 s17, $0xC0  }
.Ltmp41:
0x6bb: {  	_ = 	snop;
	(pc) =	sbr.rel @p0 .LBB2_77-.Ltmp41, $4  }
0x6bc: {  	_ = 	snop  }
0x6bd: {  	v63, _, _ =	vpop (xrf0)  }
0x6be: {  	v4 =	vsub.s32 v2, v63  }
0x6bf: {  	s17 =	sadd.s32 $0x40, s17;
	[tilespmem:v3+s3+$0x0] =	vst.idx.add.s32.msk vm2, v4  }
0x6c0: {  	[tilespmem:s8], [sflag:$0x2] =	stream.linear.gather [hbm4b:s28+s3], $0x1F40, $0x38;
	[tilespmem:$0x1F920] =	vst v63  }
0x6c1: {  	_ =	swait.ge [sflag:s9], $0x1F40  }
0x6c2: {  	[sflag:s9] =	ssyncset.done $0x0  }
0x6c3: {  	s17 =	simm.s32 $0x1A041;
	[sflag:s9] =	ssyncadd.s32 $0xFFFFE0C0  }
0x6c4: {  	v10 =	vld [tilespmem:s17+$0x3F]  }
0x6c5: {  	v7 =	vld [tilespmem:s17+$0x3E]  }
0x6c6: {  	v9 =	vld [tilespmem:s17+$0xFFFFFFCE]  }
0x6c7: {  	v15 =	vld [tilespmem:s17+$0xFFFFFFDF]  }
0x6c8: {  	v11 =	vld [tilespmem:s17+$0x40]  }
0x6c9: {  	v8 =	vld [tilespmem:s17+$0xFFFFFFDE]  }
0x6ca: {  	v3 =	vld [tilespmem:s17+$0xFFFFFFEF]  }
0x6cb: {  	v12 =	vld [tilespmem:s17+$0xFFFFFFEE]  }
0x6cc: {  	v4 =	vld [tilespmem:s17+$0xFFFFFFFF]  }
0x6cd: {  	v13 =	vld [tilespmem:s17+$0xFFFFFFFE]  }
0x6ce: {  	v6 =	vld [tilespmem:s17+$0xF]  }
0x6cf: {  	v14 =	vld [tilespmem:s17+$0xE]  }
0x6d0: {  	v5 =	vld [tilespmem:s17+$0x1F]  }
0x6d1: {  	v16 =	vld [tilespmem:s17+$0x1E]  }
0x6d2: {  	v17 =	vld [tilespmem:s17+$0x2E]  }
0x6d3: {  	v61 =	vld [tilespmem:s17+$0x0];
	vm2 =	vne.s32 v10, v7  }
0x6d4: {  	v7 =	vld [tilespmem:s17+$0x2F];
	vm3 =	vne.s32 v15, v8;
	vm2 =	vmor vm2, vm0  }
0x6d5: {  	v8 =	vld [tilespmem:s17+$0xFFFFFFCF];
	(xrf0) =	vmax.scan.msk.u32 vm2, v1;
	vm2 =	vmor vm3, vm0;
	vm3 =	vne.s32 v3, v12  }
0x6d6: {  	v62 =	vld [tilespmem:s17+$0x10];
	(xrf0) =	vmax.scan.msk.u32 vm2, v1;
	vm2 =	vmor vm3, vm0;
	vm3 =	vne.s32 v4, v13  }
0x6d7: {  	v13 =	vld [tilespmem:s17+$0xFFFFFFE0];
	(xrf0) =	vmax.scan.msk.u32 vm2, v1;
	vm2 =	vmor vm3, vm0;
	vm3 =	vne.s32 v6, v14  }
0x6d8: {  	v12 =	vld [tilespmem:s17+$0xFFFFFFD0];
	(xrf0) =	vmax.scan.msk.u32 vm2, v1;
	vm2 =	vmor vm3, vm0;
	vm3 =	vne.s32 v5, v16  }
0x6d9: {  	v14 =	vld [tilespmem:s17+$0xFFFFFFF0];
	(xrf0) =	vmax.scan.msk.u32 vm2, v1;
	vm2 =	vmor vm3, vm0;
	vm3 =	vne.s32 v7, v17  }
0x6da: {  	vm4 =	vne.s32 v10, v11;
	(xrf0) =	vmax.scan.msk.u32 vm2, v1;
	vm2 =	vmor vm3, vm0;
	vm3 =	vne.s32 v8, v9  }
0x6db: {  	v18 =	vld [tilespmem:s17+$0x20];
	vm4 =	vmor vm4, vm1;
	v9, _, _ =	vpop (xrf0);
	(xrf0) =	vmax.scan.msk.u32 vm2, v1;
	vm2 =	vmor vm3, vm0  }
0x6dc: {  	v19 =	vld [tilespmem:s17+$0x30];
	vm3 =	vne.s32 v15, v13;
	v11, _, _ =	vpop (xrf0);
	(xrf0) =	vmax.scan.msk.u32 vm2, v1  }
0x6dd: {  	vm5 =	vne.s32 v4, v61;
	vm6 =	vne.s32 v6, v62;
	vm7 =	vmor vm3, vm1;
	v13, _, _ =	vpop (xrf0)  }
0x6de: {  	vm2 =	vne.s32 v8, v12;
	vm3 =	vne.s32 v3, v14;
	v14 =	vsub.s32 v2, v9;
	v12, _, _ =	vpop (xrf0)  }
0x6df: {  	v20 =	vsub.s32 v2, v11;
	vm8 =	vmor vm2, vm1;
	v11 =	vsub.s32 v2, v12;
	v12, _, _ =	vpop (xrf0)  }
0x6e0: {  	s17 =	simm.s32 $0x0;
	vm2 =	vmor vm3, vm1;
	vm3 =	vmor vm5, vm1;
	v9 =	vsub.s32 v2, v13;
	v13, _, _ =	vpop (xrf0)  }
0x6e1: {  	vm5 =	vne.s32 v5, v18;
	[tilespmem:v10+s17+$0x0] =	vst.idx.add.s32.msk vm4, v14;
	vm4 =	vmor vm6, vm1;
	vm6 =	vne.s32 v7, v19;
	v63, _, _ =	vpop (xrf0)  }
0x6e2: {  	vm5 =	vmor vm5, vm1;
	v12 =	vsub.s32 v2, v12;
	v13 =	vsub.s32 v2, v13;
	v10, _, _ =	vpop (xrf0)  }
0x6e3: {  	s18 =	simm.s32 $0x0;
	s20 =	simm.s32 $0x1A0C1;
	s19 =	simm.s32 $0x0;
	vm6 =	vmor vm6, vm1;
	v14 =	vsub.s32 v2, v63;
	[tilespmem:v15+s17+$0x0] =	vst.idx.add.s32.msk vm7, v20;
	v10 =	vsub.s32 v2, v10  }
.LBB2_79:
0x6e4: {  	v15 =	vld [tilespmem:s20+$0x3F];
	v16 =	vmovc v11;
	v17 =	vmovc v12;
	v18 =	vmov v13;
	v19 =	vmov v14;
	vm7 =	vmmov vm8  }
0x6e5: {  	s18 =	sadd.s32 $0x8, s18;
	v11 =	vld [tilespmem:s20+$0x3E]  }
0x6e6: {  	p0 =	slt.u32 s18, $0x1E8;
	v12 =	vld [tilespmem:s20+$0xFFFFFFCE]  }
0x6e7: {  	v20 =	vld [tilespmem:s20+$0xFFFFFFDF]  }
0x6e8: {  	v13 =	vld [tilespmem:s20+$0x40]  }
0x6e9: {  	v14 =	vld [tilespmem:s20+$0xFFFFFFDE]  }
0x6ea: {  	v21 =	vld [tilespmem:s20+$0xFFFFFFEF];
	vm8 =	vne.s32 v15, v11  }
0x6eb: {  	v11 =	vld [tilespmem:s20+$0xFFFFFFEE];
	vm8 =	vmor vm8, vm0  }
0x6ec: {  	v22 =	vld [tilespmem:s20+$0xFFFFFFFF];
	(xrf0) =	vmax.scan.msk.u32 vm8, v1  }
0x6ed: {  	v23 =	vld [tilespmem:s20+$0xFFFFFFFE];
	vm8 =	vne.s32 v15, v13  }
0x6ee: {  	vm9 =	vne.s32 v20, v14;
	v24 =	vld [tilespmem:s20+$0xF];
	vm8 =	vmor vm8, vm1  }
0x6ef: {  	vm9 =	vmor vm9, vm0;
	v13 =	vld [tilespmem:s20+$0xE]  }
0x6f0: {  	vm10 =	vne.s32 v21, v11;
	v25 =	vld [tilespmem:s20+$0x1F];
	(xrf0) =	vmax.scan.msk.u32 vm9, v1  }
0x6f1: {  	vm9 =	vmor vm10, vm0;
	v11 =	vld [tilespmem:s20+$0x1E]  }
0x6f2: {  	vm10 =	vne.s32 v22, v23;
	v23 =	vld [tilespmem:s20+$0x2F];
	(xrf0) =	vmax.scan.msk.u32 vm9, v1;
	v14, _, _ =	vpop (xrf0)  }
0x6f3: {  	vm9 =	vmor vm10, vm0;
	v26 =	vld [tilespmem:s20+$0x2E];
	v14 =	vsub.s32 v2, v14  }
0x6f4: {  	vm10 =	vne.s32 v24, v13;
	[tilespmem:v15+s17+$0x0] =	vst.idx.add.s32.msk vm8, v14;
	(xrf0) =	vmax.scan.msk.u32 vm9, v1  }
0x6f5: {  	v15 =	vld [tilespmem:s20+$0xFFFFFFCF];
	vm8 =	vmor vm10, vm0  }
0x6f6: {  	v13 =	vld [tilespmem:s20+$0xFFFFFFD0];
	vm9 =	vne.s32 v25, v11;
	v11, _, _ =	vpop (xrf0);
	(xrf0) =	vmax.scan.msk.u32 vm8, v1  }
0x6f7: {  	v14 =	vld [tilespmem:s20+$0xFFFFFFE0];
	v27 =	vsub.s32 v2, v11;
	vm8 =	vmor vm9, vm0  }
0x6f8: {  	v28 =	vld [tilespmem:s20+$0xFFFFFFF0];
	vm9 =	vne.s32 v23, v26;
	v11, _, _ =	vpop (xrf0);
	(xrf0) =	vmax.scan.msk.u32 vm8, v1  }
0x6f9: {  	v26 =	vsub.s32 v2, v11;
	v29 =	vld [tilespmem:s20+$0x0];
	vm8 =	vmor vm9, vm0  }
0x6fa: {  	vm9 =	vne.s32 v15, v12;
	v30 =	vld [tilespmem:s20+$0x10];
	v11, _, _ =	vpop (xrf0);
	(xrf0) =	vmax.scan.msk.u32 vm8, v1  }
0x6fb: {  	vm9 =	vmor vm9, vm0;
	vm8 =	vne.s32 v15, v13;
	v11 =	vsub.s32 v2, v11;
	v31 =	vld [tilespmem:s20+$0x20]  }
0x6fc: {  	vm8 =	vmor vm8, vm1;
	vm10 =	vne.s32 v20, v14;
	v14 =	vld [tilespmem:s20+$0x30];
	(xrf0) =	vmax.scan.msk.u32 vm9, v1;
	v12, _, _ =	vpop (xrf0)  }
0x6fd: {  	vm9 =	vmor vm10, vm1;
	vm10 =	vne.s32 v21, v28;
	v12 =	vsub.s32 v2, v12;
	[tilespmem:v8+s19+$0x0] =	vst.idx.add.s32.msk vm7, v10  }
0x6fe: {  	vm7 =	vne.s32 v22, v29;
	v8, _, _ =	vpop (xrf0);
	[tilespmem:v3+s19+$0x0] =	vst.idx.add.s32.msk vm2, v9;
	vm2 =	vmor vm10, vm1;
	v3 =	vmov v21  }
.Ltmp42:
0x6ff: {  	vm10 =	vne.s32 v24, v30;
	v13 =	vsub.s32 v2, v8;
	[tilespmem:v4+s19+$0x0] =	vst.idx.add.s32.msk vm3, v16;
	vm3 =	vmor vm7, vm1;
	(pc) =	sbr.rel @p0 .LBB2_79-.Ltmp42, $4  }
0x700: {  	v4 =	vmov v22;
	vm7 =	vne.s32 v25, v31;
	v8, _, _ =	vpop (xrf0);
	[tilespmem:v6+s19+$0x0] =	vst.idx.add.s32.msk vm4, v17;
	vm4 =	vmor vm10, vm1  }
0x701: {  	vm10 =	vne.s32 v23, v14;
	v14 =	vsub.s32 v2, v8;
	[tilespmem:v5+s19+$0x0] =	vst.idx.add.s32.msk vm5, v18;
	vm5 =	vmor vm7, vm1  }
0x702: {  	v6 =	vmov v24;
	v5 =	vmov v25;
	v8, _, _ =	vpop (xrf0);
	[tilespmem:v7+s19+$0x0] =	vst.idx.add.s32.msk vm6, v19;
	vm6 =	vmor vm10, vm1;
	s19 =	smov.u32 s17  }
0x703: {  	s20 =	sadd.s32 $0x80, s20;
	v9 =	vmovc v26;
	v7 =	vmov v23;
	v10 =	vsub.s32 v2, v8;
	[tilespmem:v20+s19+$0x0] =	vst.idx.add.s32.msk vm9, v27;
	v8 =	vmov v15  }
0x704: {  	_ =	sdelay $0x4  }
0x705: {  	[tilespmem:v8+s19+$0x0] =	vst.idx.add.s32.msk vm8, v10  }
0x706: {  	[tilespmem:v3+s19+$0x0] =	vst.idx.add.s32.msk vm2, v9  }
0x707: {  	[tilespmem:v4+s19+$0x0] =	vst.idx.add.s32.msk vm3, v11  }
0x708: {  	[tilespmem:v6+s19+$0x0] =	vst.idx.add.s32.msk vm4, v12  }
0x709: {  	[tilespmem:v5+s19+$0x0] =	vst.idx.add.s32.msk vm5, v13  }
0x70a: {  	vm7 =	vmmov vm8;
	[tilespmem:v7+s19+$0x0] =	vst.idx.add.s32.msk vm6, v14  }
.LBB2_81:
0x70b: {  	s18 =	sshra.s32 s17, $0x2  }
0x70c: {  	v3 =	vld [tilespmem:s18+$0x1BF10]  }
0x70d: {  	v4 =	vld [tilespmem:s18+$0x1BF0F];
	_ =	sdelay $0x2  }
0x70e: {  	v5 =	vld [tilespmem:s18+$0x1BF11];
	_ =	sdelay $0x1  }
0x70f: {  	vm2 =	vne.s32 v3, v4  }
0x710: {  	vm2 =	vmor vm2, vm0  }
0x711: {  	(xrf0) =	vmax.scan.msk.u32 vm2, v1  }
0x712: {  	vm2 =	vne.s32 v3, v5  }
0x713: {  	vm2 =	vmor vm2, vm1  }
0x714: {  	p0 =	sne.s32 s17, $0xC0  }
.Ltmp43:
0x715: {  	_ = 	snop;
	(pc) =	sbr.rel @p0 .LBB2_81-.Ltmp43, $4  }
0x716: {  	_ = 	snop  }
0x717: {  	v63, _, _ =	vpop (xrf0)  }
0x718: {  	v4 =	vsub.s32 v2, v63  }
0x719: {  	s17 =	sadd.s32 $0x40, s17;
	[tilespmem:v3+s3+$0x0] =	vst.idx.add.s32.msk vm2, v4  }
0x71a: {  	[tilespmem:s5], [sflag:$0x1] =	stream.linear.gather [hbm4b:s29+s3], $0x1F40, $0x38;
	[tilespmem:$0x1F920] =	vst v63  }
0x71b: {  	_ =	swait.ge [sflag:s10], $0x1F40  }
0x71c: {  	[sflag:s10] =	ssyncset.done $0x0  }
0x71d: {  	s17 =	simm.s32 $0x1BFA1;
	[sflag:s10] =	ssyncadd.s32 $0xFFFFE0C0  }
0x71e: {  	v10 =	vld [tilespmem:s17+$0x3F]  }
0x71f: {  	v7 =	vld [tilespmem:s17+$0x3E]  }
0x720: {  	v9 =	vld [tilespmem:s17+$0xFFFFFFCE]  }
0x721: {  	v15 =	vld [tilespmem:s17+$0xFFFFFFDF]  }
0x722: {  	v11 =	vld [tilespmem:s17+$0x40]  }
0x723: {  	v8 =	vld [tilespmem:s17+$0xFFFFFFDE]  }
0x724: {  	v3 =	vld [tilespmem:s17+$0xFFFFFFEF]  }
0x725: {  	v12 =	vld [tilespmem:s17+$0xFFFFFFEE]  }
0x726: {  	v4 =	vld [tilespmem:s17+$0xFFFFFFFF]  }
0x727: {  	v13 =	vld [tilespmem:s17+$0xFFFFFFFE]  }
0x728: {  	v6 =	vld [tilespmem:s17+$0xF]  }
0x729: {  	v14 =	vld [tilespmem:s17+$0xE]  }
0x72a: {  	v5 =	vld [tilespmem:s17+$0x1F]  }
0x72b: {  	v16 =	vld [tilespmem:s17+$0x1E]  }
0x72c: {  	v17 =	vld [tilespmem:s17+$0x2E]  }
0x72d: {  	v61 =	vld [tilespmem:s17+$0x0];
	vm2 =	vne.s32 v10, v7  }
0x72e: {  	v7 =	vld [tilespmem:s17+$0x2F];
	vm3 =	vne.s32 v15, v8;
	vm2 =	vmor vm2, vm0  }
0x72f: {  	v8 =	vld [tilespmem:s17+$0xFFFFFFCF];
	(xrf0) =	vmax.scan.msk.u32 vm2, v1;
	vm2 =	vmor vm3, vm0;
	vm3 =	vne.s32 v3, v12  }
0x730: {  	v62 =	vld [tilespmem:s17+$0x10];
	(xrf0) =	vmax.scan.msk.u32 vm2, v1;
	vm2 =	vmor vm3, vm0;
	vm3 =	vne.s32 v4, v13  }
0x731: {  	v13 =	vld [tilespmem:s17+$0xFFFFFFE0];
	(xrf0) =	vmax.scan.msk.u32 vm2, v1;
	vm2 =	vmor vm3, vm0;
	vm3 =	vne.s32 v6, v14  }
0x732: {  	v12 =	vld [tilespmem:s17+$0xFFFFFFD0];
	(xrf0) =	vmax.scan.msk.u32 vm2, v1;
	vm2 =	vmor vm3, vm0;
	vm3 =	vne.s32 v5, v16  }
0x733: {  	v14 =	vld [tilespmem:s17+$0xFFFFFFF0];
	(xrf0) =	vmax.scan.msk.u32 vm2, v1;
	vm2 =	vmor vm3, vm0;
	vm3 =	vne.s32 v7, v17  }
0x734: {  	vm4 =	vne.s32 v10, v11;
	(xrf0) =	vmax.scan.msk.u32 vm2, v1;
	vm2 =	vmor vm3, vm0;
	vm3 =	vne.s32 v8, v9  }
0x735: {  	v18 =	vld [tilespmem:s17+$0x20];
	vm4 =	vmor vm4, vm1;
	v9, _, _ =	vpop (xrf0);
	(xrf0) =	vmax.scan.msk.u32 vm2, v1;
	vm2 =	vmor vm3, vm0  }
0x736: {  	v19 =	vld [tilespmem:s17+$0x30];
	vm3 =	vne.s32 v15, v13;
	v11, _, _ =	vpop (xrf0);
	(xrf0) =	vmax.scan.msk.u32 vm2, v1  }
0x737: {  	vm5 =	vne.s32 v4, v61;
	vm6 =	vne.s32 v6, v62;
	vm7 =	vmor vm3, vm1;
	v13, _, _ =	vpop (xrf0)  }
0x738: {  	vm2 =	vne.s32 v8, v12;
	vm3 =	vne.s32 v3, v14;
	v14 =	vsub.s32 v2, v9;
	v12, _, _ =	vpop (xrf0)  }
0x739: {  	v20 =	vsub.s32 v2, v11;
	vm8 =	vmor vm2, vm1;
	v11 =	vsub.s32 v2, v12;
	v12, _, _ =	vpop (xrf0)  }
0x73a: {  	s17 =	simm.s32 $0x0;
	vm2 =	vmor vm3, vm1;
	vm3 =	vmor vm5, vm1;
	v9 =	vsub.s32 v2, v13;
	v13, _, _ =	vpop (xrf0)  }
0x73b: {  	vm5 =	vne.s32 v5, v18;
	[tilespmem:v10+s17+$0x0] =	vst.idx.add.s32.msk vm4, v14;
	vm4 =	vmor vm6, vm1;
	vm6 =	vne.s32 v7, v19;
	v63, _, _ =	vpop (xrf0)  }
0x73c: {  	vm5 =	vmor vm5, vm1;
	v12 =	vsub.s32 v2, v12;
	v13 =	vsub.s32 v2, v13;
	v10, _, _ =	vpop (xrf0)  }
0x73d: {  	s18 =	simm.s32 $0x0;
	s20 =	simm.s32 $0x1C021;
	s19 =	simm.s32 $0x0;
	vm6 =	vmor vm6, vm1;
	v14 =	vsub.s32 v2, v63;
	[tilespmem:v15+s17+$0x0] =	vst.idx.add.s32.msk vm7, v20;
	v10 =	vsub.s32 v2, v10  }
.LBB2_83:
0x73e: {  	v15 =	vld [tilespmem:s20+$0x3F];
	v16 =	vmovc v11;
	v17 =	vmovc v12;
	v18 =	vmov v13;
	v19 =	vmov v14;
	vm7 =	vmmov vm8  }
0x73f: {  	s18 =	sadd.s32 $0x8, s18;
	v11 =	vld [tilespmem:s20+$0x3E]  }
0x740: {  	p0 =	slt.u32 s18, $0x1E8;
	v12 =	vld [tilespmem:s20+$0xFFFFFFCE]  }
0x741: {  	v20 =	vld [tilespmem:s20+$0xFFFFFFDF]  }
0x742: {  	v13 =	vld [tilespmem:s20+$0x40]  }
0x743: {  	v14 =	vld [tilespmem:s20+$0xFFFFFFDE]  }
0x744: {  	v21 =	vld [tilespmem:s20+$0xFFFFFFEF];
	vm8 =	vne.s32 v15, v11  }
0x745: {  	v11 =	vld [tilespmem:s20+$0xFFFFFFEE];
	vm8 =	vmor vm8, vm0  }
0x746: {  	v22 =	vld [tilespmem:s20+$0xFFFFFFFF];
	(xrf0) =	vmax.scan.msk.u32 vm8, v1  }
0x747: {  	v23 =	vld [tilespmem:s20+$0xFFFFFFFE];
	vm8 =	vne.s32 v15, v13  }
0x748: {  	vm9 =	vne.s32 v20, v14;
	v24 =	vld [tilespmem:s20+$0xF];
	vm8 =	vmor vm8, vm1  }
0x749: {  	vm9 =	vmor vm9, vm0;
	v13 =	vld [tilespmem:s20+$0xE]  }
0x74a: {  	vm10 =	vne.s32 v21, v11;
	v25 =	vld [tilespmem:s20+$0x1F];
	(xrf0) =	vmax.scan.msk.u32 vm9, v1  }
0x74b: {  	vm9 =	vmor vm10, vm0;
	v11 =	vld [tilespmem:s20+$0x1E]  }
0x74c: {  	vm10 =	vne.s32 v22, v23;
	v23 =	vld [tilespmem:s20+$0x2F];
	(xrf0) =	vmax.scan.msk.u32 vm9, v1;
	v14, _, _ =	vpop (xrf0)  }
0x74d: {  	vm9 =	vmor vm10, vm0;
	v26 =	vld [tilespmem:s20+$0x2E];
	v14 =	vsub.s32 v2, v14  }
0x74e: {  	vm10 =	vne.s32 v24, v13;
	[tilespmem:v15+s17+$0x0] =	vst.idx.add.s32.msk vm8, v14;
	(xrf0) =	vmax.scan.msk.u32 vm9, v1  }
0x74f: {  	v15 =	vld [tilespmem:s20+$0xFFFFFFCF];
	vm8 =	vmor vm10, vm0  }
0x750: {  	v13 =	vld [tilespmem:s20+$0xFFFFFFD0];
	vm9 =	vne.s32 v25, v11;
	v11, _, _ =	vpop (xrf0);
	(xrf0) =	vmax.scan.msk.u32 vm8, v1  }
0x751: {  	v14 =	vld [tilespmem:s20+$0xFFFFFFE0];
	v27 =	vsub.s32 v2, v11;
	vm8 =	vmor vm9, vm0  }
0x752: {  	v28 =	vld [tilespmem:s20+$0xFFFFFFF0];
	vm9 =	vne.s32 v23, v26;
	v11, _, _ =	vpop (xrf0);
	(xrf0) =	vmax.scan.msk.u32 vm8, v1  }
0x753: {  	v26 =	vsub.s32 v2, v11;
	v29 =	vld [tilespmem:s20+$0x0];
	vm8 =	vmor vm9, vm0  }
0x754: {  	vm9 =	vne.s32 v15, v12;
	v30 =	vld [tilespmem:s20+$0x10];
	v11, _, _ =	vpop (xrf0);
	(xrf0) =	vmax.scan.msk.u32 vm8, v1  }
0x755: {  	vm9 =	vmor vm9, vm0;
	vm8 =	vne.s32 v15, v13;
	v11 =	vsub.s32 v2, v11;
	v31 =	vld [tilespmem:s20+$0x20]  }
0x756: {  	vm8 =	vmor vm8, vm1;
	vm10 =	vne.s32 v20, v14;
	v14 =	vld [tilespmem:s20+$0x30];
	(xrf0) =	vmax.scan.msk.u32 vm9, v1;
	v12, _, _ =	vpop (xrf0)  }
0x757: {  	vm9 =	vmor vm10, vm1;
	vm10 =	vne.s32 v21, v28;
	v12 =	vsub.s32 v2, v12;
	[tilespmem:v8+s19+$0x0] =	vst.idx.add.s32.msk vm7, v10  }
0x758: {  	vm7 =	vne.s32 v22, v29;
	v8, _, _ =	vpop (xrf0);
	[tilespmem:v3+s19+$0x0] =	vst.idx.add.s32.msk vm2, v9;
	vm2 =	vmor vm10, vm1;
	v3 =	vmov v21  }
.Ltmp44:
0x759: {  	vm10 =	vne.s32 v24, v30;
	v13 =	vsub.s32 v2, v8;
	[tilespmem:v4+s19+$0x0] =	vst.idx.add.s32.msk vm3, v16;
	vm3 =	vmor vm7, vm1;
	(pc) =	sbr.rel @p0 .LBB2_83-.Ltmp44, $4  }
0x75a: {  	v4 =	vmov v22;
	vm7 =	vne.s32 v25, v31;
	v8, _, _ =	vpop (xrf0);
	[tilespmem:v6+s19+$0x0] =	vst.idx.add.s32.msk vm4, v17;
	vm4 =	vmor vm10, vm1  }
0x75b: {  	vm10 =	vne.s32 v23, v14;
	v14 =	vsub.s32 v2, v8;
	[tilespmem:v5+s19+$0x0] =	vst.idx.add.s32.msk vm5, v18;
	vm5 =	vmor vm7, vm1  }
0x75c: {  	v6 =	vmov v24;
	v5 =	vmov v25;
	v8, _, _ =	vpop (xrf0);
	[tilespmem:v7+s19+$0x0] =	vst.idx.add.s32.msk vm6, v19;
	vm6 =	vmor vm10, vm1;
	s19 =	smov.u32 s17  }
0x75d: {  	s20 =	sadd.s32 $0x80, s20;
	v9 =	vmovc v26;
	v7 =	vmov v23;
	v10 =	vsub.s32 v2, v8;
	[tilespmem:v20+s19+$0x0] =	vst.idx.add.s32.msk vm9, v27;
	v8 =	vmov v15  }
0x75e: {  	_ =	sdelay $0x4  }
0x75f: {  	[tilespmem:v8+s19+$0x0] =	vst.idx.add.s32.msk vm8, v10  }
0x760: {  	[tilespmem:v3+s19+$0x0] =	vst.idx.add.s32.msk vm2, v9  }
0x761: {  	[tilespmem:v4+s19+$0x0] =	vst.idx.add.s32.msk vm3, v11  }
0x762: {  	[tilespmem:v6+s19+$0x0] =	vst.idx.add.s32.msk vm4, v12  }
0x763: {  	[tilespmem:v5+s19+$0x0] =	vst.idx.add.s32.msk vm5, v13  }
0x764: {  	vm7 =	vmmov vm8;
	[tilespmem:v7+s19+$0x0] =	vst.idx.add.s32.msk vm6, v14  }
.LBB2_85:
0x765: {  	s18 =	sshra.s32 s17, $0x2  }
0x766: {  	v3 =	vld [tilespmem:s18+$0x1DE70]  }
0x767: {  	v4 =	vld [tilespmem:s18+$0x1DE6F];
	_ =	sdelay $0x2  }
0x768: {  	v5 =	vld [tilespmem:s18+$0x1DE71];
	_ =	sdelay $0x1  }
0x769: {  	vm2 =	vne.s32 v3, v4  }
0x76a: {  	vm2 =	vmor vm2, vm0  }
0x76b: {  	(xrf0) =	vmax.scan.msk.u32 vm2, v1  }
0x76c: {  	vm2 =	vne.s32 v3, v5  }
0x76d: {  	vm2 =	vmor vm2, vm1  }
0x76e: {  	p0 =	sne.s32 s17, $0xC0  }
.Ltmp45:
0x76f: {  	_ = 	snop;
	(pc) =	sbr.rel @p0 .LBB2_85-.Ltmp45, $4  }
0x770: {  	_ = 	snop  }
0x771: {  	v63, _, _ =	vpop (xrf0)  }
0x772: {  	v4 =	vsub.s32 v2, v63  }
0x773: {  	s17 =	sadd.s32 $0x40, s17;
	[tilespmem:v3+s3+$0x0] =	vst.idx.add.s32.msk vm2, v4  }
0x774: {  	[tilespmem:s8], [sflag:$0x2] =	stream.linear.gather [hbm4b:s30+s3], $0x1F40, $0x38;
	[tilespmem:$0x1F920] =	vst v63  }
0x775: {  	_ =	swait.ge [sflag:s9], $0x1F40  }
0x776: {  	[sflag:s9] =	ssyncset.done $0x0  }
0x777: {  	s17 =	simm.s32 $0x1A041;
	[sflag:s9] =	ssyncadd.s32 $0xFFFFE0C0  }
0x778: {  	v10 =	vld [tilespmem:s17+$0x3F]  }
0x779: {  	v7 =	vld [tilespmem:s17+$0x3E]  }
0x77a: {  	v9 =	vld [tilespmem:s17+$0xFFFFFFCE]  }
0x77b: {  	v15 =	vld [tilespmem:s17+$0xFFFFFFDF]  }
0x77c: {  	v11 =	vld [tilespmem:s17+$0x40]  }
0x77d: {  	v8 =	vld [tilespmem:s17+$0xFFFFFFDE]  }
0x77e: {  	v3 =	vld [tilespmem:s17+$0xFFFFFFEF]  }
0x77f: {  	v12 =	vld [tilespmem:s17+$0xFFFFFFEE]  }
0x780: {  	v4 =	vld [tilespmem:s17+$0xFFFFFFFF]  }
0x781: {  	v13 =	vld [tilespmem:s17+$0xFFFFFFFE]  }
0x782: {  	v6 =	vld [tilespmem:s17+$0xF]  }
0x783: {  	v14 =	vld [tilespmem:s17+$0xE]  }
0x784: {  	v5 =	vld [tilespmem:s17+$0x1F]  }
0x785: {  	v16 =	vld [tilespmem:s17+$0x1E]  }
0x786: {  	v17 =	vld [tilespmem:s17+$0x2E]  }
0x787: {  	v61 =	vld [tilespmem:s17+$0x0];
	vm2 =	vne.s32 v10, v7  }
0x788: {  	v7 =	vld [tilespmem:s17+$0x2F];
	vm3 =	vne.s32 v15, v8;
	vm2 =	vmor vm2, vm0  }
0x789: {  	v8 =	vld [tilespmem:s17+$0xFFFFFFCF];
	(xrf0) =	vmax.scan.msk.u32 vm2, v1;
	vm2 =	vmor vm3, vm0;
	vm3 =	vne.s32 v3, v12  }
0x78a: {  	v62 =	vld [tilespmem:s17+$0x10];
	(xrf0) =	vmax.scan.msk.u32 vm2, v1;
	vm2 =	vmor vm3, vm0;
	vm3 =	vne.s32 v4, v13  }
0x78b: {  	v13 =	vld [tilespmem:s17+$0xFFFFFFE0];
	(xrf0) =	vmax.scan.msk.u32 vm2, v1;
	vm2 =	vmor vm3, vm0;
	vm3 =	vne.s32 v6, v14  }
0x78c: {  	v12 =	vld [tilespmem:s17+$0xFFFFFFD0];
	(xrf0) =	vmax.scan.msk.u32 vm2, v1;
	vm2 =	vmor vm3, vm0;
	vm3 =	vne.s32 v5, v16  }
0x78d: {  	v14 =	vld [tilespmem:s17+$0xFFFFFFF0];
	(xrf0) =	vmax.scan.msk.u32 vm2, v1;
	vm2 =	vmor vm3, vm0;
	vm3 =	vne.s32 v7, v17  }
0x78e: {  	vm4 =	vne.s32 v10, v11;
	(xrf0) =	vmax.scan.msk.u32 vm2, v1;
	vm2 =	vmor vm3, vm0;
	vm3 =	vne.s32 v8, v9  }
0x78f: {  	v18 =	vld [tilespmem:s17+$0x20];
	vm4 =	vmor vm4, vm1;
	v9, _, _ =	vpop (xrf0);
	(xrf0) =	vmax.scan.msk.u32 vm2, v1;
	vm2 =	vmor vm3, vm0  }
0x790: {  	v19 =	vld [tilespmem:s17+$0x30];
	vm3 =	vne.s32 v15, v13;
	v11, _, _ =	vpop (xrf0);
	(xrf0) =	vmax.scan.msk.u32 vm2, v1  }
0x791: {  	vm5 =	vne.s32 v4, v61;
	vm6 =	vne.s32 v6, v62;
	vm7 =	vmor vm3, vm1;
	v13, _, _ =	vpop (xrf0)  }
0x792: {  	vm2 =	vne.s32 v8, v12;
	vm3 =	vne.s32 v3, v14;
	v14 =	vsub.s32 v2, v9;
	v12, _, _ =	vpop (xrf0)  }
0x793: {  	v20 =	vsub.s32 v2, v11;
	vm8 =	vmor vm2, vm1;
	v11 =	vsub.s32 v2, v12;
	v12, _, _ =	vpop (xrf0)  }
0x794: {  	s17 =	simm.s32 $0x0;
	vm2 =	vmor vm3, vm1;
	vm3 =	vmor vm5, vm1;
	v9 =	vsub.s32 v2, v13;
	v13, _, _ =	vpop (xrf0)  }
0x795: {  	vm5 =	vne.s32 v5, v18;
	[tilespmem:v10+s17+$0x0] =	vst.idx.add.s32.msk vm4, v14;
	vm4 =	vmor vm6, vm1;
	vm6 =	vne.s32 v7, v19;
	v63, _, _ =	vpop (xrf0)  }
0x796: {  	vm5 =	vmor vm5, vm1;
	v12 =	vsub.s32 v2, v12;
	v13 =	vsub.s32 v2, v13;
	v10, _, _ =	vpop (xrf0)  }
0x797: {  	s18 =	simm.s32 $0x0;
	s20 =	simm.s32 $0x1A0C1;
	s19 =	simm.s32 $0x0;
	vm6 =	vmor vm6, vm1;
	v14 =	vsub.s32 v2, v63;
	[tilespmem:v15+s17+$0x0] =	vst.idx.add.s32.msk vm7, v20;
	v10 =	vsub.s32 v2, v10  }
.LBB2_87:
0x798: {  	v15 =	vld [tilespmem:s20+$0x3F];
	v16 =	vmovc v11;
	v17 =	vmovc v12;
	v18 =	vmov v13;
	v19 =	vmov v14;
	vm7 =	vmmov vm8  }
0x799: {  	s18 =	sadd.s32 $0x8, s18;
	v11 =	vld [tilespmem:s20+$0x3E]  }
0x79a: {  	p0 =	slt.u32 s18, $0x1E8;
	v12 =	vld [tilespmem:s20+$0xFFFFFFCE]  }
0x79b: {  	v20 =	vld [tilespmem:s20+$0xFFFFFFDF]  }
0x79c: {  	v13 =	vld [tilespmem:s20+$0x40]  }
0x79d: {  	v14 =	vld [tilespmem:s20+$0xFFFFFFDE]  }
0x79e: {  	v21 =	vld [tilespmem:s20+$0xFFFFFFEF];
	vm8 =	vne.s32 v15, v11  }
0x79f: {  	v11 =	vld [tilespmem:s20+$0xFFFFFFEE];
	vm8 =	vmor vm8, vm0  }
0x7a0: {  	v22 =	vld [tilespmem:s20+$0xFFFFFFFF];
	(xrf0) =	vmax.scan.msk.u32 vm8, v1  }
0x7a1: {  	v23 =	vld [tilespmem:s20+$0xFFFFFFFE];
	vm8 =	vne.s32 v15, v13  }
0x7a2: {  	vm9 =	vne.s32 v20, v14;
	v24 =	vld [tilespmem:s20+$0xF];
	vm8 =	vmor vm8, vm1  }
0x7a3: {  	vm9 =	vmor vm9, vm0;
	v13 =	vld [tilespmem:s20+$0xE]  }
0x7a4: {  	vm10 =	vne.s32 v21, v11;
	v25 =	vld [tilespmem:s20+$0x1F];
	(xrf0) =	vmax.scan.msk.u32 vm9, v1  }
0x7a5: {  	vm9 =	vmor vm10, vm0;
	v11 =	vld [tilespmem:s20+$0x1E]  }
0x7a6: {  	vm10 =	vne.s32 v22, v23;
	v23 =	vld [tilespmem:s20+$0x2F];
	(xrf0) =	vmax.scan.msk.u32 vm9, v1;
	v14, _, _ =	vpop (xrf0)  }
0x7a7: {  	vm9 =	vmor vm10, vm0;
	v26 =	vld [tilespmem:s20+$0x2E];
	v14 =	vsub.s32 v2, v14  }
0x7a8: {  	vm10 =	vne.s32 v24, v13;
	[tilespmem:v15+s17+$0x0] =	vst.idx.add.s32.msk vm8, v14;
	(xrf0) =	vmax.scan.msk.u32 vm9, v1  }
0x7a9: {  	v15 =	vld [tilespmem:s20+$0xFFFFFFCF];
	vm8 =	vmor vm10, vm0  }
0x7aa: {  	v13 =	vld [tilespmem:s20+$0xFFFFFFD0];
	vm9 =	vne.s32 v25, v11;
	v11, _, _ =	vpop (xrf0);
	(xrf0) =	vmax.scan.msk.u32 vm8, v1  }
0x7ab: {  	v14 =	vld [tilespmem:s20+$0xFFFFFFE0];
	v27 =	vsub.s32 v2, v11;
	vm8 =	vmor vm9, vm0  }
0x7ac: {  	v28 =	vld [tilespmem:s20+$0xFFFFFFF0];
	vm9 =	vne.s32 v23, v26;
	v11, _, _ =	vpop (xrf0);
	(xrf0) =	vmax.scan.msk.u32 vm8, v1  }
0x7ad: {  	v26 =	vsub.s32 v2, v11;
	v29 =	vld [tilespmem:s20+$0x0];
	vm8 =	vmor vm9, vm0  }
0x7ae: {  	vm9 =	vne.s32 v15, v12;
	v30 =	vld [tilespmem:s20+$0x10];
	v11, _, _ =	vpop (xrf0);
	(xrf0) =	vmax.scan.msk.u32 vm8, v1  }
0x7af: {  	vm9 =	vmor vm9, vm0;
	vm8 =	vne.s32 v15, v13;
	v11 =	vsub.s32 v2, v11;
	v31 =	vld [tilespmem:s20+$0x20]  }
0x7b0: {  	vm8 =	vmor vm8, vm1;
	vm10 =	vne.s32 v20, v14;
	v14 =	vld [tilespmem:s20+$0x30];
	(xrf0) =	vmax.scan.msk.u32 vm9, v1;
	v12, _, _ =	vpop (xrf0)  }
0x7b1: {  	vm9 =	vmor vm10, vm1;
	vm10 =	vne.s32 v21, v28;
	v12 =	vsub.s32 v2, v12;
	[tilespmem:v8+s19+$0x0] =	vst.idx.add.s32.msk vm7, v10  }
0x7b2: {  	vm7 =	vne.s32 v22, v29;
	v8, _, _ =	vpop (xrf0);
	[tilespmem:v3+s19+$0x0] =	vst.idx.add.s32.msk vm2, v9;
	vm2 =	vmor vm10, vm1;
	v3 =	vmov v21  }
.Ltmp46:
0x7b3: {  	vm10 =	vne.s32 v24, v30;
	v13 =	vsub.s32 v2, v8;
	[tilespmem:v4+s19+$0x0] =	vst.idx.add.s32.msk vm3, v16;
	vm3 =	vmor vm7, vm1;
	(pc) =	sbr.rel @p0 .LBB2_87-.Ltmp46, $4  }
0x7b4: {  	v4 =	vmov v22;
	vm7 =	vne.s32 v25, v31;
	v8, _, _ =	vpop (xrf0);
	[tilespmem:v6+s19+$0x0] =	vst.idx.add.s32.msk vm4, v17;
	vm4 =	vmor vm10, vm1  }
0x7b5: {  	vm10 =	vne.s32 v23, v14;
	v14 =	vsub.s32 v2, v8;
	[tilespmem:v5+s19+$0x0] =	vst.idx.add.s32.msk vm5, v18;
	vm5 =	vmor vm7, vm1  }
0x7b6: {  	v6 =	vmov v24;
	v5 =	vmov v25;
	v8, _, _ =	vpop (xrf0);
	[tilespmem:v7+s19+$0x0] =	vst.idx.add.s32.msk vm6, v19;
	vm6 =	vmor vm10, vm1;
	s19 =	smov.u32 s17  }
0x7b7: {  	s20 =	sadd.s32 $0x80, s20;
	v9 =	vmovc v26;
	v7 =	vmov v23;
	v10 =	vsub.s32 v2, v8;
	[tilespmem:v20+s19+$0x0] =	vst.idx.add.s32.msk vm9, v27;
	v8 =	vmov v15  }
0x7b8: {  	_ =	sdelay $0x4  }
0x7b9: {  	[tilespmem:v8+s19+$0x0] =	vst.idx.add.s32.msk vm8, v10  }
0x7ba: {  	[tilespmem:v3+s19+$0x0] =	vst.idx.add.s32.msk vm2, v9  }
0x7bb: {  	[tilespmem:v4+s19+$0x0] =	vst.idx.add.s32.msk vm3, v11  }
0x7bc: {  	[tilespmem:v6+s19+$0x0] =	vst.idx.add.s32.msk vm4, v12  }
0x7bd: {  	[tilespmem:v5+s19+$0x0] =	vst.idx.add.s32.msk vm5, v13  }
0x7be: {  	vm7 =	vmmov vm8;
	[tilespmem:v7+s19+$0x0] =	vst.idx.add.s32.msk vm6, v14  }
.LBB2_89:
0x7bf: {  	s18 =	sshra.s32 s17, $0x2  }
0x7c0: {  	v3 =	vld [tilespmem:s18+$0x1BF10]  }
0x7c1: {  	v4 =	vld [tilespmem:s18+$0x1BF0F];
	_ =	sdelay $0x2  }
0x7c2: {  	v5 =	vld [tilespmem:s18+$0x1BF11];
	_ =	sdelay $0x1  }
0x7c3: {  	vm2 =	vne.s32 v3, v4  }
0x7c4: {  	vm2 =	vmor vm2, vm0  }
0x7c5: {  	(xrf0) =	vmax.scan.msk.u32 vm2, v1  }
0x7c6: {  	vm2 =	vne.s32 v3, v5  }
0x7c7: {  	vm2 =	vmor vm2, vm1  }
0x7c8: {  	p0 =	sne.s32 s17, $0xC0  }
.Ltmp47:
0x7c9: {  	_ = 	snop;
	(pc) =	sbr.rel @p0 .LBB2_89-.Ltmp47, $4  }
0x7ca: {  	_ = 	snop  }
0x7cb: {  	v63, _, _ =	vpop (xrf0)  }
0x7cc: {  	v4 =	vsub.s32 v2, v63  }
0x7cd: {  	s17 =	sadd.s32 $0x40, s17;
	[tilespmem:v3+s3+$0x0] =	vst.idx.add.s32.msk vm2, v4  }
0x7ce: {  	[tilespmem:s5], [sflag:$0x1] =	stream.linear.gather [hbm4b:s31+s3], $0x1F40, $0x38;
	[tilespmem:$0x1F920] =	vst v63  }
0x7cf: {  	_ =	swait.ge [sflag:s10], $0x1F40  }
0x7d0: {  	[sflag:s10] =	ssyncset.done $0x0  }
0x7d1: {  	s17 =	simm.s32 $0x1BFA1;
	[sflag:s10] =	ssyncadd.s32 $0xFFFFE0C0  }
0x7d2: {  	v10 =	vld [tilespmem:s17+$0x3F]  }
0x7d3: {  	v7 =	vld [tilespmem:s17+$0x3E]  }
0x7d4: {  	v9 =	vld [tilespmem:s17+$0xFFFFFFCE]  }
0x7d5: {  	v15 =	vld [tilespmem:s17+$0xFFFFFFDF]  }
0x7d6: {  	v11 =	vld [tilespmem:s17+$0x40]  }
0x7d7: {  	v8 =	vld [tilespmem:s17+$0xFFFFFFDE]  }
0x7d8: {  	v3 =	vld [tilespmem:s17+$0xFFFFFFEF]  }
0x7d9: {  	v12 =	vld [tilespmem:s17+$0xFFFFFFEE]  }
0x7da: {  	v4 =	vld [tilespmem:s17+$0xFFFFFFFF]  }
0x7db: {  	v13 =	vld [tilespmem:s17+$0xFFFFFFFE]  }
0x7dc: {  	v6 =	vld [tilespmem:s17+$0xF]  }
0x7dd: {  	v14 =	vld [tilespmem:s17+$0xE]  }
0x7de: {  	v5 =	vld [tilespmem:s17+$0x1F]  }
0x7df: {  	v16 =	vld [tilespmem:s17+$0x1E]  }
0x7e0: {  	v17 =	vld [tilespmem:s17+$0x2E]  }
0x7e1: {  	v61 =	vld [tilespmem:s17+$0x0];
	vm2 =	vne.s32 v10, v7  }
0x7e2: {  	v7 =	vld [tilespmem:s17+$0x2F];
	vm3 =	vne.s32 v15, v8;
	vm2 =	vmor vm2, vm0  }
0x7e3: {  	v8 =	vld [tilespmem:s17+$0xFFFFFFCF];
	(xrf0) =	vmax.scan.msk.u32 vm2, v1;
	vm2 =	vmor vm3, vm0;
	vm3 =	vne.s32 v3, v12  }
0x7e4: {  	v62 =	vld [tilespmem:s17+$0x10];
	(xrf0) =	vmax.scan.msk.u32 vm2, v1;
	vm2 =	vmor vm3, vm0;
	vm3 =	vne.s32 v4, v13  }
0x7e5: {  	v13 =	vld [tilespmem:s17+$0xFFFFFFE0];
	(xrf0) =	vmax.scan.msk.u32 vm2, v1;
	vm2 =	vmor vm3, vm0;
	vm3 =	vne.s32 v6, v14  }
0x7e6: {  	v12 =	vld [tilespmem:s17+$0xFFFFFFD0];
	(xrf0) =	vmax.scan.msk.u32 vm2, v1;
	vm2 =	vmor vm3, vm0;
	vm3 =	vne.s32 v5, v16  }
0x7e7: {  	v14 =	vld [tilespmem:s17+$0xFFFFFFF0];
	(xrf0) =	vmax.scan.msk.u32 vm2, v1;
	vm2 =	vmor vm3, vm0;
	vm3 =	vne.s32 v7, v17  }
0x7e8: {  	vm4 =	vne.s32 v10, v11;
	(xrf0) =	vmax.scan.msk.u32 vm2, v1;
	vm2 =	vmor vm3, vm0;
	vm3 =	vne.s32 v8, v9  }
0x7e9: {  	v18 =	vld [tilespmem:s17+$0x20];
	vm4 =	vmor vm4, vm1;
	v9, _, _ =	vpop (xrf0);
	(xrf0) =	vmax.scan.msk.u32 vm2, v1;
	vm2 =	vmor vm3, vm0  }
0x7ea: {  	v19 =	vld [tilespmem:s17+$0x30];
	vm3 =	vne.s32 v15, v13;
	v11, _, _ =	vpop (xrf0);
	(xrf0) =	vmax.scan.msk.u32 vm2, v1  }
0x7eb: {  	vm5 =	vne.s32 v4, v61;
	vm6 =	vne.s32 v6, v62;
	vm7 =	vmor vm3, vm1;
	v13, _, _ =	vpop (xrf0)  }
0x7ec: {  	vm2 =	vne.s32 v8, v12;
	vm3 =	vne.s32 v3, v14;
	v14 =	vsub.s32 v2, v9;
	v12, _, _ =	vpop (xrf0)  }
0x7ed: {  	v20 =	vsub.s32 v2, v11;
	vm8 =	vmor vm2, vm1;
	v11 =	vsub.s32 v2, v12;
	v12, _, _ =	vpop (xrf0)  }
0x7ee: {  	s17 =	simm.s32 $0x0;
	vm2 =	vmor vm3, vm1;
	vm3 =	vmor vm5, vm1;
	v9 =	vsub.s32 v2, v13;
	v13, _, _ =	vpop (xrf0)  }
0x7ef: {  	vm5 =	vne.s32 v5, v18;
	[tilespmem:v10+s17+$0x0] =	vst.idx.add.s32.msk vm4, v14;
	vm4 =	vmor vm6, vm1;
	vm6 =	vne.s32 v7, v19;
	v63, _, _ =	vpop (xrf0)  }
0x7f0: {  	vm5 =	vmor vm5, vm1;
	v12 =	vsub.s32 v2, v12;
	v13 =	vsub.s32 v2, v13;
	v10, _, _ =	vpop (xrf0)  }
0x7f1: {  	s18 =	simm.s32 $0x0;
	s20 =	simm.s32 $0x1C021;
	s19 =	simm.s32 $0x0;
	vm6 =	vmor vm6, vm1;
	v14 =	vsub.s32 v2, v63;
	[tilespmem:v15+s17+$0x0] =	vst.idx.add.s32.msk vm7, v20;
	v10 =	vsub.s32 v2, v10  }
.LBB2_91:
0x7f2: {  	v15 =	vld [tilespmem:s20+$0x3F];
	v16 =	vmovc v11;
	v17 =	vmovc v12;
	v18 =	vmov v13;
	v19 =	vmov v14;
	vm7 =	vmmov vm8  }
0x7f3: {  	s18 =	sadd.s32 $0x8, s18;
	v11 =	vld [tilespmem:s20+$0x3E]  }
0x7f4: {  	p0 =	slt.u32 s18, $0x1E8;
	v12 =	vld [tilespmem:s20+$0xFFFFFFCE]  }
0x7f5: {  	v20 =	vld [tilespmem:s20+$0xFFFFFFDF]  }
0x7f6: {  	v13 =	vld [tilespmem:s20+$0x40]  }
0x7f7: {  	v14 =	vld [tilespmem:s20+$0xFFFFFFDE]  }
0x7f8: {  	v21 =	vld [tilespmem:s20+$0xFFFFFFEF];
	vm8 =	vne.s32 v15, v11  }
0x7f9: {  	v11 =	vld [tilespmem:s20+$0xFFFFFFEE];
	vm8 =	vmor vm8, vm0  }
0x7fa: {  	v22 =	vld [tilespmem:s20+$0xFFFFFFFF];
	(xrf0) =	vmax.scan.msk.u32 vm8, v1  }
0x7fb: {  	v23 =	vld [tilespmem:s20+$0xFFFFFFFE];
	vm8 =	vne.s32 v15, v13  }
0x7fc: {  	vm9 =	vne.s32 v20, v14;
	v24 =	vld [tilespmem:s20+$0xF];
	vm8 =	vmor vm8, vm1  }
0x7fd: {  	vm9 =	vmor vm9, vm0;
	v13 =	vld [tilespmem:s20+$0xE]  }
0x7fe: {  	vm10 =	vne.s32 v21, v11;
	v25 =	vld [tilespmem:s20+$0x1F];
	(xrf0) =	vmax.scan.msk.u32 vm9, v1  }
0x7ff: {  	vm9 =	vmor vm10, vm0;
	v11 =	vld [tilespmem:s20+$0x1E]  }
0x800: {  	vm10 =	vne.s32 v22, v23;
	v23 =	vld [tilespmem:s20+$0x2F];
	(xrf0) =	vmax.scan.msk.u32 vm9, v1;
	v14, _, _ =	vpop (xrf0)  }
0x801: {  	vm9 =	vmor vm10, vm0;
	v26 =	vld [tilespmem:s20+$0x2E];
	v14 =	vsub.s32 v2, v14  }
0x802: {  	vm10 =	vne.s32 v24, v13;
	[tilespmem:v15+s17+$0x0] =	vst.idx.add.s32.msk vm8, v14;
	(xrf0) =	vmax.scan.msk.u32 vm9, v1  }
0x803: {  	v15 =	vld [tilespmem:s20+$0xFFFFFFCF];
	vm8 =	vmor vm10, vm0  }
0x804: {  	v13 =	vld [tilespmem:s20+$0xFFFFFFD0];
	vm9 =	vne.s32 v25, v11;
	v11, _, _ =	vpop (xrf0);
	(xrf0) =	vmax.scan.msk.u32 vm8, v1  }
0x805: {  	v14 =	vld [tilespmem:s20+$0xFFFFFFE0];
	v27 =	vsub.s32 v2, v11;
	vm8 =	vmor vm9, vm0  }
0x806: {  	v28 =	vld [tilespmem:s20+$0xFFFFFFF0];
	vm9 =	vne.s32 v23, v26;
	v11, _, _ =	vpop (xrf0);
	(xrf0) =	vmax.scan.msk.u32 vm8, v1  }
0x807: {  	v26 =	vsub.s32 v2, v11;
	v29 =	vld [tilespmem:s20+$0x0];
	vm8 =	vmor vm9, vm0  }
0x808: {  	vm9 =	vne.s32 v15, v12;
	v30 =	vld [tilespmem:s20+$0x10];
	v11, _, _ =	vpop (xrf0);
	(xrf0) =	vmax.scan.msk.u32 vm8, v1  }
0x809: {  	vm9 =	vmor vm9, vm0;
	vm8 =	vne.s32 v15, v13;
	v11 =	vsub.s32 v2, v11;
	v31 =	vld [tilespmem:s20+$0x20]  }
0x80a: {  	vm8 =	vmor vm8, vm1;
	vm10 =	vne.s32 v20, v14;
	v14 =	vld [tilespmem:s20+$0x30];
	(xrf0) =	vmax.scan.msk.u32 vm9, v1;
	v12, _, _ =	vpop (xrf0)  }
0x80b: {  	vm9 =	vmor vm10, vm1;
	vm10 =	vne.s32 v21, v28;
	v12 =	vsub.s32 v2, v12;
	[tilespmem:v8+s19+$0x0] =	vst.idx.add.s32.msk vm7, v10  }
0x80c: {  	vm7 =	vne.s32 v22, v29;
	v8, _, _ =	vpop (xrf0);
	[tilespmem:v3+s19+$0x0] =	vst.idx.add.s32.msk vm2, v9;
	vm2 =	vmor vm10, vm1;
	v3 =	vmov v21  }
.Ltmp48:
0x80d: {  	vm10 =	vne.s32 v24, v30;
	v13 =	vsub.s32 v2, v8;
	[tilespmem:v4+s19+$0x0] =	vst.idx.add.s32.msk vm3, v16;
	vm3 =	vmor vm7, vm1;
	(pc) =	sbr.rel @p0 .LBB2_91-.Ltmp48, $4  }
0x80e: {  	v4 =	vmov v22;
	vm7 =	vne.s32 v25, v31;
	v8, _, _ =	vpop (xrf0);
	[tilespmem:v6+s19+$0x0] =	vst.idx.add.s32.msk vm4, v17;
	vm4 =	vmor vm10, vm1  }
0x80f: {  	vm10 =	vne.s32 v23, v14;
	v14 =	vsub.s32 v2, v8;
	[tilespmem:v5+s19+$0x0] =	vst.idx.add.s32.msk vm5, v18;
	vm5 =	vmor vm7, vm1  }
0x810: {  	v6 =	vmov v24;
	v5 =	vmov v25;
	v8, _, _ =	vpop (xrf0);
	[tilespmem:v7+s19+$0x0] =	vst.idx.add.s32.msk vm6, v19;
	vm6 =	vmor vm10, vm1;
	s19 =	smov.u32 s17  }
0x811: {  	s20 =	sadd.s32 $0x80, s20;
	v9 =	vmovc v26;
	v7 =	vmov v23;
	v10 =	vsub.s32 v2, v8;
	[tilespmem:v20+s19+$0x0] =	vst.idx.add.s32.msk vm9, v27;
	v8 =	vmov v15  }
0x812: {  	_ =	sdelay $0x4  }
0x813: {  	[tilespmem:v8+s19+$0x0] =	vst.idx.add.s32.msk vm8, v10  }
0x814: {  	[tilespmem:v3+s19+$0x0] =	vst.idx.add.s32.msk vm2, v9  }
0x815: {  	[tilespmem:v4+s19+$0x0] =	vst.idx.add.s32.msk vm3, v11  }
0x816: {  	[tilespmem:v6+s19+$0x0] =	vst.idx.add.s32.msk vm4, v12  }
0x817: {  	[tilespmem:v5+s19+$0x0] =	vst.idx.add.s32.msk vm5, v13  }
0x818: {  	vm7 =	vmmov vm8;
	[tilespmem:v7+s19+$0x0] =	vst.idx.add.s32.msk vm6, v14  }
.LBB2_93:
0x819: {  	s18 =	sshra.s32 s17, $0x2  }
0x81a: {  	v3 =	vld [tilespmem:s18+$0x1DE70]  }
0x81b: {  	v4 =	vld [tilespmem:s18+$0x1DE6F];
	_ =	sdelay $0x2  }
0x81c: {  	v5 =	vld [tilespmem:s18+$0x1DE71];
	_ =	sdelay $0x1  }
0x81d: {  	vm2 =	vne.s32 v3, v4  }
0x81e: {  	vm2 =	vmor vm2, vm0  }
0x81f: {  	(xrf0) =	vmax.scan.msk.u32 vm2, v1  }
0x820: {  	vm2 =	vne.s32 v3, v5  }
0x821: {  	vm2 =	vmor vm2, vm1  }
0x822: {  	p0 =	sne.s32 s17, $0xC0  }
.Ltmp49:
0x823: {  	_ = 	snop;
	(pc) =	sbr.rel @p0 .LBB2_93-.Ltmp49, $4  }
0x824: {  	_ = 	snop  }
0x825: {  	v63, _, _ =	vpop (xrf0)  }
0x826: {  	v4 =	vsub.s32 v2, v63  }
0x827: {  	s17 =	sadd.s32 $0x40, s17;
	[tilespmem:v3+s3+$0x0] =	vst.idx.add.s32.msk vm2, v4  }
0x828: {  	[tilespmem:s8], [sflag:$0x2] =	stream.linear.gather [hbm4b:s1+s3], $0x1F40, $0x38;
	[tilespmem:$0x1F920] =	vst v63  }
0x829: {  	_ =	swait.ge [sflag:s9], $0x1F40  }
0x82a: {  	[sflag:s9] =	ssyncset.done $0x0  }
0x82b: {  	s17 =	simm.s32 $0x1A041;
	[sflag:s9] =	ssyncadd.s32 $0xFFFFE0C0  }
0x82c: {  	v10 =	vld [tilespmem:s17+$0x3F]  }
0x82d: {  	v7 =	vld [tilespmem:s17+$0x3E]  }
0x82e: {  	v9 =	vld [tilespmem:s17+$0xFFFFFFCE]  }
0x82f: {  	v15 =	vld [tilespmem:s17+$0xFFFFFFDF]  }
0x830: {  	v11 =	vld [tilespmem:s17+$0x40]  }
0x831: {  	v8 =	vld [tilespmem:s17+$0xFFFFFFDE]  }
0x832: {  	v3 =	vld [tilespmem:s17+$0xFFFFFFEF]  }
0x833: {  	v12 =	vld [tilespmem:s17+$0xFFFFFFEE]  }
0x834: {  	v4 =	vld [tilespmem:s17+$0xFFFFFFFF]  }
0x835: {  	v13 =	vld [tilespmem:s17+$0xFFFFFFFE]  }
0x836: {  	v6 =	vld [tilespmem:s17+$0xF]  }
0x837: {  	v14 =	vld [tilespmem:s17+$0xE]  }
0x838: {  	v5 =	vld [tilespmem:s17+$0x1F]  }
0x839: {  	v16 =	vld [tilespmem:s17+$0x1E]  }
0x83a: {  	v17 =	vld [tilespmem:s17+$0x2E]  }
0x83b: {  	v61 =	vld [tilespmem:s17+$0x0];
	vm2 =	vne.s32 v10, v7  }
0x83c: {  	v7 =	vld [tilespmem:s17+$0x2F];
	vm3 =	vne.s32 v15, v8;
	vm2 =	vmor vm2, vm0  }
0x83d: {  	v8 =	vld [tilespmem:s17+$0xFFFFFFCF];
	(xrf0) =	vmax.scan.msk.u32 vm2, v1;
	vm2 =	vmor vm3, vm0;
	vm3 =	vne.s32 v3, v12  }
0x83e: {  	v62 =	vld [tilespmem:s17+$0x10];
	(xrf0) =	vmax.scan.msk.u32 vm2, v1;
	vm2 =	vmor vm3, vm0;
	vm3 =	vne.s32 v4, v13  }
0x83f: {  	v13 =	vld [tilespmem:s17+$0xFFFFFFE0];
	(xrf0) =	vmax.scan.msk.u32 vm2, v1;
	vm2 =	vmor vm3, vm0;
	vm3 =	vne.s32 v6, v14  }
0x840: {  	v12 =	vld [tilespmem:s17+$0xFFFFFFD0];
	(xrf0) =	vmax.scan.msk.u32 vm2, v1;
	vm2 =	vmor vm3, vm0;
	vm3 =	vne.s32 v5, v16  }
0x841: {  	v14 =	vld [tilespmem:s17+$0xFFFFFFF0];
	(xrf0) =	vmax.scan.msk.u32 vm2, v1;
	vm2 =	vmor vm3, vm0;
	vm3 =	vne.s32 v7, v17  }
0x842: {  	vm4 =	vne.s32 v10, v11;
	(xrf0) =	vmax.scan.msk.u32 vm2, v1;
	vm2 =	vmor vm3, vm0;
	vm3 =	vne.s32 v8, v9  }
0x843: {  	v18 =	vld [tilespmem:s17+$0x20];
	vm4 =	vmor vm4, vm1;
	v9, _, _ =	vpop (xrf0);
	(xrf0) =	vmax.scan.msk.u32 vm2, v1;
	vm2 =	vmor vm3, vm0  }
0x844: {  	v19 =	vld [tilespmem:s17+$0x30];
	vm3 =	vne.s32 v15, v13;
	v11, _, _ =	vpop (xrf0);
	(xrf0) =	vmax.scan.msk.u32 vm2, v1  }
0x845: {  	vm5 =	vne.s32 v4, v61;
	vm6 =	vne.s32 v6, v62;
	vm7 =	vmor vm3, vm1;
	v13, _, _ =	vpop (xrf0)  }
0x846: {  	vm2 =	vne.s32 v8, v12;
	vm3 =	vne.s32 v3, v14;
	v14 =	vsub.s32 v2, v9;
	v12, _, _ =	vpop (xrf0)  }
0x847: {  	v20 =	vsub.s32 v2, v11;
	vm8 =	vmor vm2, vm1;
	v11 =	vsub.s32 v2, v12;
	v12, _, _ =	vpop (xrf0)  }
0x848: {  	s17 =	simm.s32 $0x0;
	vm2 =	vmor vm3, vm1;
	vm3 =	vmor vm5, vm1;
	v9 =	vsub.s32 v2, v13;
	v13, _, _ =	vpop (xrf0)  }
0x849: {  	vm5 =	vne.s32 v5, v18;
	[tilespmem:v10+s17+$0x0] =	vst.idx.add.s32.msk vm4, v14;
	vm4 =	vmor vm6, vm1;
	vm6 =	vne.s32 v7, v19;
	v63, _, _ =	vpop (xrf0)  }
0x84a: {  	vm5 =	vmor vm5, vm1;
	v12 =	vsub.s32 v2, v12;
	v13 =	vsub.s32 v2, v13;
	v10, _, _ =	vpop (xrf0)  }
0x84b: {  	s18 =	simm.s32 $0x0;
	s20 =	simm.s32 $0x1A0C1;
	s19 =	simm.s32 $0x0;
	vm6 =	vmor vm6, vm1;
	v14 =	vsub.s32 v2, v63;
	[tilespmem:v15+s17+$0x0] =	vst.idx.add.s32.msk vm7, v20;
	v10 =	vsub.s32 v2, v10  }
.LBB2_95:
0x84c: {  	v15 =	vld [tilespmem:s20+$0x3F];
	v16 =	vmovc v11;
	v17 =	vmovc v12;
	v18 =	vmov v13;
	v19 =	vmov v14;
	vm7 =	vmmov vm8  }
0x84d: {  	s18 =	sadd.s32 $0x8, s18;
	v11 =	vld [tilespmem:s20+$0x3E]  }
0x84e: {  	p0 =	slt.u32 s18, $0x1E8;
	v12 =	vld [tilespmem:s20+$0xFFFFFFCE]  }
0x84f: {  	v20 =	vld [tilespmem:s20+$0xFFFFFFDF]  }
0x850: {  	v13 =	vld [tilespmem:s20+$0x40]  }
0x851: {  	v14 =	vld [tilespmem:s20+$0xFFFFFFDE]  }
0x852: {  	v21 =	vld [tilespmem:s20+$0xFFFFFFEF];
	vm8 =	vne.s32 v15, v11  }
0x853: {  	v11 =	vld [tilespmem:s20+$0xFFFFFFEE];
	vm8 =	vmor vm8, vm0  }
0x854: {  	v22 =	vld [tilespmem:s20+$0xFFFFFFFF];
	(xrf0) =	vmax.scan.msk.u32 vm8, v1  }
0x855: {  	v23 =	vld [tilespmem:s20+$0xFFFFFFFE];
	vm8 =	vne.s32 v15, v13  }
0x856: {  	vm9 =	vne.s32 v20, v14;
	v24 =	vld [tilespmem:s20+$0xF];
	vm8 =	vmor vm8, vm1  }
0x857: {  	vm9 =	vmor vm9, vm0;
	v13 =	vld [tilespmem:s20+$0xE]  }
0x858: {  	vm10 =	vne.s32 v21, v11;
	v25 =	vld [tilespmem:s20+$0x1F];
	(xrf0) =	vmax.scan.msk.u32 vm9, v1  }
0x859: {  	vm9 =	vmor vm10, vm0;
	v11 =	vld [tilespmem:s20+$0x1E]  }
0x85a: {  	vm10 =	vne.s32 v22, v23;
	v23 =	vld [tilespmem:s20+$0x2F];
	(xrf0) =	vmax.scan.msk.u32 vm9, v1;
	v14, _, _ =	vpop (xrf0)  }
0x85b: {  	vm9 =	vmor vm10, vm0;
	v26 =	vld [tilespmem:s20+$0x2E];
	v14 =	vsub.s32 v2, v14  }
0x85c: {  	vm10 =	vne.s32 v24, v13;
	[tilespmem:v15+s17+$0x0] =	vst.idx.add.s32.msk vm8, v14;
	(xrf0) =	vmax.scan.msk.u32 vm9, v1  }
0x85d: {  	v15 =	vld [tilespmem:s20+$0xFFFFFFCF];
	vm8 =	vmor vm10, vm0  }
0x85e: {  	v13 =	vld [tilespmem:s20+$0xFFFFFFD0];
	vm9 =	vne.s32 v25, v11;
	v11, _, _ =	vpop (xrf0);
	(xrf0) =	vmax.scan.msk.u32 vm8, v1  }
0x85f: {  	v14 =	vld [tilespmem:s20+$0xFFFFFFE0];
	v27 =	vsub.s32 v2, v11;
	vm8 =	vmor vm9, vm0  }
0x860: {  	v28 =	vld [tilespmem:s20+$0xFFFFFFF0];
	vm9 =	vne.s32 v23, v26;
	v11, _, _ =	vpop (xrf0);
	(xrf0) =	vmax.scan.msk.u32 vm8, v1  }
0x861: {  	v26 =	vsub.s32 v2, v11;
	v29 =	vld [tilespmem:s20+$0x0];
	vm8 =	vmor vm9, vm0  }
0x862: {  	vm9 =	vne.s32 v15, v12;
	v30 =	vld [tilespmem:s20+$0x10];
	v11, _, _ =	vpop (xrf0);
	(xrf0) =	vmax.scan.msk.u32 vm8, v1  }
0x863: {  	vm9 =	vmor vm9, vm0;
	vm8 =	vne.s32 v15, v13;
	v11 =	vsub.s32 v2, v11;
	v31 =	vld [tilespmem:s20+$0x20]  }
0x864: {  	vm8 =	vmor vm8, vm1;
	vm10 =	vne.s32 v20, v14;
	v14 =	vld [tilespmem:s20+$0x30];
	(xrf0) =	vmax.scan.msk.u32 vm9, v1;
	v12, _, _ =	vpop (xrf0)  }
0x865: {  	vm9 =	vmor vm10, vm1;
	vm10 =	vne.s32 v21, v28;
	v12 =	vsub.s32 v2, v12;
	[tilespmem:v8+s19+$0x0] =	vst.idx.add.s32.msk vm7, v10  }
0x866: {  	vm7 =	vne.s32 v22, v29;
	v8, _, _ =	vpop (xrf0);
	[tilespmem:v3+s19+$0x0] =	vst.idx.add.s32.msk vm2, v9;
	vm2 =	vmor vm10, vm1;
	v3 =	vmov v21  }
.Ltmp50:
0x867: {  	vm10 =	vne.s32 v24, v30;
	v13 =	vsub.s32 v2, v8;
	[tilespmem:v4+s19+$0x0] =	vst.idx.add.s32.msk vm3, v16;
	vm3 =	vmor vm7, vm1;
	(pc) =	sbr.rel @p0 .LBB2_95-.Ltmp50, $4  }
0x868: {  	v4 =	vmov v22;
	vm7 =	vne.s32 v25, v31;
	v8, _, _ =	vpop (xrf0);
	[tilespmem:v6+s19+$0x0] =	vst.idx.add.s32.msk vm4, v17;
	vm4 =	vmor vm10, vm1  }
0x869: {  	vm10 =	vne.s32 v23, v14;
	v14 =	vsub.s32 v2, v8;
	[tilespmem:v5+s19+$0x0] =	vst.idx.add.s32.msk vm5, v18;
	vm5 =	vmor vm7, vm1  }
0x86a: {  	v6 =	vmov v24;
	v5 =	vmov v25;
	v8, _, _ =	vpop (xrf0);
	[tilespmem:v7+s19+$0x0] =	vst.idx.add.s32.msk vm6, v19;
	vm6 =	vmor vm10, vm1;
	s19 =	smov.u32 s17  }
0x86b: {  	s20 =	sadd.s32 $0x80, s20;
	v9 =	vmovc v26;
	v7 =	vmov v23;
	v10 =	vsub.s32 v2, v8;
	[tilespmem:v20+s19+$0x0] =	vst.idx.add.s32.msk vm9, v27;
	v8 =	vmov v15  }
0x86c: {  	_ =	sdelay $0x4  }
0x86d: {  	[tilespmem:v8+s19+$0x0] =	vst.idx.add.s32.msk vm8, v10  }
0x86e: {  	[tilespmem:v3+s19+$0x0] =	vst.idx.add.s32.msk vm2, v9  }
0x86f: {  	[tilespmem:v4+s19+$0x0] =	vst.idx.add.s32.msk vm3, v11  }
0x870: {  	[tilespmem:v6+s19+$0x0] =	vst.idx.add.s32.msk vm4, v12  }
0x871: {  	[tilespmem:v5+s19+$0x0] =	vst.idx.add.s32.msk vm5, v13  }
0x872: {  	vm7 =	vmmov vm8;
	[tilespmem:v7+s19+$0x0] =	vst.idx.add.s32.msk vm6, v14  }
.LBB2_97:
0x873: {  	s18 =	sshra.s32 s17, $0x2  }
0x874: {  	v3 =	vld [tilespmem:s18+$0x1BF10]  }
0x875: {  	v4 =	vld [tilespmem:s18+$0x1BF0F];
	_ =	sdelay $0x2  }
0x876: {  	v5 =	vld [tilespmem:s18+$0x1BF11];
	_ =	sdelay $0x1  }
0x877: {  	vm2 =	vne.s32 v3, v4  }
0x878: {  	vm2 =	vmor vm2, vm0  }
0x879: {  	(xrf0) =	vmax.scan.msk.u32 vm2, v1  }
0x87a: {  	vm2 =	vne.s32 v3, v5  }
0x87b: {  	vm2 =	vmor vm2, vm1  }
0x87c: {  	p0 =	sne.s32 s17, $0xC0  }
.Ltmp51:
0x87d: {  	_ = 	snop;
	(pc) =	sbr.rel @p0 .LBB2_97-.Ltmp51, $4  }
0x87e: {  	_ = 	snop  }
0x87f: {  	v63, _, _ =	vpop (xrf0)  }
0x880: {  	v4 =	vsub.s32 v2, v63  }
0x881: {  	s17 =	sadd.s32 $0x40, s17;
	[tilespmem:v3+s3+$0x0] =	vst.idx.add.s32.msk vm2, v4  }
0x882: {  	[tilespmem:s5], [sflag:$0x1] =	stream.linear.gather [hbm4b:s0+s3], $0x1F40, $0x38;
	[tilespmem:$0x1F920] =	vst v63  }
0x883: {  	_ =	swait.ge [sflag:s10], $0x1F40  }
0x884: {  	[sflag:s10] =	ssyncset.done $0x0  }
0x885: {  	s17 =	simm.s32 $0x1BFA1;
	[sflag:s10] =	ssyncadd.s32 $0xFFFFE0C0  }
0x886: {  	v10 =	vld [tilespmem:s17+$0x3F]  }
0x887: {  	v7 =	vld [tilespmem:s17+$0x3E]  }
0x888: {  	v9 =	vld [tilespmem:s17+$0xFFFFFFCE]  }
0x889: {  	v15 =	vld [tilespmem:s17+$0xFFFFFFDF]  }
0x88a: {  	v11 =	vld [tilespmem:s17+$0x40]  }
0x88b: {  	v8 =	vld [tilespmem:s17+$0xFFFFFFDE]  }
0x88c: {  	v3 =	vld [tilespmem:s17+$0xFFFFFFEF]  }
0x88d: {  	v12 =	vld [tilespmem:s17+$0xFFFFFFEE]  }
0x88e: {  	v4 =	vld [tilespmem:s17+$0xFFFFFFFF]  }
0x88f: {  	v13 =	vld [tilespmem:s17+$0xFFFFFFFE]  }
0x890: {  	v6 =	vld [tilespmem:s17+$0xF]  }
0x891: {  	v14 =	vld [tilespmem:s17+$0xE]  }
0x892: {  	v5 =	vld [tilespmem:s17+$0x1F]  }
0x893: {  	v16 =	vld [tilespmem:s17+$0x1E]  }
0x894: {  	v17 =	vld [tilespmem:s17+$0x2E]  }
0x895: {  	v61 =	vld [tilespmem:s17+$0x0];
	vm2 =	vne.s32 v10, v7  }
0x896: {  	v7 =	vld [tilespmem:s17+$0x2F];
	vm3 =	vne.s32 v15, v8;
	vm2 =	vmor vm2, vm0  }
0x897: {  	v8 =	vld [tilespmem:s17+$0xFFFFFFCF];
	(xrf0) =	vmax.scan.msk.u32 vm2, v1;
	vm2 =	vmor vm3, vm0;
	vm3 =	vne.s32 v3, v12  }
0x898: {  	v62 =	vld [tilespmem:s17+$0x10];
	(xrf0) =	vmax.scan.msk.u32 vm2, v1;
	vm2 =	vmor vm3, vm0;
	vm3 =	vne.s32 v4, v13  }
0x899: {  	v13 =	vld [tilespmem:s17+$0xFFFFFFE0];
	(xrf0) =	vmax.scan.msk.u32 vm2, v1;
	vm2 =	vmor vm3, vm0;
	vm3 =	vne.s32 v6, v14  }
0x89a: {  	v12 =	vld [tilespmem:s17+$0xFFFFFFD0];
	(xrf0) =	vmax.scan.msk.u32 vm2, v1;
	vm2 =	vmor vm3, vm0;
	vm3 =	vne.s32 v5, v16  }
0x89b: {  	v14 =	vld [tilespmem:s17+$0xFFFFFFF0];
	(xrf0) =	vmax.scan.msk.u32 vm2, v1;
	vm2 =	vmor vm3, vm0;
	vm3 =	vne.s32 v7, v17  }
0x89c: {  	vm4 =	vne.s32 v10, v11;
	(xrf0) =	vmax.scan.msk.u32 vm2, v1;
	vm2 =	vmor vm3, vm0;
	vm3 =	vne.s32 v8, v9  }
0x89d: {  	v18 =	vld [tilespmem:s17+$0x20];
	vm4 =	vmor vm4, vm1;
	v9, _, _ =	vpop (xrf0);
	(xrf0) =	vmax.scan.msk.u32 vm2, v1;
	vm2 =	vmor vm3, vm0  }
0x89e: {  	v19 =	vld [tilespmem:s17+$0x30];
	vm3 =	vne.s32 v15, v13;
	v11, _, _ =	vpop (xrf0);
	(xrf0) =	vmax.scan.msk.u32 vm2, v1  }
0x89f: {  	vm5 =	vne.s32 v4, v61;
	vm6 =	vne.s32 v6, v62;
	vm7 =	vmor vm3, vm1;
	v13, _, _ =	vpop (xrf0)  }
0x8a0: {  	vm2 =	vne.s32 v8, v12;
	vm3 =	vne.s32 v3, v14;
	v14 =	vsub.s32 v2, v9;
	v12, _, _ =	vpop (xrf0)  }
0x8a1: {  	v20 =	vsub.s32 v2, v11;
	vm8 =	vmor vm2, vm1;
	v11 =	vsub.s32 v2, v12;
	v12, _, _ =	vpop (xrf0)  }
0x8a2: {  	s17 =	simm.s32 $0x0;
	vm2 =	vmor vm3, vm1;
	vm3 =	vmor vm5, vm1;
	v9 =	vsub.s32 v2, v13;
	v13, _, _ =	vpop (xrf0)  }
0x8a3: {  	vm5 =	vne.s32 v5, v18;
	[tilespmem:v10+s17+$0x0] =	vst.idx.add.s32.msk vm4, v14;
	vm4 =	vmor vm6, vm1;
	vm6 =	vne.s32 v7, v19;
	v63, _, _ =	vpop (xrf0)  }
0x8a4: {  	vm5 =	vmor vm5, vm1;
	v12 =	vsub.s32 v2, v12;
	v13 =	vsub.s32 v2, v13;
	v10, _, _ =	vpop (xrf0)  }
0x8a5: {  	s18 =	simm.s32 $0x0;
	s20 =	simm.s32 $0x1C021;
	s19 =	simm.s32 $0x0;
	vm6 =	vmor vm6, vm1;
	v14 =	vsub.s32 v2, v63;
	[tilespmem:v15+s17+$0x0] =	vst.idx.add.s32.msk vm7, v20;
	v10 =	vsub.s32 v2, v10  }
.LBB2_99:
0x8a6: {  	v15 =	vld [tilespmem:s20+$0x3F];
	v16 =	vmovc v11;
	v17 =	vmovc v12;
	v18 =	vmov v13;
	v19 =	vmov v14;
	vm7 =	vmmov vm8  }
0x8a7: {  	s18 =	sadd.s32 $0x8, s18;
	v11 =	vld [tilespmem:s20+$0x3E]  }
0x8a8: {  	p0 =	slt.u32 s18, $0x1E8;
	v12 =	vld [tilespmem:s20+$0xFFFFFFCE]  }
0x8a9: {  	v20 =	vld [tilespmem:s20+$0xFFFFFFDF]  }
0x8aa: {  	v13 =	vld [tilespmem:s20+$0x40]  }
0x8ab: {  	v14 =	vld [tilespmem:s20+$0xFFFFFFDE]  }
0x8ac: {  	v21 =	vld [tilespmem:s20+$0xFFFFFFEF];
	vm8 =	vne.s32 v15, v11  }
0x8ad: {  	v11 =	vld [tilespmem:s20+$0xFFFFFFEE];
	vm8 =	vmor vm8, vm0  }
0x8ae: {  	v22 =	vld [tilespmem:s20+$0xFFFFFFFF];
	(xrf0) =	vmax.scan.msk.u32 vm8, v1  }
0x8af: {  	v23 =	vld [tilespmem:s20+$0xFFFFFFFE];
	vm8 =	vne.s32 v15, v13  }
0x8b0: {  	vm9 =	vne.s32 v20, v14;
	v24 =	vld [tilespmem:s20+$0xF];
	vm8 =	vmor vm8, vm1  }
0x8b1: {  	vm9 =	vmor vm9, vm0;
	v13 =	vld [tilespmem:s20+$0xE]  }
0x8b2: {  	vm10 =	vne.s32 v21, v11;
	v25 =	vld [tilespmem:s20+$0x1F];
	(xrf0) =	vmax.scan.msk.u32 vm9, v1  }
0x8b3: {  	vm9 =	vmor vm10, vm0;
	v11 =	vld [tilespmem:s20+$0x1E]  }
0x8b4: {  	vm10 =	vne.s32 v22, v23;
	v23 =	vld [tilespmem:s20+$0x2F];
	(xrf0) =	vmax.scan.msk.u32 vm9, v1;
	v14, _, _ =	vpop (xrf0)  }
0x8b5: {  	vm9 =	vmor vm10, vm0;
	v26 =	vld [tilespmem:s20+$0x2E];
	v14 =	vsub.s32 v2, v14  }
0x8b6: {  	vm10 =	vne.s32 v24, v13;
	[tilespmem:v15+s17+$0x0] =	vst.idx.add.s32.msk vm8, v14;
	(xrf0) =	vmax.scan.msk.u32 vm9, v1  }
0x8b7: {  	v15 =	vld [tilespmem:s20+$0xFFFFFFCF];
	vm8 =	vmor vm10, vm0  }
0x8b8: {  	v13 =	vld [tilespmem:s20+$0xFFFFFFD0];
	vm9 =	vne.s32 v25, v11;
	v11, _, _ =	vpop (xrf0);
	(xrf0) =	vmax.scan.msk.u32 vm8, v1  }
0x8b9: {  	v14 =	vld [tilespmem:s20+$0xFFFFFFE0];
	v27 =	vsub.s32 v2, v11;
	vm8 =	vmor vm9, vm0  }
0x8ba: {  	v28 =	vld [tilespmem:s20+$0xFFFFFFF0];
	vm9 =	vne.s32 v23, v26;
	v11, _, _ =	vpop (xrf0);
	(xrf0) =	vmax.scan.msk.u32 vm8, v1  }
0x8bb: {  	v26 =	vsub.s32 v2, v11;
	v29 =	vld [tilespmem:s20+$0x0];
	vm8 =	vmor vm9, vm0  }
0x8bc: {  	vm9 =	vne.s32 v15, v12;
	v30 =	vld [tilespmem:s20+$0x10];
	v11, _, _ =	vpop (xrf0);
	(xrf0) =	vmax.scan.msk.u32 vm8, v1  }
0x8bd: {  	vm9 =	vmor vm9, vm0;
	vm8 =	vne.s32 v15, v13;
	v11 =	vsub.s32 v2, v11;
	v31 =	vld [tilespmem:s20+$0x20]  }
0x8be: {  	vm8 =	vmor vm8, vm1;
	vm10 =	vne.s32 v20, v14;
	v14 =	vld [tilespmem:s20+$0x30];
	(xrf0) =	vmax.scan.msk.u32 vm9, v1;
	v12, _, _ =	vpop (xrf0)  }
0x8bf: {  	vm9 =	vmor vm10, vm1;
	vm10 =	vne.s32 v21, v28;
	v12 =	vsub.s32 v2, v12;
	[tilespmem:v8+s19+$0x0] =	vst.idx.add.s32.msk vm7, v10  }
0x8c0: {  	vm7 =	vne.s32 v22, v29;
	v8, _, _ =	vpop (xrf0);
	[tilespmem:v3+s19+$0x0] =	vst.idx.add.s32.msk vm2, v9;
	vm2 =	vmor vm10, vm1;
	v3 =	vmov v21  }
.Ltmp52:
0x8c1: {  	vm10 =	vne.s32 v24, v30;
	v13 =	vsub.s32 v2, v8;
	[tilespmem:v4+s19+$0x0] =	vst.idx.add.s32.msk vm3, v16;
	vm3 =	vmor vm7, vm1;
	(pc) =	sbr.rel @p0 .LBB2_99-.Ltmp52, $4  }
0x8c2: {  	v4 =	vmov v22;
	vm7 =	vne.s32 v25, v31;
	v8, _, _ =	vpop (xrf0);
	[tilespmem:v6+s19+$0x0] =	vst.idx.add.s32.msk vm4, v17;
	vm4 =	vmor vm10, vm1  }
0x8c3: {  	vm10 =	vne.s32 v23, v14;
	v14 =	vsub.s32 v2, v8;
	[tilespmem:v5+s19+$0x0] =	vst.idx.add.s32.msk vm5, v18;
	vm5 =	vmor vm7, vm1  }
0x8c4: {  	v6 =	vmov v24;
	v5 =	vmov v25;
	v8, _, _ =	vpop (xrf0);
	[tilespmem:v7+s19+$0x0] =	vst.idx.add.s32.msk vm6, v19;
	vm6 =	vmor vm10, vm1;
	s19 =	smov.u32 s17  }
0x8c5: {  	s20 =	sadd.s32 $0x80, s20;
	v9 =	vmovc v26;
	v7 =	vmov v23;
	v10 =	vsub.s32 v2, v8;
	[tilespmem:v20+s19+$0x0] =	vst.idx.add.s32.msk vm9, v27;
	v8 =	vmov v15  }
0x8c6: {  	_ =	sdelay $0x4  }
0x8c7: {  	[tilespmem:v8+s19+$0x0] =	vst.idx.add.s32.msk vm8, v10  }
0x8c8: {  	[tilespmem:v3+s19+$0x0] =	vst.idx.add.s32.msk vm2, v9  }
0x8c9: {  	[tilespmem:v4+s19+$0x0] =	vst.idx.add.s32.msk vm3, v11  }
0x8ca: {  	[tilespmem:v6+s19+$0x0] =	vst.idx.add.s32.msk vm4, v12  }
0x8cb: {  	[tilespmem:v5+s19+$0x0] =	vst.idx.add.s32.msk vm5, v13  }
0x8cc: {  	vm7 =	vmmov vm8;
	[tilespmem:v7+s19+$0x0] =	vst.idx.add.s32.msk vm6, v14  }
.LBB2_101:
0x8cd: {  	s18 =	sshra.s32 s17, $0x2  }
0x8ce: {  	v3 =	vld [tilespmem:s18+$0x1DE70]  }
0x8cf: {  	v4 =	vld [tilespmem:s18+$0x1DE6F];
	_ =	sdelay $0x2  }
0x8d0: {  	v5 =	vld [tilespmem:s18+$0x1DE71];
	_ =	sdelay $0x1  }
0x8d1: {  	vm2 =	vne.s32 v3, v4  }
0x8d2: {  	vm2 =	vmor vm2, vm0  }
0x8d3: {  	(xrf0) =	vmax.scan.msk.u32 vm2, v1  }
0x8d4: {  	vm2 =	vne.s32 v3, v5  }
0x8d5: {  	vm2 =	vmor vm2, vm1  }
0x8d6: {  	p0 =	sne.s32 s17, $0xC0  }
.Ltmp53:
0x8d7: {  	_ = 	snop;
	(pc) =	sbr.rel @p0 .LBB2_101-.Ltmp53, $4  }
0x8d8: {  	_ = 	snop  }
0x8d9: {  	v63, _, _ =	vpop (xrf0)  }
0x8da: {  	v4 =	vsub.s32 v2, v63  }
0x8db: {  	s17 =	sadd.s32 $0x40, s17;
	[tilespmem:v3+s3+$0x0] =	vst.idx.add.s32.msk vm2, v4  }
0x8dc: {  	_ =	swait.ge [sflag:s9], $0x1F40  }
0x8dd: {  	[sflag:s9] =	ssyncset.done $0x0  }
0x8de: {  	s17 =	simm.s32 $0x1A041;
	[sflag:s9] =	ssyncadd.s32 $0xFFFFE0C0  }
0x8df: {  	v10 =	vld [tilespmem:s17+$0x3F]  }
0x8e0: {  	v7 =	vld [tilespmem:s17+$0x3E]  }
0x8e1: {  	v9 =	vld [tilespmem:s17+$0xFFFFFFCE]  }
0x8e2: {  	v15 =	vld [tilespmem:s17+$0xFFFFFFDF]  }
0x8e3: {  	v11 =	vld [tilespmem:s17+$0x40]  }
0x8e4: {  	v8 =	vld [tilespmem:s17+$0xFFFFFFDE]  }
0x8e5: {  	v3 =	vld [tilespmem:s17+$0xFFFFFFEF]  }
0x8e6: {  	v12 =	vld [tilespmem:s17+$0xFFFFFFEE]  }
0x8e7: {  	v4 =	vld [tilespmem:s17+$0xFFFFFFFF]  }
0x8e8: {  	v13 =	vld [tilespmem:s17+$0xFFFFFFFE]  }
0x8e9: {  	v6 =	vld [tilespmem:s17+$0xF]  }
0x8ea: {  	v14 =	vld [tilespmem:s17+$0xE]  }
0x8eb: {  	v5 =	vld [tilespmem:s17+$0x1F]  }
0x8ec: {  	v16 =	vld [tilespmem:s17+$0x1E]  }
0x8ed: {  	v17 =	vld [tilespmem:s17+$0x2E]  }
0x8ee: {  	v61 =	vld [tilespmem:s17+$0x0];
	vm2 =	vne.s32 v10, v7  }
0x8ef: {  	v7 =	vld [tilespmem:s17+$0x2F];
	vm3 =	vne.s32 v15, v8;
	vm2 =	vmor vm2, vm0  }
0x8f0: {  	v8 =	vld [tilespmem:s17+$0xFFFFFFCF];
	(xrf0) =	vmax.scan.msk.u32 vm2, v1;
	vm2 =	vmor vm3, vm0;
	vm3 =	vne.s32 v3, v12  }
0x8f1: {  	v62 =	vld [tilespmem:s17+$0x10];
	(xrf0) =	vmax.scan.msk.u32 vm2, v1;
	vm2 =	vmor vm3, vm0;
	vm3 =	vne.s32 v4, v13  }
0x8f2: {  	v13 =	vld [tilespmem:s17+$0xFFFFFFE0];
	(xrf0) =	vmax.scan.msk.u32 vm2, v1;
	vm2 =	vmor vm3, vm0;
	vm3 =	vne.s32 v6, v14  }
0x8f3: {  	v12 =	vld [tilespmem:s17+$0xFFFFFFD0];
	(xrf0) =	vmax.scan.msk.u32 vm2, v1;
	vm2 =	vmor vm3, vm0;
	vm3 =	vne.s32 v5, v16  }
0x8f4: {  	v14 =	vld [tilespmem:s17+$0xFFFFFFF0];
	(xrf0) =	vmax.scan.msk.u32 vm2, v1;
	vm2 =	vmor vm3, vm0;
	vm3 =	vne.s32 v7, v17  }
0x8f5: {  	vm4 =	vne.s32 v10, v11;
	(xrf0) =	vmax.scan.msk.u32 vm2, v1;
	vm2 =	vmor vm3, vm0;
	vm3 =	vne.s32 v8, v9  }
0x8f6: {  	v18 =	vld [tilespmem:s17+$0x20];
	vm4 =	vmor vm4, vm1;
	v9, _, _ =	vpop (xrf0);
	(xrf0) =	vmax.scan.msk.u32 vm2, v1;
	vm2 =	vmor vm3, vm0  }
0x8f7: {  	v19 =	vld [tilespmem:s17+$0x30];
	vm3 =	vne.s32 v15, v13;
	v11, _, _ =	vpop (xrf0);
	(xrf0) =	vmax.scan.msk.u32 vm2, v1  }
0x8f8: {  	vm5 =	vne.s32 v4, v61;
	vm6 =	vne.s32 v6, v62;
	vm7 =	vmor vm3, vm1;
	v13, _, _ =	vpop (xrf0)  }
0x8f9: {  	vm2 =	vne.s32 v8, v12;
	vm3 =	vne.s32 v3, v14;
	v14 =	vsub.s32 v2, v9;
	v12, _, _ =	vpop (xrf0)  }
0x8fa: {  	v20 =	vsub.s32 v2, v11;
	vm8 =	vmor vm2, vm1;
	v11 =	vsub.s32 v2, v12;
	v12, _, _ =	vpop (xrf0)  }
0x8fb: {  	s17 =	simm.s32 $0x0;
	vm2 =	vmor vm3, vm1;
	vm3 =	vmor vm5, vm1;
	v9 =	vsub.s32 v2, v13;
	v13, _, _ =	vpop (xrf0)  }
0x8fc: {  	vm5 =	vne.s32 v5, v18;
	[tilespmem:v10+s17+$0x0] =	vst.idx.add.s32.msk vm4, v14;
	vm4 =	vmor vm6, vm1;
	vm6 =	vne.s32 v7, v19;
	v63, _, _ =	vpop (xrf0)  }
0x8fd: {  	vm5 =	vmor vm5, vm1;
	v12 =	vsub.s32 v2, v12;
	v13 =	vsub.s32 v2, v13;
	v10, _, _ =	vpop (xrf0)  }
0x8fe: {  	s18 =	simm.s32 $0x0;
	s20 =	simm.s32 $0x1A0C1;
	s19 =	simm.s32 $0x0;
	vm6 =	vmor vm6, vm1;
	v14 =	vsub.s32 v2, v63;
	[tilespmem:v15+s17+$0x0] =	vst.idx.add.s32.msk vm7, v20;
	v10 =	vsub.s32 v2, v10  }
.LBB2_103:
0x8ff: {  	v15 =	vld [tilespmem:s20+$0x3F];
	v16 =	vmovc v11;
	v17 =	vmovc v12;
	v18 =	vmov v13;
	v19 =	vmov v14;
	vm7 =	vmmov vm8  }
0x900: {  	s18 =	sadd.s32 $0x8, s18;
	v11 =	vld [tilespmem:s20+$0x3E]  }
0x901: {  	p0 =	slt.u32 s18, $0x1E8;
	v12 =	vld [tilespmem:s20+$0xFFFFFFCE]  }
0x902: {  	v20 =	vld [tilespmem:s20+$0xFFFFFFDF]  }
0x903: {  	v13 =	vld [tilespmem:s20+$0x40]  }
0x904: {  	v14 =	vld [tilespmem:s20+$0xFFFFFFDE]  }
0x905: {  	v21 =	vld [tilespmem:s20+$0xFFFFFFEF];
	vm8 =	vne.s32 v15, v11  }
0x906: {  	v11 =	vld [tilespmem:s20+$0xFFFFFFEE];
	vm8 =	vmor vm8, vm0  }
0x907: {  	v22 =	vld [tilespmem:s20+$0xFFFFFFFF];
	(xrf0) =	vmax.scan.msk.u32 vm8, v1  }
0x908: {  	v23 =	vld [tilespmem:s20+$0xFFFFFFFE];
	vm8 =	vne.s32 v15, v13  }
0x909: {  	vm9 =	vne.s32 v20, v14;
	v24 =	vld [tilespmem:s20+$0xF];
	vm8 =	vmor vm8, vm1  }
0x90a: {  	vm9 =	vmor vm9, vm0;
	v13 =	vld [tilespmem:s20+$0xE]  }
0x90b: {  	vm10 =	vne.s32 v21, v11;
	v25 =	vld [tilespmem:s20+$0x1F];
	(xrf0) =	vmax.scan.msk.u32 vm9, v1  }
0x90c: {  	vm9 =	vmor vm10, vm0;
	v11 =	vld [tilespmem:s20+$0x1E]  }
0x90d: {  	vm10 =	vne.s32 v22, v23;
	v23 =	vld [tilespmem:s20+$0x2F];
	(xrf0) =	vmax.scan.msk.u32 vm9, v1;
	v14, _, _ =	vpop (xrf0)  }
0x90e: {  	vm9 =	vmor vm10, vm0;
	v26 =	vld [tilespmem:s20+$0x2E];
	v14 =	vsub.s32 v2, v14  }
0x90f: {  	vm10 =	vne.s32 v24, v13;
	[tilespmem:v15+s17+$0x0] =	vst.idx.add.s32.msk vm8, v14;
	(xrf0) =	vmax.scan.msk.u32 vm9, v1  }
0x910: {  	v15 =	vld [tilespmem:s20+$0xFFFFFFCF];
	vm8 =	vmor vm10, vm0  }
0x911: {  	v13 =	vld [tilespmem:s20+$0xFFFFFFD0];
	vm9 =	vne.s32 v25, v11;
	v11, _, _ =	vpop (xrf0);
	(xrf0) =	vmax.scan.msk.u32 vm8, v1  }
0x912: {  	v14 =	vld [tilespmem:s20+$0xFFFFFFE0];
	v27 =	vsub.s32 v2, v11;
	vm8 =	vmor vm9, vm0  }
0x913: {  	v28 =	vld [tilespmem:s20+$0xFFFFFFF0];
	vm9 =	vne.s32 v23, v26;
	v11, _, _ =	vpop (xrf0);
	(xrf0) =	vmax.scan.msk.u32 vm8, v1  }
0x914: {  	v26 =	vsub.s32 v2, v11;
	v29 =	vld [tilespmem:s20+$0x0];
	vm8 =	vmor vm9, vm0  }
0x915: {  	vm9 =	vne.s32 v15, v12;
	v30 =	vld [tilespmem:s20+$0x10];
	v11, _, _ =	vpop (xrf0);
	(xrf0) =	vmax.scan.msk.u32 vm8, v1  }
0x916: {  	vm9 =	vmor vm9, vm0;
	vm8 =	vne.s32 v15, v13;
	v11 =	vsub.s32 v2, v11;
	v31 =	vld [tilespmem:s20+$0x20]  }
0x917: {  	vm8 =	vmor vm8, vm1;
	vm10 =	vne.s32 v20, v14;
	v14 =	vld [tilespmem:s20+$0x30];
	(xrf0) =	vmax.scan.msk.u32 vm9, v1;
	v12, _, _ =	vpop (xrf0)  }
0x918: {  	vm9 =	vmor vm10, vm1;
	vm10 =	vne.s32 v21, v28;
	v12 =	vsub.s32 v2, v12;
	[tilespmem:v8+s19+$0x0] =	vst.idx.add.s32.msk vm7, v10  }
0x919: {  	vm7 =	vne.s32 v22, v29;
	v8, _, _ =	vpop (xrf0);
	[tilespmem:v3+s19+$0x0] =	vst.idx.add.s32.msk vm2, v9;
	vm2 =	vmor vm10, vm1;
	v3 =	vmov v21  }
.Ltmp54:
0x91a: {  	vm10 =	vne.s32 v24, v30;
	v13 =	vsub.s32 v2, v8;
	[tilespmem:v4+s19+$0x0] =	vst.idx.add.s32.msk vm3, v16;
	vm3 =	vmor vm7, vm1;
	(pc) =	sbr.rel @p0 .LBB2_103-.Ltmp54, $4  }
0x91b: {  	v4 =	vmov v22;
	vm7 =	vne.s32 v25, v31;
	v8, _, _ =	vpop (xrf0);
	[tilespmem:v6+s19+$0x0] =	vst.idx.add.s32.msk vm4, v17;
	vm4 =	vmor vm10, vm1  }
0x91c: {  	vm10 =	vne.s32 v23, v14;
	v14 =	vsub.s32 v2, v8;
	[tilespmem:v5+s19+$0x0] =	vst.idx.add.s32.msk vm5, v18;
	vm5 =	vmor vm7, vm1  }
0x91d: {  	v6 =	vmov v24;
	v5 =	vmov v25;
	v8, _, _ =	vpop (xrf0);
	[tilespmem:v7+s19+$0x0] =	vst.idx.add.s32.msk vm6, v19;
	vm6 =	vmor vm10, vm1;
	s19 =	smov.u32 s17  }
0x91e: {  	s20 =	sadd.s32 $0x80, s20;
	v9 =	vmovc v26;
	v7 =	vmov v23;
	v10 =	vsub.s32 v2, v8;
	[tilespmem:v20+s19+$0x0] =	vst.idx.add.s32.msk vm9, v27;
	v8 =	vmov v15  }
0x91f: {  	_ =	sdelay $0x4  }
0x920: {  	[tilespmem:v8+s19+$0x0] =	vst.idx.add.s32.msk vm8, v10  }
0x921: {  	[tilespmem:v3+s19+$0x0] =	vst.idx.add.s32.msk vm2, v9  }
0x922: {  	[tilespmem:v4+s19+$0x0] =	vst.idx.add.s32.msk vm3, v11  }
0x923: {  	[tilespmem:v6+s19+$0x0] =	vst.idx.add.s32.msk vm4, v12  }
0x924: {  	[tilespmem:v5+s19+$0x0] =	vst.idx.add.s32.msk vm5, v13  }
0x925: {  	vm7 =	vmmov vm8;
	[tilespmem:v7+s19+$0x0] =	vst.idx.add.s32.msk vm6, v14  }
.LBB2_105:
0x926: {  	s18 =	sshra.s32 s17, $0x2  }
0x927: {  	v3 =	vld [tilespmem:s18+$0x1BF10]  }
0x928: {  	v4 =	vld [tilespmem:s18+$0x1BF0F];
	_ =	sdelay $0x2  }
0x929: {  	v5 =	vld [tilespmem:s18+$0x1BF11];
	_ =	sdelay $0x1  }
0x92a: {  	vm2 =	vne.s32 v3, v4  }
0x92b: {  	vm2 =	vmor vm2, vm0  }
0x92c: {  	(xrf0) =	vmax.scan.msk.u32 vm2, v1  }
0x92d: {  	vm2 =	vne.s32 v3, v5  }
0x92e: {  	vm2 =	vmor vm2, vm1  }
0x92f: {  	p0 =	sne.s32 s17, $0xC0  }
.Ltmp55:
0x930: {  	_ = 	snop;
	(pc) =	sbr.rel @p0 .LBB2_105-.Ltmp55, $4  }
0x931: {  	_ = 	snop  }
0x932: {  	v63, _, _ =	vpop (xrf0)  }
0x933: {  	v4 =	vsub.s32 v2, v63  }
0x934: {  	s17 =	sadd.s32 $0x40, s17;
	[tilespmem:v3+s3+$0x0] =	vst.idx.add.s32.msk vm2, v4  }
0x935: {  	p0 =	sgt.s32 s14, s15  }
.Ltmp56:
0x936: {  	_ = 	snop;
	(pc) =	sbr.rel @p0 .LBB2_110-.Ltmp56, $2  }
0x937: {  	_ =	sdelay $0x1  }
0x938: {  	[bflag:$0x0] =	sbarrier.arrive $0xFFFF;
	_ =	sdelay $0x1  }
0x939: {  	s15 =	ssub.s32 s15, s14  }
0x93a: {  	s16 =	sadd.s32 $0x30, s16;
	s15 =	sadd.s32 $0x1, s15  }
0x93b: {  	s17 =	sadd.s32 $0xFFFFFFF0, s16;
	v3 =	vor.u32 s16, v1;
	p0 =	sne.s32 s15, $0x1  }
.Ltmp57:
0x93c: {  	s18 =	sadd.s32 $0xFFFFFFE0, s16;
	v4 =	vor.u32 s17, v1;
	[tilespmem:$0x1DEF0] =	vst v3;
	(pc) =	sbr.rel @!p0 .LBB2_109-.Ltmp57, $4  }
0x93d: {  	s19 =	sadd.s32 $0xFFFFFFD0, s16;
	v3 =	vor.u32 s18, v1;
	[tilespmem:$0x1DEE0] =	vst v4  }
0x93e: {  	s20 =	sshll.u32 s14, $0xC;
	v63 =	vor.u32 s19, v1;
	[tilespmem:$0x1DED0] =	vst v3  }
0x93f: {  	s14 =	sshra.s32 s20, $0x2;
	s15 =	sadd.s32 $0xFFFFFFFF, s15;
	[tilespmem:$0x1DEC0] =	vst v63  }
0x940: {  	[spmem:s2] =	stream.indirect.scatter.add.s32 [tilespmem:s14], [sflag:$0x3], $0x10, s12, s11, $0xb8;
	[tilespmem:$0x1F920] =	vst v63  }
.LBB2_108:
0x941: {  	_ =	swait.ge [sflag:s7], $0x400;
	s14 =	sadd.s32 $0x400, s14;
	s16 =	sadd.s32 $0x40, s16  }
0x942: {  	p0 =	sne.s32 s15, $0x1;
	s17 =	sadd.s32 $0xFFFFFFD0, s16;
	[sflag:s7] =	ssyncset.done $0x0  }
0x943: {  	s18 =	sadd.s32 $0xFFFFFFE0, s16;
	s19 =	sadd.s32 $0xFFFFFFF0, s16;
	v3 =	vor.u32 s16, v1;
	[sflag:s7] =	ssyncadd.s32 $0xFFFFFC00  }
.Ltmp58:
0x944: {  	s15 =	sadd.s32 $0xFFFFFFFF, s15;
	v4 =	vor.u32 s17, v1;
	v5 =	vor.u32 s18, v1;
	v6 =	vor.u32 s19, v1;
	[tilespmem:$0x1DEF0] =	vst v3;
	(pc) =	sbr.rel @p0 .LBB2_108-.Ltmp58, $4  }
0x945: {  	[tilespmem:$0x1DEE0] =	vst v6  }
0x946: {  	[tilespmem:$0x1DED0] =	vst v5  }
0x947: {  	[tilespmem:$0x1DEC0] =	vst v4  }
0x948: {  	[spmem:s2] =	stream.indirect.scatter.add.s32 [tilespmem:s14], [sflag:$0x3], $0x10, s12, s11, $0xb8;
	[tilespmem:$0x1F920] =	vst v63  }
.Ltmp59:
0x949: {  	_ = 	snop;
	(pc) =	sbr.rel .LBB2_109-.Ltmp59, $1  }
0x94a: {  	_ =	sdelay $0x3  }
.LBB2_111:
0x94b: {  	_ =	sfence.sel $0x180000  }
0x94c: {  	[bflag:$0x0] =	sbarrier.arrive $0xFFFF  }
0x94d: {  	_ =	strace $0x90000047  }
0x94e: {  	s0 =	stileid.u32;
	[bflag:$0x2] =	sbarrier.arrive $0xFFFF  }
0x94f: {  	p0 =	sne.s32 s0, $0x0;
	s0 =	rddreg [dreg:$0x3]  }
0x950: {  	s0 =	sadd.s32 @!p0 $0x100000, s0  }
0x951: {  	[sflag:s0] =	ssyncadd.tile.s32 @!p0 $0x1;
	_ =	shalt  }
.Lfunc_end2:
_tile_overlayer_lowered:
.L_overlay_start_2:
0x952: {  	(tag) =	ssettag $0x2  }
0x953: {  	s0 =	rddreg [dreg:$0x0];
	s2 =	stileid.u32  }
0x954: {  	s1 =	rddreg [dreg:$0x1];
	p0 =	sne.s32 s2, $0x0  }
0x955: {  	s3 =	rddreg [dreg:$0x2];
	[bflag:$0x3] =	sbarrier.arrive $0xFFFF;
	s2 =	simm.s32 @!p0 $0x1C03  }
0x956: {  	[timem:s3], [sflag:s2] =	dma.local @!p0 [hbm:s0], s1  }
0x957: {  	s0 =	simm.s32 @!p0 $0x3  }
0x958: {  	_ =	swait.ge @!p0 [sflag:s0], s1  }
0x959: {  	s1 =	ssub.s32 @!p0 $0x0, s1;
	[sflag:s0] =	ssyncset.done @!p0 $0x0  }
0x95a: {  	[sflag:s0] =	ssyncadd.s32 @!p0 s1  }
0x95b: {  	[bflag:$0x3] =	sbarrier.arrive $0xFFFF  }
0x95c: {  	_ =	shalt  }

</sc_bundles>
